<compile_context>
chip_gen: v7x
topology: tpu7x:2x2x1
jax: 0.10.2.dev20260603
libtpu: 0.0.44.dev20260713+nightly
codegen_flags: <defaults>
</compile_context>

<pallas_src>
import functools

import jax
import jax.numpy as jnp
from jax import lax
from jax.experimental import pallas as pl
from jax.experimental.pallas import tpu as pltpu
from jax.experimental.pallas import tpu_sc as plsc

VOCAB = 1000000
EMB_DIM = 64
NUM_CLASS = 7
BATCH = 16384

NC = 2
NS = 16
L = 16
NW = NC * NS
GW = 512
NGR = 61
RANGE = NGR * GW
TAIL_G = 62
TAIL_BASE = (NGR * 32 + 1) * GW
TAIL = VOCAB - TAIL_BASE
NCHUNK = 8
CHUNK = BATCH // NCHUNK
OUT_PAD = 256
OUTW = BATCH * NUM_CLASS + OUT_PAD
OSLICE = OUTW // NS


def _sc_call(node, table_t, tail_flat, w_flat, b_flat):
    mesh = plsc.VectorSubcoreMesh(core_axis_name="c", subcore_axis_name="s")

    @functools.partial(
        pl.kernel,
        mesh=mesh,
        compiler_params=pltpu.CompilerParams(
            needs_layout_passes=False, use_tc_tiling_on_sc=True
        ),
        out_type=jax.ShapeDtypeStruct((2 * OUTW,), jnp.float32),
        scratch_types=[
            pltpu.VMEM((CHUNK,), jnp.int32),
            pltpu.VMEM((BATCH + 2 * L,), jnp.int32),
            pltpu.VMEM((BATCH + L,), jnp.int32),
            pltpu.VMEM((8, EMB_DIM, 128), jnp.float32),
            pltpu.VMEM((TAIL * EMB_DIM,), jnp.float32),
            pltpu.VMEM((NUM_CLASS * EMB_DIM * L,), jnp.float32),
            pltpu.VMEM((8 * L,), jnp.float32),
            pltpu.VMEM((8, 128), jnp.int32),
            pltpu.VMEM((8 * 128,), jnp.float32),
            pltpu.VMEM((OSLICE,), jnp.float32),
            pltpu.VMEM_SHARED((OUTW,), jnp.float32),
            pltpu.SemaphoreType.DMA,
            pltpu.SemaphoreType.DMA,
            pltpu.SemaphoreType.DMA,
        ],
    )
    def k(node_h, table_h, tail_h, w_h, b_h, out_h, nbuf, sel, gsel, slabs,
          tailbuf, w_v, b_v, oidx, odat, zbuf, ostage, semA, semB, semS):
        wid = lax.axis_index("s") * NC + lax.axis_index("c")
        lo = wid * RANGE
        is_last = wid == NW - 1
        ngr = NGR + is_last.astype(jnp.int32)

        pltpu.sync_copy(w_h, w_v)
        pltpu.sync_copy(b_h, b_v)

        iota = lax.iota(jnp.int32, L)
        sid = lax.axis_index("s")
        cid = lax.axis_index("c")

        zv = jnp.zeros((L,), jnp.float32)

        def zbody(i, c):
            plsc.store_scatter(zbuf, [jnp.full((L,), i * L, jnp.int32) + iota], zv)
            return c

        lax.fori_loop(0, OSLICE // L, zbody, 0)
        pltpu.sync_copy(
            zbuf, ostage.at[pl.ds(pl.multiple_of(sid * OSLICE, 8), OSLICE)]
        )
        plsc.subcore_barrier()
        lo_v = jnp.full((L,), lo, jnp.int32)
        hi_v = lo_v + RANGE + is_last.astype(jnp.int32) * (GW + TAIL)

        def part_chunk(cursor, chunk):
            pltpu.sync_copy(node_h.at[pl.ds(chunk * CHUNK, CHUNK)], nbuf)

            def body(i, cur):
                v = plsc.load_gather(nbuf, [jnp.full((L,), i * L, jnp.int32) + iota])
                pos = jnp.full((L,), chunk * CHUNK + i * L, jnp.int32) + iota
                m = (v >= lo_v) & (v < hi_v)
                mi = m.astype(jnp.int32)
                packed = pos * 32768 + (v - lo_v)
                tgt = cur + plsc.cumsum(mi) - mi
                plsc.store_scatter(sel, [tgt], packed, mask=m)
                return cur + plsc.all_reduce_population_count(m)

            return lax.fori_loop(0, CHUNK // L, body, cursor)

        cursor = jnp.zeros((L,), jnp.int32)
        for chunk in range(NCHUNK):
            cursor = part_chunk(cursor, chunk)
        plsc.store_scatter(sel, [cursor + iota],
                           jnp.full((L,), BATCH * 32768, jnp.int32))
        plsc.store_scatter(sel, [cursor + L + iota],
                           jnp.full((L,), BATCH * 32768, jnp.int32))
        cnt = jnp.max(cursor)
        nb1 = (cnt + 31) >> 4

        def compress_group(g):

            def rescan(t, cur2):
                s = plsc.load_gather(sel, [jnp.full((L,), t * L, jnp.int32) + iota])
                col = s & 32767
                pos = s >> 15
                rel = col - g * GW
                m = (rel >= 0) & (rel < GW)
                mi = m.astype(jnp.int32)
                packed = pos * GW + rel
                tgt = cur2 + plsc.cumsum(mi) - mi
                plsc.store_scatter(gsel, [tgt], packed, mask=m)
                return cur2 + plsc.all_reduce_population_count(m)

            cur2 = lax.fori_loop(0, nb1, rescan, jnp.zeros((L,), jnp.int32))
            plsc.store_scatter(gsel, [cur2 + iota],
                               jnp.full((L,), BATCH * GW, jnp.int32))
            return jnp.max(cur2)

        def make_batch_body(load_fn):
            def batch_body(t, tg):
                s = plsc.load_gather(gsel, [jnp.full((L,), t * L, jnp.int32) + iota])
                rel = s & (GW - 1)
                pos = s >> 9

                def d_body(d, accs):
                    e = load_fn(rel, d)
                    out = []
                    for c in range(NUM_CLASS):
                        widx = (
                            jnp.full((L,), c * EMB_DIM * L, jnp.int32)
                            + d * L + iota
                        )
                        wv = plsc.load_gather(w_v, [widx])
                        out.append(accs[c] + e * wv)
                    return tuple(out)

                init = tuple(
                    plsc.load_gather(b_v, [jnp.full((L,), c * L, jnp.int32) + iota])
                    for c in range(NUM_CLASS)
                )
                accs = lax.fori_loop(0, EMB_DIM, d_body, init)

                slot = 0
                slot_v = jnp.full((L,), 0, jnp.int32)
                for c in range(NUM_CLASS):
                    plsc.store_scatter(
                        oidx, [slot_v, jnp.full((L,), c * L, jnp.int32) + iota],
                        pos * NUM_CLASS + c,
                    )
                    plsc.store_scatter(
                        odat,
                        [slot * 128 + jnp.full((L,), c * L, jnp.int32) + iota],
                        accs[c],
                    )
                plsc.store_scatter(
                    oidx, [slot_v, jnp.full((L,), NUM_CLASS * L, jnp.int32) + iota],
                    jnp.full((L,), BATCH * NUM_CLASS, jnp.int32) + iota,
                )
                pltpu.sync_copy(
                    odat.at[pl.ds(0, 128)],
                    ostage.at[oidx.at[0]],
                )
                return tg + 1

            return batch_body

        def fire(g, buf, sem):
            goff = lo + g * GW
            for j in range(4):
                pltpu.async_copy(
                    table_h.at[:, pl.ds(pl.multiple_of(goff + j * 128, 128), 128)],
                    slabs.at[buf * 4 + j],
                    sem,
                )

        def drain_slabs(buf, sem):
            for j in range(4):
                pltpu.make_async_copy(
                    table_h.at[:, pl.ds(0, 128)], slabs.at[buf * 4 + j], sem
                ).wait()

        fire(0, 0, semA)

        def group_body(g, tglob):
            buf = g & 1

            @pl.when(buf == 0)
            def _():
                drain_slabs(0, semA)

                @pl.when(g + 1 < ngr)
                def _():
                    fire(g + 1, 1, semB)

            @pl.when(buf == 1)
            def _():
                drain_slabs(1, semB)

                @pl.when(g + 1 < ngr)
                def _():
                    fire(g + 1, 0, semA)

            cnt2 = compress_group(g)
            nb2 = (cnt2 + 15) >> 4

            def load_slab(rel, d):
                j16 = buf * 4 + (rel >> 7)
                return plsc.load_gather(
                    slabs, [j16, jnp.full((L,), d, jnp.int32), rel & 127]
                )

            return lax.fori_loop(0, nb2, make_batch_body(load_slab), tglob)

        lax.fori_loop(0, ngr, group_body, jnp.int32(0))

        @pl.when(is_last)
        def _():
            pltpu.sync_copy(tail_h, tailbuf)
            cnt2 = compress_group(TAIL_G)
            nb2 = (cnt2 + 15) >> 4

            def load_tail(rel, d):
                return plsc.load_gather(tailbuf, [rel * EMB_DIM + d])

            lax.fori_loop(0, nb2, make_batch_body(load_tail), jnp.int32(0))

        plsc.subcore_barrier()
        pltpu.sync_copy(
            ostage.at[pl.ds(pl.multiple_of(sid * OSLICE, 8), OSLICE)], zbuf
        )
        pltpu.sync_copy(
            zbuf,
            out_h.at[
                pl.ds(pl.multiple_of(cid * OUTW + sid * OSLICE, 8), OSLICE)
            ],
        )

    return k(node, table_t, tail_flat, w_flat, b_flat)


def kernel(node, emb_table, fc_w, fc_b):
    table_t = emb_table.T
    tail_flat = emb_table[TAIL_BASE:].reshape(-1)
    w_flat = jnp.broadcast_to(
        fc_w.reshape(NUM_CLASS * EMB_DIM, 1), (NUM_CLASS * EMB_DIM, L)
    ).reshape(-1)
    b_pad = jnp.concatenate([fc_b, jnp.zeros((1,), jnp.float32)])
    b_flat = jnp.broadcast_to(b_pad.reshape(8, 1), (8, L)).reshape(-1)
    out = _sc_call(node, table_t, tail_flat, w_flat, b_flat)
    merged = out[: BATCH * NUM_CLASS] + out[OUTW : OUTW + BATCH * NUM_CLASS]
    return merged.reshape(BATCH, NUM_CLASS)

# --- scband reference (transcript-rebuilt; emitter-appended) ---
"""Pipeline reference for scband-node-classification-17025250361577 (READ-ONLY COPY).

The authoritative reference and input builder live on the scoring server;
editing this copy changes nothing except your own understanding.
"""

import jax, jax.numpy as jnp
import numpy as np

VOCAB = 1000000
EMB_DIM = 64
NUM_CLASS = 7
BATCH = 16384

def setup_inputs(seed: int = 0) -> dict:
    key = jax.random.key(seed)
    k_node, k_emb, k_w, k_b = jax.random.split(key, 4)
    node = jax.random.randint(k_node, (BATCH,), 0, VOCAB, dtype=jnp.int64 if jax.config.jax_enable_x64 else jnp.int32).astype(jnp.int32)
    emb_table = jax.random.normal(k_emb, (VOCAB, EMB_DIM), dtype=jnp.float32)
    # nn.Linear(EMB_DIM, NUM_CLASS): weight [NUM_CLASS, EMB_DIM], bias [NUM_CLASS]
    bound = 1.0 / np.sqrt(EMB_DIM)
    fc_w = jax.random.uniform(k_w, (NUM_CLASS, EMB_DIM), minval=-bound, maxval=bound, dtype=jnp.float32)
    fc_b = jax.random.uniform(k_b, (NUM_CLASS,), minval=-bound, maxval=bound, dtype=jnp.float32)
    return {"node": node, "emb_table": emb_table, "fc_w": fc_w, "fc_b": fc_b}

def reference(node, emb_table, fc_w, fc_b):
    # nn.Embedding.from_pretrained(emb, freeze=True) lookup
    node_emb = jnp.take(emb_table, node, axis=0)  # [B, EMB_DIM]
    # nn.Linear: x @ W^T + b
    prob = node_emb @ fc_w.T + fc_b  # [B, NUM_CLASS]
    return prob

if __name__ == "__main__":
    import jax
    _d = setup_inputs()
    print(jax.jit(kernel)(*tuple(_d.values())))

</pallas_src>

<mosaic_0001>
#map = affine_map<(d0, d1) -> (0)>
#map1 = affine_map<(d0, d1) -> (0, 0)>
module attributes {stable_mosaic.version = 14 : i64} {
  func.func @k(%arg0: i32, %arg1: i32, %arg2: memref<16384xi32, #tpu.memory_space<hbm>>, %arg3: memref<64x1000000xf32, #tpu.memory_space<hbm>>, %arg4: memref<4096xf32, #tpu.memory_space<hbm>>, %arg5: memref<7168xf32, #tpu.memory_space<hbm>>, %arg6: memref<128xf32, #tpu.memory_space<hbm>>, %arg7: memref<229888xf32, #tpu.memory_space<hbm>>, %arg8: memref<2048xi32, #tpu.memory_space<vmem>>, %arg9: memref<16416xi32, #tpu.memory_space<vmem>>, %arg10: memref<16400xi32, #tpu.memory_space<vmem>>, %arg11: memref<8x64x128xf32, #tpu.memory_space<vmem>>, %arg12: memref<4096xf32, #tpu.memory_space<vmem>>, %arg13: memref<7168xf32, #tpu.memory_space<vmem>>, %arg14: memref<128xf32, #tpu.memory_space<vmem>>, %arg15: memref<8x128xi32, #tpu.memory_space<vmem>>, %arg16: memref<1024xf32, #tpu.memory_space<vmem>>, %arg17: memref<7184xf32, #tpu.memory_space<vmem>>, %arg18: memref<114944xf32, #tpu.memory_space<vmem_shared>>, %arg19: memref<!tpu.dma_semaphore, #tpu.memory_space<semaphore_mem>>, %arg20: memref<!tpu.dma_semaphore, #tpu.memory_space<semaphore_mem>>, %arg21: memref<!tpu.dma_semaphore, #tpu.memory_space<semaphore_mem>>) attributes {dimension_semantics = [#tpu.dimension_semantics<core_parallel>, #tpu.dimension_semantics<subcore_parallel>], iteration_bounds = array<i64: 2, 16>, scalar_prefetch = 0 : i64, scratch_operands = 14 : i64, tpu.core_type = #tpu.core_type<sc_vector_subcore>, window_params = [{transform_indices = #map}, {transform_indices = #map1}, {transform_indices = #map}, {transform_indices = #map}, {transform_indices = #map}, {transform_indices = #map}]} {
    %mul3A = arith.constant 2 : i32
    %mul3A_0 = arith.muli %arg1, %mul3A : i32
    %add3A = arith.addi %mul3A_0, %arg0 : i32
    %mul3A_1 = arith.constant 31232 : i32
    %mul3A_2 = arith.muli %add3A, %mul3A_1 : i32
    %eq3A = arith.constant 31 : i32
    %eq3A_3 = arith.cmpi eq, %add3A, %eq3A : i32
    %convert_element_type3A = arith.extui %eq3A_3 : i1 to i32
    %add3A_4 = arith.constant 61 : i32
    %add3A_5 = arith.addi %add3A_4, %convert_element_type3A : i32
    "tpu.region"() ({
      %run_scoped3A = tpu.sem_alloc : memref<!tpu.dma_semaphore, #tpu.memory_space<semaphore_mem>>
      tpu.enqueue_dma source(%arg5 : memref<7168xf32, #tpu.memory_space<hbm>>) target(%arg13 : memref<7168xf32, #tpu.memory_space<vmem>>) target_semaphore(%run_scoped3A : memref<!tpu.dma_semaphore, #tpu.memory_space<semaphore_mem>>)
      tpu.wait_dma2 semaphore(%run_scoped3A : memref<!tpu.dma_semaphore, #tpu.memory_space<semaphore_mem>>) src(%arg5 : memref<7168xf32, #tpu.memory_space<hbm>>) dst(%arg13 : memref<7168xf32, #tpu.memory_space<vmem>>)
      tpu.yield
    }) : () -> ()
    "tpu.region"() ({
      %run_scoped3A = tpu.sem_alloc : memref<!tpu.dma_semaphore, #tpu.memory_space<semaphore_mem>>
      tpu.enqueue_dma source(%arg6 : memref<128xf32, #tpu.memory_space<hbm>>) target(%arg14 : memref<128xf32, #tpu.memory_space<vmem>>) target_semaphore(%run_scoped3A : memref<!tpu.dma_semaphore, #tpu.memory_space<semaphore_mem>>)
      tpu.wait_dma2 semaphore(%run_scoped3A : memref<!tpu.dma_semaphore, #tpu.memory_space<semaphore_mem>>) src(%arg6 : memref<128xf32, #tpu.memory_space<hbm>>) dst(%arg14 : memref<128xf32, #tpu.memory_space<vmem>>)
      tpu.yield
    }) : () -> ()
    %iota3A = tpu.iota {dimensions = array<i32: 0>} : vector<16xi32>
    %broadcast_in_dim3A = arith.constant 0.000000e+00 : f32
    %broadcast_in_dim3A_6 = vector.broadcast %broadcast_in_dim3A : f32 to vector<16xf32>
    %scan3A = arith.constant 0 : i32
    %scan3A_7 = arith.constant 0 : i32
    %scan3A_8 = arith.constant 449 : i32
    %scan3A_9 = arith.addi %scan3A_7, %scan3A_8 : i32
    %scan3A_10 = arith.constant 1 : i32
    scf.for %scan3A_180 = %scan3A_7 to %scan3A_9 step %scan3A_10  : i32 {
      %mul3A_181 = arith.constant 16 : i32
      %mul3A_182 = arith.muli %scan3A_180, %mul3A_181 : i32
      %broadcast_in_dim3A_183 = vector.broadcast %mul3A_182 : i32 to vector<16xi32>
      %add3A_184 = arith.addi %broadcast_in_dim3A_183, %iota3A : vector<16xi32>
      tpu.vector_store_idx %arg17[%add3A_184], %broadcast_in_dim3A_6 : memref<7184xf32, #tpu.memory_space<vmem>>[vector<16xi32>], vector<16xf32>,
    }
    %scan3A_11 = arith.constant 449 : i32
    %mul3A_12 = arith.constant 7184 : i32
    %mul3A_13 = arith.muli %arg1, %mul3A_12 : i32
    %multiple_of3A = tpu.assume_multiple %mul3A_13, 8 : i32
    "tpu.region"() ({
      %run_scoped3A = tpu.sem_alloc : memref<!tpu.dma_semaphore, #tpu.memory_space<semaphore_mem>>
      %dma_start3A_180 = tpu.memref_slice %arg18[%multiple_of3A] : memref<114944xf32, #tpu.memory_space<vmem_shared>> -> memref<7184xf32, #tpu.memory_space<vmem_shared>>
      %dma_start3A_181 = tpu.memref_slice %arg18[%multiple_of3A] : memref<114944xf32, #tpu.memory_space<vmem_shared>> -> memref<7184xf32, #tpu.memory_space<vmem_shared>>
      tpu.enqueue_dma source(%arg17 : memref<7184xf32, #tpu.memory_space<vmem>>) target(%dma_start3A_181 : memref<7184xf32, #tpu.memory_space<vmem_shared>>) target_semaphore(%run_scoped3A : memref<!tpu.dma_semaphore, #tpu.memory_space<semaphore_mem>>)
      %dma_wait3A = tpu.memref_slice %arg18[%multiple_of3A] : memref<114944xf32, #tpu.memory_space<vmem_shared>> -> memref<7184xf32, #tpu.memory_space<vmem_shared>>
      %dma_wait3A_182 = tpu.memref_slice %arg18[%multiple_of3A] : memref<114944xf32, #tpu.memory_space<vmem_shared>> -> memref<7184xf32, #tpu.memory_space<vmem_shared>>
      tpu.wait_dma2 semaphore(%run_scoped3A : memref<!tpu.dma_semaphore, #tpu.memory_space<semaphore_mem>>) src(%arg17 : memref<7184xf32, #tpu.memory_space<vmem>>) dst(%dma_wait3A_182 : memref<7184xf32, #tpu.memory_space<vmem_shared>>)
      tpu.yield
    }) : () -> ()
    %barrier3A = arith.constant 0 : index
    tpu.barrier barrier_id(%barrier3A)
    %broadcast_in_dim3A_14 = vector.broadcast %mul3A_2 : i32 to vector<16xi32>
    %add3A_15 = arith.constant 31232 : i32
    %add3A_16 = vector.broadcast %add3A_15 : i32 to vector<16xi32>
    %add3A_17 = arith.addi %broadcast_in_dim3A_14, %add3A_16 : vector<16xi32>
    %convert_element_type3A_18 = arith.extui %eq3A_3 : i1 to i32
    %mul3A_19 = arith.constant 576 : i32
    %mul3A_20 = arith.muli %convert_element_type3A_18, %mul3A_19 : i32
    %add3A_21 = vector.broadcast %mul3A_20 : i32 to vector<16xi32>
    %add3A_22 = arith.addi %add3A_17, %add3A_21 : vector<16xi32>
    %broadcast_in_dim3A_23 = arith.constant 0 : i32
    %broadcast_in_dim3A_24 = vector.broadcast %broadcast_in_dim3A_23 : i32 to vector<16xi32>
    "tpu.region"() ({
      %run_scoped3A = tpu.sem_alloc : memref<!tpu.dma_semaphore, #tpu.memory_space<semaphore_mem>>
      %dma_start3A_180 = arith.constant 0 : i32
      %dma_start3A_181 = tpu.memref_slice %arg2[%dma_start3A_180] : memref<16384xi32, #tpu.memory_space<hbm>> -> memref<2048xi32, #tpu.memory_space<hbm>>
      %dma_start3A_182 = arith.constant 0 : i32
      %dma_start3A_183 = tpu.memref_slice %arg2[%dma_start3A_182] : memref<16384xi32, #tpu.memory_space<hbm>> -> memref<2048xi32, #tpu.memory_space<hbm>>
      tpu.enqueue_dma source(%dma_start3A_183 : memref<2048xi32, #tpu.memory_space<hbm>>) target(%arg8 : memref<2048xi32, #tpu.memory_space<vmem>>) target_semaphore(%run_scoped3A : memref<!tpu.dma_semaphore, #tpu.memory_space<semaphore_mem>>)
      %dma_wait3A = arith.constant 0 : i32
      %dma_wait3A_184 = tpu.memref_slice %arg2[%dma_wait3A] : memref<16384xi32, #tpu.memory_space<hbm>> -> memref<2048xi32, #tpu.memory_space<hbm>>
      %dma_wait3A_185 = arith.constant 0 : i32
      %dma_wait3A_186 = tpu.memref_slice %arg2[%dma_wait3A_185] : memref<16384xi32, #tpu.memory_space<hbm>> -> memref<2048xi32, #tpu.memory_space<hbm>>
      tpu.wait_dma2 semaphore(%run_scoped3A : memref<!tpu.dma_semaphore, #tpu.memory_space<semaphore_mem>>) src(%dma_wait3A_186 : memref<2048xi32, #tpu.memory_space<hbm>>) dst(%arg8 : memref<2048xi32, #tpu.memory_space<vmem>>)
      tpu.yield
    }) : () -> ()
    %scan3A_25 = arith.constant 0 : i32
    %scan3A_26 = arith.constant 128 : i32
    %scan3A_27 = arith.addi %scan3A_25, %scan3A_26 : i32
    %scan3A_28 = arith.constant 1 : i32
    %scan3A_29 = scf.for %scan3A_180 = %scan3A_25 to %scan3A_27 step %scan3A_28 iter_args(%scan3A_181 = %broadcast_in_dim3A_24) -> (vector<16xi32>)  : i32 {
      %mul3A_182 = arith.constant 16 : i32
      %mul3A_183 = arith.muli %scan3A_180, %mul3A_182 : i32
      %broadcast_in_dim3A_184 = vector.broadcast %mul3A_183 : i32 to vector<16xi32>
      %add3A_185 = arith.addi %broadcast_in_dim3A_184, %iota3A : vector<16xi32>
      %gather3A = tpu.vector_load_idx %arg8[%add3A_185] : memref<2048xi32, #tpu.memory_space<vmem>>[vector<16xi32>], vector<16xi32>,
      %mul3A_186 = arith.constant 16 : i32
      %mul3A_187 = arith.muli %scan3A_180, %mul3A_186 : i32
      %add3A_188 = arith.constant 0 : i32
      %add3A_189 = arith.addi %add3A_188, %mul3A_187 : i32
      %broadcast_in_dim3A_190 = vector.broadcast %add3A_189 : i32 to vector<16xi32>
      %add3A_191 = arith.addi %broadcast_in_dim3A_190, %iota3A : vector<16xi32>
      %ge3A = arith.cmpi sge, %gather3A, %broadcast_in_dim3A_14 : vector<16xi32>
      %lt3A = arith.cmpi slt, %gather3A, %add3A_22 : vector<16xi32>
      %and3A = arith.andi %ge3A, %lt3A : vector<16xi1>
      %convert_element_type3A_192 = arith.extui %and3A : vector<16xi1> to vector<16xi32>
      %mul3A_193 = arith.constant 32768 : i32
      %mul3A_194 = vector.broadcast %mul3A_193 : i32 to vector<16xi32>
      %mul3A_195 = arith.muli %add3A_191, %mul3A_194 : vector<16xi32>
      %sub3A = arith.subi %gather3A, %broadcast_in_dim3A_14 : vector<16xi32>
      %add3A_196 = arith.addi %mul3A_195, %sub3A : vector<16xi32>
      %broadcast_in_dim3A_197 = arith.constant true
      %broadcast_in_dim3A_198 = vector.broadcast %broadcast_in_dim3A_197 : i1 to vector<16xi1>
      %masked_cumsum3A = tpu.scan <sum>, %convert_element_type3A_192 masked %broadcast_in_dim3A_198 : vector<16xi32>, vector<16xi1> -> vector<16xi32>
      %add3A_199 = arith.addi %scan3A_181, %masked_cumsum3A : vector<16xi32>
      %sub3A_200 = arith.subi %add3A_199, %convert_element_type3A_192 : vector<16xi32>
      tpu.vector_store_idx %arg9[%sub3A_200], %add3A_196 masked %and3A : memref<16416xi32, #tpu.memory_space<vmem>>[vector<16xi32>], vector<16xi32>, vector<16xi1>
      %all_reduce_population_count3A = tpu.all_reduce %and3A {dim = 0 : i64, kind = #tpu.reduction_kind<sum>} : vector<16xi1> -> vector<16xi32>
      %add3A_201 = arith.addi %scan3A_181, %all_reduce_population_count3A : vector<16xi32>
      scf.yield %add3A_201 : vector<16xi32>
    }
    %scan3A_30 = arith.constant 128 : i32
    "tpu.region"() ({
      %run_scoped3A = tpu.sem_alloc : memref<!tpu.dma_semaphore, #tpu.memory_space<semaphore_mem>>
      %dma_start3A_180 = arith.constant 2048 : i32
      %dma_start3A_181 = tpu.memref_slice %arg2[%dma_start3A_180] : memref<16384xi32, #tpu.memory_space<hbm>> -> memref<2048xi32, #tpu.memory_space<hbm>>
      %dma_start3A_182 = arith.constant 2048 : i32
      %dma_start3A_183 = tpu.memref_slice %arg2[%dma_start3A_182] : memref<16384xi32, #tpu.memory_space<hbm>> -> memref<2048xi32, #tpu.memory_space<hbm>>
      tpu.enqueue_dma source(%dma_start3A_183 : memref<2048xi32, #tpu.memory_space<hbm>>) target(%arg8 : memref<2048xi32, #tpu.memory_space<vmem>>) target_semaphore(%run_scoped3A : memref<!tpu.dma_semaphore, #tpu.memory_space<semaphore_mem>>)
      %dma_wait3A = arith.constant 2048 : i32
      %dma_wait3A_184 = tpu.memref_slice %arg2[%dma_wait3A] : memref<16384xi32, #tpu.memory_space<hbm>> -> memref<2048xi32, #tpu.memory_space<hbm>>
      %dma_wait3A_185 = arith.constant 2048 : i32
      %dma_wait3A_186 = tpu.memref_slice %arg2[%dma_wait3A_185] : memref<16384xi32, #tpu.memory_space<hbm>> -> memref<2048xi32, #tpu.memory_space<hbm>>
      tpu.wait_dma2 semaphore(%run_scoped3A : memref<!tpu.dma_semaphore, #tpu.memory_space<semaphore_mem>>) src(%dma_wait3A_186 : memref<2048xi32, #tpu.memory_space<hbm>>) dst(%arg8 : memref<2048xi32, #tpu.memory_space<vmem>>)
      tpu.yield
    }) : () -> ()
    %scan3A_31 = arith.constant 0 : i32
    %scan3A_32 = arith.constant 128 : i32
    %scan3A_33 = arith.addi %scan3A_31, %scan3A_32 : i32
    %scan3A_34 = arith.constant 1 : i32
    %scan3A_35 = scf.for %scan3A_180 = %scan3A_31 to %scan3A_33 step %scan3A_34 iter_args(%scan3A_181 = %scan3A_29) -> (vector<16xi32>)  : i32 {
      %mul3A_182 = arith.constant 16 : i32
      %mul3A_183 = arith.muli %scan3A_180, %mul3A_182 : i32
      %broadcast_in_dim3A_184 = vector.broadcast %mul3A_183 : i32 to vector<16xi32>
      %add3A_185 = arith.addi %broadcast_in_dim3A_184, %iota3A : vector<16xi32>
      %gather3A = tpu.vector_load_idx %arg8[%add3A_185] : memref<2048xi32, #tpu.memory_space<vmem>>[vector<16xi32>], vector<16xi32>,
      %mul3A_186 = arith.constant 16 : i32
      %mul3A_187 = arith.muli %scan3A_180, %mul3A_186 : i32
      %add3A_188 = arith.constant 2048 : i32
      %add3A_189 = arith.addi %add3A_188, %mul3A_187 : i32
      %broadcast_in_dim3A_190 = vector.broadcast %add3A_189 : i32 to vector<16xi32>
      %add3A_191 = arith.addi %broadcast_in_dim3A_190, %iota3A : vector<16xi32>
      %ge3A = arith.cmpi sge, %gather3A, %broadcast_in_dim3A_14 : vector<16xi32>
      %lt3A = arith.cmpi slt, %gather3A, %add3A_22 : vector<16xi32>
      %and3A = arith.andi %ge3A, %lt3A : vector<16xi1>
      %convert_element_type3A_192 = arith.extui %and3A : vector<16xi1> to vector<16xi32>
      %mul3A_193 = arith.constant 32768 : i32
      %mul3A_194 = vector.broadcast %mul3A_193 : i32 to vector<16xi32>
      %mul3A_195 = arith.muli %add3A_191, %mul3A_194 : vector<16xi32>
      %sub3A = arith.subi %gather3A, %broadcast_in_dim3A_14 : vector<16xi32>
      %add3A_196 = arith.addi %mul3A_195, %sub3A : vector<16xi32>
      %broadcast_in_dim3A_197 = arith.constant true
      %broadcast_in_dim3A_198 = vector.broadcast %broadcast_in_dim3A_197 : i1 to vector<16xi1>
      %masked_cumsum3A = tpu.scan <sum>, %convert_element_type3A_192 masked %broadcast_in_dim3A_198 : vector<16xi32>, vector<16xi1> -> vector<16xi32>
      %add3A_199 = arith.addi %scan3A_181, %masked_cumsum3A : vector<16xi32>
      %sub3A_200 = arith.subi %add3A_199, %convert_element_type3A_192 : vector<16xi32>
      tpu.vector_store_idx %arg9[%sub3A_200], %add3A_196 masked %and3A : memref<16416xi32, #tpu.memory_space<vmem>>[vector<16xi32>], vector<16xi32>, vector<16xi1>
      %all_reduce_population_count3A = tpu.all_reduce %and3A {dim = 0 : i64, kind = #tpu.reduction_kind<sum>} : vector<16xi1> -> vector<16xi32>
      %add3A_201 = arith.addi %scan3A_181, %all_reduce_population_count3A : vector<16xi32>
      scf.yield %add3A_201 : vector<16xi32>
    }
    %scan3A_36 = arith.constant 128 : i32
    "tpu.region"() ({
      %run_scoped3A = tpu.sem_alloc : memref<!tpu.dma_semaphore, #tpu.memory_space<semaphore_mem>>
      %dma_start3A_180 = arith.constant 4096 : i32
      %dma_start3A_181 = tpu.memref_slice %arg2[%dma_start3A_180] : memref<16384xi32, #tpu.memory_space<hbm>> -> memref<2048xi32, #tpu.memory_space<hbm>>
      %dma_start3A_182 = arith.constant 4096 : i32
      %dma_start3A_183 = tpu.memref_slice %arg2[%dma_start3A_182] : memref<16384xi32, #tpu.memory_space<hbm>> -> memref<2048xi32, #tpu.memory_space<hbm>>
      tpu.enqueue_dma source(%dma_start3A_183 : memref<2048xi32, #tpu.memory_space<hbm>>) target(%arg8 : memref<2048xi32, #tpu.memory_space<vmem>>) target_semaphore(%run_scoped3A : memref<!tpu.dma_semaphore, #tpu.memory_space<semaphore_mem>>)
      %dma_wait3A = arith.constant 4096 : i32
      %dma_wait3A_184 = tpu.memref_slice %arg2[%dma_wait3A] : memref<16384xi32, #tpu.memory_space<hbm>> -> memref<2048xi32, #tpu.memory_space<hbm>>
      %dma_wait3A_185 = arith.constant 4096 : i32
      %dma_wait3A_186 = tpu.memref_slice %arg2[%dma_wait3A_185] : memref<16384xi32, #tpu.memory_space<hbm>> -> memref<2048xi32, #tpu.memory_space<hbm>>
      tpu.wait_dma2 semaphore(%run_scoped3A : memref<!tpu.dma_semaphore, #tpu.memory_space<semaphore_mem>>) src(%dma_wait3A_186 : memref<2048xi32, #tpu.memory_space<hbm>>) dst(%arg8 : memref<2048xi32, #tpu.memory_space<vmem>>)
      tpu.yield
    }) : () -> ()
    %scan3A_37 = arith.constant 0 : i32
    %scan3A_38 = arith.constant 128 : i32
    %scan3A_39 = arith.addi %scan3A_37, %scan3A_38 : i32
    %scan3A_40 = arith.constant 1 : i32
    %scan3A_41 = scf.for %scan3A_180 = %scan3A_37 to %scan3A_39 step %scan3A_40 iter_args(%scan3A_181 = %scan3A_35) -> (vector<16xi32>)  : i32 {
      %mul3A_182 = arith.constant 16 : i32
      %mul3A_183 = arith.muli %scan3A_180, %mul3A_182 : i32
      %broadcast_in_dim3A_184 = vector.broadcast %mul3A_183 : i32 to vector<16xi32>
      %add3A_185 = arith.addi %broadcast_in_dim3A_184, %iota3A : vector<16xi32>
      %gather3A = tpu.vector_load_idx %arg8[%add3A_185] : memref<2048xi32, #tpu.memory_space<vmem>>[vector<16xi32>], vector<16xi32>,
      %mul3A_186 = arith.constant 16 : i32
      %mul3A_187 = arith.muli %scan3A_180, %mul3A_186 : i32
      %add3A_188 = arith.constant 4096 : i32
      %add3A_189 = arith.addi %add3A_188, %mul3A_187 : i32
      %broadcast_in_dim3A_190 = vector.broadcast %add3A_189 : i32 to vector<16xi32>
      %add3A_191 = arith.addi %broadcast_in_dim3A_190, %iota3A : vector<16xi32>
      %ge3A = arith.cmpi sge, %gather3A, %broadcast_in_dim3A_14 : vector<16xi32>
      %lt3A = arith.cmpi slt, %gather3A, %add3A_22 : vector<16xi32>
      %and3A = arith.andi %ge3A, %lt3A : vector<16xi1>
      %convert_element_type3A_192 = arith.extui %and3A : vector<16xi1> to vector<16xi32>
      %mul3A_193 = arith.constant 32768 : i32
      %mul3A_194 = vector.broadcast %mul3A_193 : i32 to vector<16xi32>
      %mul3A_195 = arith.muli %add3A_191, %mul3A_194 : vector<16xi32>
      %sub3A = arith.subi %gather3A, %broadcast_in_dim3A_14 : vector<16xi32>
      %add3A_196 = arith.addi %mul3A_195, %sub3A : vector<16xi32>
      %broadcast_in_dim3A_197 = arith.constant true
      %broadcast_in_dim3A_198 = vector.broadcast %broadcast_in_dim3A_197 : i1 to vector<16xi1>
      %masked_cumsum3A = tpu.scan <sum>, %convert_element_type3A_192 masked %broadcast_in_dim3A_198 : vector<16xi32>, vector<16xi1> -> vector<16xi32>
      %add3A_199 = arith.addi %scan3A_181, %masked_cumsum3A : vector<16xi32>
      %sub3A_200 = arith.subi %add3A_199, %convert_element_type3A_192 : vector<16xi32>
      tpu.vector_store_idx %arg9[%sub3A_200], %add3A_196 masked %and3A : memref<16416xi32, #tpu.memory_space<vmem>>[vector<16xi32>], vector<16xi32>, vector<16xi1>
      %all_reduce_population_count3A = tpu.all_reduce %and3A {dim = 0 : i64, kind = #tpu.reduction_kind<sum>} : vector<16xi1> -> vector<16xi32>
      %add3A_201 = arith.addi %scan3A_181, %all_reduce_population_count3A : vector<16xi32>
      scf.yield %add3A_201 : vector<16xi32>
    }
    %scan3A_42 = arith.constant 128 : i32
    "tpu.region"() ({
      %run_scoped3A = tpu.sem_alloc : memref<!tpu.dma_semaphore, #tpu.memory_space<semaphore_mem>>
      %dma_start3A_180 = arith.constant 6144 : i32
      %dma_start3A_181 = tpu.memref_slice %arg2[%dma_start3A_180] : memref<16384xi32, #tpu.memory_space<hbm>> -> memref<2048xi32, #tpu.memory_space<hbm>>
      %dma_start3A_182 = arith.constant 6144 : i32
      %dma_start3A_183 = tpu.memref_slice %arg2[%dma_start3A_182] : memref<16384xi32, #tpu.memory_space<hbm>> -> memref<2048xi32, #tpu.memory_space<hbm>>
      tpu.enqueue_dma source(%dma_start3A_183 : memref<2048xi32, #tpu.memory_space<hbm>>) target(%arg8 : memref<2048xi32, #tpu.memory_space<vmem>>) target_semaphore(%run_scoped3A : memref<!tpu.dma_semaphore, #tpu.memory_space<semaphore_mem>>)
      %dma_wait3A = arith.constant 6144 : i32
      %dma_wait3A_184 = tpu.memref_slice %arg2[%dma_wait3A] : memref<16384xi32, #tpu.memory_space<hbm>> -> memref<2048xi32, #tpu.memory_space<hbm>>
      %dma_wait3A_185 = arith.constant 6144 : i32
      %dma_wait3A_186 = tpu.memref_slice %arg2[%dma_wait3A_185] : memref<16384xi32, #tpu.memory_space<hbm>> -> memref<2048xi32, #tpu.memory_space<hbm>>
      tpu.wait_dma2 semaphore(%run_scoped3A : memref<!tpu.dma_semaphore, #tpu.memory_space<semaphore_mem>>) src(%dma_wait3A_186 : memref<2048xi32, #tpu.memory_space<hbm>>) dst(%arg8 : memref<2048xi32, #tpu.memory_space<vmem>>)
      tpu.yield
    }) : () -> ()
    %scan3A_43 = arith.constant 0 : i32
    %scan3A_44 = arith.constant 128 : i32
    %scan3A_45 = arith.addi %scan3A_43, %scan3A_44 : i32
    %scan3A_46 = arith.constant 1 : i32
    %scan3A_47 = scf.for %scan3A_180 = %scan3A_43 to %scan3A_45 step %scan3A_46 iter_args(%scan3A_181 = %scan3A_41) -> (vector<16xi32>)  : i32 {
      %mul3A_182 = arith.constant 16 : i32
      %mul3A_183 = arith.muli %scan3A_180, %mul3A_182 : i32
      %broadcast_in_dim3A_184 = vector.broadcast %mul3A_183 : i32 to vector<16xi32>
      %add3A_185 = arith.addi %broadcast_in_dim3A_184, %iota3A : vector<16xi32>
      %gather3A = tpu.vector_load_idx %arg8[%add3A_185] : memref<2048xi32, #tpu.memory_space<vmem>>[vector<16xi32>], vector<16xi32>,
      %mul3A_186 = arith.constant 16 : i32
      %mul3A_187 = arith.muli %scan3A_180, %mul3A_186 : i32
      %add3A_188 = arith.constant 6144 : i32
      %add3A_189 = arith.addi %add3A_188, %mul3A_187 : i32
      %broadcast_in_dim3A_190 = vector.broadcast %add3A_189 : i32 to vector<16xi32>
      %add3A_191 = arith.addi %broadcast_in_dim3A_190, %iota3A : vector<16xi32>
      %ge3A = arith.cmpi sge, %gather3A, %broadcast_in_dim3A_14 : vector<16xi32>
      %lt3A = arith.cmpi slt, %gather3A, %add3A_22 : vector<16xi32>
      %and3A = arith.andi %ge3A, %lt3A : vector<16xi1>
      %convert_element_type3A_192 = arith.extui %and3A : vector<16xi1> to vector<16xi32>
      %mul3A_193 = arith.constant 32768 : i32
      %mul3A_194 = vector.broadcast %mul3A_193 : i32 to vector<16xi32>
      %mul3A_195 = arith.muli %add3A_191, %mul3A_194 : vector<16xi32>
      %sub3A = arith.subi %gather3A, %broadcast_in_dim3A_14 : vector<16xi32>
      %add3A_196 = arith.addi %mul3A_195, %sub3A : vector<16xi32>
      %broadcast_in_dim3A_197 = arith.constant true
      %broadcast_in_dim3A_198 = vector.broadcast %broadcast_in_dim3A_197 : i1 to vector<16xi1>
      %masked_cumsum3A = tpu.scan <sum>, %convert_element_type3A_192 masked %broadcast_in_dim3A_198 : vector<16xi32>, vector<16xi1> -> vector<16xi32>
      %add3A_199 = arith.addi %scan3A_181, %masked_cumsum3A : vector<16xi32>
      %sub3A_200 = arith.subi %add3A_199, %convert_element_type3A_192 : vector<16xi32>
      tpu.vector_store_idx %arg9[%sub3A_200], %add3A_196 masked %and3A : memref<16416xi32, #tpu.memory_space<vmem>>[vector<16xi32>], vector<16xi32>, vector<16xi1>
      %all_reduce_population_count3A = tpu.all_reduce %and3A {dim = 0 : i64, kind = #tpu.reduction_kind<sum>} : vector<16xi1> -> vector<16xi32>
      %add3A_201 = arith.addi %scan3A_181, %all_reduce_population_count3A : vector<16xi32>
      scf.yield %add3A_201 : vector<16xi32>
    }
    %scan3A_48 = arith.constant 128 : i32
    "tpu.region"() ({
      %run_scoped3A = tpu.sem_alloc : memref<!tpu.dma_semaphore, #tpu.memory_space<semaphore_mem>>
      %dma_start3A_180 = arith.constant 8192 : i32
      %dma_start3A_181 = tpu.memref_slice %arg2[%dma_start3A_180] : memref<16384xi32, #tpu.memory_space<hbm>> -> memref<2048xi32, #tpu.memory_space<hbm>>
      %dma_start3A_182 = arith.constant 8192 : i32
      %dma_start3A_183 = tpu.memref_slice %arg2[%dma_start3A_182] : memref<16384xi32, #tpu.memory_space<hbm>> -> memref<2048xi32, #tpu.memory_space<hbm>>
      tpu.enqueue_dma source(%dma_start3A_183 : memref<2048xi32, #tpu.memory_space<hbm>>) target(%arg8 : memref<2048xi32, #tpu.memory_space<vmem>>) target_semaphore(%run_scoped3A : memref<!tpu.dma_semaphore, #tpu.memory_space<semaphore_mem>>)
      %dma_wait3A = arith.constant 8192 : i32
      %dma_wait3A_184 = tpu.memref_slice %arg2[%dma_wait3A] : memref<16384xi32, #tpu.memory_space<hbm>> -> memref<2048xi32, #tpu.memory_space<hbm>>
      %dma_wait3A_185 = arith.constant 8192 : i32
      %dma_wait3A_186 = tpu.memref_slice %arg2[%dma_wait3A_185] : memref<16384xi32, #tpu.memory_space<hbm>> -> memref<2048xi32, #tpu.memory_space<hbm>>
      tpu.wait_dma2 semaphore(%run_scoped3A : memref<!tpu.dma_semaphore, #tpu.memory_space<semaphore_mem>>) src(%dma_wait3A_186 : memref<2048xi32, #tpu.memory_space<hbm>>) dst(%arg8 : memref<2048xi32, #tpu.memory_space<vmem>>)
      tpu.yield
    }) : () -> ()
    %scan3A_49 = arith.constant 0 : i32
    %scan3A_50 = arith.constant 128 : i32
    %scan3A_51 = arith.addi %scan3A_49, %scan3A_50 : i32
    %scan3A_52 = arith.constant 1 : i32
    %scan3A_53 = scf.for %scan3A_180 = %scan3A_49 to %scan3A_51 step %scan3A_52 iter_args(%scan3A_181 = %scan3A_47) -> (vector<16xi32>)  : i32 {
      %mul3A_182 = arith.constant 16 : i32
      %mul3A_183 = arith.muli %scan3A_180, %mul3A_182 : i32
      %broadcast_in_dim3A_184 = vector.broadcast %mul3A_183 : i32 to vector<16xi32>
      %add3A_185 = arith.addi %broadcast_in_dim3A_184, %iota3A : vector<16xi32>
      %gather3A = tpu.vector_load_idx %arg8[%add3A_185] : memref<2048xi32, #tpu.memory_space<vmem>>[vector<16xi32>], vector<16xi32>,
      %mul3A_186 = arith.constant 16 : i32
      %mul3A_187 = arith.muli %scan3A_180, %mul3A_186 : i32
      %add3A_188 = arith.constant 8192 : i32
      %add3A_189 = arith.addi %add3A_188, %mul3A_187 : i32
      %broadcast_in_dim3A_190 = vector.broadcast %add3A_189 : i32 to vector<16xi32>
      %add3A_191 = arith.addi %broadcast_in_dim3A_190, %iota3A : vector<16xi32>
      %ge3A = arith.cmpi sge, %gather3A, %broadcast_in_dim3A_14 : vector<16xi32>
      %lt3A = arith.cmpi slt, %gather3A, %add3A_22 : vector<16xi32>
      %and3A = arith.andi %ge3A, %lt3A : vector<16xi1>
      %convert_element_type3A_192 = arith.extui %and3A : vector<16xi1> to vector<16xi32>
      %mul3A_193 = arith.constant 32768 : i32
      %mul3A_194 = vector.broadcast %mul3A_193 : i32 to vector<16xi32>
      %mul3A_195 = arith.muli %add3A_191, %mul3A_194 : vector<16xi32>
      %sub3A = arith.subi %gather3A, %broadcast_in_dim3A_14 : vector<16xi32>
      %add3A_196 = arith.addi %mul3A_195, %sub3A : vector<16xi32>
      %broadcast_in_dim3A_197 = arith.constant true
      %broadcast_in_dim3A_198 = vector.broadcast %broadcast_in_dim3A_197 : i1 to vector<16xi1>
      %masked_cumsum3A = tpu.scan <sum>, %convert_element_type3A_192 masked %broadcast_in_dim3A_198 : vector<16xi32>, vector<16xi1> -> vector<16xi32>
      %add3A_199 = arith.addi %scan3A_181, %masked_cumsum3A : vector<16xi32>
      %sub3A_200 = arith.subi %add3A_199, %convert_element_type3A_192 : vector<16xi32>
      tpu.vector_store_idx %arg9[%sub3A_200], %add3A_196 masked %and3A : memref<16416xi32, #tpu.memory_space<vmem>>[vector<16xi32>], vector<16xi32>, vector<16xi1>
      %all_reduce_population_count3A = tpu.all_reduce %and3A {dim = 0 : i64, kind = #tpu.reduction_kind<sum>} : vector<16xi1> -> vector<16xi32>
      %add3A_201 = arith.addi %scan3A_181, %all_reduce_population_count3A : vector<16xi32>
      scf.yield %add3A_201 : vector<16xi32>
    }
    %scan3A_54 = arith.constant 128 : i32
    "tpu.region"() ({
      %run_scoped3A = tpu.sem_alloc : memref<!tpu.dma_semaphore, #tpu.memory_space<semaphore_mem>>
      %dma_start3A_180 = arith.constant 10240 : i32
      %dma_start3A_181 = tpu.memref_slice %arg2[%dma_start3A_180] : memref<16384xi32, #tpu.memory_space<hbm>> -> memref<2048xi32, #tpu.memory_space<hbm>>
      %dma_start3A_182 = arith.constant 10240 : i32
      %dma_start3A_183 = tpu.memref_slice %arg2[%dma_start3A_182] : memref<16384xi32, #tpu.memory_space<hbm>> -> memref<2048xi32, #tpu.memory_space<hbm>>
      tpu.enqueue_dma source(%dma_start3A_183 : memref<2048xi32, #tpu.memory_space<hbm>>) target(%arg8 : memref<2048xi32, #tpu.memory_space<vmem>>) target_semaphore(%run_scoped3A : memref<!tpu.dma_semaphore, #tpu.memory_space<semaphore_mem>>)
      %dma_wait3A = arith.constant 10240 : i32
      %dma_wait3A_184 = tpu.memref_slice %arg2[%dma_wait3A] : memref<16384xi32, #tpu.memory_space<hbm>> -> memref<2048xi32, #tpu.memory_space<hbm>>
      %dma_wait3A_185 = arith.constant 10240 : i32
      %dma_wait3A_186 = tpu.memref_slice %arg2[%dma_wait3A_185] : memref<16384xi32, #tpu.memory_space<hbm>> -> memref<2048xi32, #tpu.memory_space<hbm>>
      tpu.wait_dma2 semaphore(%run_scoped3A : memref<!tpu.dma_semaphore, #tpu.memory_space<semaphore_mem>>) src(%dma_wait3A_186 : memref<2048xi32, #tpu.memory_space<hbm>>) dst(%arg8 : memref<2048xi32, #tpu.memory_space<vmem>>)
      tpu.yield
    }) : () -> ()
    %scan3A_55 = arith.constant 0 : i32
    %scan3A_56 = arith.constant 128 : i32
    %scan3A_57 = arith.addi %scan3A_55, %scan3A_56 : i32
    %scan3A_58 = arith.constant 1 : i32
    %scan3A_59 = scf.for %scan3A_180 = %scan3A_55 to %scan3A_57 step %scan3A_58 iter_args(%scan3A_181 = %scan3A_53) -> (vector<16xi32>)  : i32 {
      %mul3A_182 = arith.constant 16 : i32
      %mul3A_183 = arith.muli %scan3A_180, %mul3A_182 : i32
      %broadcast_in_dim3A_184 = vector.broadcast %mul3A_183 : i32 to vector<16xi32>
      %add3A_185 = arith.addi %broadcast_in_dim3A_184, %iota3A : vector<16xi32>
      %gather3A = tpu.vector_load_idx %arg8[%add3A_185] : memref<2048xi32, #tpu.memory_space<vmem>>[vector<16xi32>], vector<16xi32>,
      %mul3A_186 = arith.constant 16 : i32
      %mul3A_187 = arith.muli %scan3A_180, %mul3A_186 : i32
      %add3A_188 = arith.constant 10240 : i32
      %add3A_189 = arith.addi %add3A_188, %mul3A_187 : i32
      %broadcast_in_dim3A_190 = vector.broadcast %add3A_189 : i32 to vector<16xi32>
      %add3A_191 = arith.addi %broadcast_in_dim3A_190, %iota3A : vector<16xi32>
      %ge3A = arith.cmpi sge, %gather3A, %broadcast_in_dim3A_14 : vector<16xi32>
      %lt3A = arith.cmpi slt, %gather3A, %add3A_22 : vector<16xi32>
      %and3A = arith.andi %ge3A, %lt3A : vector<16xi1>
      %convert_element_type3A_192 = arith.extui %and3A : vector<16xi1> to vector<16xi32>
      %mul3A_193 = arith.constant 32768 : i32
      %mul3A_194 = vector.broadcast %mul3A_193 : i32 to vector<16xi32>
      %mul3A_195 = arith.muli %add3A_191, %mul3A_194 : vector<16xi32>
      %sub3A = arith.subi %gather3A, %broadcast_in_dim3A_14 : vector<16xi32>
      %add3A_196 = arith.addi %mul3A_195, %sub3A : vector<16xi32>
      %broadcast_in_dim3A_197 = arith.constant true
      %broadcast_in_dim3A_198 = vector.broadcast %broadcast_in_dim3A_197 : i1 to vector<16xi1>
      %masked_cumsum3A = tpu.scan <sum>, %convert_element_type3A_192 masked %broadcast_in_dim3A_198 : vector<16xi32>, vector<16xi1> -> vector<16xi32>
      %add3A_199 = arith.addi %scan3A_181, %masked_cumsum3A : vector<16xi32>
      %sub3A_200 = arith.subi %add3A_199, %convert_element_type3A_192 : vector<16xi32>
      tpu.vector_store_idx %arg9[%sub3A_200], %add3A_196 masked %and3A : memref<16416xi32, #tpu.memory_space<vmem>>[vector<16xi32>], vector<16xi32>, vector<16xi1>
      %all_reduce_population_count3A = tpu.all_reduce %and3A {dim = 0 : i64, kind = #tpu.reduction_kind<sum>} : vector<16xi1> -> vector<16xi32>
      %add3A_201 = arith.addi %scan3A_181, %all_reduce_population_count3A : vector<16xi32>
      scf.yield %add3A_201 : vector<16xi32>
    }
    %scan3A_60 = arith.constant 128 : i32
    "tpu.region"() ({
      %run_scoped3A = tpu.sem_alloc : memref<!tpu.dma_semaphore, #tpu.memory_space<semaphore_mem>>
      %dma_start3A_180 = arith.constant 12288 : i32
      %dma_start3A_181 = tpu.memref_slice %arg2[%dma_start3A_180] : memref<16384xi32, #tpu.memory_space<hbm>> -> memref<2048xi32, #tpu.memory_space<hbm>>
      %dma_start3A_182 = arith.constant 12288 : i32
      %dma_start3A_183 = tpu.memref_slice %arg2[%dma_start3A_182] : memref<16384xi32, #tpu.memory_space<hbm>> -> memref<2048xi32, #tpu.memory_space<hbm>>
      tpu.enqueue_dma source(%dma_start3A_183 : memref<2048xi32, #tpu.memory_space<hbm>>) target(%arg8 : memref<2048xi32, #tpu.memory_space<vmem>>) target_semaphore(%run_scoped3A : memref<!tpu.dma_semaphore, #tpu.memory_space<semaphore_mem>>)
      %dma_wait3A = arith.constant 12288 : i32
      %dma_wait3A_184 = tpu.memref_slice %arg2[%dma_wait3A] : memref<16384xi32, #tpu.memory_space<hbm>> -> memref<2048xi32, #tpu.memory_space<hbm>>
      %dma_wait3A_185 = arith.constant 12288 : i32
      %dma_wait3A_186 = tpu.memref_slice %arg2[%dma_wait3A_185] : memref<16384xi32, #tpu.memory_space<hbm>> -> memref<2048xi32, #tpu.memory_space<hbm>>
      tpu.wait_dma2 semaphore(%run_scoped3A : memref<!tpu.dma_semaphore, #tpu.memory_space<semaphore_mem>>) src(%dma_wait3A_186 : memref<2048xi32, #tpu.memory_space<hbm>>) dst(%arg8 : memref<2048xi32, #tpu.memory_space<vmem>>)
      tpu.yield
    }) : () -> ()
    %scan3A_61 = arith.constant 0 : i32
    %scan3A_62 = arith.constant 128 : i32
    %scan3A_63 = arith.addi %scan3A_61, %scan3A_62 : i32
    %scan3A_64 = arith.constant 1 : i32
    %scan3A_65 = scf.for %scan3A_180 = %scan3A_61 to %scan3A_63 step %scan3A_64 iter_args(%scan3A_181 = %scan3A_59) -> (vector<16xi32>)  : i32 {
      %mul3A_182 = arith.constant 16 : i32
      %mul3A_183 = arith.muli %scan3A_180, %mul3A_182 : i32
      %broadcast_in_dim3A_184 = vector.broadcast %mul3A_183 : i32 to vector<16xi32>
      %add3A_185 = arith.addi %broadcast_in_dim3A_184, %iota3A : vector<16xi32>
      %gather3A = tpu.vector_load_idx %arg8[%add3A_185] : memref<2048xi32, #tpu.memory_space<vmem>>[vector<16xi32>], vector<16xi32>,
      %mul3A_186 = arith.constant 16 : i32
      %mul3A_187 = arith.muli %scan3A_180, %mul3A_186 : i32
      %add3A_188 = arith.constant 12288 : i32
      %add3A_189 = arith.addi %add3A_188, %mul3A_187 : i32
      %broadcast_in_dim3A_190 = vector.broadcast %add3A_189 : i32 to vector<16xi32>
      %add3A_191 = arith.addi %broadcast_in_dim3A_190, %iota3A : vector<16xi32>
      %ge3A = arith.cmpi sge, %gather3A, %broadcast_in_dim3A_14 : vector<16xi32>
      %lt3A = arith.cmpi slt, %gather3A, %add3A_22 : vector<16xi32>
      %and3A = arith.andi %ge3A, %lt3A : vector<16xi1>
      %convert_element_type3A_192 = arith.extui %and3A : vector<16xi1> to vector<16xi32>
      %mul3A_193 = arith.constant 32768 : i32
      %mul3A_194 = vector.broadcast %mul3A_193 : i32 to vector<16xi32>
      %mul3A_195 = arith.muli %add3A_191, %mul3A_194 : vector<16xi32>
      %sub3A = arith.subi %gather3A, %broadcast_in_dim3A_14 : vector<16xi32>
      %add3A_196 = arith.addi %mul3A_195, %sub3A : vector<16xi32>
      %broadcast_in_dim3A_197 = arith.constant true
      %broadcast_in_dim3A_198 = vector.broadcast %broadcast_in_dim3A_197 : i1 to vector<16xi1>
      %masked_cumsum3A = tpu.scan <sum>, %convert_element_type3A_192 masked %broadcast_in_dim3A_198 : vector<16xi32>, vector<16xi1> -> vector<16xi32>
      %add3A_199 = arith.addi %scan3A_181, %masked_cumsum3A : vector<16xi32>
      %sub3A_200 = arith.subi %add3A_199, %convert_element_type3A_192 : vector<16xi32>
      tpu.vector_store_idx %arg9[%sub3A_200], %add3A_196 masked %and3A : memref<16416xi32, #tpu.memory_space<vmem>>[vector<16xi32>], vector<16xi32>, vector<16xi1>
      %all_reduce_population_count3A = tpu.all_reduce %and3A {dim = 0 : i64, kind = #tpu.reduction_kind<sum>} : vector<16xi1> -> vector<16xi32>
      %add3A_201 = arith.addi %scan3A_181, %all_reduce_population_count3A : vector<16xi32>
      scf.yield %add3A_201 : vector<16xi32>
    }
    %scan3A_66 = arith.constant 128 : i32
    "tpu.region"() ({
      %run_scoped3A = tpu.sem_alloc : memref<!tpu.dma_semaphore, #tpu.memory_space<semaphore_mem>>
      %dma_start3A_180 = arith.constant 14336 : i32
      %dma_start3A_181 = tpu.memref_slice %arg2[%dma_start3A_180] : memref<16384xi32, #tpu.memory_space<hbm>> -> memref<2048xi32, #tpu.memory_space<hbm>>
      %dma_start3A_182 = arith.constant 14336 : i32
      %dma_start3A_183 = tpu.memref_slice %arg2[%dma_start3A_182] : memref<16384xi32, #tpu.memory_space<hbm>> -> memref<2048xi32, #tpu.memory_space<hbm>>
      tpu.enqueue_dma source(%dma_start3A_183 : memref<2048xi32, #tpu.memory_space<hbm>>) target(%arg8 : memref<2048xi32, #tpu.memory_space<vmem>>) target_semaphore(%run_scoped3A : memref<!tpu.dma_semaphore, #tpu.memory_space<semaphore_mem>>)
      %dma_wait3A = arith.constant 14336 : i32
      %dma_wait3A_184 = tpu.memref_slice %arg2[%dma_wait3A] : memref<16384xi32, #tpu.memory_space<hbm>> -> memref<2048xi32, #tpu.memory_space<hbm>>
      %dma_wait3A_185 = arith.constant 14336 : i32
      %dma_wait3A_186 = tpu.memref_slice %arg2[%dma_wait3A_185] : memref<16384xi32, #tpu.memory_space<hbm>> -> memref<2048xi32, #tpu.memory_space<hbm>>
      tpu.wait_dma2 semaphore(%run_scoped3A : memref<!tpu.dma_semaphore, #tpu.memory_space<semaphore_mem>>) src(%dma_wait3A_186 : memref<2048xi32, #tpu.memory_space<hbm>>) dst(%arg8 : memref<2048xi32, #tpu.memory_space<vmem>>)
      tpu.yield
    }) : () -> ()
    %scan3A_67 = arith.constant 0 : i32
    %scan3A_68 = arith.constant 128 : i32
    %scan3A_69 = arith.addi %scan3A_67, %scan3A_68 : i32
    %scan3A_70 = arith.constant 1 : i32
    %scan3A_71 = scf.for %scan3A_180 = %scan3A_67 to %scan3A_69 step %scan3A_70 iter_args(%scan3A_181 = %scan3A_65) -> (vector<16xi32>)  : i32 {
      %mul3A_182 = arith.constant 16 : i32
      %mul3A_183 = arith.muli %scan3A_180, %mul3A_182 : i32
      %broadcast_in_dim3A_184 = vector.broadcast %mul3A_183 : i32 to vector<16xi32>
      %add3A_185 = arith.addi %broadcast_in_dim3A_184, %iota3A : vector<16xi32>
      %gather3A = tpu.vector_load_idx %arg8[%add3A_185] : memref<2048xi32, #tpu.memory_space<vmem>>[vector<16xi32>], vector<16xi32>,
      %mul3A_186 = arith.constant 16 : i32
      %mul3A_187 = arith.muli %scan3A_180, %mul3A_186 : i32
      %add3A_188 = arith.constant 14336 : i32
      %add3A_189 = arith.addi %add3A_188, %mul3A_187 : i32
      %broadcast_in_dim3A_190 = vector.broadcast %add3A_189 : i32 to vector<16xi32>
      %add3A_191 = arith.addi %broadcast_in_dim3A_190, %iota3A : vector<16xi32>
      %ge3A = arith.cmpi sge, %gather3A, %broadcast_in_dim3A_14 : vector<16xi32>
      %lt3A = arith.cmpi slt, %gather3A, %add3A_22 : vector<16xi32>
      %and3A = arith.andi %ge3A, %lt3A : vector<16xi1>
      %convert_element_type3A_192 = arith.extui %and3A : vector<16xi1> to vector<16xi32>
      %mul3A_193 = arith.constant 32768 : i32
      %mul3A_194 = vector.broadcast %mul3A_193 : i32 to vector<16xi32>
      %mul3A_195 = arith.muli %add3A_191, %mul3A_194 : vector<16xi32>
      %sub3A = arith.subi %gather3A, %broadcast_in_dim3A_14 : vector<16xi32>
      %add3A_196 = arith.addi %mul3A_195, %sub3A : vector<16xi32>
      %broadcast_in_dim3A_197 = arith.constant true
      %broadcast_in_dim3A_198 = vector.broadcast %broadcast_in_dim3A_197 : i1 to vector<16xi1>
      %masked_cumsum3A = tpu.scan <sum>, %convert_element_type3A_192 masked %broadcast_in_dim3A_198 : vector<16xi32>, vector<16xi1> -> vector<16xi32>
      %add3A_199 = arith.addi %scan3A_181, %masked_cumsum3A : vector<16xi32>
      %sub3A_200 = arith.subi %add3A_199, %convert_element_type3A_192 : vector<16xi32>
      tpu.vector_store_idx %arg9[%sub3A_200], %add3A_196 masked %and3A : memref<16416xi32, #tpu.memory_space<vmem>>[vector<16xi32>], vector<16xi32>, vector<16xi1>
      %all_reduce_population_count3A = tpu.all_reduce %and3A {dim = 0 : i64, kind = #tpu.reduction_kind<sum>} : vector<16xi1> -> vector<16xi32>
      %add3A_201 = arith.addi %scan3A_181, %all_reduce_population_count3A : vector<16xi32>
      scf.yield %add3A_201 : vector<16xi32>
    }
    %scan3A_72 = arith.constant 128 : i32
    %add3A_73 = arith.addi %scan3A_71, %iota3A : vector<16xi32>
    %broadcast_in_dim3A_74 = arith.constant 536870912 : i32
    %broadcast_in_dim3A_75 = vector.broadcast %broadcast_in_dim3A_74 : i32 to vector<16xi32>
    tpu.vector_store_idx %arg9[%add3A_73], %broadcast_in_dim3A_75 : memref<16416xi32, #tpu.memory_space<vmem>>[vector<16xi32>], vector<16xi32>,
    %add3A_76 = arith.constant 16 : i32
    %add3A_77 = vector.broadcast %add3A_76 : i32 to vector<16xi32>
    %add3A_78 = arith.addi %scan3A_71, %add3A_77 : vector<16xi32>
    %add3A_79 = arith.addi %add3A_78, %iota3A : vector<16xi32>
    %broadcast_in_dim3A_80 = arith.constant 536870912 : i32
    %broadcast_in_dim3A_81 = vector.broadcast %broadcast_in_dim3A_80 : i32 to vector<16xi32>
    tpu.vector_store_idx %arg9[%add3A_79], %broadcast_in_dim3A_81 : memref<16416xi32, #tpu.memory_space<vmem>>[vector<16xi32>], vector<16xi32>,
    %reduce_max3A = arith.constant true
    %reduce_max3A_82 = vector.broadcast %reduce_max3A : i1 to vector<16xi1>
    %reduce_max3A_83 = arith.constant -2147483648 : i32
    %reduce_max3A_84 = vector.broadcast %reduce_max3A_83 : i32 to vector<16xi32>
    %reduce_max3A_85 = arith.xori %scan3A_71, %reduce_max3A_84 : vector<16xi32>
    %reduce_max3A_86 = tpu.scan <max>, %reduce_max3A_85 masked %reduce_max3A_82 : vector<16xi32>, vector<16xi1> -> vector<16xi32>
    %reduce_max3A_87 = arith.xori %reduce_max3A_86, %reduce_max3A_84 : vector<16xi32>
    %reduce_max3A_88 = vector.extract %reduce_max3A_87[15] : i32 from vector<16xi32>
    %add3A_89 = arith.constant 31 : i32
    %add3A_90 = arith.addi %reduce_max3A_88, %add3A_89 : i32
    %shift_right_arithmetic3A = arith.constant 4 : i32
    %shift_right_arithmetic3A_91 = arith.shrsi %add3A_90, %shift_right_arithmetic3A : i32
    %add3A_92 = arith.constant 0 : i32
    %add3A_93 = arith.addi %mul3A_2, %add3A_92 : i32
    %add3A_94 = arith.constant 0 : i32
    %add3A_95 = arith.addi %add3A_93, %add3A_94 : i32
    %multiple_of3A_96 = tpu.assume_multiple %add3A_95, 128 : i32
    %dma_start3A = arith.constant 0 : i32
    %dma_start3A_97 = arith.constant 0 : i32
    %dma_start3A_98 = arith.constant 0 : i32
    %dma_start3A_99 = tpu.memref_slice %arg11[%dma_start3A, %dma_start3A_97, %dma_start3A_98] : memref<8x64x128xf32, #tpu.memory_space<vmem>> -> memref<1x64x128xf32, #tpu.memory_space<vmem>>
    %dma_start3A_100 = tpu.memref_squeeze %dma_start3A_99 : memref<1x64x128xf32, #tpu.memory_space<vmem>> -> memref<64x128xf32, #tpu.memory_space<vmem>>
    %dma_start3A_101 = arith.constant 0 : i32
    %dma_start3A_102 = tpu.memref_slice %arg3[%dma_start3A_101, %multiple_of3A_96] : memref<64x1000000xf32, #tpu.memory_space<hbm>> -> memref<64x128xf32, #tpu.memory_space<hbm>>
    %dma_start3A_103 = arith.constant 0 : i32
    %dma_start3A_104 = arith.constant 0 : i32
    %dma_start3A_105 = tpu.memref_slice %arg11[%dma_start3A, %dma_start3A_103, %dma_start3A_104] : memref<8x64x128xf32, #tpu.memory_space<vmem>> -> memref<1x64x128xf32, #tpu.memory_space<vmem>>
    %dma_start3A_106 = tpu.memref_squeeze %dma_start3A_105 : memref<1x64x128xf32, #tpu.memory_space<vmem>> -> memref<64x128xf32, #tpu.memory_space<vmem>>
    %dma_start3A_107 = arith.constant 0 : i32
    %dma_start3A_108 = tpu.memref_slice %arg3[%dma_start3A_107, %multiple_of3A_96] : memref<64x1000000xf32, #tpu.memory_space<hbm>> -> memref<64x128xf32, #tpu.memory_space<hbm>>
    tpu.enqueue_dma source(%dma_start3A_108 : memref<64x128xf32, #tpu.memory_space<hbm>>) target(%dma_start3A_106 : memref<64x128xf32, #tpu.memory_space<vmem>>) target_semaphore(%arg19 : memref<!tpu.dma_semaphore, #tpu.memory_space<semaphore_mem>>)
    %add3A_109 = arith.constant 128 : i32
    %add3A_110 = arith.addi %add3A_93, %add3A_109 : i32
    %multiple_of3A_111 = tpu.assume_multiple %add3A_110, 128 : i32
    %dma_start3A_112 = arith.constant 1 : i32
    %dma_start3A_113 = arith.constant 0 : i32
    %dma_start3A_114 = arith.constant 0 : i32
    %dma_start3A_115 = tpu.memref_slice %arg11[%dma_start3A_112, %dma_start3A_113, %dma_start3A_114] : memref<8x64x128xf32, #tpu.memory_space<vmem>> -> memref<1x64x128xf32, #tpu.memory_space<vmem>>
    %dma_start3A_116 = tpu.memref_squeeze %dma_start3A_115 : memref<1x64x128xf32, #tpu.memory_space<vmem>> -> memref<64x128xf32, #tpu.memory_space<vmem>>
    %dma_start3A_117 = arith.constant 0 : i32
    %dma_start3A_118 = tpu.memref_slice %arg3[%dma_start3A_117, %multiple_of3A_111] : memref<64x1000000xf32, #tpu.memory_space<hbm>> -> memref<64x128xf32, #tpu.memory_space<hbm>>
    %dma_start3A_119 = arith.constant 0 : i32
    %dma_start3A_120 = arith.constant 0 : i32
    %dma_start3A_121 = tpu.memref_slice %arg11[%dma_start3A_112, %dma_start3A_119, %dma_start3A_120] : memref<8x64x128xf32, #tpu.memory_space<vmem>> -> memref<1x64x128xf32, #tpu.memory_space<vmem>>
    %dma_start3A_122 = tpu.memref_squeeze %dma_start3A_121 : memref<1x64x128xf32, #tpu.memory_space<vmem>> -> memref<64x128xf32, #tpu.memory_space<vmem>>
    %dma_start3A_123 = arith.constant 0 : i32
    %dma_start3A_124 = tpu.memref_slice %arg3[%dma_start3A_123, %multiple_of3A_111] : memref<64x1000000xf32, #tpu.memory_space<hbm>> -> memref<64x128xf32, #tpu.memory_space<hbm>>
    tpu.enqueue_dma source(%dma_start3A_124 : memref<64x128xf32, #tpu.memory_space<hbm>>) target(%dma_start3A_122 : memref<64x128xf32, #tpu.memory_space<vmem>>) target_semaphore(%arg19 : memref<!tpu.dma_semaphore, #tpu.memory_space<semaphore_mem>>)
    %add3A_125 = arith.constant 256 : i32
    %add3A_126 = arith.addi %add3A_93, %add3A_125 : i32
    %multiple_of3A_127 = tpu.assume_multiple %add3A_126, 128 : i32
    %dma_start3A_128 = arith.constant 2 : i32
    %dma_start3A_129 = arith.constant 0 : i32
    %dma_start3A_130 = arith.constant 0 : i32
    %dma_start3A_131 = tpu.memref_slice %arg11[%dma_start3A_128, %dma_start3A_129, %dma_start3A_130] : memref<8x64x128xf32, #tpu.memory_space<vmem>> -> memref<1x64x128xf32, #tpu.memory_space<vmem>>
    %dma_start3A_132 = tpu.memref_squeeze %dma_start3A_131 : memref<1x64x128xf32, #tpu.memory_space<vmem>> -> memref<64x128xf32, #tpu.memory_space<vmem>>
    %dma_start3A_133 = arith.constant 0 : i32
    %dma_start3A_134 = tpu.memref_slice %arg3[%dma_start3A_133, %multiple_of3A_127] : memref<64x1000000xf32, #tpu.memory_space<hbm>> -> memref<64x128xf32, #tpu.memory_space<hbm>>
    %dma_start3A_135 = arith.constant 0 : i32
    %dma_start3A_136 = arith.constant 0 : i32
    %dma_start3A_137 = tpu.memref_slice %arg11[%dma_start3A_128, %dma_start3A_135, %dma_start3A_136] : memref<8x64x128xf32, #tpu.memory_space<vmem>> -> memref<1x64x128xf32, #tpu.memory_space<vmem>>
    %dma_start3A_138 = tpu.memref_squeeze %dma_start3A_137 : memref<1x64x128xf32, #tpu.memory_space<vmem>> -> memref<64x128xf32, #tpu.memory_space<vmem>>
    %dma_start3A_139 = arith.constant 0 : i32
    %dma_start3A_140 = tpu.memref_slice %arg3[%dma_start3A_139, %multiple_of3A_127] : memref<64x1000000xf32, #tpu.memory_space<hbm>> -> memref<64x128xf32, #tpu.memory_space<hbm>>
    tpu.enqueue_dma source(%dma_start3A_140 : memref<64x128xf32, #tpu.memory_space<hbm>>) target(%dma_start3A_138 : memref<64x128xf32, #tpu.memory_space<vmem>>) target_semaphore(%arg19 : memref<!tpu.dma_semaphore, #tpu.memory_space<semaphore_mem>>)
    %add3A_141 = arith.constant 384 : i32
    %add3A_142 = arith.addi %add3A_93, %add3A_141 : i32
    %multiple_of3A_143 = tpu.assume_multiple %add3A_142, 128 : i32
    %dma_start3A_144 = arith.constant 3 : i32
    %dma_start3A_145 = arith.constant 0 : i32
    %dma_start3A_146 = arith.constant 0 : i32
    %dma_start3A_147 = tpu.memref_slice %arg11[%dma_start3A_144, %dma_start3A_145, %dma_start3A_146] : memref<8x64x128xf32, #tpu.memory_space<vmem>> -> memref<1x64x128xf32, #tpu.memory_space<vmem>>
    %dma_start3A_148 = tpu.memref_squeeze %dma_start3A_147 : memref<1x64x128xf32, #tpu.memory_space<vmem>> -> memref<64x128xf32, #tpu.memory_space<vmem>>
    %dma_start3A_149 = arith.constant 0 : i32
    %dma_start3A_150 = tpu.memref_slice %arg3[%dma_start3A_149, %multiple_of3A_143] : memref<64x1000000xf32, #tpu.memory_space<hbm>> -> memref<64x128xf32, #tpu.memory_space<hbm>>
    %dma_start3A_151 = arith.constant 0 : i32
    %dma_start3A_152 = arith.constant 0 : i32
    %dma_start3A_153 = tpu.memref_slice %arg11[%dma_start3A_144, %dma_start3A_151, %dma_start3A_152] : memref<8x64x128xf32, #tpu.memory_space<vmem>> -> memref<1x64x128xf32, #tpu.memory_space<vmem>>
    %dma_start3A_154 = tpu.memref_squeeze %dma_start3A_153 : memref<1x64x128xf32, #tpu.memory_space<vmem>> -> memref<64x128xf32, #tpu.memory_space<vmem>>
    %dma_start3A_155 = arith.constant 0 : i32
    %dma_start3A_156 = tpu.memref_slice %arg3[%dma_start3A_155, %multiple_of3A_143] : memref<64x1000000xf32, #tpu.memory_space<hbm>> -> memref<64x128xf32, #tpu.memory_space<hbm>>
    tpu.enqueue_dma source(%dma_start3A_156 : memref<64x128xf32, #tpu.memory_space<hbm>>) target(%dma_start3A_154 : memref<64x128xf32, #tpu.memory_space<vmem>>) target_semaphore(%arg19 : memref<!tpu.dma_semaphore, #tpu.memory_space<semaphore_mem>>)
    %while3A = arith.constant 0 : i32
    %while3A_157 = arith.constant 0 : i32
    %while3A_158 = arith.subi %add3A_5, %while3A : i32
    %while3A_159 = arith.addi %while3A, %while3A_158 : i32
    %while3A_160 = arith.constant 1 : i32
    %while3A_161 = arith.divsi %while3A_158, %while3A_160 : i32
    %while3A_162 = arith.muli %while3A_161, %while3A_160 : i32
    %while3A_163 = arith.addi %while3A, %while3A_162 : i32
    %while3A_164 = arith.constant 1 : i32
    %while3A_165 = scf.for %while3A_180 = %while3A to %while3A_163 step %while3A_164 iter_args(%while3A_181 = %while3A_157) -> (i32)  : i32 {
      %and3A = arith.constant 1 : i32
      %and3A_182 = arith.andi %while3A_180, %and3A : i32
      %eq3A_183 = arith.constant 0 : i32
      %eq3A_184 = arith.cmpi eq, %and3A_182, %eq3A_183 : i32
      %convert_element_type3A_185 = arith.extui %eq3A_184 : i1 to i32
      %cond3A_186 = arith.constant 0 : i32
      %cond3A_187 = arith.cmpi ne, %convert_element_type3A_185, %cond3A_186 : i32
      scf.if %cond3A_187 {
        %dma_wait3A = arith.constant 0 : i32
        %dma_wait3A_232 = arith.constant 0 : i32
        %dma_wait3A_233 = arith.constant 0 : i32
        %dma_wait3A_234 = tpu.memref_slice %arg11[%dma_wait3A, %dma_wait3A_232, %dma_wait3A_233] : memref<8x64x128xf32, #tpu.memory_space<vmem>> -> memref<1x64x128xf32, #tpu.memory_space<vmem>>
        %dma_wait3A_235 = tpu.memref_squeeze %dma_wait3A_234 : memref<1x64x128xf32, #tpu.memory_space<vmem>> -> memref<64x128xf32, #tpu.memory_space<vmem>>
        %dma_wait3A_236 = arith.constant 0 : i32
        %dma_wait3A_237 = arith.constant 0 : i32
        %dma_wait3A_238 = tpu.memref_slice %arg3[%dma_wait3A_236, %dma_wait3A_237] : memref<64x1000000xf32, #tpu.memory_space<hbm>> -> memref<64x128xf32, #tpu.memory_space<hbm>>
        %dma_wait3A_239 = arith.constant 0 : i32
        %dma_wait3A_240 = arith.constant 0 : i32
        %dma_wait3A_241 = tpu.memref_slice %arg11[%dma_wait3A, %dma_wait3A_239, %dma_wait3A_240] : memref<8x64x128xf32, #tpu.memory_space<vmem>> -> memref<1x64x128xf32, #tpu.memory_space<vmem>>
        %dma_wait3A_242 = tpu.memref_squeeze %dma_wait3A_241 : memref<1x64x128xf32, #tpu.memory_space<vmem>> -> memref<64x128xf32, #tpu.memory_space<vmem>>
        %dma_wait3A_243 = arith.constant 0 : i32
        %dma_wait3A_244 = arith.constant 0 : i32
        %dma_wait3A_245 = tpu.memref_slice %arg3[%dma_wait3A_243, %dma_wait3A_244] : memref<64x1000000xf32, #tpu.memory_space<hbm>> -> memref<64x128xf32, #tpu.memory_space<hbm>>
        tpu.wait_dma2 semaphore(%arg19 : memref<!tpu.dma_semaphore, #tpu.memory_space<semaphore_mem>>) src(%dma_wait3A_245 : memref<64x128xf32, #tpu.memory_space<hbm>>) dst(%dma_wait3A_242 : memref<64x128xf32, #tpu.memory_space<vmem>>)
        %dma_wait3A_246 = arith.constant 1 : i32
        %dma_wait3A_247 = arith.constant 0 : i32
        %dma_wait3A_248 = arith.constant 0 : i32
        %dma_wait3A_249 = tpu.memref_slice %arg11[%dma_wait3A_246, %dma_wait3A_247, %dma_wait3A_248] : memref<8x64x128xf32, #tpu.memory_space<vmem>> -> memref<1x64x128xf32, #tpu.memory_space<vmem>>
        %dma_wait3A_250 = tpu.memref_squeeze %dma_wait3A_249 : memref<1x64x128xf32, #tpu.memory_space<vmem>> -> memref<64x128xf32, #tpu.memory_space<vmem>>
        %dma_wait3A_251 = arith.constant 0 : i32
        %dma_wait3A_252 = arith.constant 0 : i32
        %dma_wait3A_253 = tpu.memref_slice %arg3[%dma_wait3A_251, %dma_wait3A_252] : memref<64x1000000xf32, #tpu.memory_space<hbm>> -> memref<64x128xf32, #tpu.memory_space<hbm>>
        %dma_wait3A_254 = arith.constant 0 : i32
        %dma_wait3A_255 = arith.constant 0 : i32
        %dma_wait3A_256 = tpu.memref_slice %arg11[%dma_wait3A_246, %dma_wait3A_254, %dma_wait3A_255] : memref<8x64x128xf32, #tpu.memory_space<vmem>> -> memref<1x64x128xf32, #tpu.memory_space<vmem>>
        %dma_wait3A_257 = tpu.memref_squeeze %dma_wait3A_256 : memref<1x64x128xf32, #tpu.memory_space<vmem>> -> memref<64x128xf32, #tpu.memory_space<vmem>>
        %dma_wait3A_258 = arith.constant 0 : i32
        %dma_wait3A_259 = arith.constant 0 : i32
        %dma_wait3A_260 = tpu.memref_slice %arg3[%dma_wait3A_258, %dma_wait3A_259] : memref<64x1000000xf32, #tpu.memory_space<hbm>> -> memref<64x128xf32, #tpu.memory_space<hbm>>
        tpu.wait_dma2 semaphore(%arg19 : memref<!tpu.dma_semaphore, #tpu.memory_space<semaphore_mem>>) src(%dma_wait3A_260 : memref<64x128xf32, #tpu.memory_space<hbm>>) dst(%dma_wait3A_257 : memref<64x128xf32, #tpu.memory_space<vmem>>)
        %dma_wait3A_261 = arith.constant 2 : i32
        %dma_wait3A_262 = arith.constant 0 : i32
        %dma_wait3A_263 = arith.constant 0 : i32
        %dma_wait3A_264 = tpu.memref_slice %arg11[%dma_wait3A_261, %dma_wait3A_262, %dma_wait3A_263] : memref<8x64x128xf32, #tpu.memory_space<vmem>> -> memref<1x64x128xf32, #tpu.memory_space<vmem>>
        %dma_wait3A_265 = tpu.memref_squeeze %dma_wait3A_264 : memref<1x64x128xf32, #tpu.memory_space<vmem>> -> memref<64x128xf32, #tpu.memory_space<vmem>>
        %dma_wait3A_266 = arith.constant 0 : i32
        %dma_wait3A_267 = arith.constant 0 : i32
        %dma_wait3A_268 = tpu.memref_slice %arg3[%dma_wait3A_266, %dma_wait3A_267] : memref<64x1000000xf32, #tpu.memory_space<hbm>> -> memref<64x128xf32, #tpu.memory_space<hbm>>
        %dma_wait3A_269 = arith.constant 0 : i32
        %dma_wait3A_270 = arith.constant 0 : i32
        %dma_wait3A_271 = tpu.memref_slice %arg11[%dma_wait3A_261, %dma_wait3A_269, %dma_wait3A_270] : memref<8x64x128xf32, #tpu.memory_space<vmem>> -> memref<1x64x128xf32, #tpu.memory_space<vmem>>
        %dma_wait3A_272 = tpu.memref_squeeze %dma_wait3A_271 : memref<1x64x128xf32, #tpu.memory_space<vmem>> -> memref<64x128xf32, #tpu.memory_space<vmem>>
        %dma_wait3A_273 = arith.constant 0 : i32
        %dma_wait3A_274 = arith.constant 0 : i32
        %dma_wait3A_275 = tpu.memref_slice %arg3[%dma_wait3A_273, %dma_wait3A_274] : memref<64x1000000xf32, #tpu.memory_space<hbm>> -> memref<64x128xf32, #tpu.memory_space<hbm>>
        tpu.wait_dma2 semaphore(%arg19 : memref<!tpu.dma_semaphore, #tpu.memory_space<semaphore_mem>>) src(%dma_wait3A_275 : memref<64x128xf32, #tpu.memory_space<hbm>>) dst(%dma_wait3A_272 : memref<64x128xf32, #tpu.memory_space<vmem>>)
        %dma_wait3A_276 = arith.constant 3 : i32
        %dma_wait3A_277 = arith.constant 0 : i32
        %dma_wait3A_278 = arith.constant 0 : i32
        %dma_wait3A_279 = tpu.memref_slice %arg11[%dma_wait3A_276, %dma_wait3A_277, %dma_wait3A_278] : memref<8x64x128xf32, #tpu.memory_space<vmem>> -> memref<1x64x128xf32, #tpu.memory_space<vmem>>
        %dma_wait3A_280 = tpu.memref_squeeze %dma_wait3A_279 : memref<1x64x128xf32, #tpu.memory_space<vmem>> -> memref<64x128xf32, #tpu.memory_space<vmem>>
        %dma_wait3A_281 = arith.constant 0 : i32
        %dma_wait3A_282 = arith.constant 0 : i32
        %dma_wait3A_283 = tpu.memref_slice %arg3[%dma_wait3A_281, %dma_wait3A_282] : memref<64x1000000xf32, #tpu.memory_space<hbm>> -> memref<64x128xf32, #tpu.memory_space<hbm>>
        %dma_wait3A_284 = arith.constant 0 : i32
        %dma_wait3A_285 = arith.constant 0 : i32
        %dma_wait3A_286 = tpu.memref_slice %arg11[%dma_wait3A_276, %dma_wait3A_284, %dma_wait3A_285] : memref<8x64x128xf32, #tpu.memory_space<vmem>> -> memref<1x64x128xf32, #tpu.memory_space<vmem>>
        %dma_wait3A_287 = tpu.memref_squeeze %dma_wait3A_286 : memref<1x64x128xf32, #tpu.memory_space<vmem>> -> memref<64x128xf32, #tpu.memory_space<vmem>>
        %dma_wait3A_288 = arith.constant 0 : i32
        %dma_wait3A_289 = arith.constant 0 : i32
        %dma_wait3A_290 = tpu.memref_slice %arg3[%dma_wait3A_288, %dma_wait3A_289] : memref<64x1000000xf32, #tpu.memory_space<hbm>> -> memref<64x128xf32, #tpu.memory_space<hbm>>
        tpu.wait_dma2 semaphore(%arg19 : memref<!tpu.dma_semaphore, #tpu.memory_space<semaphore_mem>>) src(%dma_wait3A_290 : memref<64x128xf32, #tpu.memory_space<hbm>>) dst(%dma_wait3A_287 : memref<64x128xf32, #tpu.memory_space<vmem>>)
        %add3A_291 = arith.constant 1 : i32
        %add3A_292 = arith.addi %while3A_180, %add3A_291 : i32
        %lt3A = arith.cmpi slt, %add3A_292, %add3A_5 : i32
        %convert_element_type3A_293 = arith.extui %lt3A : i1 to i32
        %cond3A_294 = arith.constant 0 : i32
        %cond3A_295 = arith.cmpi ne, %convert_element_type3A_293, %cond3A_294 : i32
        scf.if %cond3A_295 {
          %add3A_296 = arith.constant 1 : i32
          %add3A_297 = arith.addi %while3A_180, %add3A_296 : i32
          %mul3A_298 = arith.constant 512 : i32
          %mul3A_299 = arith.muli %add3A_297, %mul3A_298 : i32
          %add3A_300 = arith.addi %mul3A_2, %mul3A_299 : i32
          %add3A_301 = arith.constant 0 : i32
          %add3A_302 = arith.addi %add3A_300, %add3A_301 : i32
          %multiple_of3A_303 = tpu.assume_multiple %add3A_302, 128 : i32
          %dma_start3A_304 = arith.constant 4 : i32
          %dma_start3A_305 = arith.constant 0 : i32
          %dma_start3A_306 = arith.constant 0 : i32
          %dma_start3A_307 = tpu.memref_slice %arg11[%dma_start3A_304, %dma_start3A_305, %dma_start3A_306] : memref<8x64x128xf32, #tpu.memory_space<vmem>> -> memref<1x64x128xf32, #tpu.memory_space<vmem>>
          %dma_start3A_308 = tpu.memref_squeeze %dma_start3A_307 : memref<1x64x128xf32, #tpu.memory_space<vmem>> -> memref<64x128xf32, #tpu.memory_space<vmem>>
          %dma_start3A_309 = arith.constant 0 : i32
          %dma_start3A_310 = tpu.memref_slice %arg3[%dma_start3A_309, %multiple_of3A_303] : memref<64x1000000xf32, #tpu.memory_space<hbm>> -> memref<64x128xf32, #tpu.memory_space<hbm>>
          %dma_start3A_311 = arith.constant 0 : i32
          %dma_start3A_312 = arith.constant 0 : i32
          %dma_start3A_313 = tpu.memref_slice %arg11[%dma_start3A_304, %dma_start3A_311, %dma_start3A_312] : memref<8x64x128xf32, #tpu.memory_space<vmem>> -> memref<1x64x128xf32, #tpu.memory_space<vmem>>
          %dma_start3A_314 = tpu.memref_squeeze %dma_start3A_313 : memref<1x64x128xf32, #tpu.memory_space<vmem>> -> memref<64x128xf32, #tpu.memory_space<vmem>>
          %dma_start3A_315 = arith.constant 0 : i32
          %dma_start3A_316 = tpu.memref_slice %arg3[%dma_start3A_315, %multiple_of3A_303] : memref<64x1000000xf32, #tpu.memory_space<hbm>> -> memref<64x128xf32, #tpu.memory_space<hbm>>
          tpu.enqueue_dma source(%dma_start3A_316 : memref<64x128xf32, #tpu.memory_space<hbm>>) target(%dma_start3A_314 : memref<64x128xf32, #tpu.memory_space<vmem>>) target_semaphore(%arg20 : memref<!tpu.dma_semaphore, #tpu.memory_space<semaphore_mem>>)
          %add3A_317 = arith.constant 128 : i32
          %add3A_318 = arith.addi %add3A_300, %add3A_317 : i32
          %multiple_of3A_319 = tpu.assume_multiple %add3A_318, 128 : i32
          %dma_start3A_320 = arith.constant 5 : i32
          %dma_start3A_321 = arith.constant 0 : i32
          %dma_start3A_322 = arith.constant 0 : i32
          %dma_start3A_323 = tpu.memref_slice %arg11[%dma_start3A_320, %dma_start3A_321, %dma_start3A_322] : memref<8x64x128xf32, #tpu.memory_space<vmem>> -> memref<1x64x128xf32, #tpu.memory_space<vmem>>
          %dma_start3A_324 = tpu.memref_squeeze %dma_start3A_323 : memref<1x64x128xf32, #tpu.memory_space<vmem>> -> memref<64x128xf32, #tpu.memory_space<vmem>>
          %dma_start3A_325 = arith.constant 0 : i32
          %dma_start3A_326 = tpu.memref_slice %arg3[%dma_start3A_325, %multiple_of3A_319] : memref<64x1000000xf32, #tpu.memory_space<hbm>> -> memref<64x128xf32, #tpu.memory_space<hbm>>
          %dma_start3A_327 = arith.constant 0 : i32
          %dma_start3A_328 = arith.constant 0 : i32
          %dma_start3A_329 = tpu.memref_slice %arg11[%dma_start3A_320, %dma_start3A_327, %dma_start3A_328] : memref<8x64x128xf32, #tpu.memory_space<vmem>> -> memref<1x64x128xf32, #tpu.memory_space<vmem>>
          %dma_start3A_330 = tpu.memref_squeeze %dma_start3A_329 : memref<1x64x128xf32, #tpu.memory_space<vmem>> -> memref<64x128xf32, #tpu.memory_space<vmem>>
          %dma_start3A_331 = arith.constant 0 : i32
          %dma_start3A_332 = tpu.memref_slice %arg3[%dma_start3A_331, %multiple_of3A_319] : memref<64x1000000xf32, #tpu.memory_space<hbm>> -> memref<64x128xf32, #tpu.memory_space<hbm>>
          tpu.enqueue_dma source(%dma_start3A_332 : memref<64x128xf32, #tpu.memory_space<hbm>>) target(%dma_start3A_330 : memref<64x128xf32, #tpu.memory_space<vmem>>) target_semaphore(%arg20 : memref<!tpu.dma_semaphore, #tpu.memory_space<semaphore_mem>>)
          %add3A_333 = arith.constant 256 : i32
          %add3A_334 = arith.addi %add3A_300, %add3A_333 : i32
          %multiple_of3A_335 = tpu.assume_multiple %add3A_334, 128 : i32
          %dma_start3A_336 = arith.constant 6 : i32
          %dma_start3A_337 = arith.constant 0 : i32
          %dma_start3A_338 = arith.constant 0 : i32
          %dma_start3A_339 = tpu.memref_slice %arg11[%dma_start3A_336, %dma_start3A_337, %dma_start3A_338] : memref<8x64x128xf32, #tpu.memory_space<vmem>> -> memref<1x64x128xf32, #tpu.memory_space<vmem>>
          %dma_start3A_340 = tpu.memref_squeeze %dma_start3A_339 : memref<1x64x128xf32, #tpu.memory_space<vmem>> -> memref<64x128xf32, #tpu.memory_space<vmem>>
          %dma_start3A_341 = arith.constant 0 : i32
          %dma_start3A_342 = tpu.memref_slice %arg3[%dma_start3A_341, %multiple_of3A_335] : memref<64x1000000xf32, #tpu.memory_space<hbm>> -> memref<64x128xf32, #tpu.memory_space<hbm>>
          %dma_start3A_343 = arith.constant 0 : i32
          %dma_start3A_344 = arith.constant 0 : i32
          %dma_start3A_345 = tpu.memref_slice %arg11[%dma_start3A_336, %dma_start3A_343, %dma_start3A_344] : memref<8x64x128xf32, #tpu.memory_space<vmem>> -> memref<1x64x128xf32, #tpu.memory_space<vmem>>
          %dma_start3A_346 = tpu.memref_squeeze %dma_start3A_345 : memref<1x64x128xf32, #tpu.memory_space<vmem>> -> memref<64x128xf32, #tpu.memory_space<vmem>>
          %dma_start3A_347 = arith.constant 0 : i32
          %dma_start3A_348 = tpu.memref_slice %arg3[%dma_start3A_347, %multiple_of3A_335] : memref<64x1000000xf32, #tpu.memory_space<hbm>> -> memref<64x128xf32, #tpu.memory_space<hbm>>
          tpu.enqueue_dma source(%dma_start3A_348 : memref<64x128xf32, #tpu.memory_space<hbm>>) target(%dma_start3A_346 : memref<64x128xf32, #tpu.memory_space<vmem>>) target_semaphore(%arg20 : memref<!tpu.dma_semaphore, #tpu.memory_space<semaphore_mem>>)
          %add3A_349 = arith.constant 384 : i32
          %add3A_350 = arith.addi %add3A_300, %add3A_349 : i32
          %multiple_of3A_351 = tpu.assume_multiple %add3A_350, 128 : i32
          %dma_start3A_352 = arith.constant 7 : i32
          %dma_start3A_353 = arith.constant 0 : i32
          %dma_start3A_354 = arith.constant 0 : i32
          %dma_start3A_355 = tpu.memref_slice %arg11[%dma_start3A_352, %dma_start3A_353, %dma_start3A_354] : memref<8x64x128xf32, #tpu.memory_space<vmem>> -> memref<1x64x128xf32, #tpu.memory_space<vmem>>
          %dma_start3A_356 = tpu.memref_squeeze %dma_start3A_355 : memref<1x64x128xf32, #tpu.memory_space<vmem>> -> memref<64x128xf32, #tpu.memory_space<vmem>>
          %dma_start3A_357 = arith.constant 0 : i32
          %dma_start3A_358 = tpu.memref_slice %arg3[%dma_start3A_357, %multiple_of3A_351] : memref<64x1000000xf32, #tpu.memory_space<hbm>> -> memref<64x128xf32, #tpu.memory_space<hbm>>
          %dma_start3A_359 = arith.constant 0 : i32
          %dma_start3A_360 = arith.constant 0 : i32
          %dma_start3A_361 = tpu.memref_slice %arg11[%dma_start3A_352, %dma_start3A_359, %dma_start3A_360] : memref<8x64x128xf32, #tpu.memory_space<vmem>> -> memref<1x64x128xf32, #tpu.memory_space<vmem>>
          %dma_start3A_362 = tpu.memref_squeeze %dma_start3A_361 : memref<1x64x128xf32, #tpu.memory_space<vmem>> -> memref<64x128xf32, #tpu.memory_space<vmem>>
          %dma_start3A_363 = arith.constant 0 : i32
          %dma_start3A_364 = tpu.memref_slice %arg3[%dma_start3A_363, %multiple_of3A_351] : memref<64x1000000xf32, #tpu.memory_space<hbm>> -> memref<64x128xf32, #tpu.memory_space<hbm>>
          tpu.enqueue_dma source(%dma_start3A_364 : memref<64x128xf32, #tpu.memory_space<hbm>>) target(%dma_start3A_362 : memref<64x128xf32, #tpu.memory_space<vmem>>) target_semaphore(%arg20 : memref<!tpu.dma_semaphore, #tpu.memory_space<semaphore_mem>>)
        } else {
        }
      } else {
      }
      %eq3A_188 = arith.constant 1 : i32
      %eq3A_189 = arith.cmpi eq, %and3A_182, %eq3A_188 : i32
      %convert_element_type3A_190 = arith.extui %eq3A_189 : i1 to i32
      %cond3A_191 = arith.constant 0 : i32
      %cond3A_192 = arith.cmpi ne, %convert_element_type3A_190, %cond3A_191 : i32
      scf.if %cond3A_192 {
        %dma_wait3A = arith.constant 4 : i32
        %dma_wait3A_232 = arith.constant 0 : i32
        %dma_wait3A_233 = arith.constant 0 : i32
        %dma_wait3A_234 = tpu.memref_slice %arg11[%dma_wait3A, %dma_wait3A_232, %dma_wait3A_233] : memref<8x64x128xf32, #tpu.memory_space<vmem>> -> memref<1x64x128xf32, #tpu.memory_space<vmem>>
        %dma_wait3A_235 = tpu.memref_squeeze %dma_wait3A_234 : memref<1x64x128xf32, #tpu.memory_space<vmem>> -> memref<64x128xf32, #tpu.memory_space<vmem>>
        %dma_wait3A_236 = arith.constant 0 : i32
        %dma_wait3A_237 = arith.constant 0 : i32
        %dma_wait3A_238 = tpu.memref_slice %arg3[%dma_wait3A_236, %dma_wait3A_237] : memref<64x1000000xf32, #tpu.memory_space<hbm>> -> memref<64x128xf32, #tpu.memory_space<hbm>>
        %dma_wait3A_239 = arith.constant 0 : i32
        %dma_wait3A_240 = arith.constant 0 : i32
        %dma_wait3A_241 = tpu.memref_slice %arg11[%dma_wait3A, %dma_wait3A_239, %dma_wait3A_240] : memref<8x64x128xf32, #tpu.memory_space<vmem>> -> memref<1x64x128xf32, #tpu.memory_space<vmem>>
        %dma_wait3A_242 = tpu.memref_squeeze %dma_wait3A_241 : memref<1x64x128xf32, #tpu.memory_space<vmem>> -> memref<64x128xf32, #tpu.memory_space<vmem>>
        %dma_wait3A_243 = arith.constant 0 : i32
        %dma_wait3A_244 = arith.constant 0 : i32
        %dma_wait3A_245 = tpu.memref_slice %arg3[%dma_wait3A_243, %dma_wait3A_244] : memref<64x1000000xf32, #tpu.memory_space<hbm>> -> memref<64x128xf32, #tpu.memory_space<hbm>>
        tpu.wait_dma2 semaphore(%arg20 : memref<!tpu.dma_semaphore, #tpu.memory_space<semaphore_mem>>) src(%dma_wait3A_245 : memref<64x128xf32, #tpu.memory_space<hbm>>) dst(%dma_wait3A_242 : memref<64x128xf32, #tpu.memory_space<vmem>>)
        %dma_wait3A_246 = arith.constant 5 : i32
        %dma_wait3A_247 = arith.constant 0 : i32
        %dma_wait3A_248 = arith.constant 0 : i32
        %dma_wait3A_249 = tpu.memref_slice %arg11[%dma_wait3A_246, %dma_wait3A_247, %dma_wait3A_248] : memref<8x64x128xf32, #tpu.memory_space<vmem>> -> memref<1x64x128xf32, #tpu.memory_space<vmem>>
        %dma_wait3A_250 = tpu.memref_squeeze %dma_wait3A_249 : memref<1x64x128xf32, #tpu.memory_space<vmem>> -> memref<64x128xf32, #tpu.memory_space<vmem>>
        %dma_wait3A_251 = arith.constant 0 : i32
        %dma_wait3A_252 = arith.constant 0 : i32
        %dma_wait3A_253 = tpu.memref_slice %arg3[%dma_wait3A_251, %dma_wait3A_252] : memref<64x1000000xf32, #tpu.memory_space<hbm>> -> memref<64x128xf32, #tpu.memory_space<hbm>>
        %dma_wait3A_254 = arith.constant 0 : i32
        %dma_wait3A_255 = arith.constant 0 : i32
        %dma_wait3A_256 = tpu.memref_slice %arg11[%dma_wait3A_246, %dma_wait3A_254, %dma_wait3A_255] : memref<8x64x128xf32, #tpu.memory_space<vmem>> -> memref<1x64x128xf32, #tpu.memory_space<vmem>>
        %dma_wait3A_257 = tpu.memref_squeeze %dma_wait3A_256 : memref<1x64x128xf32, #tpu.memory_space<vmem>> -> memref<64x128xf32, #tpu.memory_space<vmem>>
        %dma_wait3A_258 = arith.constant 0 : i32
        %dma_wait3A_259 = arith.constant 0 : i32
        %dma_wait3A_260 = tpu.memref_slice %arg3[%dma_wait3A_258, %dma_wait3A_259] : memref<64x1000000xf32, #tpu.memory_space<hbm>> -> memref<64x128xf32, #tpu.memory_space<hbm>>
        tpu.wait_dma2 semaphore(%arg20 : memref<!tpu.dma_semaphore, #tpu.memory_space<semaphore_mem>>) src(%dma_wait3A_260 : memref<64x128xf32, #tpu.memory_space<hbm>>) dst(%dma_wait3A_257 : memref<64x128xf32, #tpu.memory_space<vmem>>)
        %dma_wait3A_261 = arith.constant 6 : i32
        %dma_wait3A_262 = arith.constant 0 : i32
        %dma_wait3A_263 = arith.constant 0 : i32
        %dma_wait3A_264 = tpu.memref_slice %arg11[%dma_wait3A_261, %dma_wait3A_262, %dma_wait3A_263] : memref<8x64x128xf32, #tpu.memory_space<vmem>> -> memref<1x64x128xf32, #tpu.memory_space<vmem>>
        %dma_wait3A_265 = tpu.memref_squeeze %dma_wait3A_264 : memref<1x64x128xf32, #tpu.memory_space<vmem>> -> memref<64x128xf32, #tpu.memory_space<vmem>>
        %dma_wait3A_266 = arith.constant 0 : i32
        %dma_wait3A_267 = arith.constant 0 : i32
        %dma_wait3A_268 = tpu.memref_slice %arg3[%dma_wait3A_266, %dma_wait3A_267] : memref<64x1000000xf32, #tpu.memory_space<hbm>> -> memref<64x128xf32, #tpu.memory_space<hbm>>
        %dma_wait3A_269 = arith.constant 0 : i32
        %dma_wait3A_270 = arith.constant 0 : i32
        %dma_wait3A_271 = tpu.memref_slice %arg11[%dma_wait3A_261, %dma_wait3A_269, %dma_wait3A_270] : memref<8x64x128xf32, #tpu.memory_space<vmem>> -> memref<1x64x128xf32, #tpu.memory_space<vmem>>
        %dma_wait3A_272 = tpu.memref_squeeze %dma_wait3A_271 : memref<1x64x128xf32, #tpu.memory_space<vmem>> -> memref<64x128xf32, #tpu.memory_space<vmem>>
        %dma_wait3A_273 = arith.constant 0 : i32
        %dma_wait3A_274 = arith.constant 0 : i32
        %dma_wait3A_275 = tpu.memref_slice %arg3[%dma_wait3A_273, %dma_wait3A_274] : memref<64x1000000xf32, #tpu.memory_space<hbm>> -> memref<64x128xf32, #tpu.memory_space<hbm>>
        tpu.wait_dma2 semaphore(%arg20 : memref<!tpu.dma_semaphore, #tpu.memory_space<semaphore_mem>>) src(%dma_wait3A_275 : memref<64x128xf32, #tpu.memory_space<hbm>>) dst(%dma_wait3A_272 : memref<64x128xf32, #tpu.memory_space<vmem>>)
        %dma_wait3A_276 = arith.constant 7 : i32
        %dma_wait3A_277 = arith.constant 0 : i32
        %dma_wait3A_278 = arith.constant 0 : i32
        %dma_wait3A_279 = tpu.memref_slice %arg11[%dma_wait3A_276, %dma_wait3A_277, %dma_wait3A_278] : memref<8x64x128xf32, #tpu.memory_space<vmem>> -> memref<1x64x128xf32, #tpu.memory_space<vmem>>
        %dma_wait3A_280 = tpu.memref_squeeze %dma_wait3A_279 : memref<1x64x128xf32, #tpu.memory_space<vmem>> -> memref<64x128xf32, #tpu.memory_space<vmem>>
        %dma_wait3A_281 = arith.constant 0 : i32
        %dma_wait3A_282 = arith.constant 0 : i32
        %dma_wait3A_283 = tpu.memref_slice %arg3[%dma_wait3A_281, %dma_wait3A_282] : memref<64x1000000xf32, #tpu.memory_space<hbm>> -> memref<64x128xf32, #tpu.memory_space<hbm>>
        %dma_wait3A_284 = arith.constant 0 : i32
        %dma_wait3A_285 = arith.constant 0 : i32
        %dma_wait3A_286 = tpu.memref_slice %arg11[%dma_wait3A_276, %dma_wait3A_284, %dma_wait3A_285] : memref<8x64x128xf32, #tpu.memory_space<vmem>> -> memref<1x64x128xf32, #tpu.memory_space<vmem>>
        %dma_wait3A_287 = tpu.memref_squeeze %dma_wait3A_286 : memref<1x64x128xf32, #tpu.memory_space<vmem>> -> memref<64x128xf32, #tpu.memory_space<vmem>>
        %dma_wait3A_288 = arith.constant 0 : i32
        %dma_wait3A_289 = arith.constant 0 : i32
        %dma_wait3A_290 = tpu.memref_slice %arg3[%dma_wait3A_288, %dma_wait3A_289] : memref<64x1000000xf32, #tpu.memory_space<hbm>> -> memref<64x128xf32, #tpu.memory_space<hbm>>
        tpu.wait_dma2 semaphore(%arg20 : memref<!tpu.dma_semaphore, #tpu.memory_space<semaphore_mem>>) src(%dma_wait3A_290 : memref<64x128xf32, #tpu.memory_space<hbm>>) dst(%dma_wait3A_287 : memref<64x128xf32, #tpu.memory_space<vmem>>)
        %add3A_291 = arith.constant 1 : i32
        %add3A_292 = arith.addi %while3A_180, %add3A_291 : i32
        %lt3A = arith.cmpi slt, %add3A_292, %add3A_5 : i32
        %convert_element_type3A_293 = arith.extui %lt3A : i1 to i32
        %cond3A_294 = arith.constant 0 : i32
        %cond3A_295 = arith.cmpi ne, %convert_element_type3A_293, %cond3A_294 : i32
        scf.if %cond3A_295 {
          %add3A_296 = arith.constant 1 : i32
          %add3A_297 = arith.addi %while3A_180, %add3A_296 : i32
          %mul3A_298 = arith.constant 512 : i32
          %mul3A_299 = arith.muli %add3A_297, %mul3A_298 : i32
          %add3A_300 = arith.addi %mul3A_2, %mul3A_299 : i32
          %add3A_301 = arith.constant 0 : i32
          %add3A_302 = arith.addi %add3A_300, %add3A_301 : i32
          %multiple_of3A_303 = tpu.assume_multiple %add3A_302, 128 : i32
          %dma_start3A_304 = arith.constant 0 : i32
          %dma_start3A_305 = arith.constant 0 : i32
          %dma_start3A_306 = arith.constant 0 : i32
          %dma_start3A_307 = tpu.memref_slice %arg11[%dma_start3A_304, %dma_start3A_305, %dma_start3A_306] : memref<8x64x128xf32, #tpu.memory_space<vmem>> -> memref<1x64x128xf32, #tpu.memory_space<vmem>>
          %dma_start3A_308 = tpu.memref_squeeze %dma_start3A_307 : memref<1x64x128xf32, #tpu.memory_space<vmem>> -> memref<64x128xf32, #tpu.memory_space<vmem>>
          %dma_start3A_309 = arith.constant 0 : i32
          %dma_start3A_310 = tpu.memref_slice %arg3[%dma_start3A_309, %multiple_of3A_303] : memref<64x1000000xf32, #tpu.memory_space<hbm>> -> memref<64x128xf32, #tpu.memory_space<hbm>>
          %dma_start3A_311 = arith.constant 0 : i32
          %dma_start3A_312 = arith.constant 0 : i32
          %dma_start3A_313 = tpu.memref_slice %arg11[%dma_start3A_304, %dma_start3A_311, %dma_start3A_312] : memref<8x64x128xf32, #tpu.memory_space<vmem>> -> memref<1x64x128xf32, #tpu.memory_space<vmem>>
          %dma_start3A_314 = tpu.memref_squeeze %dma_start3A_313 : memref<1x64x128xf32, #tpu.memory_space<vmem>> -> memref<64x128xf32, #tpu.memory_space<vmem>>
          %dma_start3A_315 = arith.constant 0 : i32
          %dma_start3A_316 = tpu.memref_slice %arg3[%dma_start3A_315, %multiple_of3A_303] : memref<64x1000000xf32, #tpu.memory_space<hbm>> -> memref<64x128xf32, #tpu.memory_space<hbm>>
          tpu.enqueue_dma source(%dma_start3A_316 : memref<64x128xf32, #tpu.memory_space<hbm>>) target(%dma_start3A_314 : memref<64x128xf32, #tpu.memory_space<vmem>>) target_semaphore(%arg19 : memref<!tpu.dma_semaphore, #tpu.memory_space<semaphore_mem>>)
          %add3A_317 = arith.constant 128 : i32
          %add3A_318 = arith.addi %add3A_300, %add3A_317 : i32
          %multiple_of3A_319 = tpu.assume_multiple %add3A_318, 128 : i32
          %dma_start3A_320 = arith.constant 1 : i32
          %dma_start3A_321 = arith.constant 0 : i32
          %dma_start3A_322 = arith.constant 0 : i32
          %dma_start3A_323 = tpu.memref_slice %arg11[%dma_start3A_320, %dma_start3A_321, %dma_start3A_322] : memref<8x64x128xf32, #tpu.memory_space<vmem>> -> memref<1x64x128xf32, #tpu.memory_space<vmem>>
          %dma_start3A_324 = tpu.memref_squeeze %dma_start3A_323 : memref<1x64x128xf32, #tpu.memory_space<vmem>> -> memref<64x128xf32, #tpu.memory_space<vmem>>
          %dma_start3A_325 = arith.constant 0 : i32
          %dma_start3A_326 = tpu.memref_slice %arg3[%dma_start3A_325, %multiple_of3A_319] : memref<64x1000000xf32, #tpu.memory_space<hbm>> -> memref<64x128xf32, #tpu.memory_space<hbm>>
          %dma_start3A_327 = arith.constant 0 : i32
          %dma_start3A_328 = arith.constant 0 : i32
          %dma_start3A_329 = tpu.memref_slice %arg11[%dma_start3A_320, %dma_start3A_327, %dma_start3A_328] : memref<8x64x128xf32, #tpu.memory_space<vmem>> -> memref<1x64x128xf32, #tpu.memory_space<vmem>>
          %dma_start3A_330 = tpu.memref_squeeze %dma_start3A_329 : memref<1x64x128xf32, #tpu.memory_space<vmem>> -> memref<64x128xf32, #tpu.memory_space<vmem>>
          %dma_start3A_331 = arith.constant 0 : i32
          %dma_start3A_332 = tpu.memref_slice %arg3[%dma_start3A_331, %multiple_of3A_319] : memref<64x1000000xf32, #tpu.memory_space<hbm>> -> memref<64x128xf32, #tpu.memory_space<hbm>>
          tpu.enqueue_dma source(%dma_start3A_332 : memref<64x128xf32, #tpu.memory_space<hbm>>) target(%dma_start3A_330 : memref<64x128xf32, #tpu.memory_space<vmem>>) target_semaphore(%arg19 : memref<!tpu.dma_semaphore, #tpu.memory_space<semaphore_mem>>)
          %add3A_333 = arith.constant 256 : i32
          %add3A_334 = arith.addi %add3A_300, %add3A_333 : i32
          %multiple_of3A_335 = tpu.assume_multiple %add3A_334, 128 : i32
          %dma_start3A_336 = arith.constant 2 : i32
          %dma_start3A_337 = arith.constant 0 : i32
          %dma_start3A_338 = arith.constant 0 : i32
          %dma_start3A_339 = tpu.memref_slice %arg11[%dma_start3A_336, %dma_start3A_337, %dma_start3A_338] : memref<8x64x128xf32, #tpu.memory_space<vmem>> -> memref<1x64x128xf32, #tpu.memory_space<vmem>>
          %dma_start3A_340 = tpu.memref_squeeze %dma_start3A_339 : memref<1x64x128xf32, #tpu.memory_space<vmem>> -> memref<64x128xf32, #tpu.memory_space<vmem>>
          %dma_start3A_341 = arith.constant 0 : i32
          %dma_start3A_342 = tpu.memref_slice %arg3[%dma_start3A_341, %multiple_of3A_335] : memref<64x1000000xf32, #tpu.memory_space<hbm>> -> memref<64x128xf32, #tpu.memory_space<hbm>>
          %dma_start3A_343 = arith.constant 0 : i32
          %dma_start3A_344 = arith.constant 0 : i32
          %dma_start3A_345 = tpu.memref_slice %arg11[%dma_start3A_336, %dma_start3A_343, %dma_start3A_344] : memref<8x64x128xf32, #tpu.memory_space<vmem>> -> memref<1x64x128xf32, #tpu.memory_space<vmem>>
          %dma_start3A_346 = tpu.memref_squeeze %dma_start3A_345 : memref<1x64x128xf32, #tpu.memory_space<vmem>> -> memref<64x128xf32, #tpu.memory_space<vmem>>
          %dma_start3A_347 = arith.constant 0 : i32
          %dma_start3A_348 = tpu.memref_slice %arg3[%dma_start3A_347, %multiple_of3A_335] : memref<64x1000000xf32, #tpu.memory_space<hbm>> -> memref<64x128xf32, #tpu.memory_space<hbm>>
          tpu.enqueue_dma source(%dma_start3A_348 : memref<64x128xf32, #tpu.memory_space<hbm>>) target(%dma_start3A_346 : memref<64x128xf32, #tpu.memory_space<vmem>>) target_semaphore(%arg19 : memref<!tpu.dma_semaphore, #tpu.memory_space<semaphore_mem>>)
          %add3A_349 = arith.constant 384 : i32
          %add3A_350 = arith.addi %add3A_300, %add3A_349 : i32
          %multiple_of3A_351 = tpu.assume_multiple %add3A_350, 128 : i32
          %dma_start3A_352 = arith.constant 3 : i32
          %dma_start3A_353 = arith.constant 0 : i32
          %dma_start3A_354 = arith.constant 0 : i32
          %dma_start3A_355 = tpu.memref_slice %arg11[%dma_start3A_352, %dma_start3A_353, %dma_start3A_354] : memref<8x64x128xf32, #tpu.memory_space<vmem>> -> memref<1x64x128xf32, #tpu.memory_space<vmem>>
          %dma_start3A_356 = tpu.memref_squeeze %dma_start3A_355 : memref<1x64x128xf32, #tpu.memory_space<vmem>> -> memref<64x128xf32, #tpu.memory_space<vmem>>
          %dma_start3A_357 = arith.constant 0 : i32
          %dma_start3A_358 = tpu.memref_slice %arg3[%dma_start3A_357, %multiple_of3A_351] : memref<64x1000000xf32, #tpu.memory_space<hbm>> -> memref<64x128xf32, #tpu.memory_space<hbm>>
          %dma_start3A_359 = arith.constant 0 : i32
          %dma_start3A_360 = arith.constant 0 : i32
          %dma_start3A_361 = tpu.memref_slice %arg11[%dma_start3A_352, %dma_start3A_359, %dma_start3A_360] : memref<8x64x128xf32, #tpu.memory_space<vmem>> -> memref<1x64x128xf32, #tpu.memory_space<vmem>>
          %dma_start3A_362 = tpu.memref_squeeze %dma_start3A_361 : memref<1x64x128xf32, #tpu.memory_space<vmem>> -> memref<64x128xf32, #tpu.memory_space<vmem>>
          %dma_start3A_363 = arith.constant 0 : i32
          %dma_start3A_364 = tpu.memref_slice %arg3[%dma_start3A_363, %multiple_of3A_351] : memref<64x1000000xf32, #tpu.memory_space<hbm>> -> memref<64x128xf32, #tpu.memory_space<hbm>>
          tpu.enqueue_dma source(%dma_start3A_364 : memref<64x128xf32, #tpu.memory_space<hbm>>) target(%dma_start3A_362 : memref<64x128xf32, #tpu.memory_space<vmem>>) target_semaphore(%arg19 : memref<!tpu.dma_semaphore, #tpu.memory_space<semaphore_mem>>)
        } else {
        }
      } else {
      }
      %broadcast_in_dim3A_193 = arith.constant 0 : i32
      %broadcast_in_dim3A_194 = vector.broadcast %broadcast_in_dim3A_193 : i32 to vector<16xi32>
      %while3A_195 = arith.constant 0 : i32
      %while3A_196 = arith.subi %shift_right_arithmetic3A_91, %while3A_195 : i32
      %while3A_197 = arith.addi %while3A_195, %while3A_196 : i32
      %while3A_198 = arith.constant 1 : i32
      %while3A_199 = arith.divsi %while3A_196, %while3A_198 : i32
      %while3A_200 = arith.muli %while3A_199, %while3A_198 : i32
      %while3A_201 = arith.addi %while3A_195, %while3A_200 : i32
      %while3A_202 = arith.constant 1 : i32
      %while3A_203 = scf.for %while3A_232 = %while3A_195 to %while3A_201 step %while3A_202 iter_args(%while3A_233 = %broadcast_in_dim3A_194) -> (vector<16xi32>)  : i32 {
        %mul3A_234 = arith.constant 16 : i32
        %mul3A_235 = arith.muli %while3A_232, %mul3A_234 : i32
        %broadcast_in_dim3A_236 = vector.broadcast %mul3A_235 : i32 to vector<16xi32>
        %add3A_237 = arith.addi %broadcast_in_dim3A_236, %iota3A : vector<16xi32>
        %gather3A = tpu.vector_load_idx %arg9[%add3A_237] : memref<16416xi32, #tpu.memory_space<vmem>>[vector<16xi32>], vector<16xi32>,
        %and3A_238 = arith.constant 32767 : i32
        %and3A_239 = vector.broadcast %and3A_238 : i32 to vector<16xi32>
        %and3A_240 = arith.andi %gather3A, %and3A_239 : vector<16xi32>
        %shift_right_arithmetic3A_241 = arith.constant 15 : i32
        %shift_right_arithmetic3A_242 = vector.broadcast %shift_right_arithmetic3A_241 : i32 to vector<16xi32>
        %shift_right_arithmetic3A_243 = arith.shrsi %gather3A, %shift_right_arithmetic3A_242 : vector<16xi32>
        %mul3A_244 = arith.constant 512 : i32
        %mul3A_245 = arith.muli %while3A_180, %mul3A_244 : i32
        %sub3A = vector.broadcast %mul3A_245 : i32 to vector<16xi32>
        %sub3A_246 = arith.subi %and3A_240, %sub3A : vector<16xi32>
        %ge3A = arith.constant 0 : i32
        %ge3A_247 = vector.broadcast %ge3A : i32 to vector<16xi32>
        %ge3A_248 = arith.cmpi sge, %sub3A_246, %ge3A_247 : vector<16xi32>
        %lt3A = arith.constant 512 : i32
        %lt3A_249 = vector.broadcast %lt3A : i32 to vector<16xi32>
        %lt3A_250 = arith.cmpi slt, %sub3A_246, %lt3A_249 : vector<16xi32>
        %and3A_251 = arith.andi %ge3A_248, %lt3A_250 : vector<16xi1>
        %convert_element_type3A_252 = arith.extui %and3A_251 : vector<16xi1> to vector<16xi32>
        %mul3A_253 = arith.constant 512 : i32
        %mul3A_254 = vector.broadcast %mul3A_253 : i32 to vector<16xi32>
        %mul3A_255 = arith.muli %shift_right_arithmetic3A_243, %mul3A_254 : vector<16xi32>
        %add3A_256 = arith.addi %mul3A_255, %sub3A_246 : vector<16xi32>
        %broadcast_in_dim3A_257 = arith.constant true
        %broadcast_in_dim3A_258 = vector.broadcast %broadcast_in_dim3A_257 : i1 to vector<16xi1>
        %masked_cumsum3A = tpu.scan <sum>, %convert_element_type3A_252 masked %broadcast_in_dim3A_258 : vector<16xi32>, vector<16xi1> -> vector<16xi32>
        %add3A_259 = arith.addi %while3A_233, %masked_cumsum3A : vector<16xi32>
        %sub3A_260 = arith.subi %add3A_259, %convert_element_type3A_252 : vector<16xi32>
        tpu.vector_store_idx %arg10[%sub3A_260], %add3A_256 masked %and3A_251 : memref<16400xi32, #tpu.memory_space<vmem>>[vector<16xi32>], vector<16xi32>, vector<16xi1>
        %all_reduce_population_count3A = tpu.all_reduce %and3A_251 {dim = 0 : i64, kind = #tpu.reduction_kind<sum>} : vector<16xi1> -> vector<16xi32>
        %add3A_261 = arith.addi %while3A_233, %all_reduce_population_count3A : vector<16xi32>
        scf.yield %add3A_261 : vector<16xi32>
      }
      %while3A_204 = arith.constant 1 : i32
      %while3A_205 = scf.for %while3A_232 = %while3A_201 to %while3A_197 step %while3A_204 iter_args(%while3A_233 = %while3A_203) -> (vector<16xi32>)  : i32 {
        %mul3A_234 = arith.constant 16 : i32
        %mul3A_235 = arith.muli %while3A_232, %mul3A_234 : i32
        %broadcast_in_dim3A_236 = vector.broadcast %mul3A_235 : i32 to vector<16xi32>
        %add3A_237 = arith.addi %broadcast_in_dim3A_236, %iota3A : vector<16xi32>
        %gather3A = tpu.vector_load_idx %arg9[%add3A_237] : memref<16416xi32, #tpu.memory_space<vmem>>[vector<16xi32>], vector<16xi32>,
        %and3A_238 = arith.constant 32767 : i32
        %and3A_239 = vector.broadcast %and3A_238 : i32 to vector<16xi32>
        %and3A_240 = arith.andi %gather3A, %and3A_239 : vector<16xi32>
        %shift_right_arithmetic3A_241 = arith.constant 15 : i32
        %shift_right_arithmetic3A_242 = vector.broadcast %shift_right_arithmetic3A_241 : i32 to vector<16xi32>
        %shift_right_arithmetic3A_243 = arith.shrsi %gather3A, %shift_right_arithmetic3A_242 : vector<16xi32>
        %mul3A_244 = arith.constant 512 : i32
        %mul3A_245 = arith.muli %while3A_180, %mul3A_244 : i32
        %sub3A = vector.broadcast %mul3A_245 : i32 to vector<16xi32>
        %sub3A_246 = arith.subi %and3A_240, %sub3A : vector<16xi32>
        %ge3A = arith.constant 0 : i32
        %ge3A_247 = vector.broadcast %ge3A : i32 to vector<16xi32>
        %ge3A_248 = arith.cmpi sge, %sub3A_246, %ge3A_247 : vector<16xi32>
        %lt3A = arith.constant 512 : i32
        %lt3A_249 = vector.broadcast %lt3A : i32 to vector<16xi32>
        %lt3A_250 = arith.cmpi slt, %sub3A_246, %lt3A_249 : vector<16xi32>
        %and3A_251 = arith.andi %ge3A_248, %lt3A_250 : vector<16xi1>
        %convert_element_type3A_252 = arith.extui %and3A_251 : vector<16xi1> to vector<16xi32>
        %mul3A_253 = arith.constant 512 : i32
        %mul3A_254 = vector.broadcast %mul3A_253 : i32 to vector<16xi32>
        %mul3A_255 = arith.muli %shift_right_arithmetic3A_243, %mul3A_254 : vector<16xi32>
        %add3A_256 = arith.addi %mul3A_255, %sub3A_246 : vector<16xi32>
        %broadcast_in_dim3A_257 = arith.constant true
        %broadcast_in_dim3A_258 = vector.broadcast %broadcast_in_dim3A_257 : i1 to vector<16xi1>
        %masked_cumsum3A = tpu.scan <sum>, %convert_element_type3A_252 masked %broadcast_in_dim3A_258 : vector<16xi32>, vector<16xi1> -> vector<16xi32>
        %add3A_259 = arith.addi %while3A_233, %masked_cumsum3A : vector<16xi32>
        %sub3A_260 = arith.subi %add3A_259, %convert_element_type3A_252 : vector<16xi32>
        tpu.vector_store_idx %arg10[%sub3A_260], %add3A_256 masked %and3A_251 : memref<16400xi32, #tpu.memory_space<vmem>>[vector<16xi32>], vector<16xi32>, vector<16xi1>
        %all_reduce_population_count3A = tpu.all_reduce %and3A_251 {dim = 0 : i64, kind = #tpu.reduction_kind<sum>} : vector<16xi1> -> vector<16xi32>
        %add3A_261 = arith.addi %while3A_233, %all_reduce_population_count3A : vector<16xi32>
        scf.yield %add3A_261 : vector<16xi32>
      }
      %add3A_206 = arith.addi %while3A_205, %iota3A : vector<16xi32>
      %broadcast_in_dim3A_207 = arith.constant 8388608 : i32
      %broadcast_in_dim3A_208 = vector.broadcast %broadcast_in_dim3A_207 : i32 to vector<16xi32>
      tpu.vector_store_idx %arg10[%add3A_206], %broadcast_in_dim3A_208 : memref<16400xi32, #tpu.memory_space<vmem>>[vector<16xi32>], vector<16xi32>,
      %reduce_max3A_209 = arith.constant true
      %reduce_max3A_210 = vector.broadcast %reduce_max3A_209 : i1 to vector<16xi1>
      %reduce_max3A_211 = arith.constant -2147483648 : i32
      %reduce_max3A_212 = vector.broadcast %reduce_max3A_211 : i32 to vector<16xi32>
      %reduce_max3A_213 = arith.xori %while3A_205, %reduce_max3A_212 : vector<16xi32>
      %reduce_max3A_214 = tpu.scan <max>, %reduce_max3A_213 masked %reduce_max3A_210 : vector<16xi32>, vector<16xi1> -> vector<16xi32>
      %reduce_max3A_215 = arith.xori %reduce_max3A_214, %reduce_max3A_212 : vector<16xi32>
      %reduce_max3A_216 = vector.extract %reduce_max3A_215[15] : i32 from vector<16xi32>
      %add3A_217 = arith.constant 15 : i32
      %add3A_218 = arith.addi %reduce_max3A_216, %add3A_217 : i32
      %shift_right_arithmetic3A_219 = arith.constant 4 : i32
      %shift_right_arithmetic3A_220 = arith.shrsi %add3A_218, %shift_right_arithmetic3A_219 : i32
      %while3A_221 = arith.constant 0 : i32
      %while3A_222 = arith.subi %shift_right_arithmetic3A_220, %while3A_221 : i32
      %while3A_223 = arith.addi %while3A_221, %while3A_222 : i32
      %while3A_224 = arith.constant 1 : i32
      %while3A_225 = arith.divsi %while3A_222, %while3A_224 : i32
      %while3A_226 = arith.muli %while3A_225, %while3A_224 : i32
      %while3A_227 = arith.addi %while3A_221, %while3A_226 : i32
      %while3A_228 = arith.constant 1 : i32
      %while3A_229 = scf.for %while3A_232 = %while3A_221 to %while3A_227 step %while3A_228 iter_args(%while3A_233 = %while3A_181) -> (i32)  : i32 {
        %mul3A_234 = arith.constant 16 : i32
        %mul3A_235 = arith.muli %while3A_232, %mul3A_234 : i32
        %broadcast_in_dim3A_236 = vector.broadcast %mul3A_235 : i32 to vector<16xi32>
        %add3A_237 = arith.addi %broadcast_in_dim3A_236, %iota3A : vector<16xi32>
        %gather3A = tpu.vector_load_idx %arg10[%add3A_237] : memref<16400xi32, #tpu.memory_space<vmem>>[vector<16xi32>], vector<16xi32>,
        %and3A_238 = arith.constant 511 : i32
        %and3A_239 = vector.broadcast %and3A_238 : i32 to vector<16xi32>
        %and3A_240 = arith.andi %gather3A, %and3A_239 : vector<16xi32>
        %shift_right_arithmetic3A_241 = arith.constant 9 : i32
        %shift_right_arithmetic3A_242 = vector.broadcast %shift_right_arithmetic3A_241 : i32 to vector<16xi32>
        %shift_right_arithmetic3A_243 = arith.shrsi %gather3A, %shift_right_arithmetic3A_242 : vector<16xi32>
        %broadcast_in_dim3A_244 = arith.constant 0 : i32
        %broadcast_in_dim3A_245 = vector.broadcast %broadcast_in_dim3A_244 : i32 to vector<16xi32>
        %add3A_246 = arith.addi %broadcast_in_dim3A_245, %iota3A : vector<16xi32>
        %gather3A_247 = tpu.vector_load_idx %arg14[%add3A_246] : memref<128xf32, #tpu.memory_space<vmem>>[vector<16xi32>], vector<16xf32>,
        %broadcast_in_dim3A_248 = arith.constant 16 : i32
        %broadcast_in_dim3A_249 = vector.broadcast %broadcast_in_dim3A_248 : i32 to vector<16xi32>
        %add3A_250 = arith.addi %broadcast_in_dim3A_249, %iota3A : vector<16xi32>
        %gather3A_251 = tpu.vector_load_idx %arg14[%add3A_250] : memref<128xf32, #tpu.memory_space<vmem>>[vector<16xi32>], vector<16xf32>,
        %broadcast_in_dim3A_252 = arith.constant 32 : i32
        %broadcast_in_dim3A_253 = vector.broadcast %broadcast_in_dim3A_252 : i32 to vector<16xi32>
        %add3A_254 = arith.addi %broadcast_in_dim3A_253, %iota3A : vector<16xi32>
        %gather3A_255 = tpu.vector_load_idx %arg14[%add3A_254] : memref<128xf32, #tpu.memory_space<vmem>>[vector<16xi32>], vector<16xf32>,
        %broadcast_in_dim3A_256 = arith.constant 48 : i32
        %broadcast_in_dim3A_257 = vector.broadcast %broadcast_in_dim3A_256 : i32 to vector<16xi32>
        %add3A_258 = arith.addi %broadcast_in_dim3A_257, %iota3A : vector<16xi32>
        %gather3A_259 = tpu.vector_load_idx %arg14[%add3A_258] : memref<128xf32, #tpu.memory_space<vmem>>[vector<16xi32>], vector<16xf32>,
        %broadcast_in_dim3A_260 = arith.constant 64 : i32
        %broadcast_in_dim3A_261 = vector.broadcast %broadcast_in_dim3A_260 : i32 to vector<16xi32>
        %add3A_262 = arith.addi %broadcast_in_dim3A_261, %iota3A : vector<16xi32>
        %gather3A_263 = tpu.vector_load_idx %arg14[%add3A_262] : memref<128xf32, #tpu.memory_space<vmem>>[vector<16xi32>], vector<16xf32>,
        %broadcast_in_dim3A_264 = arith.constant 80 : i32
        %broadcast_in_dim3A_265 = vector.broadcast %broadcast_in_dim3A_264 : i32 to vector<16xi32>
        %add3A_266 = arith.addi %broadcast_in_dim3A_265, %iota3A : vector<16xi32>
        %gather3A_267 = tpu.vector_load_idx %arg14[%add3A_266] : memref<128xf32, #tpu.memory_space<vmem>>[vector<16xi32>], vector<16xf32>,
        %broadcast_in_dim3A_268 = arith.constant 96 : i32
        %broadcast_in_dim3A_269 = vector.broadcast %broadcast_in_dim3A_268 : i32 to vector<16xi32>
        %add3A_270 = arith.addi %broadcast_in_dim3A_269, %iota3A : vector<16xi32>
        %gather3A_271 = tpu.vector_load_idx %arg14[%add3A_270] : memref<128xf32, #tpu.memory_space<vmem>>[vector<16xi32>], vector<16xf32>,
        %scan3A_272 = arith.constant 0 : i32
        %scan3A_273 = arith.constant 64 : i32
        %scan3A_274 = arith.addi %scan3A_272, %scan3A_273 : i32
        %scan3A_275 = arith.constant 1 : i32
        %scan3A_276:7 = scf.for %scan3A_393 = %scan3A_272 to %scan3A_274 step %scan3A_275 iter_args(%scan3A_394 = %gather3A_247, %scan3A_395 = %gather3A_251, %scan3A_396 = %gather3A_255, %scan3A_397 = %gather3A_259, %scan3A_398 = %gather3A_263, %scan3A_399 = %gather3A_267, %scan3A_400 = %gather3A_271) -> (vector<16xf32>, vector<16xf32>, vector<16xf32>, vector<16xf32>, vector<16xf32>, vector<16xf32>, vector<16xf32>)  : i32 {
          %mul3A_401 = arith.constant 4 : i32
          %mul3A_402 = arith.muli %and3A_182, %mul3A_401 : i32
          %shift_right_arithmetic3A_403 = arith.constant 7 : i32
          %shift_right_arithmetic3A_404 = vector.broadcast %shift_right_arithmetic3A_403 : i32 to vector<16xi32>
          %shift_right_arithmetic3A_405 = arith.shrsi %and3A_240, %shift_right_arithmetic3A_404 : vector<16xi32>
          %add3A_406 = vector.broadcast %mul3A_402 : i32 to vector<16xi32>
          %add3A_407 = arith.addi %add3A_406, %shift_right_arithmetic3A_405 : vector<16xi32>
          %broadcast_in_dim3A_408 = vector.broadcast %scan3A_393 : i32 to vector<16xi32>
          %and3A_409 = arith.constant 127 : i32
          %and3A_410 = vector.broadcast %and3A_409 : i32 to vector<16xi32>
          %and3A_411 = arith.andi %and3A_240, %and3A_410 : vector<16xi32>
          %gather3A_412 = tpu.vector_load_idx %arg11[%add3A_407, %broadcast_in_dim3A_408, %and3A_411] : memref<8x64x128xf32, #tpu.memory_space<vmem>>[vector<16xi32>, vector<16xi32>, vector<16xi32>], vector<16xf32>,
          %broadcast_in_dim3A_413 = arith.constant 0 : i32
          %broadcast_in_dim3A_414 = vector.broadcast %broadcast_in_dim3A_413 : i32 to vector<16xi32>
          %mul3A_415 = arith.constant 16 : i32
          %mul3A_416 = arith.muli %scan3A_393, %mul3A_415 : i32
          %add3A_417 = vector.broadcast %mul3A_416 : i32 to vector<16xi32>
          %add3A_418 = arith.addi %broadcast_in_dim3A_414, %add3A_417 : vector<16xi32>
          %add3A_419 = arith.addi %add3A_418, %iota3A : vector<16xi32>
          %gather3A_420 = tpu.vector_load_idx %arg13[%add3A_419] : memref<7168xf32, #tpu.memory_space<vmem>>[vector<16xi32>], vector<16xf32>,
          %mul3A_421 = arith.mulf %gather3A_412, %gather3A_420 : vector<16xf32>
          %add3A_422 = arith.addf %scan3A_394, %mul3A_421 : vector<16xf32>
          %broadcast_in_dim3A_423 = arith.constant 1024 : i32
          %broadcast_in_dim3A_424 = vector.broadcast %broadcast_in_dim3A_423 : i32 to vector<16xi32>
          %mul3A_425 = arith.constant 16 : i32
          %mul3A_426 = arith.muli %scan3A_393, %mul3A_425 : i32
          %add3A_427 = vector.broadcast %mul3A_426 : i32 to vector<16xi32>
          %add3A_428 = arith.addi %broadcast_in_dim3A_424, %add3A_427 : vector<16xi32>
          %add3A_429 = arith.addi %add3A_428, %iota3A : vector<16xi32>
          %gather3A_430 = tpu.vector_load_idx %arg13[%add3A_429] : memref<7168xf32, #tpu.memory_space<vmem>>[vector<16xi32>], vector<16xf32>,
          %mul3A_431 = arith.mulf %gather3A_412, %gather3A_430 : vector<16xf32>
          %add3A_432 = arith.addf %scan3A_395, %mul3A_431 : vector<16xf32>
          %broadcast_in_dim3A_433 = arith.constant 2048 : i32
          %broadcast_in_dim3A_434 = vector.broadcast %broadcast_in_dim3A_433 : i32 to vector<16xi32>
          %mul3A_435 = arith.constant 16 : i32
          %mul3A_436 = arith.muli %scan3A_393, %mul3A_435 : i32
          %add3A_437 = vector.broadcast %mul3A_436 : i32 to vector<16xi32>
          %add3A_438 = arith.addi %broadcast_in_dim3A_434, %add3A_437 : vector<16xi32>
          %add3A_439 = arith.addi %add3A_438, %iota3A : vector<16xi32>
          %gather3A_440 = tpu.vector_load_idx %arg13[%add3A_439] : memref<7168xf32, #tpu.memory_space<vmem>>[vector<16xi32>], vector<16xf32>,
          %mul3A_441 = arith.mulf %gather3A_412, %gather3A_440 : vector<16xf32>
          %add3A_442 = arith.addf %scan3A_396, %mul3A_441 : vector<16xf32>
          %broadcast_in_dim3A_443 = arith.constant 3072 : i32
          %broadcast_in_dim3A_444 = vector.broadcast %broadcast_in_dim3A_443 : i32 to vector<16xi32>
          %mul3A_445 = arith.constant 16 : i32
          %mul3A_446 = arith.muli %scan3A_393, %mul3A_445 : i32
          %add3A_447 = vector.broadcast %mul3A_446 : i32 to vector<16xi32>
          %add3A_448 = arith.addi %broadcast_in_dim3A_444, %add3A_447 : vector<16xi32>
          %add3A_449 = arith.addi %add3A_448, %iota3A : vector<16xi32>
          %gather3A_450 = tpu.vector_load_idx %arg13[%add3A_449] : memref<7168xf32, #tpu.memory_space<vmem>>[vector<16xi32>], vector<16xf32>,
          %mul3A_451 = arith.mulf %gather3A_412, %gather3A_450 : vector<16xf32>
          %add3A_452 = arith.addf %scan3A_397, %mul3A_451 : vector<16xf32>
          %broadcast_in_dim3A_453 = arith.constant 4096 : i32
          %broadcast_in_dim3A_454 = vector.broadcast %broadcast_in_dim3A_453 : i32 to vector<16xi32>
          %mul3A_455 = arith.constant 16 : i32
          %mul3A_456 = arith.muli %scan3A_393, %mul3A_455 : i32
          %add3A_457 = vector.broadcast %mul3A_456 : i32 to vector<16xi32>
          %add3A_458 = arith.addi %broadcast_in_dim3A_454, %add3A_457 : vector<16xi32>
          %add3A_459 = arith.addi %add3A_458, %iota3A : vector<16xi32>
          %gather3A_460 = tpu.vector_load_idx %arg13[%add3A_459] : memref<7168xf32, #tpu.memory_space<vmem>>[vector<16xi32>], vector<16xf32>,
          %mul3A_461 = arith.mulf %gather3A_412, %gather3A_460 : vector<16xf32>
          %add3A_462 = arith.addf %scan3A_398, %mul3A_461 : vector<16xf32>
          %broadcast_in_dim3A_463 = arith.constant 5120 : i32
          %broadcast_in_dim3A_464 = vector.broadcast %broadcast_in_dim3A_463 : i32 to vector<16xi32>
          %mul3A_465 = arith.constant 16 : i32
          %mul3A_466 = arith.muli %scan3A_393, %mul3A_465 : i32
          %add3A_467 = vector.broadcast %mul3A_466 : i32 to vector<16xi32>
          %add3A_468 = arith.addi %broadcast_in_dim3A_464, %add3A_467 : vector<16xi32>
          %add3A_469 = arith.addi %add3A_468, %iota3A : vector<16xi32>
          %gather3A_470 = tpu.vector_load_idx %arg13[%add3A_469] : memref<7168xf32, #tpu.memory_space<vmem>>[vector<16xi32>], vector<16xf32>,
          %mul3A_471 = arith.mulf %gather3A_412, %gather3A_470 : vector<16xf32>
          %add3A_472 = arith.addf %scan3A_399, %mul3A_471 : vector<16xf32>
          %broadcast_in_dim3A_473 = arith.constant 6144 : i32
          %broadcast_in_dim3A_474 = vector.broadcast %broadcast_in_dim3A_473 : i32 to vector<16xi32>
          %mul3A_475 = arith.constant 16 : i32
          %mul3A_476 = arith.muli %scan3A_393, %mul3A_475 : i32
          %add3A_477 = vector.broadcast %mul3A_476 : i32 to vector<16xi32>
          %add3A_478 = arith.addi %broadcast_in_dim3A_474, %add3A_477 : vector<16xi32>
          %add3A_479 = arith.addi %add3A_478, %iota3A : vector<16xi32>
          %gather3A_480 = tpu.vector_load_idx %arg13[%add3A_479] : memref<7168xf32, #tpu.memory_space<vmem>>[vector<16xi32>], vector<16xf32>,
          %mul3A_481 = arith.mulf %gather3A_412, %gather3A_480 : vector<16xf32>
          %add3A_482 = arith.addf %scan3A_400, %mul3A_481 : vector<16xf32>
          scf.yield %add3A_422, %add3A_432, %add3A_442, %add3A_452, %add3A_462, %add3A_472, %add3A_482 : vector<16xf32>, vector<16xf32>, vector<16xf32>, vector<16xf32>, vector<16xf32>, vector<16xf32>, vector<16xf32>
        }
        %scan3A_277 = arith.constant 64 : i32
        %broadcast_in_dim3A_278 = arith.constant 0 : i32
        %broadcast_in_dim3A_279 = vector.broadcast %broadcast_in_dim3A_278 : i32 to vector<16xi32>
        %broadcast_in_dim3A_280 = arith.constant 0 : i32
        %broadcast_in_dim3A_281 = vector.broadcast %broadcast_in_dim3A_280 : i32 to vector<16xi32>
        %add3A_282 = arith.addi %broadcast_in_dim3A_281, %iota3A : vector<16xi32>
        %mul3A_283 = arith.constant 7 : i32
        %mul3A_284 = vector.broadcast %mul3A_283 : i32 to vector<16xi32>
        %mul3A_285 = arith.muli %shift_right_arithmetic3A_243, %mul3A_284 : vector<16xi32>
        %add3A_286 = arith.constant 0 : i32
        %add3A_287 = vector.broadcast %add3A_286 : i32 to vector<16xi32>
        %add3A_288 = arith.addi %mul3A_285, %add3A_287 : vector<16xi32>
        tpu.vector_store_idx %arg15[%broadcast_in_dim3A_279, %add3A_282], %add3A_288 : memref<8x128xi32, #tpu.memory_space<vmem>>[vector<16xi32>, vector<16xi32>], vector<16xi32>,
        %broadcast_in_dim3A_289 = arith.constant 0 : i32
        %broadcast_in_dim3A_290 = vector.broadcast %broadcast_in_dim3A_289 : i32 to vector<16xi32>
        %add3A_291 = arith.constant 0 : i32
        %add3A_292 = vector.broadcast %add3A_291 : i32 to vector<16xi32>
        %add3A_293 = arith.addi %add3A_292, %broadcast_in_dim3A_290 : vector<16xi32>
        %add3A_294 = arith.addi %add3A_293, %iota3A : vector<16xi32>
        tpu.vector_store_idx %arg16[%add3A_294], %scan3A_276#0 : memref<1024xf32, #tpu.memory_space<vmem>>[vector<16xi32>], vector<16xf32>,
        %broadcast_in_dim3A_295 = arith.constant 16 : i32
        %broadcast_in_dim3A_296 = vector.broadcast %broadcast_in_dim3A_295 : i32 to vector<16xi32>
        %add3A_297 = arith.addi %broadcast_in_dim3A_296, %iota3A : vector<16xi32>
        %mul3A_298 = arith.constant 7 : i32
        %mul3A_299 = vector.broadcast %mul3A_298 : i32 to vector<16xi32>
        %mul3A_300 = arith.muli %shift_right_arithmetic3A_243, %mul3A_299 : vector<16xi32>
        %add3A_301 = arith.constant 1 : i32
        %add3A_302 = vector.broadcast %add3A_301 : i32 to vector<16xi32>
        %add3A_303 = arith.addi %mul3A_300, %add3A_302 : vector<16xi32>
        tpu.vector_store_idx %arg15[%broadcast_in_dim3A_279, %add3A_297], %add3A_303 : memref<8x128xi32, #tpu.memory_space<vmem>>[vector<16xi32>, vector<16xi32>], vector<16xi32>,
        %broadcast_in_dim3A_304 = arith.constant 16 : i32
        %broadcast_in_dim3A_305 = vector.broadcast %broadcast_in_dim3A_304 : i32 to vector<16xi32>
        %add3A_306 = arith.constant 0 : i32
        %add3A_307 = vector.broadcast %add3A_306 : i32 to vector<16xi32>
        %add3A_308 = arith.addi %add3A_307, %broadcast_in_dim3A_305 : vector<16xi32>
        %add3A_309 = arith.addi %add3A_308, %iota3A : vector<16xi32>
        tpu.vector_store_idx %arg16[%add3A_309], %scan3A_276#1 : memref<1024xf32, #tpu.memory_space<vmem>>[vector<16xi32>], vector<16xf32>,
        %broadcast_in_dim3A_310 = arith.constant 32 : i32
        %broadcast_in_dim3A_311 = vector.broadcast %broadcast_in_dim3A_310 : i32 to vector<16xi32>
        %add3A_312 = arith.addi %broadcast_in_dim3A_311, %iota3A : vector<16xi32>
        %mul3A_313 = arith.constant 7 : i32
        %mul3A_314 = vector.broadcast %mul3A_313 : i32 to vector<16xi32>
        %mul3A_315 = arith.muli %shift_right_arithmetic3A_243, %mul3A_314 : vector<16xi32>
        %add3A_316 = arith.constant 2 : i32
        %add3A_317 = vector.broadcast %add3A_316 : i32 to vector<16xi32>
        %add3A_318 = arith.addi %mul3A_315, %add3A_317 : vector<16xi32>
        tpu.vector_store_idx %arg15[%broadcast_in_dim3A_279, %add3A_312], %add3A_318 : memref<8x128xi32, #tpu.memory_space<vmem>>[vector<16xi32>, vector<16xi32>], vector<16xi32>,
        %broadcast_in_dim3A_319 = arith.constant 32 : i32
        %broadcast_in_dim3A_320 = vector.broadcast %broadcast_in_dim3A_319 : i32 to vector<16xi32>
        %add3A_321 = arith.constant 0 : i32
        %add3A_322 = vector.broadcast %add3A_321 : i32 to vector<16xi32>
        %add3A_323 = arith.addi %add3A_322, %broadcast_in_dim3A_320 : vector<16xi32>
        %add3A_324 = arith.addi %add3A_323, %iota3A : vector<16xi32>
        tpu.vector_store_idx %arg16[%add3A_324], %scan3A_276#2 : memref<1024xf32, #tpu.memory_space<vmem>>[vector<16xi32>], vector<16xf32>,
        %broadcast_in_dim3A_325 = arith.constant 48 : i32
        %broadcast_in_dim3A_326 = vector.broadcast %broadcast_in_dim3A_325 : i32 to vector<16xi32>
        %add3A_327 = arith.addi %broadcast_in_dim3A_326, %iota3A : vector<16xi32>
        %mul3A_328 = arith.constant 7 : i32
        %mul3A_329 = vector.broadcast %mul3A_328 : i32 to vector<16xi32>
        %mul3A_330 = arith.muli %shift_right_arithmetic3A_243, %mul3A_329 : vector<16xi32>
        %add3A_331 = arith.constant 3 : i32
        %add3A_332 = vector.broadcast %add3A_331 : i32 to vector<16xi32>
        %add3A_333 = arith.addi %mul3A_330, %add3A_332 : vector<16xi32>
        tpu.vector_store_idx %arg15[%broadcast_in_dim3A_279, %add3A_327], %add3A_333 : memref<8x128xi32, #tpu.memory_space<vmem>>[vector<16xi32>, vector<16xi32>], vector<16xi32>,
        %broadcast_in_dim3A_334 = arith.constant 48 : i32
        %broadcast_in_dim3A_335 = vector.broadcast %broadcast_in_dim3A_334 : i32 to vector<16xi32>
        %add3A_336 = arith.constant 0 : i32
        %add3A_337 = vector.broadcast %add3A_336 : i32 to vector<16xi32>
        %add3A_338 = arith.addi %add3A_337, %broadcast_in_dim3A_335 : vector<16xi32>
        %add3A_339 = arith.addi %add3A_338, %iota3A : vector<16xi32>
        tpu.vector_store_idx %arg16[%add3A_339], %scan3A_276#3 : memref<1024xf32, #tpu.memory_space<vmem>>[vector<16xi32>], vector<16xf32>,
        %broadcast_in_dim3A_340 = arith.constant 64 : i32
        %broadcast_in_dim3A_341 = vector.broadcast %broadcast_in_dim3A_340 : i32 to vector<16xi32>
        %add3A_342 = arith.addi %broadcast_in_dim3A_341, %iota3A : vector<16xi32>
        %mul3A_343 = arith.constant 7 : i32
        %mul3A_344 = vector.broadcast %mul3A_343 : i32 to vector<16xi32>
        %mul3A_345 = arith.muli %shift_right_arithmetic3A_243, %mul3A_344 : vector<16xi32>
        %add3A_346 = arith.constant 4 : i32
        %add3A_347 = vector.broadcast %add3A_346 : i32 to vector<16xi32>
        %add3A_348 = arith.addi %mul3A_345, %add3A_347 : vector<16xi32>
        tpu.vector_store_idx %arg15[%broadcast_in_dim3A_279, %add3A_342], %add3A_348 : memref<8x128xi32, #tpu.memory_space<vmem>>[vector<16xi32>, vector<16xi32>], vector<16xi32>,
        %broadcast_in_dim3A_349 = arith.constant 64 : i32
        %broadcast_in_dim3A_350 = vector.broadcast %broadcast_in_dim3A_349 : i32 to vector<16xi32>
        %add3A_351 = arith.constant 0 : i32
        %add3A_352 = vector.broadcast %add3A_351 : i32 to vector<16xi32>
        %add3A_353 = arith.addi %add3A_352, %broadcast_in_dim3A_350 : vector<16xi32>
        %add3A_354 = arith.addi %add3A_353, %iota3A : vector<16xi32>
        tpu.vector_store_idx %arg16[%add3A_354], %scan3A_276#4 : memref<1024xf32, #tpu.memory_space<vmem>>[vector<16xi32>], vector<16xf32>,
        %broadcast_in_dim3A_355 = arith.constant 80 : i32
        %broadcast_in_dim3A_356 = vector.broadcast %broadcast_in_dim3A_355 : i32 to vector<16xi32>
        %add3A_357 = arith.addi %broadcast_in_dim3A_356, %iota3A : vector<16xi32>
        %mul3A_358 = arith.constant 7 : i32
        %mul3A_359 = vector.broadcast %mul3A_358 : i32 to vector<16xi32>
        %mul3A_360 = arith.muli %shift_right_arithmetic3A_243, %mul3A_359 : vector<16xi32>
        %add3A_361 = arith.constant 5 : i32
        %add3A_362 = vector.broadcast %add3A_361 : i32 to vector<16xi32>
        %add3A_363 = arith.addi %mul3A_360, %add3A_362 : vector<16xi32>
        tpu.vector_store_idx %arg15[%broadcast_in_dim3A_279, %add3A_357], %add3A_363 : memref<8x128xi32, #tpu.memory_space<vmem>>[vector<16xi32>, vector<16xi32>], vector<16xi32>,
        %broadcast_in_dim3A_364 = arith.constant 80 : i32
        %broadcast_in_dim3A_365 = vector.broadcast %broadcast_in_dim3A_364 : i32 to vector<16xi32>
        %add3A_366 = arith.constant 0 : i32
        %add3A_367 = vector.broadcast %add3A_366 : i32 to vector<16xi32>
        %add3A_368 = arith.addi %add3A_367, %broadcast_in_dim3A_365 : vector<16xi32>
        %add3A_369 = arith.addi %add3A_368, %iota3A : vector<16xi32>
        tpu.vector_store_idx %arg16[%add3A_369], %scan3A_276#5 : memref<1024xf32, #tpu.memory_space<vmem>>[vector<16xi32>], vector<16xf32>,
        %broadcast_in_dim3A_370 = arith.constant 96 : i32
        %broadcast_in_dim3A_371 = vector.broadcast %broadcast_in_dim3A_370 : i32 to vector<16xi32>
        %add3A_372 = arith.addi %broadcast_in_dim3A_371, %iota3A : vector<16xi32>
        %mul3A_373 = arith.constant 7 : i32
        %mul3A_374 = vector.broadcast %mul3A_373 : i32 to vector<16xi32>
        %mul3A_375 = arith.muli %shift_right_arithmetic3A_243, %mul3A_374 : vector<16xi32>
        %add3A_376 = arith.constant 6 : i32
        %add3A_377 = vector.broadcast %add3A_376 : i32 to vector<16xi32>
        %add3A_378 = arith.addi %mul3A_375, %add3A_377 : vector<16xi32>
        tpu.vector_store_idx %arg15[%broadcast_in_dim3A_279, %add3A_372], %add3A_378 : memref<8x128xi32, #tpu.memory_space<vmem>>[vector<16xi32>, vector<16xi32>], vector<16xi32>,
        %broadcast_in_dim3A_379 = arith.constant 96 : i32
        %broadcast_in_dim3A_380 = vector.broadcast %broadcast_in_dim3A_379 : i32 to vector<16xi32>
        %add3A_381 = arith.constant 0 : i32
        %add3A_382 = vector.broadcast %add3A_381 : i32 to vector<16xi32>
        %add3A_383 = arith.addi %add3A_382, %broadcast_in_dim3A_380 : vector<16xi32>
        %add3A_384 = arith.addi %add3A_383, %iota3A : vector<16xi32>
        tpu.vector_store_idx %arg16[%add3A_384], %scan3A_276#6 : memref<1024xf32, #tpu.memory_space<vmem>>[vector<16xi32>], vector<16xf32>,
        %broadcast_in_dim3A_385 = arith.constant 112 : i32
        %broadcast_in_dim3A_386 = vector.broadcast %broadcast_in_dim3A_385 : i32 to vector<16xi32>
        %add3A_387 = arith.addi %broadcast_in_dim3A_386, %iota3A : vector<16xi32>
        %broadcast_in_dim3A_388 = arith.constant 114688 : i32
        %broadcast_in_dim3A_389 = vector.broadcast %broadcast_in_dim3A_388 : i32 to vector<16xi32>
        %add3A_390 = arith.addi %broadcast_in_dim3A_389, %iota3A : vector<16xi32>
        tpu.vector_store_idx %arg15[%broadcast_in_dim3A_279, %add3A_387], %add3A_390 : memref<8x128xi32, #tpu.memory_space<vmem>>[vector<16xi32>, vector<16xi32>], vector<16xi32>,
        %run_scoped3A = arith.constant 0 : i32
        "tpu.region"() ({
          %run_scoped3A_393 = tpu.sem_alloc : memref<!tpu.dma_semaphore, #tpu.memory_space<semaphore_mem>>
          %dma_start3A_394 = arith.constant 0 : i32
          %dma_start3A_395 = tpu.memref_slice %arg16[%dma_start3A_394] : memref<1024xf32, #tpu.memory_space<vmem>> -> memref<128xf32, #tpu.memory_space<vmem>>
          %dma_start3A_396 = arith.constant 0 : i32
          %dma_start3A_397 = tpu.memref_slice %arg15[%run_scoped3A, %dma_start3A_396] : memref<8x128xi32, #tpu.memory_space<vmem>> -> memref<1x128xi32, #tpu.memory_space<vmem>>
          %dma_start3A_398 = tpu.memref_squeeze %dma_start3A_397 : memref<1x128xi32, #tpu.memory_space<vmem>> -> memref<128xi32, #tpu.memory_space<vmem>>
          %dma_start3A_399 = arith.constant 0 : i32
          %dma_start3A_400 = tpu.memref_slice %arg18[%dma_start3A_399] : memref<114944xf32, #tpu.memory_space<vmem_shared>> -> memref<114944xf32, #tpu.memory_space<vmem_shared>>
          tpu.enqueue_indirect_dma source(%dma_start3A_395 : memref<128xf32, #tpu.memory_space<vmem>>) target(%dma_start3A_400 : memref<114944xf32, #tpu.memory_space<vmem_shared>>) offsets(%dma_start3A_398 : memref<128xi32, #tpu.memory_space<vmem>>) semaphore(%run_scoped3A_393 : memref<!tpu.dma_semaphore, #tpu.memory_space<semaphore_mem>>)
          %dma_wait3A = arith.constant 0 : i32
          %dma_wait3A_401 = tpu.memref_slice %arg16[%dma_wait3A] : memref<1024xf32, #tpu.memory_space<vmem>> -> memref<128xf32, #tpu.memory_space<vmem>>
          %dma_wait3A_402 = arith.constant 0 : i32
          %dma_wait3A_403 = tpu.memref_slice %arg15[%run_scoped3A, %dma_wait3A_402] : memref<8x128xi32, #tpu.memory_space<vmem>> -> memref<1x128xi32, #tpu.memory_space<vmem>>
          %dma_wait3A_404 = tpu.memref_squeeze %dma_wait3A_403 : memref<1x128xi32, #tpu.memory_space<vmem>> -> memref<128xi32, #tpu.memory_space<vmem>>
          %dma_wait3A_405 = arith.constant 0 : i32
          %dma_wait3A_406 = tpu.memref_slice %arg18[%dma_wait3A_405] : memref<114944xf32, #tpu.memory_space<vmem_shared>> -> memref<114944xf32, #tpu.memory_space<vmem_shared>>
          tpu.wait_indirect_dma semaphore(%run_scoped3A_393 : memref<!tpu.dma_semaphore, #tpu.memory_space<semaphore_mem>>) src(%dma_wait3A_401 : memref<128xf32, #tpu.memory_space<vmem>>) dst(%dma_wait3A_406 : memref<114944xf32, #tpu.memory_space<vmem_shared>>)
          tpu.yield
        }) : () -> ()
        %add3A_391 = arith.constant 1 : i32
        %add3A_392 = arith.addi %while3A_233, %add3A_391 : i32
        scf.yield %add3A_392 : i32
      }
      %while3A_230 = arith.constant 1 : i32
      %while3A_231 = scf.for %while3A_232 = %while3A_227 to %while3A_223 step %while3A_230 iter_args(%while3A_233 = %while3A_229) -> (i32)  : i32 {
        %mul3A_234 = arith.constant 16 : i32
        %mul3A_235 = arith.muli %while3A_232, %mul3A_234 : i32
        %broadcast_in_dim3A_236 = vector.broadcast %mul3A_235 : i32 to vector<16xi32>
        %add3A_237 = arith.addi %broadcast_in_dim3A_236, %iota3A : vector<16xi32>
        %gather3A = tpu.vector_load_idx %arg10[%add3A_237] : memref<16400xi32, #tpu.memory_space<vmem>>[vector<16xi32>], vector<16xi32>,
        %and3A_238 = arith.constant 511 : i32
        %and3A_239 = vector.broadcast %and3A_238 : i32 to vector<16xi32>
        %and3A_240 = arith.andi %gather3A, %and3A_239 : vector<16xi32>
        %shift_right_arithmetic3A_241 = arith.constant 9 : i32
        %shift_right_arithmetic3A_242 = vector.broadcast %shift_right_arithmetic3A_241 : i32 to vector<16xi32>
        %shift_right_arithmetic3A_243 = arith.shrsi %gather3A, %shift_right_arithmetic3A_242 : vector<16xi32>
        %broadcast_in_dim3A_244 = arith.constant 0 : i32
        %broadcast_in_dim3A_245 = vector.broadcast %broadcast_in_dim3A_244 : i32 to vector<16xi32>
        %add3A_246 = arith.addi %broadcast_in_dim3A_245, %iota3A : vector<16xi32>
        %gather3A_247 = tpu.vector_load_idx %arg14[%add3A_246] : memref<128xf32, #tpu.memory_space<vmem>>[vector<16xi32>], vector<16xf32>,
        %broadcast_in_dim3A_248 = arith.constant 16 : i32
        %broadcast_in_dim3A_249 = vector.broadcast %broadcast_in_dim3A_248 : i32 to vector<16xi32>
        %add3A_250 = arith.addi %broadcast_in_dim3A_249, %iota3A : vector<16xi32>
        %gather3A_251 = tpu.vector_load_idx %arg14[%add3A_250] : memref<128xf32, #tpu.memory_space<vmem>>[vector<16xi32>], vector<16xf32>,
        %broadcast_in_dim3A_252 = arith.constant 32 : i32
        %broadcast_in_dim3A_253 = vector.broadcast %broadcast_in_dim3A_252 : i32 to vector<16xi32>
        %add3A_254 = arith.addi %broadcast_in_dim3A_253, %iota3A : vector<16xi32>
        %gather3A_255 = tpu.vector_load_idx %arg14[%add3A_254] : memref<128xf32, #tpu.memory_space<vmem>>[vector<16xi32>], vector<16xf32>,
        %broadcast_in_dim3A_256 = arith.constant 48 : i32
        %broadcast_in_dim3A_257 = vector.broadcast %broadcast_in_dim3A_256 : i32 to vector<16xi32>
        %add3A_258 = arith.addi %broadcast_in_dim3A_257, %iota3A : vector<16xi32>
        %gather3A_259 = tpu.vector_load_idx %arg14[%add3A_258] : memref<128xf32, #tpu.memory_space<vmem>>[vector<16xi32>], vector<16xf32>,
        %broadcast_in_dim3A_260 = arith.constant 64 : i32
        %broadcast_in_dim3A_261 = vector.broadcast %broadcast_in_dim3A_260 : i32 to vector<16xi32>
        %add3A_262 = arith.addi %broadcast_in_dim3A_261, %iota3A : vector<16xi32>
        %gather3A_263 = tpu.vector_load_idx %arg14[%add3A_262] : memref<128xf32, #tpu.memory_space<vmem>>[vector<16xi32>], vector<16xf32>,
        %broadcast_in_dim3A_264 = arith.constant 80 : i32
        %broadcast_in_dim3A_265 = vector.broadcast %broadcast_in_dim3A_264 : i32 to vector<16xi32>
        %add3A_266 = arith.addi %broadcast_in_dim3A_265, %iota3A : vector<16xi32>
        %gather3A_267 = tpu.vector_load_idx %arg14[%add3A_266] : memref<128xf32, #tpu.memory_space<vmem>>[vector<16xi32>], vector<16xf32>,
        %broadcast_in_dim3A_268 = arith.constant 96 : i32
        %broadcast_in_dim3A_269 = vector.broadcast %broadcast_in_dim3A_268 : i32 to vector<16xi32>
        %add3A_270 = arith.addi %broadcast_in_dim3A_269, %iota3A : vector<16xi32>
        %gather3A_271 = tpu.vector_load_idx %arg14[%add3A_270] : memref<128xf32, #tpu.memory_space<vmem>>[vector<16xi32>], vector<16xf32>,
        %scan3A_272 = arith.constant 0 : i32
        %scan3A_273 = arith.constant 64 : i32
        %scan3A_274 = arith.addi %scan3A_272, %scan3A_273 : i32
        %scan3A_275 = arith.constant 1 : i32
        %scan3A_276:7 = scf.for %scan3A_393 = %scan3A_272 to %scan3A_274 step %scan3A_275 iter_args(%scan3A_394 = %gather3A_247, %scan3A_395 = %gather3A_251, %scan3A_396 = %gather3A_255, %scan3A_397 = %gather3A_259, %scan3A_398 = %gather3A_263, %scan3A_399 = %gather3A_267, %scan3A_400 = %gather3A_271) -> (vector<16xf32>, vector<16xf32>, vector<16xf32>, vector<16xf32>, vector<16xf32>, vector<16xf32>, vector<16xf32>)  : i32 {
          %mul3A_401 = arith.constant 4 : i32
          %mul3A_402 = arith.muli %and3A_182, %mul3A_401 : i32
          %shift_right_arithmetic3A_403 = arith.constant 7 : i32
          %shift_right_arithmetic3A_404 = vector.broadcast %shift_right_arithmetic3A_403 : i32 to vector<16xi32>
          %shift_right_arithmetic3A_405 = arith.shrsi %and3A_240, %shift_right_arithmetic3A_404 : vector<16xi32>
          %add3A_406 = vector.broadcast %mul3A_402 : i32 to vector<16xi32>
          %add3A_407 = arith.addi %add3A_406, %shift_right_arithmetic3A_405 : vector<16xi32>
          %broadcast_in_dim3A_408 = vector.broadcast %scan3A_393 : i32 to vector<16xi32>
          %and3A_409 = arith.constant 127 : i32
          %and3A_410 = vector.broadcast %and3A_409 : i32 to vector<16xi32>
          %and3A_411 = arith.andi %and3A_240, %and3A_410 : vector<16xi32>
          %gather3A_412 = tpu.vector_load_idx %arg11[%add3A_407, %broadcast_in_dim3A_408, %and3A_411] : memref<8x64x128xf32, #tpu.memory_space<vmem>>[vector<16xi32>, vector<16xi32>, vector<16xi32>], vector<16xf32>,
          %broadcast_in_dim3A_413 = arith.constant 0 : i32
          %broadcast_in_dim3A_414 = vector.broadcast %broadcast_in_dim3A_413 : i32 to vector<16xi32>
          %mul3A_415 = arith.constant 16 : i32
          %mul3A_416 = arith.muli %scan3A_393, %mul3A_415 : i32
          %add3A_417 = vector.broadcast %mul3A_416 : i32 to vector<16xi32>
          %add3A_418 = arith.addi %broadcast_in_dim3A_414, %add3A_417 : vector<16xi32>
          %add3A_419 = arith.addi %add3A_418, %iota3A : vector<16xi32>
          %gather3A_420 = tpu.vector_load_idx %arg13[%add3A_419] : memref<7168xf32, #tpu.memory_space<vmem>>[vector<16xi32>], vector<16xf32>,
          %mul3A_421 = arith.mulf %gather3A_412, %gather3A_420 : vector<16xf32>
          %add3A_422 = arith.addf %scan3A_394, %mul3A_421 : vector<16xf32>
          %broadcast_in_dim3A_423 = arith.constant 1024 : i32
          %broadcast_in_dim3A_424 = vector.broadcast %broadcast_in_dim3A_423 : i32 to vector<16xi32>
          %mul3A_425 = arith.constant 16 : i32
          %mul3A_426 = arith.muli %scan3A_393, %mul3A_425 : i32
          %add3A_427 = vector.broadcast %mul3A_426 : i32 to vector<16xi32>
          %add3A_428 = arith.addi %broadcast_in_dim3A_424, %add3A_427 : vector<16xi32>
          %add3A_429 = arith.addi %add3A_428, %iota3A : vector<16xi32>
          %gather3A_430 = tpu.vector_load_idx %arg13[%add3A_429] : memref<7168xf32, #tpu.memory_space<vmem>>[vector<16xi32>], vector<16xf32>,
          %mul3A_431 = arith.mulf %gather3A_412, %gather3A_430 : vector<16xf32>
          %add3A_432 = arith.addf %scan3A_395, %mul3A_431 : vector<16xf32>
          %broadcast_in_dim3A_433 = arith.constant 2048 : i32
          %broadcast_in_dim3A_434 = vector.broadcast %broadcast_in_dim3A_433 : i32 to vector<16xi32>
          %mul3A_435 = arith.constant 16 : i32
          %mul3A_436 = arith.muli %scan3A_393, %mul3A_435 : i32
          %add3A_437 = vector.broadcast %mul3A_436 : i32 to vector<16xi32>
          %add3A_438 = arith.addi %broadcast_in_dim3A_434, %add3A_437 : vector<16xi32>
          %add3A_439 = arith.addi %add3A_438, %iota3A : vector<16xi32>
          %gather3A_440 = tpu.vector_load_idx %arg13[%add3A_439] : memref<7168xf32, #tpu.memory_space<vmem>>[vector<16xi32>], vector<16xf32>,
          %mul3A_441 = arith.mulf %gather3A_412, %gather3A_440 : vector<16xf32>
          %add3A_442 = arith.addf %scan3A_396, %mul3A_441 : vector<16xf32>
          %broadcast_in_dim3A_443 = arith.constant 3072 : i32
          %broadcast_in_dim3A_444 = vector.broadcast %broadcast_in_dim3A_443 : i32 to vector<16xi32>
          %mul3A_445 = arith.constant 16 : i32
          %mul3A_446 = arith.muli %scan3A_393, %mul3A_445 : i32
          %add3A_447 = vector.broadcast %mul3A_446 : i32 to vector<16xi32>
          %add3A_448 = arith.addi %broadcast_in_dim3A_444, %add3A_447 : vector<16xi32>
          %add3A_449 = arith.addi %add3A_448, %iota3A : vector<16xi32>
          %gather3A_450 = tpu.vector_load_idx %arg13[%add3A_449] : memref<7168xf32, #tpu.memory_space<vmem>>[vector<16xi32>], vector<16xf32>,
          %mul3A_451 = arith.mulf %gather3A_412, %gather3A_450 : vector<16xf32>
          %add3A_452 = arith.addf %scan3A_397, %mul3A_451 : vector<16xf32>
          %broadcast_in_dim3A_453 = arith.constant 4096 : i32
          %broadcast_in_dim3A_454 = vector.broadcast %broadcast_in_dim3A_453 : i32 to vector<16xi32>
          %mul3A_455 = arith.constant 16 : i32
          %mul3A_456 = arith.muli %scan3A_393, %mul3A_455 : i32
          %add3A_457 = vector.broadcast %mul3A_456 : i32 to vector<16xi32>
          %add3A_458 = arith.addi %broadcast_in_dim3A_454, %add3A_457 : vector<16xi32>
          %add3A_459 = arith.addi %add3A_458, %iota3A : vector<16xi32>
          %gather3A_460 = tpu.vector_load_idx %arg13[%add3A_459] : memref<7168xf32, #tpu.memory_space<vmem>>[vector<16xi32>], vector<16xf32>,
          %mul3A_461 = arith.mulf %gather3A_412, %gather3A_460 : vector<16xf32>
          %add3A_462 = arith.addf %scan3A_398, %mul3A_461 : vector<16xf32>
          %broadcast_in_dim3A_463 = arith.constant 5120 : i32
          %broadcast_in_dim3A_464 = vector.broadcast %broadcast_in_dim3A_463 : i32 to vector<16xi32>
          %mul3A_465 = arith.constant 16 : i32
          %mul3A_466 = arith.muli %scan3A_393, %mul3A_465 : i32
          %add3A_467 = vector.broadcast %mul3A_466 : i32 to vector<16xi32>
          %add3A_468 = arith.addi %broadcast_in_dim3A_464, %add3A_467 : vector<16xi32>
          %add3A_469 = arith.addi %add3A_468, %iota3A : vector<16xi32>
          %gather3A_470 = tpu.vector_load_idx %arg13[%add3A_469] : memref<7168xf32, #tpu.memory_space<vmem>>[vector<16xi32>], vector<16xf32>,
          %mul3A_471 = arith.mulf %gather3A_412, %gather3A_470 : vector<16xf32>
          %add3A_472 = arith.addf %scan3A_399, %mul3A_471 : vector<16xf32>
          %broadcast_in_dim3A_473 = arith.constant 6144 : i32
          %broadcast_in_dim3A_474 = vector.broadcast %broadcast_in_dim3A_473 : i32 to vector<16xi32>
          %mul3A_475 = arith.constant 16 : i32
          %mul3A_476 = arith.muli %scan3A_393, %mul3A_475 : i32
          %add3A_477 = vector.broadcast %mul3A_476 : i32 to vector<16xi32>
          %add3A_478 = arith.addi %broadcast_in_dim3A_474, %add3A_477 : vector<16xi32>
          %add3A_479 = arith.addi %add3A_478, %iota3A : vector<16xi32>
          %gather3A_480 = tpu.vector_load_idx %arg13[%add3A_479] : memref<7168xf32, #tpu.memory_space<vmem>>[vector<16xi32>], vector<16xf32>,
          %mul3A_481 = arith.mulf %gather3A_412, %gather3A_480 : vector<16xf32>
          %add3A_482 = arith.addf %scan3A_400, %mul3A_481 : vector<16xf32>
          scf.yield %add3A_422, %add3A_432, %add3A_442, %add3A_452, %add3A_462, %add3A_472, %add3A_482 : vector<16xf32>, vector<16xf32>, vector<16xf32>, vector<16xf32>, vector<16xf32>, vector<16xf32>, vector<16xf32>
        }
        %scan3A_277 = arith.constant 64 : i32
        %broadcast_in_dim3A_278 = arith.constant 0 : i32
        %broadcast_in_dim3A_279 = vector.broadcast %broadcast_in_dim3A_278 : i32 to vector<16xi32>
        %broadcast_in_dim3A_280 = arith.constant 0 : i32
        %broadcast_in_dim3A_281 = vector.broadcast %broadcast_in_dim3A_280 : i32 to vector<16xi32>
        %add3A_282 = arith.addi %broadcast_in_dim3A_281, %iota3A : vector<16xi32>
        %mul3A_283 = arith.constant 7 : i32
        %mul3A_284 = vector.broadcast %mul3A_283 : i32 to vector<16xi32>
        %mul3A_285 = arith.muli %shift_right_arithmetic3A_243, %mul3A_284 : vector<16xi32>
        %add3A_286 = arith.constant 0 : i32
        %add3A_287 = vector.broadcast %add3A_286 : i32 to vector<16xi32>
        %add3A_288 = arith.addi %mul3A_285, %add3A_287 : vector<16xi32>
        tpu.vector_store_idx %arg15[%broadcast_in_dim3A_279, %add3A_282], %add3A_288 : memref<8x128xi32, #tpu.memory_space<vmem>>[vector<16xi32>, vector<16xi32>], vector<16xi32>,
        %broadcast_in_dim3A_289 = arith.constant 0 : i32
        %broadcast_in_dim3A_290 = vector.broadcast %broadcast_in_dim3A_289 : i32 to vector<16xi32>
        %add3A_291 = arith.constant 0 : i32
        %add3A_292 = vector.broadcast %add3A_291 : i32 to vector<16xi32>
        %add3A_293 = arith.addi %add3A_292, %broadcast_in_dim3A_290 : vector<16xi32>
        %add3A_294 = arith.addi %add3A_293, %iota3A : vector<16xi32>
        tpu.vector_store_idx %arg16[%add3A_294], %scan3A_276#0 : memref<1024xf32, #tpu.memory_space<vmem>>[vector<16xi32>], vector<16xf32>,
        %broadcast_in_dim3A_295 = arith.constant 16 : i32
        %broadcast_in_dim3A_296 = vector.broadcast %broadcast_in_dim3A_295 : i32 to vector<16xi32>
        %add3A_297 = arith.addi %broadcast_in_dim3A_296, %iota3A : vector<16xi32>
        %mul3A_298 = arith.constant 7 : i32
        %mul3A_299 = vector.broadcast %mul3A_298 : i32 to vector<16xi32>
        %mul3A_300 = arith.muli %shift_right_arithmetic3A_243, %mul3A_299 : vector<16xi32>
        %add3A_301 = arith.constant 1 : i32
        %add3A_302 = vector.broadcast %add3A_301 : i32 to vector<16xi32>
        %add3A_303 = arith.addi %mul3A_300, %add3A_302 : vector<16xi32>
        tpu.vector_store_idx %arg15[%broadcast_in_dim3A_279, %add3A_297], %add3A_303 : memref<8x128xi32, #tpu.memory_space<vmem>>[vector<16xi32>, vector<16xi32>], vector<16xi32>,
        %broadcast_in_dim3A_304 = arith.constant 16 : i32
        %broadcast_in_dim3A_305 = vector.broadcast %broadcast_in_dim3A_304 : i32 to vector<16xi32>
        %add3A_306 = arith.constant 0 : i32
        %add3A_307 = vector.broadcast %add3A_306 : i32 to vector<16xi32>
        %add3A_308 = arith.addi %add3A_307, %broadcast_in_dim3A_305 : vector<16xi32>
        %add3A_309 = arith.addi %add3A_308, %iota3A : vector<16xi32>
        tpu.vector_store_idx %arg16[%add3A_309], %scan3A_276#1 : memref<1024xf32, #tpu.memory_space<vmem>>[vector<16xi32>], vector<16xf32>,
        %broadcast_in_dim3A_310 = arith.constant 32 : i32
        %broadcast_in_dim3A_311 = vector.broadcast %broadcast_in_dim3A_310 : i32 to vector<16xi32>
        %add3A_312 = arith.addi %broadcast_in_dim3A_311, %iota3A : vector<16xi32>
        %mul3A_313 = arith.constant 7 : i32
        %mul3A_314 = vector.broadcast %mul3A_313 : i32 to vector<16xi32>
        %mul3A_315 = arith.muli %shift_right_arithmetic3A_243, %mul3A_314 : vector<16xi32>
        %add3A_316 = arith.constant 2 : i32
        %add3A_317 = vector.broadcast %add3A_316 : i32 to vector<16xi32>
        %add3A_318 = arith.addi %mul3A_315, %add3A_317 : vector<16xi32>
        tpu.vector_store_idx %arg15[%broadcast_in_dim3A_279, %add3A_312], %add3A_318 : memref<8x128xi32, #tpu.memory_space<vmem>>[vector<16xi32>, vector<16xi32>], vector<16xi32>,
        %broadcast_in_dim3A_319 = arith.constant 32 : i32
        %broadcast_in_dim3A_320 = vector.broadcast %broadcast_in_dim3A_319 : i32 to vector<16xi32>
        %add3A_321 = arith.constant 0 : i32
        %add3A_322 = vector.broadcast %add3A_321 : i32 to vector<16xi32>
        %add3A_323 = arith.addi %add3A_322, %broadcast_in_dim3A_320 : vector<16xi32>
        %add3A_324 = arith.addi %add3A_323, %iota3A : vector<16xi32>
        tpu.vector_store_idx %arg16[%add3A_324], %scan3A_276#2 : memref<1024xf32, #tpu.memory_space<vmem>>[vector<16xi32>], vector<16xf32>,
        %broadcast_in_dim3A_325 = arith.constant 48 : i32
        %broadcast_in_dim3A_326 = vector.broadcast %broadcast_in_dim3A_325 : i32 to vector<16xi32>
        %add3A_327 = arith.addi %broadcast_in_dim3A_326, %iota3A : vector<16xi32>
        %mul3A_328 = arith.constant 7 : i32
        %mul3A_329 = vector.broadcast %mul3A_328 : i32 to vector<16xi32>
        %mul3A_330 = arith.muli %shift_right_arithmetic3A_243, %mul3A_329 : vector<16xi32>
        %add3A_331 = arith.constant 3 : i32
        %add3A_332 = vector.broadcast %add3A_331 : i32 to vector<16xi32>
        %add3A_333 = arith.addi %mul3A_330, %add3A_332 : vector<16xi32>
        tpu.vector_store_idx %arg15[%broadcast_in_dim3A_279, %add3A_327], %add3A_333 : memref<8x128xi32, #tpu.memory_space<vmem>>[vector<16xi32>, vector<16xi32>], vector<16xi32>,
        %broadcast_in_dim3A_334 = arith.constant 48 : i32
        %broadcast_in_dim3A_335 = vector.broadcast %broadcast_in_dim3A_334 : i32 to vector<16xi32>
        %add3A_336 = arith.constant 0 : i32
        %add3A_337 = vector.broadcast %add3A_336 : i32 to vector<16xi32>
        %add3A_338 = arith.addi %add3A_337, %broadcast_in_dim3A_335 : vector<16xi32>
        %add3A_339 = arith.addi %add3A_338, %iota3A : vector<16xi32>
        tpu.vector_store_idx %arg16[%add3A_339], %scan3A_276#3 : memref<1024xf32, #tpu.memory_space<vmem>>[vector<16xi32>], vector<16xf32>,
        %broadcast_in_dim3A_340 = arith.constant 64 : i32
        %broadcast_in_dim3A_341 = vector.broadcast %broadcast_in_dim3A_340 : i32 to vector<16xi32>
        %add3A_342 = arith.addi %broadcast_in_dim3A_341, %iota3A : vector<16xi32>
        %mul3A_343 = arith.constant 7 : i32
        %mul3A_344 = vector.broadcast %mul3A_343 : i32 to vector<16xi32>
        %mul3A_345 = arith.muli %shift_right_arithmetic3A_243, %mul3A_344 : vector<16xi32>
        %add3A_346 = arith.constant 4 : i32
        %add3A_347 = vector.broadcast %add3A_346 : i32 to vector<16xi32>
        %add3A_348 = arith.addi %mul3A_345, %add3A_347 : vector<16xi32>
        tpu.vector_store_idx %arg15[%broadcast_in_dim3A_279, %add3A_342], %add3A_348 : memref<8x128xi32, #tpu.memory_space<vmem>>[vector<16xi32>, vector<16xi32>], vector<16xi32>,
        %broadcast_in_dim3A_349 = arith.constant 64 : i32
        %broadcast_in_dim3A_350 = vector.broadcast %broadcast_in_dim3A_349 : i32 to vector<16xi32>
        %add3A_351 = arith.constant 0 : i32
        %add3A_352 = vector.broadcast %add3A_351 : i32 to vector<16xi32>
        %add3A_353 = arith.addi %add3A_352, %broadcast_in_dim3A_350 : vector<16xi32>
        %add3A_354 = arith.addi %add3A_353, %iota3A : vector<16xi32>
        tpu.vector_store_idx %arg16[%add3A_354], %scan3A_276#4 : memref<1024xf32, #tpu.memory_space<vmem>>[vector<16xi32>], vector<16xf32>,
        %broadcast_in_dim3A_355 = arith.constant 80 : i32
        %broadcast_in_dim3A_356 = vector.broadcast %broadcast_in_dim3A_355 : i32 to vector<16xi32>
        %add3A_357 = arith.addi %broadcast_in_dim3A_356, %iota3A : vector<16xi32>
        %mul3A_358 = arith.constant 7 : i32
        %mul3A_359 = vector.broadcast %mul3A_358 : i32 to vector<16xi32>
        %mul3A_360 = arith.muli %shift_right_arithmetic3A_243, %mul3A_359 : vector<16xi32>
        %add3A_361 = arith.constant 5 : i32
        %add3A_362 = vector.broadcast %add3A_361 : i32 to vector<16xi32>
        %add3A_363 = arith.addi %mul3A_360, %add3A_362 : vector<16xi32>
        tpu.vector_store_idx %arg15[%broadcast_in_dim3A_279, %add3A_357], %add3A_363 : memref<8x128xi32, #tpu.memory_space<vmem>>[vector<16xi32>, vector<16xi32>], vector<16xi32>,
        %broadcast_in_dim3A_364 = arith.constant 80 : i32
        %broadcast_in_dim3A_365 = vector.broadcast %broadcast_in_dim3A_364 : i32 to vector<16xi32>
        %add3A_366 = arith.constant 0 : i32
        %add3A_367 = vector.broadcast %add3A_366 : i32 to vector<16xi32>
        %add3A_368 = arith.addi %add3A_367, %broadcast_in_dim3A_365 : vector<16xi32>
        %add3A_369 = arith.addi %add3A_368, %iota3A : vector<16xi32>
        tpu.vector_store_idx %arg16[%add3A_369], %scan3A_276#5 : memref<1024xf32, #tpu.memory_space<vmem>>[vector<16xi32>], vector<16xf32>,
        %broadcast_in_dim3A_370 = arith.constant 96 : i32
        %broadcast_in_dim3A_371 = vector.broadcast %broadcast_in_dim3A_370 : i32 to vector<16xi32>
        %add3A_372 = arith.addi %broadcast_in_dim3A_371, %iota3A : vector<16xi32>
        %mul3A_373 = arith.constant 7 : i32
        %mul3A_374 = vector.broadcast %mul3A_373 : i32 to vector<16xi32>
        %mul3A_375 = arith.muli %shift_right_arithmetic3A_243, %mul3A_374 : vector<16xi32>
        %add3A_376 = arith.constant 6 : i32
        %add3A_377 = vector.broadcast %add3A_376 : i32 to vector<16xi32>
        %add3A_378 = arith.addi %mul3A_375, %add3A_377 : vector<16xi32>
        tpu.vector_store_idx %arg15[%broadcast_in_dim3A_279, %add3A_372], %add3A_378 : memref<8x128xi32, #tpu.memory_space<vmem>>[vector<16xi32>, vector<16xi32>], vector<16xi32>,
        %broadcast_in_dim3A_379 = arith.constant 96 : i32
        %broadcast_in_dim3A_380 = vector.broadcast %broadcast_in_dim3A_379 : i32 to vector<16xi32>
        %add3A_381 = arith.constant 0 : i32
        %add3A_382 = vector.broadcast %add3A_381 : i32 to vector<16xi32>
        %add3A_383 = arith.addi %add3A_382, %broadcast_in_dim3A_380 : vector<16xi32>
        %add3A_384 = arith.addi %add3A_383, %iota3A : vector<16xi32>
        tpu.vector_store_idx %arg16[%add3A_384], %scan3A_276#6 : memref<1024xf32, #tpu.memory_space<vmem>>[vector<16xi32>], vector<16xf32>,
        %broadcast_in_dim3A_385 = arith.constant 112 : i32
        %broadcast_in_dim3A_386 = vector.broadcast %broadcast_in_dim3A_385 : i32 to vector<16xi32>
        %add3A_387 = arith.addi %broadcast_in_dim3A_386, %iota3A : vector<16xi32>
        %broadcast_in_dim3A_388 = arith.constant 114688 : i32
        %broadcast_in_dim3A_389 = vector.broadcast %broadcast_in_dim3A_388 : i32 to vector<16xi32>
        %add3A_390 = arith.addi %broadcast_in_dim3A_389, %iota3A : vector<16xi32>
        tpu.vector_store_idx %arg15[%broadcast_in_dim3A_279, %add3A_387], %add3A_390 : memref<8x128xi32, #tpu.memory_space<vmem>>[vector<16xi32>, vector<16xi32>], vector<16xi32>,
        %run_scoped3A = arith.constant 0 : i32
        "tpu.region"() ({
          %run_scoped3A_393 = tpu.sem_alloc : memref<!tpu.dma_semaphore, #tpu.memory_space<semaphore_mem>>
          %dma_start3A_394 = arith.constant 0 : i32
          %dma_start3A_395 = tpu.memref_slice %arg16[%dma_start3A_394] : memref<1024xf32, #tpu.memory_space<vmem>> -> memref<128xf32, #tpu.memory_space<vmem>>
          %dma_start3A_396 = arith.constant 0 : i32
          %dma_start3A_397 = tpu.memref_slice %arg15[%run_scoped3A, %dma_start3A_396] : memref<8x128xi32, #tpu.memory_space<vmem>> -> memref<1x128xi32, #tpu.memory_space<vmem>>
          %dma_start3A_398 = tpu.memref_squeeze %dma_start3A_397 : memref<1x128xi32, #tpu.memory_space<vmem>> -> memref<128xi32, #tpu.memory_space<vmem>>
          %dma_start3A_399 = arith.constant 0 : i32
          %dma_start3A_400 = tpu.memref_slice %arg18[%dma_start3A_399] : memref<114944xf32, #tpu.memory_space<vmem_shared>> -> memref<114944xf32, #tpu.memory_space<vmem_shared>>
          tpu.enqueue_indirect_dma source(%dma_start3A_395 : memref<128xf32, #tpu.memory_space<vmem>>) target(%dma_start3A_400 : memref<114944xf32, #tpu.memory_space<vmem_shared>>) offsets(%dma_start3A_398 : memref<128xi32, #tpu.memory_space<vmem>>) semaphore(%run_scoped3A_393 : memref<!tpu.dma_semaphore, #tpu.memory_space<semaphore_mem>>)
          %dma_wait3A = arith.constant 0 : i32
          %dma_wait3A_401 = tpu.memref_slice %arg16[%dma_wait3A] : memref<1024xf32, #tpu.memory_space<vmem>> -> memref<128xf32, #tpu.memory_space<vmem>>
          %dma_wait3A_402 = arith.constant 0 : i32
          %dma_wait3A_403 = tpu.memref_slice %arg15[%run_scoped3A, %dma_wait3A_402] : memref<8x128xi32, #tpu.memory_space<vmem>> -> memref<1x128xi32, #tpu.memory_space<vmem>>
          %dma_wait3A_404 = tpu.memref_squeeze %dma_wait3A_403 : memref<1x128xi32, #tpu.memory_space<vmem>> -> memref<128xi32, #tpu.memory_space<vmem>>
          %dma_wait3A_405 = arith.constant 0 : i32
          %dma_wait3A_406 = tpu.memref_slice %arg18[%dma_wait3A_405] : memref<114944xf32, #tpu.memory_space<vmem_shared>> -> memref<114944xf32, #tpu.memory_space<vmem_shared>>
          tpu.wait_indirect_dma semaphore(%run_scoped3A_393 : memref<!tpu.dma_semaphore, #tpu.memory_space<semaphore_mem>>) src(%dma_wait3A_401 : memref<128xf32, #tpu.memory_space<vmem>>) dst(%dma_wait3A_406 : memref<114944xf32, #tpu.memory_space<vmem_shared>>)
          tpu.yield
        }) : () -> ()
        %add3A_391 = arith.constant 1 : i32
        %add3A_392 = arith.addi %while3A_233, %add3A_391 : i32
        scf.yield %add3A_392 : i32
      }
      scf.yield %while3A_231 : i32
    }
    %while3A_166 = arith.constant 1 : i32
    %while3A_167 = scf.for %while3A_180 = %while3A_163 to %while3A_159 step %while3A_166 iter_args(%while3A_181 = %while3A_165) -> (i32)  : i32 {
      %and3A = arith.constant 1 : i32
      %and3A_182 = arith.andi %while3A_180, %and3A : i32
      %eq3A_183 = arith.constant 0 : i32
      %eq3A_184 = arith.cmpi eq, %and3A_182, %eq3A_183 : i32
      %convert_element_type3A_185 = arith.extui %eq3A_184 : i1 to i32
      %cond3A_186 = arith.constant 0 : i32
      %cond3A_187 = arith.cmpi ne, %convert_element_type3A_185, %cond3A_186 : i32
      scf.if %cond3A_187 {
        %dma_wait3A = arith.constant 0 : i32
        %dma_wait3A_232 = arith.constant 0 : i32
        %dma_wait3A_233 = arith.constant 0 : i32
        %dma_wait3A_234 = tpu.memref_slice %arg11[%dma_wait3A, %dma_wait3A_232, %dma_wait3A_233] : memref<8x64x128xf32, #tpu.memory_space<vmem>> -> memref<1x64x128xf32, #tpu.memory_space<vmem>>
        %dma_wait3A_235 = tpu.memref_squeeze %dma_wait3A_234 : memref<1x64x128xf32, #tpu.memory_space<vmem>> -> memref<64x128xf32, #tpu.memory_space<vmem>>
        %dma_wait3A_236 = arith.constant 0 : i32
        %dma_wait3A_237 = arith.constant 0 : i32
        %dma_wait3A_238 = tpu.memref_slice %arg3[%dma_wait3A_236, %dma_wait3A_237] : memref<64x1000000xf32, #tpu.memory_space<hbm>> -> memref<64x128xf32, #tpu.memory_space<hbm>>
        %dma_wait3A_239 = arith.constant 0 : i32
        %dma_wait3A_240 = arith.constant 0 : i32
        %dma_wait3A_241 = tpu.memref_slice %arg11[%dma_wait3A, %dma_wait3A_239, %dma_wait3A_240] : memref<8x64x128xf32, #tpu.memory_space<vmem>> -> memref<1x64x128xf32, #tpu.memory_space<vmem>>
        %dma_wait3A_242 = tpu.memref_squeeze %dma_wait3A_241 : memref<1x64x128xf32, #tpu.memory_space<vmem>> -> memref<64x128xf32, #tpu.memory_space<vmem>>
        %dma_wait3A_243 = arith.constant 0 : i32
        %dma_wait3A_244 = arith.constant 0 : i32
        %dma_wait3A_245 = tpu.memref_slice %arg3[%dma_wait3A_243, %dma_wait3A_244] : memref<64x1000000xf32, #tpu.memory_space<hbm>> -> memref<64x128xf32, #tpu.memory_space<hbm>>
        tpu.wait_dma2 semaphore(%arg19 : memref<!tpu.dma_semaphore, #tpu.memory_space<semaphore_mem>>) src(%dma_wait3A_245 : memref<64x128xf32, #tpu.memory_space<hbm>>) dst(%dma_wait3A_242 : memref<64x128xf32, #tpu.memory_space<vmem>>)
        %dma_wait3A_246 = arith.constant 1 : i32
        %dma_wait3A_247 = arith.constant 0 : i32
        %dma_wait3A_248 = arith.constant 0 : i32
        %dma_wait3A_249 = tpu.memref_slice %arg11[%dma_wait3A_246, %dma_wait3A_247, %dma_wait3A_248] : memref<8x64x128xf32, #tpu.memory_space<vmem>> -> memref<1x64x128xf32, #tpu.memory_space<vmem>>
        %dma_wait3A_250 = tpu.memref_squeeze %dma_wait3A_249 : memref<1x64x128xf32, #tpu.memory_space<vmem>> -> memref<64x128xf32, #tpu.memory_space<vmem>>
        %dma_wait3A_251 = arith.constant 0 : i32
        %dma_wait3A_252 = arith.constant 0 : i32
        %dma_wait3A_253 = tpu.memref_slice %arg3[%dma_wait3A_251, %dma_wait3A_252] : memref<64x1000000xf32, #tpu.memory_space<hbm>> -> memref<64x128xf32, #tpu.memory_space<hbm>>
        %dma_wait3A_254 = arith.constant 0 : i32
        %dma_wait3A_255 = arith.constant 0 : i32
        %dma_wait3A_256 = tpu.memref_slice %arg11[%dma_wait3A_246, %dma_wait3A_254, %dma_wait3A_255] : memref<8x64x128xf32, #tpu.memory_space<vmem>> -> memref<1x64x128xf32, #tpu.memory_space<vmem>>
        %dma_wait3A_257 = tpu.memref_squeeze %dma_wait3A_256 : memref<1x64x128xf32, #tpu.memory_space<vmem>> -> memref<64x128xf32, #tpu.memory_space<vmem>>
        %dma_wait3A_258 = arith.constant 0 : i32
        %dma_wait3A_259 = arith.constant 0 : i32
        %dma_wait3A_260 = tpu.memref_slice %arg3[%dma_wait3A_258, %dma_wait3A_259] : memref<64x1000000xf32, #tpu.memory_space<hbm>> -> memref<64x128xf32, #tpu.memory_space<hbm>>
        tpu.wait_dma2 semaphore(%arg19 : memref<!tpu.dma_semaphore, #tpu.memory_space<semaphore_mem>>) src(%dma_wait3A_260 : memref<64x128xf32, #tpu.memory_space<hbm>>) dst(%dma_wait3A_257 : memref<64x128xf32, #tpu.memory_space<vmem>>)
        %dma_wait3A_261 = arith.constant 2 : i32
        %dma_wait3A_262 = arith.constant 0 : i32
        %dma_wait3A_263 = arith.constant 0 : i32
        %dma_wait3A_264 = tpu.memref_slice %arg11[%dma_wait3A_261, %dma_wait3A_262, %dma_wait3A_263] : memref<8x64x128xf32, #tpu.memory_space<vmem>> -> memref<1x64x128xf32, #tpu.memory_space<vmem>>
        %dma_wait3A_265 = tpu.memref_squeeze %dma_wait3A_264 : memref<1x64x128xf32, #tpu.memory_space<vmem>> -> memref<64x128xf32, #tpu.memory_space<vmem>>
        %dma_wait3A_266 = arith.constant 0 : i32
        %dma_wait3A_267 = arith.constant 0 : i32
        %dma_wait3A_268 = tpu.memref_slice %arg3[%dma_wait3A_266, %dma_wait3A_267] : memref<64x1000000xf32, #tpu.memory_space<hbm>> -> memref<64x128xf32, #tpu.memory_space<hbm>>
        %dma_wait3A_269 = arith.constant 0 : i32
        %dma_wait3A_270 = arith.constant 0 : i32
        %dma_wait3A_271 = tpu.memref_slice %arg11[%dma_wait3A_261, %dma_wait3A_269, %dma_wait3A_270] : memref<8x64x128xf32, #tpu.memory_space<vmem>> -> memref<1x64x128xf32, #tpu.memory_space<vmem>>
        %dma_wait3A_272 = tpu.memref_squeeze %dma_wait3A_271 : memref<1x64x128xf32, #tpu.memory_space<vmem>> -> memref<64x128xf32, #tpu.memory_space<vmem>>
        %dma_wait3A_273 = arith.constant 0 : i32
        %dma_wait3A_274 = arith.constant 0 : i32
        %dma_wait3A_275 = tpu.memref_slice %arg3[%dma_wait3A_273, %dma_wait3A_274] : memref<64x1000000xf32, #tpu.memory_space<hbm>> -> memref<64x128xf32, #tpu.memory_space<hbm>>
        tpu.wait_dma2 semaphore(%arg19 : memref<!tpu.dma_semaphore, #tpu.memory_space<semaphore_mem>>) src(%dma_wait3A_275 : memref<64x128xf32, #tpu.memory_space<hbm>>) dst(%dma_wait3A_272 : memref<64x128xf32, #tpu.memory_space<vmem>>)
        %dma_wait3A_276 = arith.constant 3 : i32
        %dma_wait3A_277 = arith.constant 0 : i32
        %dma_wait3A_278 = arith.constant 0 : i32
        %dma_wait3A_279 = tpu.memref_slice %arg11[%dma_wait3A_276, %dma_wait3A_277, %dma_wait3A_278] : memref<8x64x128xf32, #tpu.memory_space<vmem>> -> memref<1x64x128xf32, #tpu.memory_space<vmem>>
        %dma_wait3A_280 = tpu.memref_squeeze %dma_wait3A_279 : memref<1x64x128xf32, #tpu.memory_space<vmem>> -> memref<64x128xf32, #tpu.memory_space<vmem>>
        %dma_wait3A_281 = arith.constant 0 : i32
        %dma_wait3A_282 = arith.constant 0 : i32
        %dma_wait3A_283 = tpu.memref_slice %arg3[%dma_wait3A_281, %dma_wait3A_282] : memref<64x1000000xf32, #tpu.memory_space<hbm>> -> memref<64x128xf32, #tpu.memory_space<hbm>>
        %dma_wait3A_284 = arith.constant 0 : i32
        %dma_wait3A_285 = arith.constant 0 : i32
        %dma_wait3A_286 = tpu.memref_slice %arg11[%dma_wait3A_276, %dma_wait3A_284, %dma_wait3A_285] : memref<8x64x128xf32, #tpu.memory_space<vmem>> -> memref<1x64x128xf32, #tpu.memory_space<vmem>>
        %dma_wait3A_287 = tpu.memref_squeeze %dma_wait3A_286 : memref<1x64x128xf32, #tpu.memory_space<vmem>> -> memref<64x128xf32, #tpu.memory_space<vmem>>
        %dma_wait3A_288 = arith.constant 0 : i32
        %dma_wait3A_289 = arith.constant 0 : i32
        %dma_wait3A_290 = tpu.memref_slice %arg3[%dma_wait3A_288, %dma_wait3A_289] : memref<64x1000000xf32, #tpu.memory_space<hbm>> -> memref<64x128xf32, #tpu.memory_space<hbm>>
        tpu.wait_dma2 semaphore(%arg19 : memref<!tpu.dma_semaphore, #tpu.memory_space<semaphore_mem>>) src(%dma_wait3A_290 : memref<64x128xf32, #tpu.memory_space<hbm>>) dst(%dma_wait3A_287 : memref<64x128xf32, #tpu.memory_space<vmem>>)
        %add3A_291 = arith.constant 1 : i32
        %add3A_292 = arith.addi %while3A_180, %add3A_291 : i32
        %lt3A = arith.cmpi slt, %add3A_292, %add3A_5 : i32
        %convert_element_type3A_293 = arith.extui %lt3A : i1 to i32
        %cond3A_294 = arith.constant 0 : i32
        %cond3A_295 = arith.cmpi ne, %convert_element_type3A_293, %cond3A_294 : i32
        scf.if %cond3A_295 {
          %add3A_296 = arith.constant 1 : i32
          %add3A_297 = arith.addi %while3A_180, %add3A_296 : i32
          %mul3A_298 = arith.constant 512 : i32
          %mul3A_299 = arith.muli %add3A_297, %mul3A_298 : i32
          %add3A_300 = arith.addi %mul3A_2, %mul3A_299 : i32
          %add3A_301 = arith.constant 0 : i32
          %add3A_302 = arith.addi %add3A_300, %add3A_301 : i32
          %multiple_of3A_303 = tpu.assume_multiple %add3A_302, 128 : i32
          %dma_start3A_304 = arith.constant 4 : i32
          %dma_start3A_305 = arith.constant 0 : i32
          %dma_start3A_306 = arith.constant 0 : i32
          %dma_start3A_307 = tpu.memref_slice %arg11[%dma_start3A_304, %dma_start3A_305, %dma_start3A_306] : memref<8x64x128xf32, #tpu.memory_space<vmem>> -> memref<1x64x128xf32, #tpu.memory_space<vmem>>
          %dma_start3A_308 = tpu.memref_squeeze %dma_start3A_307 : memref<1x64x128xf32, #tpu.memory_space<vmem>> -> memref<64x128xf32, #tpu.memory_space<vmem>>
          %dma_start3A_309 = arith.constant 0 : i32
          %dma_start3A_310 = tpu.memref_slice %arg3[%dma_start3A_309, %multiple_of3A_303] : memref<64x1000000xf32, #tpu.memory_space<hbm>> -> memref<64x128xf32, #tpu.memory_space<hbm>>
          %dma_start3A_311 = arith.constant 0 : i32
          %dma_start3A_312 = arith.constant 0 : i32
          %dma_start3A_313 = tpu.memref_slice %arg11[%dma_start3A_304, %dma_start3A_311, %dma_start3A_312] : memref<8x64x128xf32, #tpu.memory_space<vmem>> -> memref<1x64x128xf32, #tpu.memory_space<vmem>>
          %dma_start3A_314 = tpu.memref_squeeze %dma_start3A_313 : memref<1x64x128xf32, #tpu.memory_space<vmem>> -> memref<64x128xf32, #tpu.memory_space<vmem>>
          %dma_start3A_315 = arith.constant 0 : i32
          %dma_start3A_316 = tpu.memref_slice %arg3[%dma_start3A_315, %multiple_of3A_303] : memref<64x1000000xf32, #tpu.memory_space<hbm>> -> memref<64x128xf32, #tpu.memory_space<hbm>>
          tpu.enqueue_dma source(%dma_start3A_316 : memref<64x128xf32, #tpu.memory_space<hbm>>) target(%dma_start3A_314 : memref<64x128xf32, #tpu.memory_space<vmem>>) target_semaphore(%arg20 : memref<!tpu.dma_semaphore, #tpu.memory_space<semaphore_mem>>)
          %add3A_317 = arith.constant 128 : i32
          %add3A_318 = arith.addi %add3A_300, %add3A_317 : i32
          %multiple_of3A_319 = tpu.assume_multiple %add3A_318, 128 : i32
          %dma_start3A_320 = arith.constant 5 : i32
          %dma_start3A_321 = arith.constant 0 : i32
          %dma_start3A_322 = arith.constant 0 : i32
          %dma_start3A_323 = tpu.memref_slice %arg11[%dma_start3A_320, %dma_start3A_321, %dma_start3A_322] : memref<8x64x128xf32, #tpu.memory_space<vmem>> -> memref<1x64x128xf32, #tpu.memory_space<vmem>>
          %dma_start3A_324 = tpu.memref_squeeze %dma_start3A_323 : memref<1x64x128xf32, #tpu.memory_space<vmem>> -> memref<64x128xf32, #tpu.memory_space<vmem>>
          %dma_start3A_325 = arith.constant 0 : i32
          %dma_start3A_326 = tpu.memref_slice %arg3[%dma_start3A_325, %multiple_of3A_319] : memref<64x1000000xf32, #tpu.memory_space<hbm>> -> memref<64x128xf32, #tpu.memory_space<hbm>>
          %dma_start3A_327 = arith.constant 0 : i32
          %dma_start3A_328 = arith.constant 0 : i32
          %dma_start3A_329 = tpu.memref_slice %arg11[%dma_start3A_320, %dma_start3A_327, %dma_start3A_328] : memref<8x64x128xf32, #tpu.memory_space<vmem>> -> memref<1x64x128xf32, #tpu.memory_space<vmem>>
          %dma_start3A_330 = tpu.memref_squeeze %dma_start3A_329 : memref<1x64x128xf32, #tpu.memory_space<vmem>> -> memref<64x128xf32, #tpu.memory_space<vmem>>
          %dma_start3A_331 = arith.constant 0 : i32
          %dma_start3A_332 = tpu.memref_slice %arg3[%dma_start3A_331, %multiple_of3A_319] : memref<64x1000000xf32, #tpu.memory_space<hbm>> -> memref<64x128xf32, #tpu.memory_space<hbm>>
          tpu.enqueue_dma source(%dma_start3A_332 : memref<64x128xf32, #tpu.memory_space<hbm>>) target(%dma_start3A_330 : memref<64x128xf32, #tpu.memory_space<vmem>>) target_semaphore(%arg20 : memref<!tpu.dma_semaphore, #tpu.memory_space<semaphore_mem>>)
          %add3A_333 = arith.constant 256 : i32
          %add3A_334 = arith.addi %add3A_300, %add3A_333 : i32
          %multiple_of3A_335 = tpu.assume_multiple %add3A_334, 128 : i32
          %dma_start3A_336 = arith.constant 6 : i32
          %dma_start3A_337 = arith.constant 0 : i32
          %dma_start3A_338 = arith.constant 0 : i32
          %dma_start3A_339 = tpu.memref_slice %arg11[%dma_start3A_336, %dma_start3A_337, %dma_start3A_338] : memref<8x64x128xf32, #tpu.memory_space<vmem>> -> memref<1x64x128xf32, #tpu.memory_space<vmem>>
          %dma_start3A_340 = tpu.memref_squeeze %dma_start3A_339 : memref<1x64x128xf32, #tpu.memory_space<vmem>> -> memref<64x128xf32, #tpu.memory_space<vmem>>
          %dma_start3A_341 = arith.constant 0 : i32
          %dma_start3A_342 = tpu.memref_slice %arg3[%dma_start3A_341, %multiple_of3A_335] : memref<64x1000000xf32, #tpu.memory_space<hbm>> -> memref<64x128xf32, #tpu.memory_space<hbm>>
          %dma_start3A_343 = arith.constant 0 : i32
          %dma_start3A_344 = arith.constant 0 : i32
          %dma_start3A_345 = tpu.memref_slice %arg11[%dma_start3A_336, %dma_start3A_343, %dma_start3A_344] : memref<8x64x128xf32, #tpu.memory_space<vmem>> -> memref<1x64x128xf32, #tpu.memory_space<vmem>>
          %dma_start3A_346 = tpu.memref_squeeze %dma_start3A_345 : memref<1x64x128xf32, #tpu.memory_space<vmem>> -> memref<64x128xf32, #tpu.memory_space<vmem>>
          %dma_start3A_347 = arith.constant 0 : i32
          %dma_start3A_348 = tpu.memref_slice %arg3[%dma_start3A_347, %multiple_of3A_335] : memref<64x1000000xf32, #tpu.memory_space<hbm>> -> memref<64x128xf32, #tpu.memory_space<hbm>>
          tpu.enqueue_dma source(%dma_start3A_348 : memref<64x128xf32, #tpu.memory_space<hbm>>) target(%dma_start3A_346 : memref<64x128xf32, #tpu.memory_space<vmem>>) target_semaphore(%arg20 : memref<!tpu.dma_semaphore, #tpu.memory_space<semaphore_mem>>)
          %add3A_349 = arith.constant 384 : i32
          %add3A_350 = arith.addi %add3A_300, %add3A_349 : i32
          %multiple_of3A_351 = tpu.assume_multiple %add3A_350, 128 : i32
          %dma_start3A_352 = arith.constant 7 : i32
          %dma_start3A_353 = arith.constant 0 : i32
          %dma_start3A_354 = arith.constant 0 : i32
          %dma_start3A_355 = tpu.memref_slice %arg11[%dma_start3A_352, %dma_start3A_353, %dma_start3A_354] : memref<8x64x128xf32, #tpu.memory_space<vmem>> -> memref<1x64x128xf32, #tpu.memory_space<vmem>>
          %dma_start3A_356 = tpu.memref_squeeze %dma_start3A_355 : memref<1x64x128xf32, #tpu.memory_space<vmem>> -> memref<64x128xf32, #tpu.memory_space<vmem>>
          %dma_start3A_357 = arith.constant 0 : i32
          %dma_start3A_358 = tpu.memref_slice %arg3[%dma_start3A_357, %multiple_of3A_351] : memref<64x1000000xf32, #tpu.memory_space<hbm>> -> memref<64x128xf32, #tpu.memory_space<hbm>>
          %dma_start3A_359 = arith.constant 0 : i32
          %dma_start3A_360 = arith.constant 0 : i32
          %dma_start3A_361 = tpu.memref_slice %arg11[%dma_start3A_352, %dma_start3A_359, %dma_start3A_360] : memref<8x64x128xf32, #tpu.memory_space<vmem>> -> memref<1x64x128xf32, #tpu.memory_space<vmem>>
          %dma_start3A_362 = tpu.memref_squeeze %dma_start3A_361 : memref<1x64x128xf32, #tpu.memory_space<vmem>> -> memref<64x128xf32, #tpu.memory_space<vmem>>
          %dma_start3A_363 = arith.constant 0 : i32
          %dma_start3A_364 = tpu.memref_slice %arg3[%dma_start3A_363, %multiple_of3A_351] : memref<64x1000000xf32, #tpu.memory_space<hbm>> -> memref<64x128xf32, #tpu.memory_space<hbm>>
          tpu.enqueue_dma source(%dma_start3A_364 : memref<64x128xf32, #tpu.memory_space<hbm>>) target(%dma_start3A_362 : memref<64x128xf32, #tpu.memory_space<vmem>>) target_semaphore(%arg20 : memref<!tpu.dma_semaphore, #tpu.memory_space<semaphore_mem>>)
        } else {
        }
      } else {
      }
      %eq3A_188 = arith.constant 1 : i32
      %eq3A_189 = arith.cmpi eq, %and3A_182, %eq3A_188 : i32
      %convert_element_type3A_190 = arith.extui %eq3A_189 : i1 to i32
      %cond3A_191 = arith.constant 0 : i32
      %cond3A_192 = arith.cmpi ne, %convert_element_type3A_190, %cond3A_191 : i32
      scf.if %cond3A_192 {
        %dma_wait3A = arith.constant 4 : i32
        %dma_wait3A_232 = arith.constant 0 : i32
        %dma_wait3A_233 = arith.constant 0 : i32
        %dma_wait3A_234 = tpu.memref_slice %arg11[%dma_wait3A, %dma_wait3A_232, %dma_wait3A_233] : memref<8x64x128xf32, #tpu.memory_space<vmem>> -> memref<1x64x128xf32, #tpu.memory_space<vmem>>
        %dma_wait3A_235 = tpu.memref_squeeze %dma_wait3A_234 : memref<1x64x128xf32, #tpu.memory_space<vmem>> -> memref<64x128xf32, #tpu.memory_space<vmem>>
        %dma_wait3A_236 = arith.constant 0 : i32
        %dma_wait3A_237 = arith.constant 0 : i32
        %dma_wait3A_238 = tpu.memref_slice %arg3[%dma_wait3A_236, %dma_wait3A_237] : memref<64x1000000xf32, #tpu.memory_space<hbm>> -> memref<64x128xf32, #tpu.memory_space<hbm>>
        %dma_wait3A_239 = arith.constant 0 : i32
        %dma_wait3A_240 = arith.constant 0 : i32
        %dma_wait3A_241 = tpu.memref_slice %arg11[%dma_wait3A, %dma_wait3A_239, %dma_wait3A_240] : memref<8x64x128xf32, #tpu.memory_space<vmem>> -> memref<1x64x128xf32, #tpu.memory_space<vmem>>
        %dma_wait3A_242 = tpu.memref_squeeze %dma_wait3A_241 : memref<1x64x128xf32, #tpu.memory_space<vmem>> -> memref<64x128xf32, #tpu.memory_space<vmem>>
        %dma_wait3A_243 = arith.constant 0 : i32
        %dma_wait3A_244 = arith.constant 0 : i32
        %dma_wait3A_245 = tpu.memref_slice %arg3[%dma_wait3A_243, %dma_wait3A_244] : memref<64x1000000xf32, #tpu.memory_space<hbm>> -> memref<64x128xf32, #tpu.memory_space<hbm>>
        tpu.wait_dma2 semaphore(%arg20 : memref<!tpu.dma_semaphore, #tpu.memory_space<semaphore_mem>>) src(%dma_wait3A_245 : memref<64x128xf32, #tpu.memory_space<hbm>>) dst(%dma_wait3A_242 : memref<64x128xf32, #tpu.memory_space<vmem>>)
        %dma_wait3A_246 = arith.constant 5 : i32
        %dma_wait3A_247 = arith.constant 0 : i32
        %dma_wait3A_248 = arith.constant 0 : i32
        %dma_wait3A_249 = tpu.memref_slice %arg11[%dma_wait3A_246, %dma_wait3A_247, %dma_wait3A_248] : memref<8x64x128xf32, #tpu.memory_space<vmem>> -> memref<1x64x128xf32, #tpu.memory_space<vmem>>
        %dma_wait3A_250 = tpu.memref_squeeze %dma_wait3A_249 : memref<1x64x128xf32, #tpu.memory_space<vmem>> -> memref<64x128xf32, #tpu.memory_space<vmem>>
        %dma_wait3A_251 = arith.constant 0 : i32
        %dma_wait3A_252 = arith.constant 0 : i32
        %dma_wait3A_253 = tpu.memref_slice %arg3[%dma_wait3A_251, %dma_wait3A_252] : memref<64x1000000xf32, #tpu.memory_space<hbm>> -> memref<64x128xf32, #tpu.memory_space<hbm>>
        %dma_wait3A_254 = arith.constant 0 : i32
        %dma_wait3A_255 = arith.constant 0 : i32
        %dma_wait3A_256 = tpu.memref_slice %arg11[%dma_wait3A_246, %dma_wait3A_254, %dma_wait3A_255] : memref<8x64x128xf32, #tpu.memory_space<vmem>> -> memref<1x64x128xf32, #tpu.memory_space<vmem>>
        %dma_wait3A_257 = tpu.memref_squeeze %dma_wait3A_256 : memref<1x64x128xf32, #tpu.memory_space<vmem>> -> memref<64x128xf32, #tpu.memory_space<vmem>>
        %dma_wait3A_258 = arith.constant 0 : i32
        %dma_wait3A_259 = arith.constant 0 : i32
        %dma_wait3A_260 = tpu.memref_slice %arg3[%dma_wait3A_258, %dma_wait3A_259] : memref<64x1000000xf32, #tpu.memory_space<hbm>> -> memref<64x128xf32, #tpu.memory_space<hbm>>
        tpu.wait_dma2 semaphore(%arg20 : memref<!tpu.dma_semaphore, #tpu.memory_space<semaphore_mem>>) src(%dma_wait3A_260 : memref<64x128xf32, #tpu.memory_space<hbm>>) dst(%dma_wait3A_257 : memref<64x128xf32, #tpu.memory_space<vmem>>)
        %dma_wait3A_261 = arith.constant 6 : i32
        %dma_wait3A_262 = arith.constant 0 : i32
        %dma_wait3A_263 = arith.constant 0 : i32
        %dma_wait3A_264 = tpu.memref_slice %arg11[%dma_wait3A_261, %dma_wait3A_262, %dma_wait3A_263] : memref<8x64x128xf32, #tpu.memory_space<vmem>> -> memref<1x64x128xf32, #tpu.memory_space<vmem>>
        %dma_wait3A_265 = tpu.memref_squeeze %dma_wait3A_264 : memref<1x64x128xf32, #tpu.memory_space<vmem>> -> memref<64x128xf32, #tpu.memory_space<vmem>>
        %dma_wait3A_266 = arith.constant 0 : i32
        %dma_wait3A_267 = arith.constant 0 : i32
        %dma_wait3A_268 = tpu.memref_slice %arg3[%dma_wait3A_266, %dma_wait3A_267] : memref<64x1000000xf32, #tpu.memory_space<hbm>> -> memref<64x128xf32, #tpu.memory_space<hbm>>
        %dma_wait3A_269 = arith.constant 0 : i32
        %dma_wait3A_270 = arith.constant 0 : i32
        %dma_wait3A_271 = tpu.memref_slice %arg11[%dma_wait3A_261, %dma_wait3A_269, %dma_wait3A_270] : memref<8x64x128xf32, #tpu.memory_space<vmem>> -> memref<1x64x128xf32, #tpu.memory_space<vmem>>
        %dma_wait3A_272 = tpu.memref_squeeze %dma_wait3A_271 : memref<1x64x128xf32, #tpu.memory_space<vmem>> -> memref<64x128xf32, #tpu.memory_space<vmem>>
        %dma_wait3A_273 = arith.constant 0 : i32
        %dma_wait3A_274 = arith.constant 0 : i32
        %dma_wait3A_275 = tpu.memref_slice %arg3[%dma_wait3A_273, %dma_wait3A_274] : memref<64x1000000xf32, #tpu.memory_space<hbm>> -> memref<64x128xf32, #tpu.memory_space<hbm>>
        tpu.wait_dma2 semaphore(%arg20 : memref<!tpu.dma_semaphore, #tpu.memory_space<semaphore_mem>>) src(%dma_wait3A_275 : memref<64x128xf32, #tpu.memory_space<hbm>>) dst(%dma_wait3A_272 : memref<64x128xf32, #tpu.memory_space<vmem>>)
        %dma_wait3A_276 = arith.constant 7 : i32
        %dma_wait3A_277 = arith.constant 0 : i32
        %dma_wait3A_278 = arith.constant 0 : i32
        %dma_wait3A_279 = tpu.memref_slice %arg11[%dma_wait3A_276, %dma_wait3A_277, %dma_wait3A_278] : memref<8x64x128xf32, #tpu.memory_space<vmem>> -> memref<1x64x128xf32, #tpu.memory_space<vmem>>
        %dma_wait3A_280 = tpu.memref_squeeze %dma_wait3A_279 : memref<1x64x128xf32, #tpu.memory_space<vmem>> -> memref<64x128xf32, #tpu.memory_space<vmem>>
        %dma_wait3A_281 = arith.constant 0 : i32
        %dma_wait3A_282 = arith.constant 0 : i32
        %dma_wait3A_283 = tpu.memref_slice %arg3[%dma_wait3A_281, %dma_wait3A_282] : memref<64x1000000xf32, #tpu.memory_space<hbm>> -> memref<64x128xf32, #tpu.memory_space<hbm>>
        %dma_wait3A_284 = arith.constant 0 : i32
        %dma_wait3A_285 = arith.constant 0 : i32
        %dma_wait3A_286 = tpu.memref_slice %arg11[%dma_wait3A_276, %dma_wait3A_284, %dma_wait3A_285] : memref<8x64x128xf32, #tpu.memory_space<vmem>> -> memref<1x64x128xf32, #tpu.memory_space<vmem>>
        %dma_wait3A_287 = tpu.memref_squeeze %dma_wait3A_286 : memref<1x64x128xf32, #tpu.memory_space<vmem>> -> memref<64x128xf32, #tpu.memory_space<vmem>>
        %dma_wait3A_288 = arith.constant 0 : i32
        %dma_wait3A_289 = arith.constant 0 : i32
        %dma_wait3A_290 = tpu.memref_slice %arg3[%dma_wait3A_288, %dma_wait3A_289] : memref<64x1000000xf32, #tpu.memory_space<hbm>> -> memref<64x128xf32, #tpu.memory_space<hbm>>
        tpu.wait_dma2 semaphore(%arg20 : memref<!tpu.dma_semaphore, #tpu.memory_space<semaphore_mem>>) src(%dma_wait3A_290 : memref<64x128xf32, #tpu.memory_space<hbm>>) dst(%dma_wait3A_287 : memref<64x128xf32, #tpu.memory_space<vmem>>)
        %add3A_291 = arith.constant 1 : i32
        %add3A_292 = arith.addi %while3A_180, %add3A_291 : i32
        %lt3A = arith.cmpi slt, %add3A_292, %add3A_5 : i32
        %convert_element_type3A_293 = arith.extui %lt3A : i1 to i32
        %cond3A_294 = arith.constant 0 : i32
        %cond3A_295 = arith.cmpi ne, %convert_element_type3A_293, %cond3A_294 : i32
        scf.if %cond3A_295 {
          %add3A_296 = arith.constant 1 : i32
          %add3A_297 = arith.addi %while3A_180, %add3A_296 : i32
          %mul3A_298 = arith.constant 512 : i32
          %mul3A_299 = arith.muli %add3A_297, %mul3A_298 : i32
          %add3A_300 = arith.addi %mul3A_2, %mul3A_299 : i32
          %add3A_301 = arith.constant 0 : i32
          %add3A_302 = arith.addi %add3A_300, %add3A_301 : i32
          %multiple_of3A_303 = tpu.assume_multiple %add3A_302, 128 : i32
          %dma_start3A_304 = arith.constant 0 : i32
          %dma_start3A_305 = arith.constant 0 : i32
          %dma_start3A_306 = arith.constant 0 : i32
          %dma_start3A_307 = tpu.memref_slice %arg11[%dma_start3A_304, %dma_start3A_305, %dma_start3A_306] : memref<8x64x128xf32, #tpu.memory_space<vmem>> -> memref<1x64x128xf32, #tpu.memory_space<vmem>>
          %dma_start3A_308 = tpu.memref_squeeze %dma_start3A_307 : memref<1x64x128xf32, #tpu.memory_space<vmem>> -> memref<64x128xf32, #tpu.memory_space<vmem>>
          %dma_start3A_309 = arith.constant 0 : i32
          %dma_start3A_310 = tpu.memref_slice %arg3[%dma_start3A_309, %multiple_of3A_303] : memref<64x1000000xf32, #tpu.memory_space<hbm>> -> memref<64x128xf32, #tpu.memory_space<hbm>>
          %dma_start3A_311 = arith.constant 0 : i32
          %dma_start3A_312 = arith.constant 0 : i32
          %dma_start3A_313 = tpu.memref_slice %arg11[%dma_start3A_304, %dma_start3A_311, %dma_start3A_312] : memref<8x64x128xf32, #tpu.memory_space<vmem>> -> memref<1x64x128xf32, #tpu.memory_space<vmem>>
          %dma_start3A_314 = tpu.memref_squeeze %dma_start3A_313 : memref<1x64x128xf32, #tpu.memory_space<vmem>> -> memref<64x128xf32, #tpu.memory_space<vmem>>
          %dma_start3A_315 = arith.constant 0 : i32
          %dma_start3A_316 = tpu.memref_slice %arg3[%dma_start3A_315, %multiple_of3A_303] : memref<64x1000000xf32, #tpu.memory_space<hbm>> -> memref<64x128xf32, #tpu.memory_space<hbm>>
          tpu.enqueue_dma source(%dma_start3A_316 : memref<64x128xf32, #tpu.memory_space<hbm>>) target(%dma_start3A_314 : memref<64x128xf32, #tpu.memory_space<vmem>>) target_semaphore(%arg19 : memref<!tpu.dma_semaphore, #tpu.memory_space<semaphore_mem>>)
          %add3A_317 = arith.constant 128 : i32
          %add3A_318 = arith.addi %add3A_300, %add3A_317 : i32
          %multiple_of3A_319 = tpu.assume_multiple %add3A_318, 128 : i32
          %dma_start3A_320 = arith.constant 1 : i32
          %dma_start3A_321 = arith.constant 0 : i32
          %dma_start3A_322 = arith.constant 0 : i32
          %dma_start3A_323 = tpu.memref_slice %arg11[%dma_start3A_320, %dma_start3A_321, %dma_start3A_322] : memref<8x64x128xf32, #tpu.memory_space<vmem>> -> memref<1x64x128xf32, #tpu.memory_space<vmem>>
          %dma_start3A_324 = tpu.memref_squeeze %dma_start3A_323 : memref<1x64x128xf32, #tpu.memory_space<vmem>> -> memref<64x128xf32, #tpu.memory_space<vmem>>
          %dma_start3A_325 = arith.constant 0 : i32
          %dma_start3A_326 = tpu.memref_slice %arg3[%dma_start3A_325, %multiple_of3A_319] : memref<64x1000000xf32, #tpu.memory_space<hbm>> -> memref<64x128xf32, #tpu.memory_space<hbm>>
          %dma_start3A_327 = arith.constant 0 : i32
          %dma_start3A_328 = arith.constant 0 : i32
          %dma_start3A_329 = tpu.memref_slice %arg11[%dma_start3A_320, %dma_start3A_327, %dma_start3A_328] : memref<8x64x128xf32, #tpu.memory_space<vmem>> -> memref<1x64x128xf32, #tpu.memory_space<vmem>>
          %dma_start3A_330 = tpu.memref_squeeze %dma_start3A_329 : memref<1x64x128xf32, #tpu.memory_space<vmem>> -> memref<64x128xf32, #tpu.memory_space<vmem>>
          %dma_start3A_331 = arith.constant 0 : i32
          %dma_start3A_332 = tpu.memref_slice %arg3[%dma_start3A_331, %multiple_of3A_319] : memref<64x1000000xf32, #tpu.memory_space<hbm>> -> memref<64x128xf32, #tpu.memory_space<hbm>>
          tpu.enqueue_dma source(%dma_start3A_332 : memref<64x128xf32, #tpu.memory_space<hbm>>) target(%dma_start3A_330 : memref<64x128xf32, #tpu.memory_space<vmem>>) target_semaphore(%arg19 : memref<!tpu.dma_semaphore, #tpu.memory_space<semaphore_mem>>)
          %add3A_333 = arith.constant 256 : i32
          %add3A_334 = arith.addi %add3A_300, %add3A_333 : i32
          %multiple_of3A_335 = tpu.assume_multiple %add3A_334, 128 : i32
          %dma_start3A_336 = arith.constant 2 : i32
          %dma_start3A_337 = arith.constant 0 : i32
          %dma_start3A_338 = arith.constant 0 : i32
          %dma_start3A_339 = tpu.memref_slice %arg11[%dma_start3A_336, %dma_start3A_337, %dma_start3A_338] : memref<8x64x128xf32, #tpu.memory_space<vmem>> -> memref<1x64x128xf32, #tpu.memory_space<vmem>>
          %dma_start3A_340 = tpu.memref_squeeze %dma_start3A_339 : memref<1x64x128xf32, #tpu.memory_space<vmem>> -> memref<64x128xf32, #tpu.memory_space<vmem>>
          %dma_start3A_341 = arith.constant 0 : i32
          %dma_start3A_342 = tpu.memref_slice %arg3[%dma_start3A_341, %multiple_of3A_335] : memref<64x1000000xf32, #tpu.memory_space<hbm>> -> memref<64x128xf32, #tpu.memory_space<hbm>>
          %dma_start3A_343 = arith.constant 0 : i32
          %dma_start3A_344 = arith.constant 0 : i32
          %dma_start3A_345 = tpu.memref_slice %arg11[%dma_start3A_336, %dma_start3A_343, %dma_start3A_344] : memref<8x64x128xf32, #tpu.memory_space<vmem>> -> memref<1x64x128xf32, #tpu.memory_space<vmem>>
          %dma_start3A_346 = tpu.memref_squeeze %dma_start3A_345 : memref<1x64x128xf32, #tpu.memory_space<vmem>> -> memref<64x128xf32, #tpu.memory_space<vmem>>
          %dma_start3A_347 = arith.constant 0 : i32
          %dma_start3A_348 = tpu.memref_slice %arg3[%dma_start3A_347, %multiple_of3A_335] : memref<64x1000000xf32, #tpu.memory_space<hbm>> -> memref<64x128xf32, #tpu.memory_space<hbm>>
          tpu.enqueue_dma source(%dma_start3A_348 : memref<64x128xf32, #tpu.memory_space<hbm>>) target(%dma_start3A_346 : memref<64x128xf32, #tpu.memory_space<vmem>>) target_semaphore(%arg19 : memref<!tpu.dma_semaphore, #tpu.memory_space<semaphore_mem>>)
          %add3A_349 = arith.constant 384 : i32
          %add3A_350 = arith.addi %add3A_300, %add3A_349 : i32
          %multiple_of3A_351 = tpu.assume_multiple %add3A_350, 128 : i32
          %dma_start3A_352 = arith.constant 3 : i32
          %dma_start3A_353 = arith.constant 0 : i32
          %dma_start3A_354 = arith.constant 0 : i32
          %dma_start3A_355 = tpu.memref_slice %arg11[%dma_start3A_352, %dma_start3A_353, %dma_start3A_354] : memref<8x64x128xf32, #tpu.memory_space<vmem>> -> memref<1x64x128xf32, #tpu.memory_space<vmem>>
          %dma_start3A_356 = tpu.memref_squeeze %dma_start3A_355 : memref<1x64x128xf32, #tpu.memory_space<vmem>> -> memref<64x128xf32, #tpu.memory_space<vmem>>
          %dma_start3A_357 = arith.constant 0 : i32
          %dma_start3A_358 = tpu.memref_slice %arg3[%dma_start3A_357, %multiple_of3A_351] : memref<64x1000000xf32, #tpu.memory_space<hbm>> -> memref<64x128xf32, #tpu.memory_space<hbm>>
          %dma_start3A_359 = arith.constant 0 : i32
          %dma_start3A_360 = arith.constant 0 : i32
          %dma_start3A_361 = tpu.memref_slice %arg11[%dma_start3A_352, %dma_start3A_359, %dma_start3A_360] : memref<8x64x128xf32, #tpu.memory_space<vmem>> -> memref<1x64x128xf32, #tpu.memory_space<vmem>>
          %dma_start3A_362 = tpu.memref_squeeze %dma_start3A_361 : memref<1x64x128xf32, #tpu.memory_space<vmem>> -> memref<64x128xf32, #tpu.memory_space<vmem>>
          %dma_start3A_363 = arith.constant 0 : i32
          %dma_start3A_364 = tpu.memref_slice %arg3[%dma_start3A_363, %multiple_of3A_351] : memref<64x1000000xf32, #tpu.memory_space<hbm>> -> memref<64x128xf32, #tpu.memory_space<hbm>>
          tpu.enqueue_dma source(%dma_start3A_364 : memref<64x128xf32, #tpu.memory_space<hbm>>) target(%dma_start3A_362 : memref<64x128xf32, #tpu.memory_space<vmem>>) target_semaphore(%arg19 : memref<!tpu.dma_semaphore, #tpu.memory_space<semaphore_mem>>)
        } else {
        }
      } else {
      }
      %broadcast_in_dim3A_193 = arith.constant 0 : i32
      %broadcast_in_dim3A_194 = vector.broadcast %broadcast_in_dim3A_193 : i32 to vector<16xi32>
      %while3A_195 = arith.constant 0 : i32
      %while3A_196 = arith.subi %shift_right_arithmetic3A_91, %while3A_195 : i32
      %while3A_197 = arith.addi %while3A_195, %while3A_196 : i32
      %while3A_198 = arith.constant 1 : i32
      %while3A_199 = arith.divsi %while3A_196, %while3A_198 : i32
      %while3A_200 = arith.muli %while3A_199, %while3A_198 : i32
      %while3A_201 = arith.addi %while3A_195, %while3A_200 : i32
      %while3A_202 = arith.constant 1 : i32
      %while3A_203 = scf.for %while3A_232 = %while3A_195 to %while3A_201 step %while3A_202 iter_args(%while3A_233 = %broadcast_in_dim3A_194) -> (vector<16xi32>)  : i32 {
        %mul3A_234 = arith.constant 16 : i32
        %mul3A_235 = arith.muli %while3A_232, %mul3A_234 : i32
        %broadcast_in_dim3A_236 = vector.broadcast %mul3A_235 : i32 to vector<16xi32>
        %add3A_237 = arith.addi %broadcast_in_dim3A_236, %iota3A : vector<16xi32>
        %gather3A = tpu.vector_load_idx %arg9[%add3A_237] : memref<16416xi32, #tpu.memory_space<vmem>>[vector<16xi32>], vector<16xi32>,
        %and3A_238 = arith.constant 32767 : i32
        %and3A_239 = vector.broadcast %and3A_238 : i32 to vector<16xi32>
        %and3A_240 = arith.andi %gather3A, %and3A_239 : vector<16xi32>
        %shift_right_arithmetic3A_241 = arith.constant 15 : i32
        %shift_right_arithmetic3A_242 = vector.broadcast %shift_right_arithmetic3A_241 : i32 to vector<16xi32>
        %shift_right_arithmetic3A_243 = arith.shrsi %gather3A, %shift_right_arithmetic3A_242 : vector<16xi32>
        %mul3A_244 = arith.constant 512 : i32
        %mul3A_245 = arith.muli %while3A_180, %mul3A_244 : i32
        %sub3A = vector.broadcast %mul3A_245 : i32 to vector<16xi32>
        %sub3A_246 = arith.subi %and3A_240, %sub3A : vector<16xi32>
        %ge3A = arith.constant 0 : i32
        %ge3A_247 = vector.broadcast %ge3A : i32 to vector<16xi32>
        %ge3A_248 = arith.cmpi sge, %sub3A_246, %ge3A_247 : vector<16xi32>
        %lt3A = arith.constant 512 : i32
        %lt3A_249 = vector.broadcast %lt3A : i32 to vector<16xi32>
        %lt3A_250 = arith.cmpi slt, %sub3A_246, %lt3A_249 : vector<16xi32>
        %and3A_251 = arith.andi %ge3A_248, %lt3A_250 : vector<16xi1>
        %convert_element_type3A_252 = arith.extui %and3A_251 : vector<16xi1> to vector<16xi32>
        %mul3A_253 = arith.constant 512 : i32
        %mul3A_254 = vector.broadcast %mul3A_253 : i32 to vector<16xi32>
        %mul3A_255 = arith.muli %shift_right_arithmetic3A_243, %mul3A_254 : vector<16xi32>
        %add3A_256 = arith.addi %mul3A_255, %sub3A_246 : vector<16xi32>
        %broadcast_in_dim3A_257 = arith.constant true
        %broadcast_in_dim3A_258 = vector.broadcast %broadcast_in_dim3A_257 : i1 to vector<16xi1>
        %masked_cumsum3A = tpu.scan <sum>, %convert_element_type3A_252 masked %broadcast_in_dim3A_258 : vector<16xi32>, vector<16xi1> -> vector<16xi32>
        %add3A_259 = arith.addi %while3A_233, %masked_cumsum3A : vector<16xi32>
        %sub3A_260 = arith.subi %add3A_259, %convert_element_type3A_252 : vector<16xi32>
        tpu.vector_store_idx %arg10[%sub3A_260], %add3A_256 masked %and3A_251 : memref<16400xi32, #tpu.memory_space<vmem>>[vector<16xi32>], vector<16xi32>, vector<16xi1>
        %all_reduce_population_count3A = tpu.all_reduce %and3A_251 {dim = 0 : i64, kind = #tpu.reduction_kind<sum>} : vector<16xi1> -> vector<16xi32>
        %add3A_261 = arith.addi %while3A_233, %all_reduce_population_count3A : vector<16xi32>
        scf.yield %add3A_261 : vector<16xi32>
      }
      %while3A_204 = arith.constant 1 : i32
      %while3A_205 = scf.for %while3A_232 = %while3A_201 to %while3A_197 step %while3A_204 iter_args(%while3A_233 = %while3A_203) -> (vector<16xi32>)  : i32 {
        %mul3A_234 = arith.constant 16 : i32
        %mul3A_235 = arith.muli %while3A_232, %mul3A_234 : i32
        %broadcast_in_dim3A_236 = vector.broadcast %mul3A_235 : i32 to vector<16xi32>
        %add3A_237 = arith.addi %broadcast_in_dim3A_236, %iota3A : vector<16xi32>
        %gather3A = tpu.vector_load_idx %arg9[%add3A_237] : memref<16416xi32, #tpu.memory_space<vmem>>[vector<16xi32>], vector<16xi32>,
        %and3A_238 = arith.constant 32767 : i32
        %and3A_239 = vector.broadcast %and3A_238 : i32 to vector<16xi32>
        %and3A_240 = arith.andi %gather3A, %and3A_239 : vector<16xi32>
        %shift_right_arithmetic3A_241 = arith.constant 15 : i32
        %shift_right_arithmetic3A_242 = vector.broadcast %shift_right_arithmetic3A_241 : i32 to vector<16xi32>
        %shift_right_arithmetic3A_243 = arith.shrsi %gather3A, %shift_right_arithmetic3A_242 : vector<16xi32>
        %mul3A_244 = arith.constant 512 : i32
        %mul3A_245 = arith.muli %while3A_180, %mul3A_244 : i32
        %sub3A = vector.broadcast %mul3A_245 : i32 to vector<16xi32>
        %sub3A_246 = arith.subi %and3A_240, %sub3A : vector<16xi32>
        %ge3A = arith.constant 0 : i32
        %ge3A_247 = vector.broadcast %ge3A : i32 to vector<16xi32>
        %ge3A_248 = arith.cmpi sge, %sub3A_246, %ge3A_247 : vector<16xi32>
        %lt3A = arith.constant 512 : i32
        %lt3A_249 = vector.broadcast %lt3A : i32 to vector<16xi32>
        %lt3A_250 = arith.cmpi slt, %sub3A_246, %lt3A_249 : vector<16xi32>
        %and3A_251 = arith.andi %ge3A_248, %lt3A_250 : vector<16xi1>
        %convert_element_type3A_252 = arith.extui %and3A_251 : vector<16xi1> to vector<16xi32>
        %mul3A_253 = arith.constant 512 : i32
        %mul3A_254 = vector.broadcast %mul3A_253 : i32 to vector<16xi32>
        %mul3A_255 = arith.muli %shift_right_arithmetic3A_243, %mul3A_254 : vector<16xi32>
        %add3A_256 = arith.addi %mul3A_255, %sub3A_246 : vector<16xi32>
        %broadcast_in_dim3A_257 = arith.constant true
        %broadcast_in_dim3A_258 = vector.broadcast %broadcast_in_dim3A_257 : i1 to vector<16xi1>
        %masked_cumsum3A = tpu.scan <sum>, %convert_element_type3A_252 masked %broadcast_in_dim3A_258 : vector<16xi32>, vector<16xi1> -> vector<16xi32>
        %add3A_259 = arith.addi %while3A_233, %masked_cumsum3A : vector<16xi32>
        %sub3A_260 = arith.subi %add3A_259, %convert_element_type3A_252 : vector<16xi32>
        tpu.vector_store_idx %arg10[%sub3A_260], %add3A_256 masked %and3A_251 : memref<16400xi32, #tpu.memory_space<vmem>>[vector<16xi32>], vector<16xi32>, vector<16xi1>
        %all_reduce_population_count3A = tpu.all_reduce %and3A_251 {dim = 0 : i64, kind = #tpu.reduction_kind<sum>} : vector<16xi1> -> vector<16xi32>
        %add3A_261 = arith.addi %while3A_233, %all_reduce_population_count3A : vector<16xi32>
        scf.yield %add3A_261 : vector<16xi32>
      }
      %add3A_206 = arith.addi %while3A_205, %iota3A : vector<16xi32>
      %broadcast_in_dim3A_207 = arith.constant 8388608 : i32
      %broadcast_in_dim3A_208 = vector.broadcast %broadcast_in_dim3A_207 : i32 to vector<16xi32>
      tpu.vector_store_idx %arg10[%add3A_206], %broadcast_in_dim3A_208 : memref<16400xi32, #tpu.memory_space<vmem>>[vector<16xi32>], vector<16xi32>,
      %reduce_max3A_209 = arith.constant true
      %reduce_max3A_210 = vector.broadcast %reduce_max3A_209 : i1 to vector<16xi1>
      %reduce_max3A_211 = arith.constant -2147483648 : i32
      %reduce_max3A_212 = vector.broadcast %reduce_max3A_211 : i32 to vector<16xi32>
      %reduce_max3A_213 = arith.xori %while3A_205, %reduce_max3A_212 : vector<16xi32>
      %reduce_max3A_214 = tpu.scan <max>, %reduce_max3A_213 masked %reduce_max3A_210 : vector<16xi32>, vector<16xi1> -> vector<16xi32>
      %reduce_max3A_215 = arith.xori %reduce_max3A_214, %reduce_max3A_212 : vector<16xi32>
      %reduce_max3A_216 = vector.extract %reduce_max3A_215[15] : i32 from vector<16xi32>
      %add3A_217 = arith.constant 15 : i32
      %add3A_218 = arith.addi %reduce_max3A_216, %add3A_217 : i32
      %shift_right_arithmetic3A_219 = arith.constant 4 : i32
      %shift_right_arithmetic3A_220 = arith.shrsi %add3A_218, %shift_right_arithmetic3A_219 : i32
      %while3A_221 = arith.constant 0 : i32
      %while3A_222 = arith.subi %shift_right_arithmetic3A_220, %while3A_221 : i32
      %while3A_223 = arith.addi %while3A_221, %while3A_222 : i32
      %while3A_224 = arith.constant 1 : i32
      %while3A_225 = arith.divsi %while3A_222, %while3A_224 : i32
      %while3A_226 = arith.muli %while3A_225, %while3A_224 : i32
      %while3A_227 = arith.addi %while3A_221, %while3A_226 : i32
      %while3A_228 = arith.constant 1 : i32
      %while3A_229 = scf.for %while3A_232 = %while3A_221 to %while3A_227 step %while3A_228 iter_args(%while3A_233 = %while3A_181) -> (i32)  : i32 {
        %mul3A_234 = arith.constant 16 : i32
        %mul3A_235 = arith.muli %while3A_232, %mul3A_234 : i32
        %broadcast_in_dim3A_236 = vector.broadcast %mul3A_235 : i32 to vector<16xi32>
        %add3A_237 = arith.addi %broadcast_in_dim3A_236, %iota3A : vector<16xi32>
        %gather3A = tpu.vector_load_idx %arg10[%add3A_237] : memref<16400xi32, #tpu.memory_space<vmem>>[vector<16xi32>], vector<16xi32>,
        %and3A_238 = arith.constant 511 : i32
        %and3A_239 = vector.broadcast %and3A_238 : i32 to vector<16xi32>
        %and3A_240 = arith.andi %gather3A, %and3A_239 : vector<16xi32>
        %shift_right_arithmetic3A_241 = arith.constant 9 : i32
        %shift_right_arithmetic3A_242 = vector.broadcast %shift_right_arithmetic3A_241 : i32 to vector<16xi32>
        %shift_right_arithmetic3A_243 = arith.shrsi %gather3A, %shift_right_arithmetic3A_242 : vector<16xi32>
        %broadcast_in_dim3A_244 = arith.constant 0 : i32
        %broadcast_in_dim3A_245 = vector.broadcast %broadcast_in_dim3A_244 : i32 to vector<16xi32>
        %add3A_246 = arith.addi %broadcast_in_dim3A_245, %iota3A : vector<16xi32>
        %gather3A_247 = tpu.vector_load_idx %arg14[%add3A_246] : memref<128xf32, #tpu.memory_space<vmem>>[vector<16xi32>], vector<16xf32>,
        %broadcast_in_dim3A_248 = arith.constant 16 : i32
        %broadcast_in_dim3A_249 = vector.broadcast %broadcast_in_dim3A_248 : i32 to vector<16xi32>
        %add3A_250 = arith.addi %broadcast_in_dim3A_249, %iota3A : vector<16xi32>
        %gather3A_251 = tpu.vector_load_idx %arg14[%add3A_250] : memref<128xf32, #tpu.memory_space<vmem>>[vector<16xi32>], vector<16xf32>,
        %broadcast_in_dim3A_252 = arith.constant 32 : i32
        %broadcast_in_dim3A_253 = vector.broadcast %broadcast_in_dim3A_252 : i32 to vector<16xi32>
        %add3A_254 = arith.addi %broadcast_in_dim3A_253, %iota3A : vector<16xi32>
        %gather3A_255 = tpu.vector_load_idx %arg14[%add3A_254] : memref<128xf32, #tpu.memory_space<vmem>>[vector<16xi32>], vector<16xf32>,
        %broadcast_in_dim3A_256 = arith.constant 48 : i32
        %broadcast_in_dim3A_257 = vector.broadcast %broadcast_in_dim3A_256 : i32 to vector<16xi32>
        %add3A_258 = arith.addi %broadcast_in_dim3A_257, %iota3A : vector<16xi32>
        %gather3A_259 = tpu.vector_load_idx %arg14[%add3A_258] : memref<128xf32, #tpu.memory_space<vmem>>[vector<16xi32>], vector<16xf32>,
        %broadcast_in_dim3A_260 = arith.constant 64 : i32
        %broadcast_in_dim3A_261 = vector.broadcast %broadcast_in_dim3A_260 : i32 to vector<16xi32>
        %add3A_262 = arith.addi %broadcast_in_dim3A_261, %iota3A : vector<16xi32>
        %gather3A_263 = tpu.vector_load_idx %arg14[%add3A_262] : memref<128xf32, #tpu.memory_space<vmem>>[vector<16xi32>], vector<16xf32>,
        %broadcast_in_dim3A_264 = arith.constant 80 : i32
        %broadcast_in_dim3A_265 = vector.broadcast %broadcast_in_dim3A_264 : i32 to vector<16xi32>
        %add3A_266 = arith.addi %broadcast_in_dim3A_265, %iota3A : vector<16xi32>
        %gather3A_267 = tpu.vector_load_idx %arg14[%add3A_266] : memref<128xf32, #tpu.memory_space<vmem>>[vector<16xi32>], vector<16xf32>,
        %broadcast_in_dim3A_268 = arith.constant 96 : i32
        %broadcast_in_dim3A_269 = vector.broadcast %broadcast_in_dim3A_268 : i32 to vector<16xi32>
        %add3A_270 = arith.addi %broadcast_in_dim3A_269, %iota3A : vector<16xi32>
        %gather3A_271 = tpu.vector_load_idx %arg14[%add3A_270] : memref<128xf32, #tpu.memory_space<vmem>>[vector<16xi32>], vector<16xf32>,
        %scan3A_272 = arith.constant 0 : i32
        %scan3A_273 = arith.constant 64 : i32
        %scan3A_274 = arith.addi %scan3A_272, %scan3A_273 : i32
        %scan3A_275 = arith.constant 1 : i32
        %scan3A_276:7 = scf.for %scan3A_393 = %scan3A_272 to %scan3A_274 step %scan3A_275 iter_args(%scan3A_394 = %gather3A_247, %scan3A_395 = %gather3A_251, %scan3A_396 = %gather3A_255, %scan3A_397 = %gather3A_259, %scan3A_398 = %gather3A_263, %scan3A_399 = %gather3A_267, %scan3A_400 = %gather3A_271) -> (vector<16xf32>, vector<16xf32>, vector<16xf32>, vector<16xf32>, vector<16xf32>, vector<16xf32>, vector<16xf32>)  : i32 {
          %mul3A_401 = arith.constant 4 : i32
          %mul3A_402 = arith.muli %and3A_182, %mul3A_401 : i32
          %shift_right_arithmetic3A_403 = arith.constant 7 : i32
          %shift_right_arithmetic3A_404 = vector.broadcast %shift_right_arithmetic3A_403 : i32 to vector<16xi32>
          %shift_right_arithmetic3A_405 = arith.shrsi %and3A_240, %shift_right_arithmetic3A_404 : vector<16xi32>
          %add3A_406 = vector.broadcast %mul3A_402 : i32 to vector<16xi32>
          %add3A_407 = arith.addi %add3A_406, %shift_right_arithmetic3A_405 : vector<16xi32>
          %broadcast_in_dim3A_408 = vector.broadcast %scan3A_393 : i32 to vector<16xi32>
          %and3A_409 = arith.constant 127 : i32
          %and3A_410 = vector.broadcast %and3A_409 : i32 to vector<16xi32>
          %and3A_411 = arith.andi %and3A_240, %and3A_410 : vector<16xi32>
          %gather3A_412 = tpu.vector_load_idx %arg11[%add3A_407, %broadcast_in_dim3A_408, %and3A_411] : memref<8x64x128xf32, #tpu.memory_space<vmem>>[vector<16xi32>, vector<16xi32>, vector<16xi32>], vector<16xf32>,
          %broadcast_in_dim3A_413 = arith.constant 0 : i32
          %broadcast_in_dim3A_414 = vector.broadcast %broadcast_in_dim3A_413 : i32 to vector<16xi32>
          %mul3A_415 = arith.constant 16 : i32
          %mul3A_416 = arith.muli %scan3A_393, %mul3A_415 : i32
          %add3A_417 = vector.broadcast %mul3A_416 : i32 to vector<16xi32>
          %add3A_418 = arith.addi %broadcast_in_dim3A_414, %add3A_417 : vector<16xi32>
          %add3A_419 = arith.addi %add3A_418, %iota3A : vector<16xi32>
          %gather3A_420 = tpu.vector_load_idx %arg13[%add3A_419] : memref<7168xf32, #tpu.memory_space<vmem>>[vector<16xi32>], vector<16xf32>,
          %mul3A_421 = arith.mulf %gather3A_412, %gather3A_420 : vector<16xf32>
          %add3A_422 = arith.addf %scan3A_394, %mul3A_421 : vector<16xf32>
          %broadcast_in_dim3A_423 = arith.constant 1024 : i32
          %broadcast_in_dim3A_424 = vector.broadcast %broadcast_in_dim3A_423 : i32 to vector<16xi32>
          %mul3A_425 = arith.constant 16 : i32
          %mul3A_426 = arith.muli %scan3A_393, %mul3A_425 : i32
          %add3A_427 = vector.broadcast %mul3A_426 : i32 to vector<16xi32>
          %add3A_428 = arith.addi %broadcast_in_dim3A_424, %add3A_427 : vector<16xi32>
          %add3A_429 = arith.addi %add3A_428, %iota3A : vector<16xi32>
          %gather3A_430 = tpu.vector_load_idx %arg13[%add3A_429] : memref<7168xf32, #tpu.memory_space<vmem>>[vector<16xi32>], vector<16xf32>,
          %mul3A_431 = arith.mulf %gather3A_412, %gather3A_430 : vector<16xf32>
          %add3A_432 = arith.addf %scan3A_395, %mul3A_431 : vector<16xf32>
          %broadcast_in_dim3A_433 = arith.constant 2048 : i32
          %broadcast_in_dim3A_434 = vector.broadcast %broadcast_in_dim3A_433 : i32 to vector<16xi32>
          %mul3A_435 = arith.constant 16 : i32
          %mul3A_436 = arith.muli %scan3A_393, %mul3A_435 : i32
          %add3A_437 = vector.broadcast %mul3A_436 : i32 to vector<16xi32>
          %add3A_438 = arith.addi %broadcast_in_dim3A_434, %add3A_437 : vector<16xi32>
          %add3A_439 = arith.addi %add3A_438, %iota3A : vector<16xi32>
          %gather3A_440 = tpu.vector_load_idx %arg13[%add3A_439] : memref<7168xf32, #tpu.memory_space<vmem>>[vector<16xi32>], vector<16xf32>,
          %mul3A_441 = arith.mulf %gather3A_412, %gather3A_440 : vector<16xf32>
          %add3A_442 = arith.addf %scan3A_396, %mul3A_441 : vector<16xf32>
          %broadcast_in_dim3A_443 = arith.constant 3072 : i32
          %broadcast_in_dim3A_444 = vector.broadcast %broadcast_in_dim3A_443 : i32 to vector<16xi32>
          %mul3A_445 = arith.constant 16 : i32
          %mul3A_446 = arith.muli %scan3A_393, %mul3A_445 : i32
          %add3A_447 = vector.broadcast %mul3A_446 : i32 to vector<16xi32>
          %add3A_448 = arith.addi %broadcast_in_dim3A_444, %add3A_447 : vector<16xi32>
          %add3A_449 = arith.addi %add3A_448, %iota3A : vector<16xi32>
          %gather3A_450 = tpu.vector_load_idx %arg13[%add3A_449] : memref<7168xf32, #tpu.memory_space<vmem>>[vector<16xi32>], vector<16xf32>,
          %mul3A_451 = arith.mulf %gather3A_412, %gather3A_450 : vector<16xf32>
          %add3A_452 = arith.addf %scan3A_397, %mul3A_451 : vector<16xf32>
          %broadcast_in_dim3A_453 = arith.constant 4096 : i32
          %broadcast_in_dim3A_454 = vector.broadcast %broadcast_in_dim3A_453 : i32 to vector<16xi32>
          %mul3A_455 = arith.constant 16 : i32
          %mul3A_456 = arith.muli %scan3A_393, %mul3A_455 : i32
          %add3A_457 = vector.broadcast %mul3A_456 : i32 to vector<16xi32>
          %add3A_458 = arith.addi %broadcast_in_dim3A_454, %add3A_457 : vector<16xi32>
          %add3A_459 = arith.addi %add3A_458, %iota3A : vector<16xi32>
          %gather3A_460 = tpu.vector_load_idx %arg13[%add3A_459] : memref<7168xf32, #tpu.memory_space<vmem>>[vector<16xi32>], vector<16xf32>,
          %mul3A_461 = arith.mulf %gather3A_412, %gather3A_460 : vector<16xf32>
          %add3A_462 = arith.addf %scan3A_398, %mul3A_461 : vector<16xf32>
          %broadcast_in_dim3A_463 = arith.constant 5120 : i32
          %broadcast_in_dim3A_464 = vector.broadcast %broadcast_in_dim3A_463 : i32 to vector<16xi32>
          %mul3A_465 = arith.constant 16 : i32
          %mul3A_466 = arith.muli %scan3A_393, %mul3A_465 : i32
          %add3A_467 = vector.broadcast %mul3A_466 : i32 to vector<16xi32>
          %add3A_468 = arith.addi %broadcast_in_dim3A_464, %add3A_467 : vector<16xi32>
          %add3A_469 = arith.addi %add3A_468, %iota3A : vector<16xi32>
          %gather3A_470 = tpu.vector_load_idx %arg13[%add3A_469] : memref<7168xf32, #tpu.memory_space<vmem>>[vector<16xi32>], vector<16xf32>,
          %mul3A_471 = arith.mulf %gather3A_412, %gather3A_470 : vector<16xf32>
          %add3A_472 = arith.addf %scan3A_399, %mul3A_471 : vector<16xf32>
          %broadcast_in_dim3A_473 = arith.constant 6144 : i32
          %broadcast_in_dim3A_474 = vector.broadcast %broadcast_in_dim3A_473 : i32 to vector<16xi32>
          %mul3A_475 = arith.constant 16 : i32
          %mul3A_476 = arith.muli %scan3A_393, %mul3A_475 : i32
          %add3A_477 = vector.broadcast %mul3A_476 : i32 to vector<16xi32>
          %add3A_478 = arith.addi %broadcast_in_dim3A_474, %add3A_477 : vector<16xi32>
          %add3A_479 = arith.addi %add3A_478, %iota3A : vector<16xi32>
          %gather3A_480 = tpu.vector_load_idx %arg13[%add3A_479] : memref<7168xf32, #tpu.memory_space<vmem>>[vector<16xi32>], vector<16xf32>,
          %mul3A_481 = arith.mulf %gather3A_412, %gather3A_480 : vector<16xf32>
          %add3A_482 = arith.addf %scan3A_400, %mul3A_481 : vector<16xf32>
          scf.yield %add3A_422, %add3A_432, %add3A_442, %add3A_452, %add3A_462, %add3A_472, %add3A_482 : vector<16xf32>, vector<16xf32>, vector<16xf32>, vector<16xf32>, vector<16xf32>, vector<16xf32>, vector<16xf32>
        }
        %scan3A_277 = arith.constant 64 : i32
        %broadcast_in_dim3A_278 = arith.constant 0 : i32
        %broadcast_in_dim3A_279 = vector.broadcast %broadcast_in_dim3A_278 : i32 to vector<16xi32>
        %broadcast_in_dim3A_280 = arith.constant 0 : i32
        %broadcast_in_dim3A_281 = vector.broadcast %broadcast_in_dim3A_280 : i32 to vector<16xi32>
        %add3A_282 = arith.addi %broadcast_in_dim3A_281, %iota3A : vector<16xi32>
        %mul3A_283 = arith.constant 7 : i32
        %mul3A_284 = vector.broadcast %mul3A_283 : i32 to vector<16xi32>
        %mul3A_285 = arith.muli %shift_right_arithmetic3A_243, %mul3A_284 : vector<16xi32>
        %add3A_286 = arith.constant 0 : i32
        %add3A_287 = vector.broadcast %add3A_286 : i32 to vector<16xi32>
        %add3A_288 = arith.addi %mul3A_285, %add3A_287 : vector<16xi32>
        tpu.vector_store_idx %arg15[%broadcast_in_dim3A_279, %add3A_282], %add3A_288 : memref<8x128xi32, #tpu.memory_space<vmem>>[vector<16xi32>, vector<16xi32>], vector<16xi32>,
        %broadcast_in_dim3A_289 = arith.constant 0 : i32
        %broadcast_in_dim3A_290 = vector.broadcast %broadcast_in_dim3A_289 : i32 to vector<16xi32>
        %add3A_291 = arith.constant 0 : i32
        %add3A_292 = vector.broadcast %add3A_291 : i32 to vector<16xi32>
        %add3A_293 = arith.addi %add3A_292, %broadcast_in_dim3A_290 : vector<16xi32>
        %add3A_294 = arith.addi %add3A_293, %iota3A : vector<16xi32>
        tpu.vector_store_idx %arg16[%add3A_294], %scan3A_276#0 : memref<1024xf32, #tpu.memory_space<vmem>>[vector<16xi32>], vector<16xf32>,
        %broadcast_in_dim3A_295 = arith.constant 16 : i32
        %broadcast_in_dim3A_296 = vector.broadcast %broadcast_in_dim3A_295 : i32 to vector<16xi32>
        %add3A_297 = arith.addi %broadcast_in_dim3A_296, %iota3A : vector<16xi32>
        %mul3A_298 = arith.constant 7 : i32
        %mul3A_299 = vector.broadcast %mul3A_298 : i32 to vector<16xi32>
        %mul3A_300 = arith.muli %shift_right_arithmetic3A_243, %mul3A_299 : vector<16xi32>
        %add3A_301 = arith.constant 1 : i32
        %add3A_302 = vector.broadcast %add3A_301 : i32 to vector<16xi32>
        %add3A_303 = arith.addi %mul3A_300, %add3A_302 : vector<16xi32>
        tpu.vector_store_idx %arg15[%broadcast_in_dim3A_279, %add3A_297], %add3A_303 : memref<8x128xi32, #tpu.memory_space<vmem>>[vector<16xi32>, vector<16xi32>], vector<16xi32>,
        %broadcast_in_dim3A_304 = arith.constant 16 : i32
        %broadcast_in_dim3A_305 = vector.broadcast %broadcast_in_dim3A_304 : i32 to vector<16xi32>
        %add3A_306 = arith.constant 0 : i32
        %add3A_307 = vector.broadcast %add3A_306 : i32 to vector<16xi32>
        %add3A_308 = arith.addi %add3A_307, %broadcast_in_dim3A_305 : vector<16xi32>
        %add3A_309 = arith.addi %add3A_308, %iota3A : vector<16xi32>
        tpu.vector_store_idx %arg16[%add3A_309], %scan3A_276#1 : memref<1024xf32, #tpu.memory_space<vmem>>[vector<16xi32>], vector<16xf32>,
        %broadcast_in_dim3A_310 = arith.constant 32 : i32
        %broadcast_in_dim3A_311 = vector.broadcast %broadcast_in_dim3A_310 : i32 to vector<16xi32>
        %add3A_312 = arith.addi %broadcast_in_dim3A_311, %iota3A : vector<16xi32>
        %mul3A_313 = arith.constant 7 : i32
        %mul3A_314 = vector.broadcast %mul3A_313 : i32 to vector<16xi32>
        %mul3A_315 = arith.muli %shift_right_arithmetic3A_243, %mul3A_314 : vector<16xi32>
        %add3A_316 = arith.constant 2 : i32
        %add3A_317 = vector.broadcast %add3A_316 : i32 to vector<16xi32>
        %add3A_318 = arith.addi %mul3A_315, %add3A_317 : vector<16xi32>
        tpu.vector_store_idx %arg15[%broadcast_in_dim3A_279, %add3A_312], %add3A_318 : memref<8x128xi32, #tpu.memory_space<vmem>>[vector<16xi32>, vector<16xi32>], vector<16xi32>,
        %broadcast_in_dim3A_319 = arith.constant 32 : i32
        %broadcast_in_dim3A_320 = vector.broadcast %broadcast_in_dim3A_319 : i32 to vector<16xi32>
        %add3A_321 = arith.constant 0 : i32
        %add3A_322 = vector.broadcast %add3A_321 : i32 to vector<16xi32>
        %add3A_323 = arith.addi %add3A_322, %broadcast_in_dim3A_320 : vector<16xi32>
        %add3A_324 = arith.addi %add3A_323, %iota3A : vector<16xi32>
        tpu.vector_store_idx %arg16[%add3A_324], %scan3A_276#2 : memref<1024xf32, #tpu.memory_space<vmem>>[vector<16xi32>], vector<16xf32>,
        %broadcast_in_dim3A_325 = arith.constant 48 : i32
        %broadcast_in_dim3A_326 = vector.broadcast %broadcast_in_dim3A_325 : i32 to vector<16xi32>
        %add3A_327 = arith.addi %broadcast_in_dim3A_326, %iota3A : vector<16xi32>
        %mul3A_328 = arith.constant 7 : i32
        %mul3A_329 = vector.broadcast %mul3A_328 : i32 to vector<16xi32>
        %mul3A_330 = arith.muli %shift_right_arithmetic3A_243, %mul3A_329 : vector<16xi32>
        %add3A_331 = arith.constant 3 : i32
        %add3A_332 = vector.broadcast %add3A_331 : i32 to vector<16xi32>
        %add3A_333 = arith.addi %mul3A_330, %add3A_332 : vector<16xi32>
        tpu.vector_store_idx %arg15[%broadcast_in_dim3A_279, %add3A_327], %add3A_333 : memref<8x128xi32, #tpu.memory_space<vmem>>[vector<16xi32>, vector<16xi32>], vector<16xi32>,
        %broadcast_in_dim3A_334 = arith.constant 48 : i32
        %broadcast_in_dim3A_335 = vector.broadcast %broadcast_in_dim3A_334 : i32 to vector<16xi32>
        %add3A_336 = arith.constant 0 : i32
        %add3A_337 = vector.broadcast %add3A_336 : i32 to vector<16xi32>
        %add3A_338 = arith.addi %add3A_337, %broadcast_in_dim3A_335 : vector<16xi32>
        %add3A_339 = arith.addi %add3A_338, %iota3A : vector<16xi32>
        tpu.vector_store_idx %arg16[%add3A_339], %scan3A_276#3 : memref<1024xf32, #tpu.memory_space<vmem>>[vector<16xi32>], vector<16xf32>,
        %broadcast_in_dim3A_340 = arith.constant 64 : i32
        %broadcast_in_dim3A_341 = vector.broadcast %broadcast_in_dim3A_340 : i32 to vector<16xi32>
        %add3A_342 = arith.addi %broadcast_in_dim3A_341, %iota3A : vector<16xi32>
        %mul3A_343 = arith.constant 7 : i32
        %mul3A_344 = vector.broadcast %mul3A_343 : i32 to vector<16xi32>
        %mul3A_345 = arith.muli %shift_right_arithmetic3A_243, %mul3A_344 : vector<16xi32>
        %add3A_346 = arith.constant 4 : i32
        %add3A_347 = vector.broadcast %add3A_346 : i32 to vector<16xi32>
        %add3A_348 = arith.addi %mul3A_345, %add3A_347 : vector<16xi32>
        tpu.vector_store_idx %arg15[%broadcast_in_dim3A_279, %add3A_342], %add3A_348 : memref<8x128xi32, #tpu.memory_space<vmem>>[vector<16xi32>, vector<16xi32>], vector<16xi32>,
        %broadcast_in_dim3A_349 = arith.constant 64 : i32
        %broadcast_in_dim3A_350 = vector.broadcast %broadcast_in_dim3A_349 : i32 to vector<16xi32>
        %add3A_351 = arith.constant 0 : i32
        %add3A_352 = vector.broadcast %add3A_351 : i32 to vector<16xi32>
        %add3A_353 = arith.addi %add3A_352, %broadcast_in_dim3A_350 : vector<16xi32>
        %add3A_354 = arith.addi %add3A_353, %iota3A : vector<16xi32>
        tpu.vector_store_idx %arg16[%add3A_354], %scan3A_276#4 : memref<1024xf32, #tpu.memory_space<vmem>>[vector<16xi32>], vector<16xf32>,
        %broadcast_in_dim3A_355 = arith.constant 80 : i32
        %broadcast_in_dim3A_356 = vector.broadcast %broadcast_in_dim3A_355 : i32 to vector<16xi32>
        %add3A_357 = arith.addi %broadcast_in_dim3A_356, %iota3A : vector<16xi32>
        %mul3A_358 = arith.constant 7 : i32
        %mul3A_359 = vector.broadcast %mul3A_358 : i32 to vector<16xi32>
        %mul3A_360 = arith.muli %shift_right_arithmetic3A_243, %mul3A_359 : vector<16xi32>
        %add3A_361 = arith.constant 5 : i32
        %add3A_362 = vector.broadcast %add3A_361 : i32 to vector<16xi32>
        %add3A_363 = arith.addi %mul3A_360, %add3A_362 : vector<16xi32>
        tpu.vector_store_idx %arg15[%broadcast_in_dim3A_279, %add3A_357], %add3A_363 : memref<8x128xi32, #tpu.memory_space<vmem>>[vector<16xi32>, vector<16xi32>], vector<16xi32>,
        %broadcast_in_dim3A_364 = arith.constant 80 : i32
        %broadcast_in_dim3A_365 = vector.broadcast %broadcast_in_dim3A_364 : i32 to vector<16xi32>
        %add3A_366 = arith.constant 0 : i32
        %add3A_367 = vector.broadcast %add3A_366 : i32 to vector<16xi32>
        %add3A_368 = arith.addi %add3A_367, %broadcast_in_dim3A_365 : vector<16xi32>
        %add3A_369 = arith.addi %add3A_368, %iota3A : vector<16xi32>
        tpu.vector_store_idx %arg16[%add3A_369], %scan3A_276#5 : memref<1024xf32, #tpu.memory_space<vmem>>[vector<16xi32>], vector<16xf32>,
        %broadcast_in_dim3A_370 = arith.constant 96 : i32
        %broadcast_in_dim3A_371 = vector.broadcast %broadcast_in_dim3A_370 : i32 to vector<16xi32>
        %add3A_372 = arith.addi %broadcast_in_dim3A_371, %iota3A : vector<16xi32>
        %mul3A_373 = arith.constant 7 : i32
        %mul3A_374 = vector.broadcast %mul3A_373 : i32 to vector<16xi32>
        %mul3A_375 = arith.muli %shift_right_arithmetic3A_243, %mul3A_374 : vector<16xi32>
        %add3A_376 = arith.constant 6 : i32
        %add3A_377 = vector.broadcast %add3A_376 : i32 to vector<16xi32>
        %add3A_378 = arith.addi %mul3A_375, %add3A_377 : vector<16xi32>
        tpu.vector_store_idx %arg15[%broadcast_in_dim3A_279, %add3A_372], %add3A_378 : memref<8x128xi32, #tpu.memory_space<vmem>>[vector<16xi32>, vector<16xi32>], vector<16xi32>,
        %broadcast_in_dim3A_379 = arith.constant 96 : i32
        %broadcast_in_dim3A_380 = vector.broadcast %broadcast_in_dim3A_379 : i32 to vector<16xi32>
        %add3A_381 = arith.constant 0 : i32
        %add3A_382 = vector.broadcast %add3A_381 : i32 to vector<16xi32>
        %add3A_383 = arith.addi %add3A_382, %broadcast_in_dim3A_380 : vector<16xi32>
        %add3A_384 = arith.addi %add3A_383, %iota3A : vector<16xi32>
        tpu.vector_store_idx %arg16[%add3A_384], %scan3A_276#6 : memref<1024xf32, #tpu.memory_space<vmem>>[vector<16xi32>], vector<16xf32>,
        %broadcast_in_dim3A_385 = arith.constant 112 : i32
        %broadcast_in_dim3A_386 = vector.broadcast %broadcast_in_dim3A_385 : i32 to vector<16xi32>
        %add3A_387 = arith.addi %broadcast_in_dim3A_386, %iota3A : vector<16xi32>
        %broadcast_in_dim3A_388 = arith.constant 114688 : i32
        %broadcast_in_dim3A_389 = vector.broadcast %broadcast_in_dim3A_388 : i32 to vector<16xi32>
        %add3A_390 = arith.addi %broadcast_in_dim3A_389, %iota3A : vector<16xi32>
        tpu.vector_store_idx %arg15[%broadcast_in_dim3A_279, %add3A_387], %add3A_390 : memref<8x128xi32, #tpu.memory_space<vmem>>[vector<16xi32>, vector<16xi32>], vector<16xi32>,
        %run_scoped3A = arith.constant 0 : i32
        "tpu.region"() ({
          %run_scoped3A_393 = tpu.sem_alloc : memref<!tpu.dma_semaphore, #tpu.memory_space<semaphore_mem>>
          %dma_start3A_394 = arith.constant 0 : i32
          %dma_start3A_395 = tpu.memref_slice %arg16[%dma_start3A_394] : memref<1024xf32, #tpu.memory_space<vmem>> -> memref<128xf32, #tpu.memory_space<vmem>>
          %dma_start3A_396 = arith.constant 0 : i32
          %dma_start3A_397 = tpu.memref_slice %arg15[%run_scoped3A, %dma_start3A_396] : memref<8x128xi32, #tpu.memory_space<vmem>> -> memref<1x128xi32, #tpu.memory_space<vmem>>
          %dma_start3A_398 = tpu.memref_squeeze %dma_start3A_397 : memref<1x128xi32, #tpu.memory_space<vmem>> -> memref<128xi32, #tpu.memory_space<vmem>>
          %dma_start3A_399 = arith.constant 0 : i32
          %dma_start3A_400 = tpu.memref_slice %arg18[%dma_start3A_399] : memref<114944xf32, #tpu.memory_space<vmem_shared>> -> memref<114944xf32, #tpu.memory_space<vmem_shared>>
          tpu.enqueue_indirect_dma source(%dma_start3A_395 : memref<128xf32, #tpu.memory_space<vmem>>) target(%dma_start3A_400 : memref<114944xf32, #tpu.memory_space<vmem_shared>>) offsets(%dma_start3A_398 : memref<128xi32, #tpu.memory_space<vmem>>) semaphore(%run_scoped3A_393 : memref<!tpu.dma_semaphore, #tpu.memory_space<semaphore_mem>>)
          %dma_wait3A = arith.constant 0 : i32
          %dma_wait3A_401 = tpu.memref_slice %arg16[%dma_wait3A] : memref<1024xf32, #tpu.memory_space<vmem>> -> memref<128xf32, #tpu.memory_space<vmem>>
          %dma_wait3A_402 = arith.constant 0 : i32
          %dma_wait3A_403 = tpu.memref_slice %arg15[%run_scoped3A, %dma_wait3A_402] : memref<8x128xi32, #tpu.memory_space<vmem>> -> memref<1x128xi32, #tpu.memory_space<vmem>>
          %dma_wait3A_404 = tpu.memref_squeeze %dma_wait3A_403 : memref<1x128xi32, #tpu.memory_space<vmem>> -> memref<128xi32, #tpu.memory_space<vmem>>
          %dma_wait3A_405 = arith.constant 0 : i32
          %dma_wait3A_406 = tpu.memref_slice %arg18[%dma_wait3A_405] : memref<114944xf32, #tpu.memory_space<vmem_shared>> -> memref<114944xf32, #tpu.memory_space<vmem_shared>>
          tpu.wait_indirect_dma semaphore(%run_scoped3A_393 : memref<!tpu.dma_semaphore, #tpu.memory_space<semaphore_mem>>) src(%dma_wait3A_401 : memref<128xf32, #tpu.memory_space<vmem>>) dst(%dma_wait3A_406 : memref<114944xf32, #tpu.memory_space<vmem_shared>>)
          tpu.yield
        }) : () -> ()
        %add3A_391 = arith.constant 1 : i32
        %add3A_392 = arith.addi %while3A_233, %add3A_391 : i32
        scf.yield %add3A_392 : i32
      }
      %while3A_230 = arith.constant 1 : i32
      %while3A_231 = scf.for %while3A_232 = %while3A_227 to %while3A_223 step %while3A_230 iter_args(%while3A_233 = %while3A_229) -> (i32)  : i32 {
        %mul3A_234 = arith.constant 16 : i32
        %mul3A_235 = arith.muli %while3A_232, %mul3A_234 : i32
        %broadcast_in_dim3A_236 = vector.broadcast %mul3A_235 : i32 to vector<16xi32>
        %add3A_237 = arith.addi %broadcast_in_dim3A_236, %iota3A : vector<16xi32>
        %gather3A = tpu.vector_load_idx %arg10[%add3A_237] : memref<16400xi32, #tpu.memory_space<vmem>>[vector<16xi32>], vector<16xi32>,
        %and3A_238 = arith.constant 511 : i32
        %and3A_239 = vector.broadcast %and3A_238 : i32 to vector<16xi32>
        %and3A_240 = arith.andi %gather3A, %and3A_239 : vector<16xi32>
        %shift_right_arithmetic3A_241 = arith.constant 9 : i32
        %shift_right_arithmetic3A_242 = vector.broadcast %shift_right_arithmetic3A_241 : i32 to vector<16xi32>
        %shift_right_arithmetic3A_243 = arith.shrsi %gather3A, %shift_right_arithmetic3A_242 : vector<16xi32>
        %broadcast_in_dim3A_244 = arith.constant 0 : i32
        %broadcast_in_dim3A_245 = vector.broadcast %broadcast_in_dim3A_244 : i32 to vector<16xi32>
        %add3A_246 = arith.addi %broadcast_in_dim3A_245, %iota3A : vector<16xi32>
        %gather3A_247 = tpu.vector_load_idx %arg14[%add3A_246] : memref<128xf32, #tpu.memory_space<vmem>>[vector<16xi32>], vector<16xf32>,
        %broadcast_in_dim3A_248 = arith.constant 16 : i32
        %broadcast_in_dim3A_249 = vector.broadcast %broadcast_in_dim3A_248 : i32 to vector<16xi32>
        %add3A_250 = arith.addi %broadcast_in_dim3A_249, %iota3A : vector<16xi32>
        %gather3A_251 = tpu.vector_load_idx %arg14[%add3A_250] : memref<128xf32, #tpu.memory_space<vmem>>[vector<16xi32>], vector<16xf32>,
        %broadcast_in_dim3A_252 = arith.constant 32 : i32
        %broadcast_in_dim3A_253 = vector.broadcast %broadcast_in_dim3A_252 : i32 to vector<16xi32>
        %add3A_254 = arith.addi %broadcast_in_dim3A_253, %iota3A : vector<16xi32>
        %gather3A_255 = tpu.vector_load_idx %arg14[%add3A_254] : memref<128xf32, #tpu.memory_space<vmem>>[vector<16xi32>], vector<16xf32>,
        %broadcast_in_dim3A_256 = arith.constant 48 : i32
        %broadcast_in_dim3A_257 = vector.broadcast %broadcast_in_dim3A_256 : i32 to vector<16xi32>
        %add3A_258 = arith.addi %broadcast_in_dim3A_257, %iota3A : vector<16xi32>
        %gather3A_259 = tpu.vector_load_idx %arg14[%add3A_258] : memref<128xf32, #tpu.memory_space<vmem>>[vector<16xi32>], vector<16xf32>,
        %broadcast_in_dim3A_260 = arith.constant 64 : i32
        %broadcast_in_dim3A_261 = vector.broadcast %broadcast_in_dim3A_260 : i32 to vector<16xi32>
        %add3A_262 = arith.addi %broadcast_in_dim3A_261, %iota3A : vector<16xi32>
        %gather3A_263 = tpu.vector_load_idx %arg14[%add3A_262] : memref<128xf32, #tpu.memory_space<vmem>>[vector<16xi32>], vector<16xf32>,
        %broadcast_in_dim3A_264 = arith.constant 80 : i32
        %broadcast_in_dim3A_265 = vector.broadcast %broadcast_in_dim3A_264 : i32 to vector<16xi32>
        %add3A_266 = arith.addi %broadcast_in_dim3A_265, %iota3A : vector<16xi32>
        %gather3A_267 = tpu.vector_load_idx %arg14[%add3A_266] : memref<128xf32, #tpu.memory_space<vmem>>[vector<16xi32>], vector<16xf32>,
        %broadcast_in_dim3A_268 = arith.constant 96 : i32
        %broadcast_in_dim3A_269 = vector.broadcast %broadcast_in_dim3A_268 : i32 to vector<16xi32>
        %add3A_270 = arith.addi %broadcast_in_dim3A_269, %iota3A : vector<16xi32>
        %gather3A_271 = tpu.vector_load_idx %arg14[%add3A_270] : memref<128xf32, #tpu.memory_space<vmem>>[vector<16xi32>], vector<16xf32>,
        %scan3A_272 = arith.constant 0 : i32
        %scan3A_273 = arith.constant 64 : i32
        %scan3A_274 = arith.addi %scan3A_272, %scan3A_273 : i32
        %scan3A_275 = arith.constant 1 : i32
        %scan3A_276:7 = scf.for %scan3A_393 = %scan3A_272 to %scan3A_274 step %scan3A_275 iter_args(%scan3A_394 = %gather3A_247, %scan3A_395 = %gather3A_251, %scan3A_396 = %gather3A_255, %scan3A_397 = %gather3A_259, %scan3A_398 = %gather3A_263, %scan3A_399 = %gather3A_267, %scan3A_400 = %gather3A_271) -> (vector<16xf32>, vector<16xf32>, vector<16xf32>, vector<16xf32>, vector<16xf32>, vector<16xf32>, vector<16xf32>)  : i32 {
          %mul3A_401 = arith.constant 4 : i32
          %mul3A_402 = arith.muli %and3A_182, %mul3A_401 : i32
          %shift_right_arithmetic3A_403 = arith.constant 7 : i32
          %shift_right_arithmetic3A_404 = vector.broadcast %shift_right_arithmetic3A_403 : i32 to vector<16xi32>
          %shift_right_arithmetic3A_405 = arith.shrsi %and3A_240, %shift_right_arithmetic3A_404 : vector<16xi32>
          %add3A_406 = vector.broadcast %mul3A_402 : i32 to vector<16xi32>
          %add3A_407 = arith.addi %add3A_406, %shift_right_arithmetic3A_405 : vector<16xi32>
          %broadcast_in_dim3A_408 = vector.broadcast %scan3A_393 : i32 to vector<16xi32>
          %and3A_409 = arith.constant 127 : i32
          %and3A_410 = vector.broadcast %and3A_409 : i32 to vector<16xi32>
          %and3A_411 = arith.andi %and3A_240, %and3A_410 : vector<16xi32>
          %gather3A_412 = tpu.vector_load_idx %arg11[%add3A_407, %broadcast_in_dim3A_408, %and3A_411] : memref<8x64x128xf32, #tpu.memory_space<vmem>>[vector<16xi32>, vector<16xi32>, vector<16xi32>], vector<16xf32>,
          %broadcast_in_dim3A_413 = arith.constant 0 : i32
          %broadcast_in_dim3A_414 = vector.broadcast %broadcast_in_dim3A_413 : i32 to vector<16xi32>
          %mul3A_415 = arith.constant 16 : i32
          %mul3A_416 = arith.muli %scan3A_393, %mul3A_415 : i32
          %add3A_417 = vector.broadcast %mul3A_416 : i32 to vector<16xi32>
          %add3A_418 = arith.addi %broadcast_in_dim3A_414, %add3A_417 : vector<16xi32>
          %add3A_419 = arith.addi %add3A_418, %iota3A : vector<16xi32>
          %gather3A_420 = tpu.vector_load_idx %arg13[%add3A_419] : memref<7168xf32, #tpu.memory_space<vmem>>[vector<16xi32>], vector<16xf32>,
          %mul3A_421 = arith.mulf %gather3A_412, %gather3A_420 : vector<16xf32>
          %add3A_422 = arith.addf %scan3A_394, %mul3A_421 : vector<16xf32>
          %broadcast_in_dim3A_423 = arith.constant 1024 : i32
          %broadcast_in_dim3A_424 = vector.broadcast %broadcast_in_dim3A_423 : i32 to vector<16xi32>
          %mul3A_425 = arith.constant 16 : i32
          %mul3A_426 = arith.muli %scan3A_393, %mul3A_425 : i32
          %add3A_427 = vector.broadcast %mul3A_426 : i32 to vector<16xi32>
          %add3A_428 = arith.addi %broadcast_in_dim3A_424, %add3A_427 : vector<16xi32>
          %add3A_429 = arith.addi %add3A_428, %iota3A : vector<16xi32>
          %gather3A_430 = tpu.vector_load_idx %arg13[%add3A_429] : memref<7168xf32, #tpu.memory_space<vmem>>[vector<16xi32>], vector<16xf32>,
          %mul3A_431 = arith.mulf %gather3A_412, %gather3A_430 : vector<16xf32>
          %add3A_432 = arith.addf %scan3A_395, %mul3A_431 : vector<16xf32>
          %broadcast_in_dim3A_433 = arith.constant 2048 : i32
          %broadcast_in_dim3A_434 = vector.broadcast %broadcast_in_dim3A_433 : i32 to vector<16xi32>
          %mul3A_435 = arith.constant 16 : i32
          %mul3A_436 = arith.muli %scan3A_393, %mul3A_435 : i32
          %add3A_437 = vector.broadcast %mul3A_436 : i32 to vector<16xi32>
          %add3A_438 = arith.addi %broadcast_in_dim3A_434, %add3A_437 : vector<16xi32>
          %add3A_439 = arith.addi %add3A_438, %iota3A : vector<16xi32>
          %gather3A_440 = tpu.vector_load_idx %arg13[%add3A_439] : memref<7168xf32, #tpu.memory_space<vmem>>[vector<16xi32>], vector<16xf32>,
          %mul3A_441 = arith.mulf %gather3A_412, %gather3A_440 : vector<16xf32>
          %add3A_442 = arith.addf %scan3A_396, %mul3A_441 : vector<16xf32>
          %broadcast_in_dim3A_443 = arith.constant 3072 : i32
          %broadcast_in_dim3A_444 = vector.broadcast %broadcast_in_dim3A_443 : i32 to vector<16xi32>
          %mul3A_445 = arith.constant 16 : i32
          %mul3A_446 = arith.muli %scan3A_393, %mul3A_445 : i32
          %add3A_447 = vector.broadcast %mul3A_446 : i32 to vector<16xi32>
          %add3A_448 = arith.addi %broadcast_in_dim3A_444, %add3A_447 : vector<16xi32>
          %add3A_449 = arith.addi %add3A_448, %iota3A : vector<16xi32>
          %gather3A_450 = tpu.vector_load_idx %arg13[%add3A_449] : memref<7168xf32, #tpu.memory_space<vmem>>[vector<16xi32>], vector<16xf32>,
          %mul3A_451 = arith.mulf %gather3A_412, %gather3A_450 : vector<16xf32>
          %add3A_452 = arith.addf %scan3A_397, %mul3A_451 : vector<16xf32>
          %broadcast_in_dim3A_453 = arith.constant 4096 : i32
          %broadcast_in_dim3A_454 = vector.broadcast %broadcast_in_dim3A_453 : i32 to vector<16xi32>
          %mul3A_455 = arith.constant 16 : i32
          %mul3A_456 = arith.muli %scan3A_393, %mul3A_455 : i32
          %add3A_457 = vector.broadcast %mul3A_456 : i32 to vector<16xi32>
          %add3A_458 = arith.addi %broadcast_in_dim3A_454, %add3A_457 : vector<16xi32>
          %add3A_459 = arith.addi %add3A_458, %iota3A : vector<16xi32>
          %gather3A_460 = tpu.vector_load_idx %arg13[%add3A_459] : memref<7168xf32, #tpu.memory_space<vmem>>[vector<16xi32>], vector<16xf32>,
          %mul3A_461 = arith.mulf %gather3A_412, %gather3A_460 : vector<16xf32>
          %add3A_462 = arith.addf %scan3A_398, %mul3A_461 : vector<16xf32>
          %broadcast_in_dim3A_463 = arith.constant 5120 : i32
          %broadcast_in_dim3A_464 = vector.broadcast %broadcast_in_dim3A_463 : i32 to vector<16xi32>
          %mul3A_465 = arith.constant 16 : i32
          %mul3A_466 = arith.muli %scan3A_393, %mul3A_465 : i32
          %add3A_467 = vector.broadcast %mul3A_466 : i32 to vector<16xi32>
          %add3A_468 = arith.addi %broadcast_in_dim3A_464, %add3A_467 : vector<16xi32>
          %add3A_469 = arith.addi %add3A_468, %iota3A : vector<16xi32>
          %gather3A_470 = tpu.vector_load_idx %arg13[%add3A_469] : memref<7168xf32, #tpu.memory_space<vmem>>[vector<16xi32>], vector<16xf32>,
          %mul3A_471 = arith.mulf %gather3A_412, %gather3A_470 : vector<16xf32>
          %add3A_472 = arith.addf %scan3A_399, %mul3A_471 : vector<16xf32>
          %broadcast_in_dim3A_473 = arith.constant 6144 : i32
          %broadcast_in_dim3A_474 = vector.broadcast %broadcast_in_dim3A_473 : i32 to vector<16xi32>
          %mul3A_475 = arith.constant 16 : i32
          %mul3A_476 = arith.muli %scan3A_393, %mul3A_475 : i32
          %add3A_477 = vector.broadcast %mul3A_476 : i32 to vector<16xi32>
          %add3A_478 = arith.addi %broadcast_in_dim3A_474, %add3A_477 : vector<16xi32>
          %add3A_479 = arith.addi %add3A_478, %iota3A : vector<16xi32>
          %gather3A_480 = tpu.vector_load_idx %arg13[%add3A_479] : memref<7168xf32, #tpu.memory_space<vmem>>[vector<16xi32>], vector<16xf32>,
          %mul3A_481 = arith.mulf %gather3A_412, %gather3A_480 : vector<16xf32>
          %add3A_482 = arith.addf %scan3A_400, %mul3A_481 : vector<16xf32>
          scf.yield %add3A_422, %add3A_432, %add3A_442, %add3A_452, %add3A_462, %add3A_472, %add3A_482 : vector<16xf32>, vector<16xf32>, vector<16xf32>, vector<16xf32>, vector<16xf32>, vector<16xf32>, vector<16xf32>
        }
        %scan3A_277 = arith.constant 64 : i32
        %broadcast_in_dim3A_278 = arith.constant 0 : i32
        %broadcast_in_dim3A_279 = vector.broadcast %broadcast_in_dim3A_278 : i32 to vector<16xi32>
        %broadcast_in_dim3A_280 = arith.constant 0 : i32
        %broadcast_in_dim3A_281 = vector.broadcast %broadcast_in_dim3A_280 : i32 to vector<16xi32>
        %add3A_282 = arith.addi %broadcast_in_dim3A_281, %iota3A : vector<16xi32>
        %mul3A_283 = arith.constant 7 : i32
        %mul3A_284 = vector.broadcast %mul3A_283 : i32 to vector<16xi32>
        %mul3A_285 = arith.muli %shift_right_arithmetic3A_243, %mul3A_284 : vector<16xi32>
        %add3A_286 = arith.constant 0 : i32
        %add3A_287 = vector.broadcast %add3A_286 : i32 to vector<16xi32>
        %add3A_288 = arith.addi %mul3A_285, %add3A_287 : vector<16xi32>
        tpu.vector_store_idx %arg15[%broadcast_in_dim3A_279, %add3A_282], %add3A_288 : memref<8x128xi32, #tpu.memory_space<vmem>>[vector<16xi32>, vector<16xi32>], vector<16xi32>,
        %broadcast_in_dim3A_289 = arith.constant 0 : i32
        %broadcast_in_dim3A_290 = vector.broadcast %broadcast_in_dim3A_289 : i32 to vector<16xi32>
        %add3A_291 = arith.constant 0 : i32
        %add3A_292 = vector.broadcast %add3A_291 : i32 to vector<16xi32>
        %add3A_293 = arith.addi %add3A_292, %broadcast_in_dim3A_290 : vector<16xi32>
        %add3A_294 = arith.addi %add3A_293, %iota3A : vector<16xi32>
        tpu.vector_store_idx %arg16[%add3A_294], %scan3A_276#0 : memref<1024xf32, #tpu.memory_space<vmem>>[vector<16xi32>], vector<16xf32>,
        %broadcast_in_dim3A_295 = arith.constant 16 : i32
        %broadcast_in_dim3A_296 = vector.broadcast %broadcast_in_dim3A_295 : i32 to vector<16xi32>
        %add3A_297 = arith.addi %broadcast_in_dim3A_296, %iota3A : vector<16xi32>
        %mul3A_298 = arith.constant 7 : i32
        %mul3A_299 = vector.broadcast %mul3A_298 : i32 to vector<16xi32>
        %mul3A_300 = arith.muli %shift_right_arithmetic3A_243, %mul3A_299 : vector<16xi32>
        %add3A_301 = arith.constant 1 : i32
        %add3A_302 = vector.broadcast %add3A_301 : i32 to vector<16xi32>
        %add3A_303 = arith.addi %mul3A_300, %add3A_302 : vector<16xi32>
        tpu.vector_store_idx %arg15[%broadcast_in_dim3A_279, %add3A_297], %add3A_303 : memref<8x128xi32, #tpu.memory_space<vmem>>[vector<16xi32>, vector<16xi32>], vector<16xi32>,
        %broadcast_in_dim3A_304 = arith.constant 16 : i32
        %broadcast_in_dim3A_305 = vector.broadcast %broadcast_in_dim3A_304 : i32 to vector<16xi32>
        %add3A_306 = arith.constant 0 : i32
        %add3A_307 = vector.broadcast %add3A_306 : i32 to vector<16xi32>
        %add3A_308 = arith.addi %add3A_307, %broadcast_in_dim3A_305 : vector<16xi32>
        %add3A_309 = arith.addi %add3A_308, %iota3A : vector<16xi32>
        tpu.vector_store_idx %arg16[%add3A_309], %scan3A_276#1 : memref<1024xf32, #tpu.memory_space<vmem>>[vector<16xi32>], vector<16xf32>,
        %broadcast_in_dim3A_310 = arith.constant 32 : i32
        %broadcast_in_dim3A_311 = vector.broadcast %broadcast_in_dim3A_310 : i32 to vector<16xi32>
        %add3A_312 = arith.addi %broadcast_in_dim3A_311, %iota3A : vector<16xi32>
        %mul3A_313 = arith.constant 7 : i32
        %mul3A_314 = vector.broadcast %mul3A_313 : i32 to vector<16xi32>
        %mul3A_315 = arith.muli %shift_right_arithmetic3A_243, %mul3A_314 : vector<16xi32>
        %add3A_316 = arith.constant 2 : i32
        %add3A_317 = vector.broadcast %add3A_316 : i32 to vector<16xi32>
        %add3A_318 = arith.addi %mul3A_315, %add3A_317 : vector<16xi32>
        tpu.vector_store_idx %arg15[%broadcast_in_dim3A_279, %add3A_312], %add3A_318 : memref<8x128xi32, #tpu.memory_space<vmem>>[vector<16xi32>, vector<16xi32>], vector<16xi32>,
        %broadcast_in_dim3A_319 = arith.constant 32 : i32
        %broadcast_in_dim3A_320 = vector.broadcast %broadcast_in_dim3A_319 : i32 to vector<16xi32>
        %add3A_321 = arith.constant 0 : i32
        %add3A_322 = vector.broadcast %add3A_321 : i32 to vector<16xi32>
        %add3A_323 = arith.addi %add3A_322, %broadcast_in_dim3A_320 : vector<16xi32>
        %add3A_324 = arith.addi %add3A_323, %iota3A : vector<16xi32>
        tpu.vector_store_idx %arg16[%add3A_324], %scan3A_276#2 : memref<1024xf32, #tpu.memory_space<vmem>>[vector<16xi32>], vector<16xf32>,
        %broadcast_in_dim3A_325 = arith.constant 48 : i32
        %broadcast_in_dim3A_326 = vector.broadcast %broadcast_in_dim3A_325 : i32 to vector<16xi32>
        %add3A_327 = arith.addi %broadcast_in_dim3A_326, %iota3A : vector<16xi32>
        %mul3A_328 = arith.constant 7 : i32
        %mul3A_329 = vector.broadcast %mul3A_328 : i32 to vector<16xi32>
        %mul3A_330 = arith.muli %shift_right_arithmetic3A_243, %mul3A_329 : vector<16xi32>
        %add3A_331 = arith.constant 3 : i32
        %add3A_332 = vector.broadcast %add3A_331 : i32 to vector<16xi32>
        %add3A_333 = arith.addi %mul3A_330, %add3A_332 : vector<16xi32>
        tpu.vector_store_idx %arg15[%broadcast_in_dim3A_279, %add3A_327], %add3A_333 : memref<8x128xi32, #tpu.memory_space<vmem>>[vector<16xi32>, vector<16xi32>], vector<16xi32>,
        %broadcast_in_dim3A_334 = arith.constant 48 : i32
        %broadcast_in_dim3A_335 = vector.broadcast %broadcast_in_dim3A_334 : i32 to vector<16xi32>
        %add3A_336 = arith.constant 0 : i32
        %add3A_337 = vector.broadcast %add3A_336 : i32 to vector<16xi32>
        %add3A_338 = arith.addi %add3A_337, %broadcast_in_dim3A_335 : vector<16xi32>
        %add3A_339 = arith.addi %add3A_338, %iota3A : vector<16xi32>
        tpu.vector_store_idx %arg16[%add3A_339], %scan3A_276#3 : memref<1024xf32, #tpu.memory_space<vmem>>[vector<16xi32>], vector<16xf32>,
        %broadcast_in_dim3A_340 = arith.constant 64 : i32
        %broadcast_in_dim3A_341 = vector.broadcast %broadcast_in_dim3A_340 : i32 to vector<16xi32>
        %add3A_342 = arith.addi %broadcast_in_dim3A_341, %iota3A : vector<16xi32>
        %mul3A_343 = arith.constant 7 : i32
        %mul3A_344 = vector.broadcast %mul3A_343 : i32 to vector<16xi32>
        %mul3A_345 = arith.muli %shift_right_arithmetic3A_243, %mul3A_344 : vector<16xi32>
        %add3A_346 = arith.constant 4 : i32
        %add3A_347 = vector.broadcast %add3A_346 : i32 to vector<16xi32>
        %add3A_348 = arith.addi %mul3A_345, %add3A_347 : vector<16xi32>
        tpu.vector_store_idx %arg15[%broadcast_in_dim3A_279, %add3A_342], %add3A_348 : memref<8x128xi32, #tpu.memory_space<vmem>>[vector<16xi32>, vector<16xi32>], vector<16xi32>,
        %broadcast_in_dim3A_349 = arith.constant 64 : i32
        %broadcast_in_dim3A_350 = vector.broadcast %broadcast_in_dim3A_349 : i32 to vector<16xi32>
        %add3A_351 = arith.constant 0 : i32
        %add3A_352 = vector.broadcast %add3A_351 : i32 to vector<16xi32>
        %add3A_353 = arith.addi %add3A_352, %broadcast_in_dim3A_350 : vector<16xi32>
        %add3A_354 = arith.addi %add3A_353, %iota3A : vector<16xi32>
        tpu.vector_store_idx %arg16[%add3A_354], %scan3A_276#4 : memref<1024xf32, #tpu.memory_space<vmem>>[vector<16xi32>], vector<16xf32>,
        %broadcast_in_dim3A_355 = arith.constant 80 : i32
        %broadcast_in_dim3A_356 = vector.broadcast %broadcast_in_dim3A_355 : i32 to vector<16xi32>
        %add3A_357 = arith.addi %broadcast_in_dim3A_356, %iota3A : vector<16xi32>
        %mul3A_358 = arith.constant 7 : i32
        %mul3A_359 = vector.broadcast %mul3A_358 : i32 to vector<16xi32>
        %mul3A_360 = arith.muli %shift_right_arithmetic3A_243, %mul3A_359 : vector<16xi32>
        %add3A_361 = arith.constant 5 : i32
        %add3A_362 = vector.broadcast %add3A_361 : i32 to vector<16xi32>
        %add3A_363 = arith.addi %mul3A_360, %add3A_362 : vector<16xi32>
        tpu.vector_store_idx %arg15[%broadcast_in_dim3A_279, %add3A_357], %add3A_363 : memref<8x128xi32, #tpu.memory_space<vmem>>[vector<16xi32>, vector<16xi32>], vector<16xi32>,
        %broadcast_in_dim3A_364 = arith.constant 80 : i32
        %broadcast_in_dim3A_365 = vector.broadcast %broadcast_in_dim3A_364 : i32 to vector<16xi32>
        %add3A_366 = arith.constant 0 : i32
        %add3A_367 = vector.broadcast %add3A_366 : i32 to vector<16xi32>
        %add3A_368 = arith.addi %add3A_367, %broadcast_in_dim3A_365 : vector<16xi32>
        %add3A_369 = arith.addi %add3A_368, %iota3A : vector<16xi32>
        tpu.vector_store_idx %arg16[%add3A_369], %scan3A_276#5 : memref<1024xf32, #tpu.memory_space<vmem>>[vector<16xi32>], vector<16xf32>,
        %broadcast_in_dim3A_370 = arith.constant 96 : i32
        %broadcast_in_dim3A_371 = vector.broadcast %broadcast_in_dim3A_370 : i32 to vector<16xi32>
        %add3A_372 = arith.addi %broadcast_in_dim3A_371, %iota3A : vector<16xi32>
        %mul3A_373 = arith.constant 7 : i32
        %mul3A_374 = vector.broadcast %mul3A_373 : i32 to vector<16xi32>
        %mul3A_375 = arith.muli %shift_right_arithmetic3A_243, %mul3A_374 : vector<16xi32>
        %add3A_376 = arith.constant 6 : i32
        %add3A_377 = vector.broadcast %add3A_376 : i32 to vector<16xi32>
        %add3A_378 = arith.addi %mul3A_375, %add3A_377 : vector<16xi32>
        tpu.vector_store_idx %arg15[%broadcast_in_dim3A_279, %add3A_372], %add3A_378 : memref<8x128xi32, #tpu.memory_space<vmem>>[vector<16xi32>, vector<16xi32>], vector<16xi32>,
        %broadcast_in_dim3A_379 = arith.constant 96 : i32
        %broadcast_in_dim3A_380 = vector.broadcast %broadcast_in_dim3A_379 : i32 to vector<16xi32>
        %add3A_381 = arith.constant 0 : i32
        %add3A_382 = vector.broadcast %add3A_381 : i32 to vector<16xi32>
        %add3A_383 = arith.addi %add3A_382, %broadcast_in_dim3A_380 : vector<16xi32>
        %add3A_384 = arith.addi %add3A_383, %iota3A : vector<16xi32>
        tpu.vector_store_idx %arg16[%add3A_384], %scan3A_276#6 : memref<1024xf32, #tpu.memory_space<vmem>>[vector<16xi32>], vector<16xf32>,
        %broadcast_in_dim3A_385 = arith.constant 112 : i32
        %broadcast_in_dim3A_386 = vector.broadcast %broadcast_in_dim3A_385 : i32 to vector<16xi32>
        %add3A_387 = arith.addi %broadcast_in_dim3A_386, %iota3A : vector<16xi32>
        %broadcast_in_dim3A_388 = arith.constant 114688 : i32
        %broadcast_in_dim3A_389 = vector.broadcast %broadcast_in_dim3A_388 : i32 to vector<16xi32>
        %add3A_390 = arith.addi %broadcast_in_dim3A_389, %iota3A : vector<16xi32>
        tpu.vector_store_idx %arg15[%broadcast_in_dim3A_279, %add3A_387], %add3A_390 : memref<8x128xi32, #tpu.memory_space<vmem>>[vector<16xi32>, vector<16xi32>], vector<16xi32>,
        %run_scoped3A = arith.constant 0 : i32
        "tpu.region"() ({
          %run_scoped3A_393 = tpu.sem_alloc : memref<!tpu.dma_semaphore, #tpu.memory_space<semaphore_mem>>
          %dma_start3A_394 = arith.constant 0 : i32
          %dma_start3A_395 = tpu.memref_slice %arg16[%dma_start3A_394] : memref<1024xf32, #tpu.memory_space<vmem>> -> memref<128xf32, #tpu.memory_space<vmem>>
          %dma_start3A_396 = arith.constant 0 : i32
          %dma_start3A_397 = tpu.memref_slice %arg15[%run_scoped3A, %dma_start3A_396] : memref<8x128xi32, #tpu.memory_space<vmem>> -> memref<1x128xi32, #tpu.memory_space<vmem>>
          %dma_start3A_398 = tpu.memref_squeeze %dma_start3A_397 : memref<1x128xi32, #tpu.memory_space<vmem>> -> memref<128xi32, #tpu.memory_space<vmem>>
          %dma_start3A_399 = arith.constant 0 : i32
          %dma_start3A_400 = tpu.memref_slice %arg18[%dma_start3A_399] : memref<114944xf32, #tpu.memory_space<vmem_shared>> -> memref<114944xf32, #tpu.memory_space<vmem_shared>>
          tpu.enqueue_indirect_dma source(%dma_start3A_395 : memref<128xf32, #tpu.memory_space<vmem>>) target(%dma_start3A_400 : memref<114944xf32, #tpu.memory_space<vmem_shared>>) offsets(%dma_start3A_398 : memref<128xi32, #tpu.memory_space<vmem>>) semaphore(%run_scoped3A_393 : memref<!tpu.dma_semaphore, #tpu.memory_space<semaphore_mem>>)
          %dma_wait3A = arith.constant 0 : i32
          %dma_wait3A_401 = tpu.memref_slice %arg16[%dma_wait3A] : memref<1024xf32, #tpu.memory_space<vmem>> -> memref<128xf32, #tpu.memory_space<vmem>>
          %dma_wait3A_402 = arith.constant 0 : i32
          %dma_wait3A_403 = tpu.memref_slice %arg15[%run_scoped3A, %dma_wait3A_402] : memref<8x128xi32, #tpu.memory_space<vmem>> -> memref<1x128xi32, #tpu.memory_space<vmem>>
          %dma_wait3A_404 = tpu.memref_squeeze %dma_wait3A_403 : memref<1x128xi32, #tpu.memory_space<vmem>> -> memref<128xi32, #tpu.memory_space<vmem>>
          %dma_wait3A_405 = arith.constant 0 : i32
          %dma_wait3A_406 = tpu.memref_slice %arg18[%dma_wait3A_405] : memref<114944xf32, #tpu.memory_space<vmem_shared>> -> memref<114944xf32, #tpu.memory_space<vmem_shared>>
          tpu.wait_indirect_dma semaphore(%run_scoped3A_393 : memref<!tpu.dma_semaphore, #tpu.memory_space<semaphore_mem>>) src(%dma_wait3A_401 : memref<128xf32, #tpu.memory_space<vmem>>) dst(%dma_wait3A_406 : memref<114944xf32, #tpu.memory_space<vmem_shared>>)
          tpu.yield
        }) : () -> ()
        %add3A_391 = arith.constant 1 : i32
        %add3A_392 = arith.addi %while3A_233, %add3A_391 : i32
        scf.yield %add3A_392 : i32
      }
      scf.yield %while3A_231 : i32
    }
    %convert_element_type3A_168 = arith.extui %eq3A_3 : i1 to i32
    %cond3A = arith.constant 0 : i32
    %cond3A_169 = arith.cmpi ne, %convert_element_type3A_168, %cond3A : i32
    scf.if %cond3A_169 {
      "tpu.region"() ({
        %run_scoped3A = tpu.sem_alloc : memref<!tpu.dma_semaphore, #tpu.memory_space<semaphore_mem>>
        tpu.enqueue_dma source(%arg4 : memref<4096xf32, #tpu.memory_space<hbm>>) target(%arg12 : memref<4096xf32, #tpu.memory_space<vmem>>) target_semaphore(%run_scoped3A : memref<!tpu.dma_semaphore, #tpu.memory_space<semaphore_mem>>)
        tpu.wait_dma2 semaphore(%run_scoped3A : memref<!tpu.dma_semaphore, #tpu.memory_space<semaphore_mem>>) src(%arg4 : memref<4096xf32, #tpu.memory_space<hbm>>) dst(%arg12 : memref<4096xf32, #tpu.memory_space<vmem>>)
        tpu.yield
      }) : () -> ()
      %broadcast_in_dim3A_180 = arith.constant 0 : i32
      %broadcast_in_dim3A_181 = vector.broadcast %broadcast_in_dim3A_180 : i32 to vector<16xi32>
      %while3A_182 = arith.constant 0 : i32
      %while3A_183 = arith.subi %shift_right_arithmetic3A_91, %while3A_182 : i32
      %while3A_184 = arith.addi %while3A_182, %while3A_183 : i32
      %while3A_185 = arith.constant 1 : i32
      %while3A_186 = arith.divsi %while3A_183, %while3A_185 : i32
      %while3A_187 = arith.muli %while3A_186, %while3A_185 : i32
      %while3A_188 = arith.addi %while3A_182, %while3A_187 : i32
      %while3A_189 = arith.constant 1 : i32
      %while3A_190 = scf.for %while3A_220 = %while3A_182 to %while3A_188 step %while3A_189 iter_args(%while3A_221 = %broadcast_in_dim3A_181) -> (vector<16xi32>)  : i32 {
        %mul3A_222 = arith.constant 16 : i32
        %mul3A_223 = arith.muli %while3A_220, %mul3A_222 : i32
        %broadcast_in_dim3A_224 = vector.broadcast %mul3A_223 : i32 to vector<16xi32>
        %add3A_225 = arith.addi %broadcast_in_dim3A_224, %iota3A : vector<16xi32>
        %gather3A = tpu.vector_load_idx %arg9[%add3A_225] : memref<16416xi32, #tpu.memory_space<vmem>>[vector<16xi32>], vector<16xi32>,
        %and3A = arith.constant 32767 : i32
        %and3A_226 = vector.broadcast %and3A : i32 to vector<16xi32>
        %and3A_227 = arith.andi %gather3A, %and3A_226 : vector<16xi32>
        %shift_right_arithmetic3A_228 = arith.constant 15 : i32
        %shift_right_arithmetic3A_229 = vector.broadcast %shift_right_arithmetic3A_228 : i32 to vector<16xi32>
        %shift_right_arithmetic3A_230 = arith.shrsi %gather3A, %shift_right_arithmetic3A_229 : vector<16xi32>
        %sub3A = arith.constant 31744 : i32
        %sub3A_231 = vector.broadcast %sub3A : i32 to vector<16xi32>
        %sub3A_232 = arith.subi %and3A_227, %sub3A_231 : vector<16xi32>
        %ge3A = arith.constant 0 : i32
        %ge3A_233 = vector.broadcast %ge3A : i32 to vector<16xi32>
        %ge3A_234 = arith.cmpi sge, %sub3A_232, %ge3A_233 : vector<16xi32>
        %lt3A = arith.constant 512 : i32
        %lt3A_235 = vector.broadcast %lt3A : i32 to vector<16xi32>
        %lt3A_236 = arith.cmpi slt, %sub3A_232, %lt3A_235 : vector<16xi32>
        %and3A_237 = arith.andi %ge3A_234, %lt3A_236 : vector<16xi1>
        %convert_element_type3A_238 = arith.extui %and3A_237 : vector<16xi1> to vector<16xi32>
        %mul3A_239 = arith.constant 512 : i32
        %mul3A_240 = vector.broadcast %mul3A_239 : i32 to vector<16xi32>
        %mul3A_241 = arith.muli %shift_right_arithmetic3A_230, %mul3A_240 : vector<16xi32>
        %add3A_242 = arith.addi %mul3A_241, %sub3A_232 : vector<16xi32>
        %broadcast_in_dim3A_243 = arith.constant true
        %broadcast_in_dim3A_244 = vector.broadcast %broadcast_in_dim3A_243 : i1 to vector<16xi1>
        %masked_cumsum3A = tpu.scan <sum>, %convert_element_type3A_238 masked %broadcast_in_dim3A_244 : vector<16xi32>, vector<16xi1> -> vector<16xi32>
        %add3A_245 = arith.addi %while3A_221, %masked_cumsum3A : vector<16xi32>
        %sub3A_246 = arith.subi %add3A_245, %convert_element_type3A_238 : vector<16xi32>
        tpu.vector_store_idx %arg10[%sub3A_246], %add3A_242 masked %and3A_237 : memref<16400xi32, #tpu.memory_space<vmem>>[vector<16xi32>], vector<16xi32>, vector<16xi1>
        %all_reduce_population_count3A = tpu.all_reduce %and3A_237 {dim = 0 : i64, kind = #tpu.reduction_kind<sum>} : vector<16xi1> -> vector<16xi32>
        %add3A_247 = arith.addi %while3A_221, %all_reduce_population_count3A : vector<16xi32>
        scf.yield %add3A_247 : vector<16xi32>
      }
      %while3A_191 = arith.constant 1 : i32
      %while3A_192 = scf.for %while3A_220 = %while3A_188 to %while3A_184 step %while3A_191 iter_args(%while3A_221 = %while3A_190) -> (vector<16xi32>)  : i32 {
        %mul3A_222 = arith.constant 16 : i32
        %mul3A_223 = arith.muli %while3A_220, %mul3A_222 : i32
        %broadcast_in_dim3A_224 = vector.broadcast %mul3A_223 : i32 to vector<16xi32>
        %add3A_225 = arith.addi %broadcast_in_dim3A_224, %iota3A : vector<16xi32>
        %gather3A = tpu.vector_load_idx %arg9[%add3A_225] : memref<16416xi32, #tpu.memory_space<vmem>>[vector<16xi32>], vector<16xi32>,
        %and3A = arith.constant 32767 : i32
        %and3A_226 = vector.broadcast %and3A : i32 to vector<16xi32>
        %and3A_227 = arith.andi %gather3A, %and3A_226 : vector<16xi32>
        %shift_right_arithmetic3A_228 = arith.constant 15 : i32
        %shift_right_arithmetic3A_229 = vector.broadcast %shift_right_arithmetic3A_228 : i32 to vector<16xi32>
        %shift_right_arithmetic3A_230 = arith.shrsi %gather3A, %shift_right_arithmetic3A_229 : vector<16xi32>
        %sub3A = arith.constant 31744 : i32
        %sub3A_231 = vector.broadcast %sub3A : i32 to vector<16xi32>
        %sub3A_232 = arith.subi %and3A_227, %sub3A_231 : vector<16xi32>
        %ge3A = arith.constant 0 : i32
        %ge3A_233 = vector.broadcast %ge3A : i32 to vector<16xi32>
        %ge3A_234 = arith.cmpi sge, %sub3A_232, %ge3A_233 : vector<16xi32>
        %lt3A = arith.constant 512 : i32
        %lt3A_235 = vector.broadcast %lt3A : i32 to vector<16xi32>
        %lt3A_236 = arith.cmpi slt, %sub3A_232, %lt3A_235 : vector<16xi32>
        %and3A_237 = arith.andi %ge3A_234, %lt3A_236 : vector<16xi1>
        %convert_element_type3A_238 = arith.extui %and3A_237 : vector<16xi1> to vector<16xi32>
        %mul3A_239 = arith.constant 512 : i32
        %mul3A_240 = vector.broadcast %mul3A_239 : i32 to vector<16xi32>
        %mul3A_241 = arith.muli %shift_right_arithmetic3A_230, %mul3A_240 : vector<16xi32>
        %add3A_242 = arith.addi %mul3A_241, %sub3A_232 : vector<16xi32>
        %broadcast_in_dim3A_243 = arith.constant true
        %broadcast_in_dim3A_244 = vector.broadcast %broadcast_in_dim3A_243 : i1 to vector<16xi1>
        %masked_cumsum3A = tpu.scan <sum>, %convert_element_type3A_238 masked %broadcast_in_dim3A_244 : vector<16xi32>, vector<16xi1> -> vector<16xi32>
        %add3A_245 = arith.addi %while3A_221, %masked_cumsum3A : vector<16xi32>
        %sub3A_246 = arith.subi %add3A_245, %convert_element_type3A_238 : vector<16xi32>
        tpu.vector_store_idx %arg10[%sub3A_246], %add3A_242 masked %and3A_237 : memref<16400xi32, #tpu.memory_space<vmem>>[vector<16xi32>], vector<16xi32>, vector<16xi1>
        %all_reduce_population_count3A = tpu.all_reduce %and3A_237 {dim = 0 : i64, kind = #tpu.reduction_kind<sum>} : vector<16xi1> -> vector<16xi32>
        %add3A_247 = arith.addi %while3A_221, %all_reduce_population_count3A : vector<16xi32>
        scf.yield %add3A_247 : vector<16xi32>
      }
      %add3A_193 = arith.addi %while3A_192, %iota3A : vector<16xi32>
      %broadcast_in_dim3A_194 = arith.constant 8388608 : i32
      %broadcast_in_dim3A_195 = vector.broadcast %broadcast_in_dim3A_194 : i32 to vector<16xi32>
      tpu.vector_store_idx %arg10[%add3A_193], %broadcast_in_dim3A_195 : memref<16400xi32, #tpu.memory_space<vmem>>[vector<16xi32>], vector<16xi32>,
      %reduce_max3A_196 = arith.constant true
      %reduce_max3A_197 = vector.broadcast %reduce_max3A_196 : i1 to vector<16xi1>
      %reduce_max3A_198 = arith.constant -2147483648 : i32
      %reduce_max3A_199 = vector.broadcast %reduce_max3A_198 : i32 to vector<16xi32>
      %reduce_max3A_200 = arith.xori %while3A_192, %reduce_max3A_199 : vector<16xi32>
      %reduce_max3A_201 = tpu.scan <max>, %reduce_max3A_200 masked %reduce_max3A_197 : vector<16xi32>, vector<16xi1> -> vector<16xi32>
      %reduce_max3A_202 = arith.xori %reduce_max3A_201, %reduce_max3A_199 : vector<16xi32>
      %reduce_max3A_203 = vector.extract %reduce_max3A_202[15] : i32 from vector<16xi32>
      %add3A_204 = arith.constant 15 : i32
      %add3A_205 = arith.addi %reduce_max3A_203, %add3A_204 : i32
      %shift_right_arithmetic3A_206 = arith.constant 4 : i32
      %shift_right_arithmetic3A_207 = arith.shrsi %add3A_205, %shift_right_arithmetic3A_206 : i32
      %while3A_208 = arith.constant 0 : i32
      %while3A_209 = arith.constant 0 : i32
      %while3A_210 = arith.subi %shift_right_arithmetic3A_207, %while3A_208 : i32
      %while3A_211 = arith.addi %while3A_208, %while3A_210 : i32
      %while3A_212 = arith.constant 1 : i32
      %while3A_213 = arith.divsi %while3A_210, %while3A_212 : i32
      %while3A_214 = arith.muli %while3A_213, %while3A_212 : i32
      %while3A_215 = arith.addi %while3A_208, %while3A_214 : i32
      %while3A_216 = arith.constant 1 : i32
      %while3A_217 = scf.for %while3A_220 = %while3A_208 to %while3A_215 step %while3A_216 iter_args(%while3A_221 = %while3A_209) -> (i32)  : i32 {
        %mul3A_222 = arith.constant 16 : i32
        %mul3A_223 = arith.muli %while3A_220, %mul3A_222 : i32
        %broadcast_in_dim3A_224 = vector.broadcast %mul3A_223 : i32 to vector<16xi32>
        %add3A_225 = arith.addi %broadcast_in_dim3A_224, %iota3A : vector<16xi32>
        %gather3A = tpu.vector_load_idx %arg10[%add3A_225] : memref<16400xi32, #tpu.memory_space<vmem>>[vector<16xi32>], vector<16xi32>,
        %and3A = arith.constant 511 : i32
        %and3A_226 = vector.broadcast %and3A : i32 to vector<16xi32>
        %and3A_227 = arith.andi %gather3A, %and3A_226 : vector<16xi32>
        %shift_right_arithmetic3A_228 = arith.constant 9 : i32
        %shift_right_arithmetic3A_229 = vector.broadcast %shift_right_arithmetic3A_228 : i32 to vector<16xi32>
        %shift_right_arithmetic3A_230 = arith.shrsi %gather3A, %shift_right_arithmetic3A_229 : vector<16xi32>
        %broadcast_in_dim3A_231 = arith.constant 0 : i32
        %broadcast_in_dim3A_232 = vector.broadcast %broadcast_in_dim3A_231 : i32 to vector<16xi32>
        %add3A_233 = arith.addi %broadcast_in_dim3A_232, %iota3A : vector<16xi32>
        %gather3A_234 = tpu.vector_load_idx %arg14[%add3A_233] : memref<128xf32, #tpu.memory_space<vmem>>[vector<16xi32>], vector<16xf32>,
        %broadcast_in_dim3A_235 = arith.constant 16 : i32
        %broadcast_in_dim3A_236 = vector.broadcast %broadcast_in_dim3A_235 : i32 to vector<16xi32>
        %add3A_237 = arith.addi %broadcast_in_dim3A_236, %iota3A : vector<16xi32>
        %gather3A_238 = tpu.vector_load_idx %arg14[%add3A_237] : memref<128xf32, #tpu.memory_space<vmem>>[vector<16xi32>], vector<16xf32>,
        %broadcast_in_dim3A_239 = arith.constant 32 : i32
        %broadcast_in_dim3A_240 = vector.broadcast %broadcast_in_dim3A_239 : i32 to vector<16xi32>
        %add3A_241 = arith.addi %broadcast_in_dim3A_240, %iota3A : vector<16xi32>
        %gather3A_242 = tpu.vector_load_idx %arg14[%add3A_241] : memref<128xf32, #tpu.memory_space<vmem>>[vector<16xi32>], vector<16xf32>,
        %broadcast_in_dim3A_243 = arith.constant 48 : i32
        %broadcast_in_dim3A_244 = vector.broadcast %broadcast_in_dim3A_243 : i32 to vector<16xi32>
        %add3A_245 = arith.addi %broadcast_in_dim3A_244, %iota3A : vector<16xi32>
        %gather3A_246 = tpu.vector_load_idx %arg14[%add3A_245] : memref<128xf32, #tpu.memory_space<vmem>>[vector<16xi32>], vector<16xf32>,
        %broadcast_in_dim3A_247 = arith.constant 64 : i32
        %broadcast_in_dim3A_248 = vector.broadcast %broadcast_in_dim3A_247 : i32 to vector<16xi32>
        %add3A_249 = arith.addi %broadcast_in_dim3A_248, %iota3A : vector<16xi32>
        %gather3A_250 = tpu.vector_load_idx %arg14[%add3A_249] : memref<128xf32, #tpu.memory_space<vmem>>[vector<16xi32>], vector<16xf32>,
        %broadcast_in_dim3A_251 = arith.constant 80 : i32
        %broadcast_in_dim3A_252 = vector.broadcast %broadcast_in_dim3A_251 : i32 to vector<16xi32>
        %add3A_253 = arith.addi %broadcast_in_dim3A_252, %iota3A : vector<16xi32>
        %gather3A_254 = tpu.vector_load_idx %arg14[%add3A_253] : memref<128xf32, #tpu.memory_space<vmem>>[vector<16xi32>], vector<16xf32>,
        %broadcast_in_dim3A_255 = arith.constant 96 : i32
        %broadcast_in_dim3A_256 = vector.broadcast %broadcast_in_dim3A_255 : i32 to vector<16xi32>
        %add3A_257 = arith.addi %broadcast_in_dim3A_256, %iota3A : vector<16xi32>
        %gather3A_258 = tpu.vector_load_idx %arg14[%add3A_257] : memref<128xf32, #tpu.memory_space<vmem>>[vector<16xi32>], vector<16xf32>,
        %scan3A_259 = arith.constant 0 : i32
        %scan3A_260 = arith.constant 64 : i32
        %scan3A_261 = arith.addi %scan3A_259, %scan3A_260 : i32
        %scan3A_262 = arith.constant 1 : i32
        %scan3A_263:7 = scf.for %scan3A_380 = %scan3A_259 to %scan3A_261 step %scan3A_262 iter_args(%scan3A_381 = %gather3A_234, %scan3A_382 = %gather3A_238, %scan3A_383 = %gather3A_242, %scan3A_384 = %gather3A_246, %scan3A_385 = %gather3A_250, %scan3A_386 = %gather3A_254, %scan3A_387 = %gather3A_258) -> (vector<16xf32>, vector<16xf32>, vector<16xf32>, vector<16xf32>, vector<16xf32>, vector<16xf32>, vector<16xf32>)  : i32 {
          %mul3A_388 = arith.constant 64 : i32
          %mul3A_389 = vector.broadcast %mul3A_388 : i32 to vector<16xi32>
          %mul3A_390 = arith.muli %and3A_227, %mul3A_389 : vector<16xi32>
          %add3A_391 = vector.broadcast %scan3A_380 : i32 to vector<16xi32>
          %add3A_392 = arith.addi %mul3A_390, %add3A_391 : vector<16xi32>
          %gather3A_393 = tpu.vector_load_idx %arg12[%add3A_392] : memref<4096xf32, #tpu.memory_space<vmem>>[vector<16xi32>], vector<16xf32>,
          %broadcast_in_dim3A_394 = arith.constant 0 : i32
          %broadcast_in_dim3A_395 = vector.broadcast %broadcast_in_dim3A_394 : i32 to vector<16xi32>
          %mul3A_396 = arith.constant 16 : i32
          %mul3A_397 = arith.muli %scan3A_380, %mul3A_396 : i32
          %add3A_398 = vector.broadcast %mul3A_397 : i32 to vector<16xi32>
          %add3A_399 = arith.addi %broadcast_in_dim3A_395, %add3A_398 : vector<16xi32>
          %add3A_400 = arith.addi %add3A_399, %iota3A : vector<16xi32>
          %gather3A_401 = tpu.vector_load_idx %arg13[%add3A_400] : memref<7168xf32, #tpu.memory_space<vmem>>[vector<16xi32>], vector<16xf32>,
          %mul3A_402 = arith.mulf %gather3A_393, %gather3A_401 : vector<16xf32>
          %add3A_403 = arith.addf %scan3A_381, %mul3A_402 : vector<16xf32>
          %broadcast_in_dim3A_404 = arith.constant 1024 : i32
          %broadcast_in_dim3A_405 = vector.broadcast %broadcast_in_dim3A_404 : i32 to vector<16xi32>
          %mul3A_406 = arith.constant 16 : i32
          %mul3A_407 = arith.muli %scan3A_380, %mul3A_406 : i32
          %add3A_408 = vector.broadcast %mul3A_407 : i32 to vector<16xi32>
          %add3A_409 = arith.addi %broadcast_in_dim3A_405, %add3A_408 : vector<16xi32>
          %add3A_410 = arith.addi %add3A_409, %iota3A : vector<16xi32>
          %gather3A_411 = tpu.vector_load_idx %arg13[%add3A_410] : memref<7168xf32, #tpu.memory_space<vmem>>[vector<16xi32>], vector<16xf32>,
          %mul3A_412 = arith.mulf %gather3A_393, %gather3A_411 : vector<16xf32>
          %add3A_413 = arith.addf %scan3A_382, %mul3A_412 : vector<16xf32>
          %broadcast_in_dim3A_414 = arith.constant 2048 : i32
          %broadcast_in_dim3A_415 = vector.broadcast %broadcast_in_dim3A_414 : i32 to vector<16xi32>
          %mul3A_416 = arith.constant 16 : i32
          %mul3A_417 = arith.muli %scan3A_380, %mul3A_416 : i32
          %add3A_418 = vector.broadcast %mul3A_417 : i32 to vector<16xi32>
          %add3A_419 = arith.addi %broadcast_in_dim3A_415, %add3A_418 : vector<16xi32>
          %add3A_420 = arith.addi %add3A_419, %iota3A : vector<16xi32>
          %gather3A_421 = tpu.vector_load_idx %arg13[%add3A_420] : memref<7168xf32, #tpu.memory_space<vmem>>[vector<16xi32>], vector<16xf32>,
          %mul3A_422 = arith.mulf %gather3A_393, %gather3A_421 : vector<16xf32>
          %add3A_423 = arith.addf %scan3A_383, %mul3A_422 : vector<16xf32>
          %broadcast_in_dim3A_424 = arith.constant 3072 : i32
          %broadcast_in_dim3A_425 = vector.broadcast %broadcast_in_dim3A_424 : i32 to vector<16xi32>
          %mul3A_426 = arith.constant 16 : i32
          %mul3A_427 = arith.muli %scan3A_380, %mul3A_426 : i32
          %add3A_428 = vector.broadcast %mul3A_427 : i32 to vector<16xi32>
          %add3A_429 = arith.addi %broadcast_in_dim3A_425, %add3A_428 : vector<16xi32>
          %add3A_430 = arith.addi %add3A_429, %iota3A : vector<16xi32>
          %gather3A_431 = tpu.vector_load_idx %arg13[%add3A_430] : memref<7168xf32, #tpu.memory_space<vmem>>[vector<16xi32>], vector<16xf32>,
          %mul3A_432 = arith.mulf %gather3A_393, %gather3A_431 : vector<16xf32>
          %add3A_433 = arith.addf %scan3A_384, %mul3A_432 : vector<16xf32>
          %broadcast_in_dim3A_434 = arith.constant 4096 : i32
          %broadcast_in_dim3A_435 = vector.broadcast %broadcast_in_dim3A_434 : i32 to vector<16xi32>
          %mul3A_436 = arith.constant 16 : i32
          %mul3A_437 = arith.muli %scan3A_380, %mul3A_436 : i32
          %add3A_438 = vector.broadcast %mul3A_437 : i32 to vector<16xi32>
          %add3A_439 = arith.addi %broadcast_in_dim3A_435, %add3A_438 : vector<16xi32>
          %add3A_440 = arith.addi %add3A_439, %iota3A : vector<16xi32>
          %gather3A_441 = tpu.vector_load_idx %arg13[%add3A_440] : memref<7168xf32, #tpu.memory_space<vmem>>[vector<16xi32>], vector<16xf32>,
          %mul3A_442 = arith.mulf %gather3A_393, %gather3A_441 : vector<16xf32>
          %add3A_443 = arith.addf %scan3A_385, %mul3A_442 : vector<16xf32>
          %broadcast_in_dim3A_444 = arith.constant 5120 : i32
          %broadcast_in_dim3A_445 = vector.broadcast %broadcast_in_dim3A_444 : i32 to vector<16xi32>
          %mul3A_446 = arith.constant 16 : i32
          %mul3A_447 = arith.muli %scan3A_380, %mul3A_446 : i32
          %add3A_448 = vector.broadcast %mul3A_447 : i32 to vector<16xi32>
          %add3A_449 = arith.addi %broadcast_in_dim3A_445, %add3A_448 : vector<16xi32>
          %add3A_450 = arith.addi %add3A_449, %iota3A : vector<16xi32>
          %gather3A_451 = tpu.vector_load_idx %arg13[%add3A_450] : memref<7168xf32, #tpu.memory_space<vmem>>[vector<16xi32>], vector<16xf32>,
          %mul3A_452 = arith.mulf %gather3A_393, %gather3A_451 : vector<16xf32>
          %add3A_453 = arith.addf %scan3A_386, %mul3A_452 : vector<16xf32>
          %broadcast_in_dim3A_454 = arith.constant 6144 : i32
          %broadcast_in_dim3A_455 = vector.broadcast %broadcast_in_dim3A_454 : i32 to vector<16xi32>
          %mul3A_456 = arith.constant 16 : i32
          %mul3A_457 = arith.muli %scan3A_380, %mul3A_456 : i32
          %add3A_458 = vector.broadcast %mul3A_457 : i32 to vector<16xi32>
          %add3A_459 = arith.addi %broadcast_in_dim3A_455, %add3A_458 : vector<16xi32>
          %add3A_460 = arith.addi %add3A_459, %iota3A : vector<16xi32>
          %gather3A_461 = tpu.vector_load_idx %arg13[%add3A_460] : memref<7168xf32, #tpu.memory_space<vmem>>[vector<16xi32>], vector<16xf32>,
          %mul3A_462 = arith.mulf %gather3A_393, %gather3A_461 : vector<16xf32>
          %add3A_463 = arith.addf %scan3A_387, %mul3A_462 : vector<16xf32>
          scf.yield %add3A_403, %add3A_413, %add3A_423, %add3A_433, %add3A_443, %add3A_453, %add3A_463 : vector<16xf32>, vector<16xf32>, vector<16xf32>, vector<16xf32>, vector<16xf32>, vector<16xf32>, vector<16xf32>
        }
        %scan3A_264 = arith.constant 64 : i32
        %broadcast_in_dim3A_265 = arith.constant 0 : i32
        %broadcast_in_dim3A_266 = vector.broadcast %broadcast_in_dim3A_265 : i32 to vector<16xi32>
        %broadcast_in_dim3A_267 = arith.constant 0 : i32
        %broadcast_in_dim3A_268 = vector.broadcast %broadcast_in_dim3A_267 : i32 to vector<16xi32>
        %add3A_269 = arith.addi %broadcast_in_dim3A_268, %iota3A : vector<16xi32>
        %mul3A_270 = arith.constant 7 : i32
        %mul3A_271 = vector.broadcast %mul3A_270 : i32 to vector<16xi32>
        %mul3A_272 = arith.muli %shift_right_arithmetic3A_230, %mul3A_271 : vector<16xi32>
        %add3A_273 = arith.constant 0 : i32
        %add3A_274 = vector.broadcast %add3A_273 : i32 to vector<16xi32>
        %add3A_275 = arith.addi %mul3A_272, %add3A_274 : vector<16xi32>
        tpu.vector_store_idx %arg15[%broadcast_in_dim3A_266, %add3A_269], %add3A_275 : memref<8x128xi32, #tpu.memory_space<vmem>>[vector<16xi32>, vector<16xi32>], vector<16xi32>,
        %broadcast_in_dim3A_276 = arith.constant 0 : i32
        %broadcast_in_dim3A_277 = vector.broadcast %broadcast_in_dim3A_276 : i32 to vector<16xi32>
        %add3A_278 = arith.constant 0 : i32
        %add3A_279 = vector.broadcast %add3A_278 : i32 to vector<16xi32>
        %add3A_280 = arith.addi %add3A_279, %broadcast_in_dim3A_277 : vector<16xi32>
        %add3A_281 = arith.addi %add3A_280, %iota3A : vector<16xi32>
        tpu.vector_store_idx %arg16[%add3A_281], %scan3A_263#0 : memref<1024xf32, #tpu.memory_space<vmem>>[vector<16xi32>], vector<16xf32>,
        %broadcast_in_dim3A_282 = arith.constant 16 : i32
        %broadcast_in_dim3A_283 = vector.broadcast %broadcast_in_dim3A_282 : i32 to vector<16xi32>
        %add3A_284 = arith.addi %broadcast_in_dim3A_283, %iota3A : vector<16xi32>
        %mul3A_285 = arith.constant 7 : i32
        %mul3A_286 = vector.broadcast %mul3A_285 : i32 to vector<16xi32>
        %mul3A_287 = arith.muli %shift_right_arithmetic3A_230, %mul3A_286 : vector<16xi32>
        %add3A_288 = arith.constant 1 : i32
        %add3A_289 = vector.broadcast %add3A_288 : i32 to vector<16xi32>
        %add3A_290 = arith.addi %mul3A_287, %add3A_289 : vector<16xi32>
        tpu.vector_store_idx %arg15[%broadcast_in_dim3A_266, %add3A_284], %add3A_290 : memref<8x128xi32, #tpu.memory_space<vmem>>[vector<16xi32>, vector<16xi32>], vector<16xi32>,
        %broadcast_in_dim3A_291 = arith.constant 16 : i32
        %broadcast_in_dim3A_292 = vector.broadcast %broadcast_in_dim3A_291 : i32 to vector<16xi32>
        %add3A_293 = arith.constant 0 : i32
        %add3A_294 = vector.broadcast %add3A_293 : i32 to vector<16xi32>
        %add3A_295 = arith.addi %add3A_294, %broadcast_in_dim3A_292 : vector<16xi32>
        %add3A_296 = arith.addi %add3A_295, %iota3A : vector<16xi32>
        tpu.vector_store_idx %arg16[%add3A_296], %scan3A_263#1 : memref<1024xf32, #tpu.memory_space<vmem>>[vector<16xi32>], vector<16xf32>,
        %broadcast_in_dim3A_297 = arith.constant 32 : i32
        %broadcast_in_dim3A_298 = vector.broadcast %broadcast_in_dim3A_297 : i32 to vector<16xi32>
        %add3A_299 = arith.addi %broadcast_in_dim3A_298, %iota3A : vector<16xi32>
        %mul3A_300 = arith.constant 7 : i32
        %mul3A_301 = vector.broadcast %mul3A_300 : i32 to vector<16xi32>
        %mul3A_302 = arith.muli %shift_right_arithmetic3A_230, %mul3A_301 : vector<16xi32>
        %add3A_303 = arith.constant 2 : i32
        %add3A_304 = vector.broadcast %add3A_303 : i32 to vector<16xi32>
        %add3A_305 = arith.addi %mul3A_302, %add3A_304 : vector<16xi32>
        tpu.vector_store_idx %arg15[%broadcast_in_dim3A_266, %add3A_299], %add3A_305 : memref<8x128xi32, #tpu.memory_space<vmem>>[vector<16xi32>, vector<16xi32>], vector<16xi32>,
        %broadcast_in_dim3A_306 = arith.constant 32 : i32
        %broadcast_in_dim3A_307 = vector.broadcast %broadcast_in_dim3A_306 : i32 to vector<16xi32>
        %add3A_308 = arith.constant 0 : i32
        %add3A_309 = vector.broadcast %add3A_308 : i32 to vector<16xi32>
        %add3A_310 = arith.addi %add3A_309, %broadcast_in_dim3A_307 : vector<16xi32>
        %add3A_311 = arith.addi %add3A_310, %iota3A : vector<16xi32>
        tpu.vector_store_idx %arg16[%add3A_311], %scan3A_263#2 : memref<1024xf32, #tpu.memory_space<vmem>>[vector<16xi32>], vector<16xf32>,
        %broadcast_in_dim3A_312 = arith.constant 48 : i32
        %broadcast_in_dim3A_313 = vector.broadcast %broadcast_in_dim3A_312 : i32 to vector<16xi32>
        %add3A_314 = arith.addi %broadcast_in_dim3A_313, %iota3A : vector<16xi32>
        %mul3A_315 = arith.constant 7 : i32
        %mul3A_316 = vector.broadcast %mul3A_315 : i32 to vector<16xi32>
        %mul3A_317 = arith.muli %shift_right_arithmetic3A_230, %mul3A_316 : vector<16xi32>
        %add3A_318 = arith.constant 3 : i32
        %add3A_319 = vector.broadcast %add3A_318 : i32 to vector<16xi32>
        %add3A_320 = arith.addi %mul3A_317, %add3A_319 : vector<16xi32>
        tpu.vector_store_idx %arg15[%broadcast_in_dim3A_266, %add3A_314], %add3A_320 : memref<8x128xi32, #tpu.memory_space<vmem>>[vector<16xi32>, vector<16xi32>], vector<16xi32>,
        %broadcast_in_dim3A_321 = arith.constant 48 : i32
        %broadcast_in_dim3A_322 = vector.broadcast %broadcast_in_dim3A_321 : i32 to vector<16xi32>
        %add3A_323 = arith.constant 0 : i32
        %add3A_324 = vector.broadcast %add3A_323 : i32 to vector<16xi32>
        %add3A_325 = arith.addi %add3A_324, %broadcast_in_dim3A_322 : vector<16xi32>
        %add3A_326 = arith.addi %add3A_325, %iota3A : vector<16xi32>
        tpu.vector_store_idx %arg16[%add3A_326], %scan3A_263#3 : memref<1024xf32, #tpu.memory_space<vmem>>[vector<16xi32>], vector<16xf32>,
        %broadcast_in_dim3A_327 = arith.constant 64 : i32
        %broadcast_in_dim3A_328 = vector.broadcast %broadcast_in_dim3A_327 : i32 to vector<16xi32>
        %add3A_329 = arith.addi %broadcast_in_dim3A_328, %iota3A : vector<16xi32>
        %mul3A_330 = arith.constant 7 : i32
        %mul3A_331 = vector.broadcast %mul3A_330 : i32 to vector<16xi32>
        %mul3A_332 = arith.muli %shift_right_arithmetic3A_230, %mul3A_331 : vector<16xi32>
        %add3A_333 = arith.constant 4 : i32
        %add3A_334 = vector.broadcast %add3A_333 : i32 to vector<16xi32>
        %add3A_335 = arith.addi %mul3A_332, %add3A_334 : vector<16xi32>
        tpu.vector_store_idx %arg15[%broadcast_in_dim3A_266, %add3A_329], %add3A_335 : memref<8x128xi32, #tpu.memory_space<vmem>>[vector<16xi32>, vector<16xi32>], vector<16xi32>,
        %broadcast_in_dim3A_336 = arith.constant 64 : i32
        %broadcast_in_dim3A_337 = vector.broadcast %broadcast_in_dim3A_336 : i32 to vector<16xi32>
        %add3A_338 = arith.constant 0 : i32
        %add3A_339 = vector.broadcast %add3A_338 : i32 to vector<16xi32>
        %add3A_340 = arith.addi %add3A_339, %broadcast_in_dim3A_337 : vector<16xi32>
        %add3A_341 = arith.addi %add3A_340, %iota3A : vector<16xi32>
        tpu.vector_store_idx %arg16[%add3A_341], %scan3A_263#4 : memref<1024xf32, #tpu.memory_space<vmem>>[vector<16xi32>], vector<16xf32>,
        %broadcast_in_dim3A_342 = arith.constant 80 : i32
        %broadcast_in_dim3A_343 = vector.broadcast %broadcast_in_dim3A_342 : i32 to vector<16xi32>
        %add3A_344 = arith.addi %broadcast_in_dim3A_343, %iota3A : vector<16xi32>
        %mul3A_345 = arith.constant 7 : i32
        %mul3A_346 = vector.broadcast %mul3A_345 : i32 to vector<16xi32>
        %mul3A_347 = arith.muli %shift_right_arithmetic3A_230, %mul3A_346 : vector<16xi32>
        %add3A_348 = arith.constant 5 : i32
        %add3A_349 = vector.broadcast %add3A_348 : i32 to vector<16xi32>
        %add3A_350 = arith.addi %mul3A_347, %add3A_349 : vector<16xi32>
        tpu.vector_store_idx %arg15[%broadcast_in_dim3A_266, %add3A_344], %add3A_350 : memref<8x128xi32, #tpu.memory_space<vmem>>[vector<16xi32>, vector<16xi32>], vector<16xi32>,
        %broadcast_in_dim3A_351 = arith.constant 80 : i32
        %broadcast_in_dim3A_352 = vector.broadcast %broadcast_in_dim3A_351 : i32 to vector<16xi32>
        %add3A_353 = arith.constant 0 : i32
        %add3A_354 = vector.broadcast %add3A_353 : i32 to vector<16xi32>
        %add3A_355 = arith.addi %add3A_354, %broadcast_in_dim3A_352 : vector<16xi32>
        %add3A_356 = arith.addi %add3A_355, %iota3A : vector<16xi32>
        tpu.vector_store_idx %arg16[%add3A_356], %scan3A_263#5 : memref<1024xf32, #tpu.memory_space<vmem>>[vector<16xi32>], vector<16xf32>,
        %broadcast_in_dim3A_357 = arith.constant 96 : i32
        %broadcast_in_dim3A_358 = vector.broadcast %broadcast_in_dim3A_357 : i32 to vector<16xi32>
        %add3A_359 = arith.addi %broadcast_in_dim3A_358, %iota3A : vector<16xi32>
        %mul3A_360 = arith.constant 7 : i32
        %mul3A_361 = vector.broadcast %mul3A_360 : i32 to vector<16xi32>
        %mul3A_362 = arith.muli %shift_right_arithmetic3A_230, %mul3A_361 : vector<16xi32>
        %add3A_363 = arith.constant 6 : i32
        %add3A_364 = vector.broadcast %add3A_363 : i32 to vector<16xi32>
        %add3A_365 = arith.addi %mul3A_362, %add3A_364 : vector<16xi32>
        tpu.vector_store_idx %arg15[%broadcast_in_dim3A_266, %add3A_359], %add3A_365 : memref<8x128xi32, #tpu.memory_space<vmem>>[vector<16xi32>, vector<16xi32>], vector<16xi32>,
        %broadcast_in_dim3A_366 = arith.constant 96 : i32
        %broadcast_in_dim3A_367 = vector.broadcast %broadcast_in_dim3A_366 : i32 to vector<16xi32>
        %add3A_368 = arith.constant 0 : i32
        %add3A_369 = vector.broadcast %add3A_368 : i32 to vector<16xi32>
        %add3A_370 = arith.addi %add3A_369, %broadcast_in_dim3A_367 : vector<16xi32>
        %add3A_371 = arith.addi %add3A_370, %iota3A : vector<16xi32>
        tpu.vector_store_idx %arg16[%add3A_371], %scan3A_263#6 : memref<1024xf32, #tpu.memory_space<vmem>>[vector<16xi32>], vector<16xf32>,
        %broadcast_in_dim3A_372 = arith.constant 112 : i32
        %broadcast_in_dim3A_373 = vector.broadcast %broadcast_in_dim3A_372 : i32 to vector<16xi32>
        %add3A_374 = arith.addi %broadcast_in_dim3A_373, %iota3A : vector<16xi32>
        %broadcast_in_dim3A_375 = arith.constant 114688 : i32
        %broadcast_in_dim3A_376 = vector.broadcast %broadcast_in_dim3A_375 : i32 to vector<16xi32>
        %add3A_377 = arith.addi %broadcast_in_dim3A_376, %iota3A : vector<16xi32>
        tpu.vector_store_idx %arg15[%broadcast_in_dim3A_266, %add3A_374], %add3A_377 : memref<8x128xi32, #tpu.memory_space<vmem>>[vector<16xi32>, vector<16xi32>], vector<16xi32>,
        %run_scoped3A = arith.constant 0 : i32
        "tpu.region"() ({
          %run_scoped3A_380 = tpu.sem_alloc : memref<!tpu.dma_semaphore, #tpu.memory_space<semaphore_mem>>
          %dma_start3A_381 = arith.constant 0 : i32
          %dma_start3A_382 = tpu.memref_slice %arg16[%dma_start3A_381] : memref<1024xf32, #tpu.memory_space<vmem>> -> memref<128xf32, #tpu.memory_space<vmem>>
          %dma_start3A_383 = arith.constant 0 : i32
          %dma_start3A_384 = tpu.memref_slice %arg15[%run_scoped3A, %dma_start3A_383] : memref<8x128xi32, #tpu.memory_space<vmem>> -> memref<1x128xi32, #tpu.memory_space<vmem>>
          %dma_start3A_385 = tpu.memref_squeeze %dma_start3A_384 : memref<1x128xi32, #tpu.memory_space<vmem>> -> memref<128xi32, #tpu.memory_space<vmem>>
          %dma_start3A_386 = arith.constant 0 : i32
          %dma_start3A_387 = tpu.memref_slice %arg18[%dma_start3A_386] : memref<114944xf32, #tpu.memory_space<vmem_shared>> -> memref<114944xf32, #tpu.memory_space<vmem_shared>>
          tpu.enqueue_indirect_dma source(%dma_start3A_382 : memref<128xf32, #tpu.memory_space<vmem>>) target(%dma_start3A_387 : memref<114944xf32, #tpu.memory_space<vmem_shared>>) offsets(%dma_start3A_385 : memref<128xi32, #tpu.memory_space<vmem>>) semaphore(%run_scoped3A_380 : memref<!tpu.dma_semaphore, #tpu.memory_space<semaphore_mem>>)
          %dma_wait3A = arith.constant 0 : i32
          %dma_wait3A_388 = tpu.memref_slice %arg16[%dma_wait3A] : memref<1024xf32, #tpu.memory_space<vmem>> -> memref<128xf32, #tpu.memory_space<vmem>>
          %dma_wait3A_389 = arith.constant 0 : i32
          %dma_wait3A_390 = tpu.memref_slice %arg15[%run_scoped3A, %dma_wait3A_389] : memref<8x128xi32, #tpu.memory_space<vmem>> -> memref<1x128xi32, #tpu.memory_space<vmem>>
          %dma_wait3A_391 = tpu.memref_squeeze %dma_wait3A_390 : memref<1x128xi32, #tpu.memory_space<vmem>> -> memref<128xi32, #tpu.memory_space<vmem>>
          %dma_wait3A_392 = arith.constant 0 : i32
          %dma_wait3A_393 = tpu.memref_slice %arg18[%dma_wait3A_392] : memref<114944xf32, #tpu.memory_space<vmem_shared>> -> memref<114944xf32, #tpu.memory_space<vmem_shared>>
          tpu.wait_indirect_dma semaphore(%run_scoped3A_380 : memref<!tpu.dma_semaphore, #tpu.memory_space<semaphore_mem>>) src(%dma_wait3A_388 : memref<128xf32, #tpu.memory_space<vmem>>) dst(%dma_wait3A_393 : memref<114944xf32, #tpu.memory_space<vmem_shared>>)
          tpu.yield
        }) : () -> ()
        %add3A_378 = arith.constant 1 : i32
        %add3A_379 = arith.addi %while3A_221, %add3A_378 : i32
        scf.yield %add3A_379 : i32
      }
      %while3A_218 = arith.constant 1 : i32
      %while3A_219 = scf.for %while3A_220 = %while3A_215 to %while3A_211 step %while3A_218 iter_args(%while3A_221 = %while3A_217) -> (i32)  : i32 {
        %mul3A_222 = arith.constant 16 : i32
        %mul3A_223 = arith.muli %while3A_220, %mul3A_222 : i32
        %broadcast_in_dim3A_224 = vector.broadcast %mul3A_223 : i32 to vector<16xi32>
        %add3A_225 = arith.addi %broadcast_in_dim3A_224, %iota3A : vector<16xi32>
        %gather3A = tpu.vector_load_idx %arg10[%add3A_225] : memref<16400xi32, #tpu.memory_space<vmem>>[vector<16xi32>], vector<16xi32>,
        %and3A = arith.constant 511 : i32
        %and3A_226 = vector.broadcast %and3A : i32 to vector<16xi32>
        %and3A_227 = arith.andi %gather3A, %and3A_226 : vector<16xi32>
        %shift_right_arithmetic3A_228 = arith.constant 9 : i32
        %shift_right_arithmetic3A_229 = vector.broadcast %shift_right_arithmetic3A_228 : i32 to vector<16xi32>
        %shift_right_arithmetic3A_230 = arith.shrsi %gather3A, %shift_right_arithmetic3A_229 : vector<16xi32>
        %broadcast_in_dim3A_231 = arith.constant 0 : i32
        %broadcast_in_dim3A_232 = vector.broadcast %broadcast_in_dim3A_231 : i32 to vector<16xi32>
        %add3A_233 = arith.addi %broadcast_in_dim3A_232, %iota3A : vector<16xi32>
        %gather3A_234 = tpu.vector_load_idx %arg14[%add3A_233] : memref<128xf32, #tpu.memory_space<vmem>>[vector<16xi32>], vector<16xf32>,
        %broadcast_in_dim3A_235 = arith.constant 16 : i32
        %broadcast_in_dim3A_236 = vector.broadcast %broadcast_in_dim3A_235 : i32 to vector<16xi32>
        %add3A_237 = arith.addi %broadcast_in_dim3A_236, %iota3A : vector<16xi32>
        %gather3A_238 = tpu.vector_load_idx %arg14[%add3A_237] : memref<128xf32, #tpu.memory_space<vmem>>[vector<16xi32>], vector<16xf32>,
        %broadcast_in_dim3A_239 = arith.constant 32 : i32
        %broadcast_in_dim3A_240 = vector.broadcast %broadcast_in_dim3A_239 : i32 to vector<16xi32>
        %add3A_241 = arith.addi %broadcast_in_dim3A_240, %iota3A : vector<16xi32>
        %gather3A_242 = tpu.vector_load_idx %arg14[%add3A_241] : memref<128xf32, #tpu.memory_space<vmem>>[vector<16xi32>], vector<16xf32>,
        %broadcast_in_dim3A_243 = arith.constant 48 : i32
        %broadcast_in_dim3A_244 = vector.broadcast %broadcast_in_dim3A_243 : i32 to vector<16xi32>
        %add3A_245 = arith.addi %broadcast_in_dim3A_244, %iota3A : vector<16xi32>
        %gather3A_246 = tpu.vector_load_idx %arg14[%add3A_245] : memref<128xf32, #tpu.memory_space<vmem>>[vector<16xi32>], vector<16xf32>,
        %broadcast_in_dim3A_247 = arith.constant 64 : i32
        %broadcast_in_dim3A_248 = vector.broadcast %broadcast_in_dim3A_247 : i32 to vector<16xi32>
        %add3A_249 = arith.addi %broadcast_in_dim3A_248, %iota3A : vector<16xi32>
        %gather3A_250 = tpu.vector_load_idx %arg14[%add3A_249] : memref<128xf32, #tpu.memory_space<vmem>>[vector<16xi32>], vector<16xf32>,
        %broadcast_in_dim3A_251 = arith.constant 80 : i32
        %broadcast_in_dim3A_252 = vector.broadcast %broadcast_in_dim3A_251 : i32 to vector<16xi32>
        %add3A_253 = arith.addi %broadcast_in_dim3A_252, %iota3A : vector<16xi32>
        %gather3A_254 = tpu.vector_load_idx %arg14[%add3A_253] : memref<128xf32, #tpu.memory_space<vmem>>[vector<16xi32>], vector<16xf32>,
        %broadcast_in_dim3A_255 = arith.constant 96 : i32
        %broadcast_in_dim3A_256 = vector.broadcast %broadcast_in_dim3A_255 : i32 to vector<16xi32>
        %add3A_257 = arith.addi %broadcast_in_dim3A_256, %iota3A : vector<16xi32>
        %gather3A_258 = tpu.vector_load_idx %arg14[%add3A_257] : memref<128xf32, #tpu.memory_space<vmem>>[vector<16xi32>], vector<16xf32>,
        %scan3A_259 = arith.constant 0 : i32
        %scan3A_260 = arith.constant 64 : i32
        %scan3A_261 = arith.addi %scan3A_259, %scan3A_260 : i32
        %scan3A_262 = arith.constant 1 : i32
        %scan3A_263:7 = scf.for %scan3A_380 = %scan3A_259 to %scan3A_261 step %scan3A_262 iter_args(%scan3A_381 = %gather3A_234, %scan3A_382 = %gather3A_238, %scan3A_383 = %gather3A_242, %scan3A_384 = %gather3A_246, %scan3A_385 = %gather3A_250, %scan3A_386 = %gather3A_254, %scan3A_387 = %gather3A_258) -> (vector<16xf32>, vector<16xf32>, vector<16xf32>, vector<16xf32>, vector<16xf32>, vector<16xf32>, vector<16xf32>)  : i32 {
          %mul3A_388 = arith.constant 64 : i32
          %mul3A_389 = vector.broadcast %mul3A_388 : i32 to vector<16xi32>
          %mul3A_390 = arith.muli %and3A_227, %mul3A_389 : vector<16xi32>
          %add3A_391 = vector.broadcast %scan3A_380 : i32 to vector<16xi32>
          %add3A_392 = arith.addi %mul3A_390, %add3A_391 : vector<16xi32>
          %gather3A_393 = tpu.vector_load_idx %arg12[%add3A_392] : memref<4096xf32, #tpu.memory_space<vmem>>[vector<16xi32>], vector<16xf32>,
          %broadcast_in_dim3A_394 = arith.constant 0 : i32
          %broadcast_in_dim3A_395 = vector.broadcast %broadcast_in_dim3A_394 : i32 to vector<16xi32>
          %mul3A_396 = arith.constant 16 : i32
          %mul3A_397 = arith.muli %scan3A_380, %mul3A_396 : i32
          %add3A_398 = vector.broadcast %mul3A_397 : i32 to vector<16xi32>
          %add3A_399 = arith.addi %broadcast_in_dim3A_395, %add3A_398 : vector<16xi32>
          %add3A_400 = arith.addi %add3A_399, %iota3A : vector<16xi32>
          %gather3A_401 = tpu.vector_load_idx %arg13[%add3A_400] : memref<7168xf32, #tpu.memory_space<vmem>>[vector<16xi32>], vector<16xf32>,
          %mul3A_402 = arith.mulf %gather3A_393, %gather3A_401 : vector<16xf32>
          %add3A_403 = arith.addf %scan3A_381, %mul3A_402 : vector<16xf32>
          %broadcast_in_dim3A_404 = arith.constant 1024 : i32
          %broadcast_in_dim3A_405 = vector.broadcast %broadcast_in_dim3A_404 : i32 to vector<16xi32>
          %mul3A_406 = arith.constant 16 : i32
          %mul3A_407 = arith.muli %scan3A_380, %mul3A_406 : i32
          %add3A_408 = vector.broadcast %mul3A_407 : i32 to vector<16xi32>
          %add3A_409 = arith.addi %broadcast_in_dim3A_405, %add3A_408 : vector<16xi32>
          %add3A_410 = arith.addi %add3A_409, %iota3A : vector<16xi32>
          %gather3A_411 = tpu.vector_load_idx %arg13[%add3A_410] : memref<7168xf32, #tpu.memory_space<vmem>>[vector<16xi32>], vector<16xf32>,
          %mul3A_412 = arith.mulf %gather3A_393, %gather3A_411 : vector<16xf32>
          %add3A_413 = arith.addf %scan3A_382, %mul3A_412 : vector<16xf32>
          %broadcast_in_dim3A_414 = arith.constant 2048 : i32
          %broadcast_in_dim3A_415 = vector.broadcast %broadcast_in_dim3A_414 : i32 to vector<16xi32>
          %mul3A_416 = arith.constant 16 : i32
          %mul3A_417 = arith.muli %scan3A_380, %mul3A_416 : i32
          %add3A_418 = vector.broadcast %mul3A_417 : i32 to vector<16xi32>
          %add3A_419 = arith.addi %broadcast_in_dim3A_415, %add3A_418 : vector<16xi32>
          %add3A_420 = arith.addi %add3A_419, %iota3A : vector<16xi32>
          %gather3A_421 = tpu.vector_load_idx %arg13[%add3A_420] : memref<7168xf32, #tpu.memory_space<vmem>>[vector<16xi32>], vector<16xf32>,
          %mul3A_422 = arith.mulf %gather3A_393, %gather3A_421 : vector<16xf32>
          %add3A_423 = arith.addf %scan3A_383, %mul3A_422 : vector<16xf32>
          %broadcast_in_dim3A_424 = arith.constant 3072 : i32
          %broadcast_in_dim3A_425 = vector.broadcast %broadcast_in_dim3A_424 : i32 to vector<16xi32>
          %mul3A_426 = arith.constant 16 : i32
          %mul3A_427 = arith.muli %scan3A_380, %mul3A_426 : i32
          %add3A_428 = vector.broadcast %mul3A_427 : i32 to vector<16xi32>
          %add3A_429 = arith.addi %broadcast_in_dim3A_425, %add3A_428 : vector<16xi32>
          %add3A_430 = arith.addi %add3A_429, %iota3A : vector<16xi32>
          %gather3A_431 = tpu.vector_load_idx %arg13[%add3A_430] : memref<7168xf32, #tpu.memory_space<vmem>>[vector<16xi32>], vector<16xf32>,
          %mul3A_432 = arith.mulf %gather3A_393, %gather3A_431 : vector<16xf32>
          %add3A_433 = arith.addf %scan3A_384, %mul3A_432 : vector<16xf32>
          %broadcast_in_dim3A_434 = arith.constant 4096 : i32
          %broadcast_in_dim3A_435 = vector.broadcast %broadcast_in_dim3A_434 : i32 to vector<16xi32>
          %mul3A_436 = arith.constant 16 : i32
          %mul3A_437 = arith.muli %scan3A_380, %mul3A_436 : i32
          %add3A_438 = vector.broadcast %mul3A_437 : i32 to vector<16xi32>
          %add3A_439 = arith.addi %broadcast_in_dim3A_435, %add3A_438 : vector<16xi32>
          %add3A_440 = arith.addi %add3A_439, %iota3A : vector<16xi32>
          %gather3A_441 = tpu.vector_load_idx %arg13[%add3A_440] : memref<7168xf32, #tpu.memory_space<vmem>>[vector<16xi32>], vector<16xf32>,
          %mul3A_442 = arith.mulf %gather3A_393, %gather3A_441 : vector<16xf32>
          %add3A_443 = arith.addf %scan3A_385, %mul3A_442 : vector<16xf32>
          %broadcast_in_dim3A_444 = arith.constant 5120 : i32
          %broadcast_in_dim3A_445 = vector.broadcast %broadcast_in_dim3A_444 : i32 to vector<16xi32>
          %mul3A_446 = arith.constant 16 : i32
          %mul3A_447 = arith.muli %scan3A_380, %mul3A_446 : i32
          %add3A_448 = vector.broadcast %mul3A_447 : i32 to vector<16xi32>
          %add3A_449 = arith.addi %broadcast_in_dim3A_445, %add3A_448 : vector<16xi32>
          %add3A_450 = arith.addi %add3A_449, %iota3A : vector<16xi32>
          %gather3A_451 = tpu.vector_load_idx %arg13[%add3A_450] : memref<7168xf32, #tpu.memory_space<vmem>>[vector<16xi32>], vector<16xf32>,
          %mul3A_452 = arith.mulf %gather3A_393, %gather3A_451 : vector<16xf32>
          %add3A_453 = arith.addf %scan3A_386, %mul3A_452 : vector<16xf32>
          %broadcast_in_dim3A_454 = arith.constant 6144 : i32
          %broadcast_in_dim3A_455 = vector.broadcast %broadcast_in_dim3A_454 : i32 to vector<16xi32>
          %mul3A_456 = arith.constant 16 : i32
          %mul3A_457 = arith.muli %scan3A_380, %mul3A_456 : i32
          %add3A_458 = vector.broadcast %mul3A_457 : i32 to vector<16xi32>
          %add3A_459 = arith.addi %broadcast_in_dim3A_455, %add3A_458 : vector<16xi32>
          %add3A_460 = arith.addi %add3A_459, %iota3A : vector<16xi32>
          %gather3A_461 = tpu.vector_load_idx %arg13[%add3A_460] : memref<7168xf32, #tpu.memory_space<vmem>>[vector<16xi32>], vector<16xf32>,
          %mul3A_462 = arith.mulf %gather3A_393, %gather3A_461 : vector<16xf32>
          %add3A_463 = arith.addf %scan3A_387, %mul3A_462 : vector<16xf32>
          scf.yield %add3A_403, %add3A_413, %add3A_423, %add3A_433, %add3A_443, %add3A_453, %add3A_463 : vector<16xf32>, vector<16xf32>, vector<16xf32>, vector<16xf32>, vector<16xf32>, vector<16xf32>, vector<16xf32>
        }
        %scan3A_264 = arith.constant 64 : i32
        %broadcast_in_dim3A_265 = arith.constant 0 : i32
        %broadcast_in_dim3A_266 = vector.broadcast %broadcast_in_dim3A_265 : i32 to vector<16xi32>
        %broadcast_in_dim3A_267 = arith.constant 0 : i32
        %broadcast_in_dim3A_268 = vector.broadcast %broadcast_in_dim3A_267 : i32 to vector<16xi32>
        %add3A_269 = arith.addi %broadcast_in_dim3A_268, %iota3A : vector<16xi32>
        %mul3A_270 = arith.constant 7 : i32
        %mul3A_271 = vector.broadcast %mul3A_270 : i32 to vector<16xi32>
        %mul3A_272 = arith.muli %shift_right_arithmetic3A_230, %mul3A_271 : vector<16xi32>
        %add3A_273 = arith.constant 0 : i32
        %add3A_274 = vector.broadcast %add3A_273 : i32 to vector<16xi32>
        %add3A_275 = arith.addi %mul3A_272, %add3A_274 : vector<16xi32>
        tpu.vector_store_idx %arg15[%broadcast_in_dim3A_266, %add3A_269], %add3A_275 : memref<8x128xi32, #tpu.memory_space<vmem>>[vector<16xi32>, vector<16xi32>], vector<16xi32>,
        %broadcast_in_dim3A_276 = arith.constant 0 : i32
        %broadcast_in_dim3A_277 = vector.broadcast %broadcast_in_dim3A_276 : i32 to vector<16xi32>
        %add3A_278 = arith.constant 0 : i32
        %add3A_279 = vector.broadcast %add3A_278 : i32 to vector<16xi32>
        %add3A_280 = arith.addi %add3A_279, %broadcast_in_dim3A_277 : vector<16xi32>
        %add3A_281 = arith.addi %add3A_280, %iota3A : vector<16xi32>
        tpu.vector_store_idx %arg16[%add3A_281], %scan3A_263#0 : memref<1024xf32, #tpu.memory_space<vmem>>[vector<16xi32>], vector<16xf32>,
        %broadcast_in_dim3A_282 = arith.constant 16 : i32
        %broadcast_in_dim3A_283 = vector.broadcast %broadcast_in_dim3A_282 : i32 to vector<16xi32>
        %add3A_284 = arith.addi %broadcast_in_dim3A_283, %iota3A : vector<16xi32>
        %mul3A_285 = arith.constant 7 : i32
        %mul3A_286 = vector.broadcast %mul3A_285 : i32 to vector<16xi32>
        %mul3A_287 = arith.muli %shift_right_arithmetic3A_230, %mul3A_286 : vector<16xi32>
        %add3A_288 = arith.constant 1 : i32
        %add3A_289 = vector.broadcast %add3A_288 : i32 to vector<16xi32>
        %add3A_290 = arith.addi %mul3A_287, %add3A_289 : vector<16xi32>
        tpu.vector_store_idx %arg15[%broadcast_in_dim3A_266, %add3A_284], %add3A_290 : memref<8x128xi32, #tpu.memory_space<vmem>>[vector<16xi32>, vector<16xi32>], vector<16xi32>,
        %broadcast_in_dim3A_291 = arith.constant 16 : i32
        %broadcast_in_dim3A_292 = vector.broadcast %broadcast_in_dim3A_291 : i32 to vector<16xi32>
        %add3A_293 = arith.constant 0 : i32
        %add3A_294 = vector.broadcast %add3A_293 : i32 to vector<16xi32>
        %add3A_295 = arith.addi %add3A_294, %broadcast_in_dim3A_292 : vector<16xi32>
        %add3A_296 = arith.addi %add3A_295, %iota3A : vector<16xi32>
        tpu.vector_store_idx %arg16[%add3A_296], %scan3A_263#1 : memref<1024xf32, #tpu.memory_space<vmem>>[vector<16xi32>], vector<16xf32>,
        %broadcast_in_dim3A_297 = arith.constant 32 : i32
        %broadcast_in_dim3A_298 = vector.broadcast %broadcast_in_dim3A_297 : i32 to vector<16xi32>
        %add3A_299 = arith.addi %broadcast_in_dim3A_298, %iota3A : vector<16xi32>
        %mul3A_300 = arith.constant 7 : i32
        %mul3A_301 = vector.broadcast %mul3A_300 : i32 to vector<16xi32>
        %mul3A_302 = arith.muli %shift_right_arithmetic3A_230, %mul3A_301 : vector<16xi32>
        %add3A_303 = arith.constant 2 : i32
        %add3A_304 = vector.broadcast %add3A_303 : i32 to vector<16xi32>
        %add3A_305 = arith.addi %mul3A_302, %add3A_304 : vector<16xi32>
        tpu.vector_store_idx %arg15[%broadcast_in_dim3A_266, %add3A_299], %add3A_305 : memref<8x128xi32, #tpu.memory_space<vmem>>[vector<16xi32>, vector<16xi32>], vector<16xi32>,
        %broadcast_in_dim3A_306 = arith.constant 32 : i32
        %broadcast_in_dim3A_307 = vector.broadcast %broadcast_in_dim3A_306 : i32 to vector<16xi32>
        %add3A_308 = arith.constant 0 : i32
        %add3A_309 = vector.broadcast %add3A_308 : i32 to vector<16xi32>
        %add3A_310 = arith.addi %add3A_309, %broadcast_in_dim3A_307 : vector<16xi32>
        %add3A_311 = arith.addi %add3A_310, %iota3A : vector<16xi32>
        tpu.vector_store_idx %arg16[%add3A_311], %scan3A_263#2 : memref<1024xf32, #tpu.memory_space<vmem>>[vector<16xi32>], vector<16xf32>,
        %broadcast_in_dim3A_312 = arith.constant 48 : i32
        %broadcast_in_dim3A_313 = vector.broadcast %broadcast_in_dim3A_312 : i32 to vector<16xi32>
        %add3A_314 = arith.addi %broadcast_in_dim3A_313, %iota3A : vector<16xi32>
        %mul3A_315 = arith.constant 7 : i32
        %mul3A_316 = vector.broadcast %mul3A_315 : i32 to vector<16xi32>
        %mul3A_317 = arith.muli %shift_right_arithmetic3A_230, %mul3A_316 : vector<16xi32>
        %add3A_318 = arith.constant 3 : i32
        %add3A_319 = vector.broadcast %add3A_318 : i32 to vector<16xi32>
        %add3A_320 = arith.addi %mul3A_317, %add3A_319 : vector<16xi32>
        tpu.vector_store_idx %arg15[%broadcast_in_dim3A_266, %add3A_314], %add3A_320 : memref<8x128xi32, #tpu.memory_space<vmem>>[vector<16xi32>, vector<16xi32>], vector<16xi32>,
        %broadcast_in_dim3A_321 = arith.constant 48 : i32
        %broadcast_in_dim3A_322 = vector.broadcast %broadcast_in_dim3A_321 : i32 to vector<16xi32>
        %add3A_323 = arith.constant 0 : i32
        %add3A_324 = vector.broadcast %add3A_323 : i32 to vector<16xi32>
        %add3A_325 = arith.addi %add3A_324, %broadcast_in_dim3A_322 : vector<16xi32>
        %add3A_326 = arith.addi %add3A_325, %iota3A : vector<16xi32>
        tpu.vector_store_idx %arg16[%add3A_326], %scan3A_263#3 : memref<1024xf32, #tpu.memory_space<vmem>>[vector<16xi32>], vector<16xf32>,
        %broadcast_in_dim3A_327 = arith.constant 64 : i32
        %broadcast_in_dim3A_328 = vector.broadcast %broadcast_in_dim3A_327 : i32 to vector<16xi32>
        %add3A_329 = arith.addi %broadcast_in_dim3A_328, %iota3A : vector<16xi32>
        %mul3A_330 = arith.constant 7 : i32
        %mul3A_331 = vector.broadcast %mul3A_330 : i32 to vector<16xi32>
        %mul3A_332 = arith.muli %shift_right_arithmetic3A_230, %mul3A_331 : vector<16xi32>
        %add3A_333 = arith.constant 4 : i32
        %add3A_334 = vector.broadcast %add3A_333 : i32 to vector<16xi32>
        %add3A_335 = arith.addi %mul3A_332, %add3A_334 : vector<16xi32>
        tpu.vector_store_idx %arg15[%broadcast_in_dim3A_266, %add3A_329], %add3A_335 : memref<8x128xi32, #tpu.memory_space<vmem>>[vector<16xi32>, vector<16xi32>], vector<16xi32>,
        %broadcast_in_dim3A_336 = arith.constant 64 : i32
        %broadcast_in_dim3A_337 = vector.broadcast %broadcast_in_dim3A_336 : i32 to vector<16xi32>
        %add3A_338 = arith.constant 0 : i32
        %add3A_339 = vector.broadcast %add3A_338 : i32 to vector<16xi32>
        %add3A_340 = arith.addi %add3A_339, %broadcast_in_dim3A_337 : vector<16xi32>
        %add3A_341 = arith.addi %add3A_340, %iota3A : vector<16xi32>
        tpu.vector_store_idx %arg16[%add3A_341], %scan3A_263#4 : memref<1024xf32, #tpu.memory_space<vmem>>[vector<16xi32>], vector<16xf32>,
        %broadcast_in_dim3A_342 = arith.constant 80 : i32
        %broadcast_in_dim3A_343 = vector.broadcast %broadcast_in_dim3A_342 : i32 to vector<16xi32>
        %add3A_344 = arith.addi %broadcast_in_dim3A_343, %iota3A : vector<16xi32>
        %mul3A_345 = arith.constant 7 : i32
        %mul3A_346 = vector.broadcast %mul3A_345 : i32 to vector<16xi32>
        %mul3A_347 = arith.muli %shift_right_arithmetic3A_230, %mul3A_346 : vector<16xi32>
        %add3A_348 = arith.constant 5 : i32
        %add3A_349 = vector.broadcast %add3A_348 : i32 to vector<16xi32>
        %add3A_350 = arith.addi %mul3A_347, %add3A_349 : vector<16xi32>
        tpu.vector_store_idx %arg15[%broadcast_in_dim3A_266, %add3A_344], %add3A_350 : memref<8x128xi32, #tpu.memory_space<vmem>>[vector<16xi32>, vector<16xi32>], vector<16xi32>,
        %broadcast_in_dim3A_351 = arith.constant 80 : i32
        %broadcast_in_dim3A_352 = vector.broadcast %broadcast_in_dim3A_351 : i32 to vector<16xi32>
        %add3A_353 = arith.constant 0 : i32
        %add3A_354 = vector.broadcast %add3A_353 : i32 to vector<16xi32>
        %add3A_355 = arith.addi %add3A_354, %broadcast_in_dim3A_352 : vector<16xi32>
        %add3A_356 = arith.addi %add3A_355, %iota3A : vector<16xi32>
        tpu.vector_store_idx %arg16[%add3A_356], %scan3A_263#5 : memref<1024xf32, #tpu.memory_space<vmem>>[vector<16xi32>], vector<16xf32>,
        %broadcast_in_dim3A_357 = arith.constant 96 : i32
        %broadcast_in_dim3A_358 = vector.broadcast %broadcast_in_dim3A_357 : i32 to vector<16xi32>
        %add3A_359 = arith.addi %broadcast_in_dim3A_358, %iota3A : vector<16xi32>
        %mul3A_360 = arith.constant 7 : i32
        %mul3A_361 = vector.broadcast %mul3A_360 : i32 to vector<16xi32>
        %mul3A_362 = arith.muli %shift_right_arithmetic3A_230, %mul3A_361 : vector<16xi32>
        %add3A_363 = arith.constant 6 : i32
        %add3A_364 = vector.broadcast %add3A_363 : i32 to vector<16xi32>
        %add3A_365 = arith.addi %mul3A_362, %add3A_364 : vector<16xi32>
        tpu.vector_store_idx %arg15[%broadcast_in_dim3A_266, %add3A_359], %add3A_365 : memref<8x128xi32, #tpu.memory_space<vmem>>[vector<16xi32>, vector<16xi32>], vector<16xi32>,
        %broadcast_in_dim3A_366 = arith.constant 96 : i32
        %broadcast_in_dim3A_367 = vector.broadcast %broadcast_in_dim3A_366 : i32 to vector<16xi32>
        %add3A_368 = arith.constant 0 : i32
        %add3A_369 = vector.broadcast %add3A_368 : i32 to vector<16xi32>
        %add3A_370 = arith.addi %add3A_369, %broadcast_in_dim3A_367 : vector<16xi32>
        %add3A_371 = arith.addi %add3A_370, %iota3A : vector<16xi32>
        tpu.vector_store_idx %arg16[%add3A_371], %scan3A_263#6 : memref<1024xf32, #tpu.memory_space<vmem>>[vector<16xi32>], vector<16xf32>,
        %broadcast_in_dim3A_372 = arith.constant 112 : i32
        %broadcast_in_dim3A_373 = vector.broadcast %broadcast_in_dim3A_372 : i32 to vector<16xi32>
        %add3A_374 = arith.addi %broadcast_in_dim3A_373, %iota3A : vector<16xi32>
        %broadcast_in_dim3A_375 = arith.constant 114688 : i32
        %broadcast_in_dim3A_376 = vector.broadcast %broadcast_in_dim3A_375 : i32 to vector<16xi32>
        %add3A_377 = arith.addi %broadcast_in_dim3A_376, %iota3A : vector<16xi32>
        tpu.vector_store_idx %arg15[%broadcast_in_dim3A_266, %add3A_374], %add3A_377 : memref<8x128xi32, #tpu.memory_space<vmem>>[vector<16xi32>, vector<16xi32>], vector<16xi32>,
        %run_scoped3A = arith.constant 0 : i32
        "tpu.region"() ({
          %run_scoped3A_380 = tpu.sem_alloc : memref<!tpu.dma_semaphore, #tpu.memory_space<semaphore_mem>>
          %dma_start3A_381 = arith.constant 0 : i32
          %dma_start3A_382 = tpu.memref_slice %arg16[%dma_start3A_381] : memref<1024xf32, #tpu.memory_space<vmem>> -> memref<128xf32, #tpu.memory_space<vmem>>
          %dma_start3A_383 = arith.constant 0 : i32
          %dma_start3A_384 = tpu.memref_slice %arg15[%run_scoped3A, %dma_start3A_383] : memref<8x128xi32, #tpu.memory_space<vmem>> -> memref<1x128xi32, #tpu.memory_space<vmem>>
          %dma_start3A_385 = tpu.memref_squeeze %dma_start3A_384 : memref<1x128xi32, #tpu.memory_space<vmem>> -> memref<128xi32, #tpu.memory_space<vmem>>
          %dma_start3A_386 = arith.constant 0 : i32
          %dma_start3A_387 = tpu.memref_slice %arg18[%dma_start3A_386] : memref<114944xf32, #tpu.memory_space<vmem_shared>> -> memref<114944xf32, #tpu.memory_space<vmem_shared>>
          tpu.enqueue_indirect_dma source(%dma_start3A_382 : memref<128xf32, #tpu.memory_space<vmem>>) target(%dma_start3A_387 : memref<114944xf32, #tpu.memory_space<vmem_shared>>) offsets(%dma_start3A_385 : memref<128xi32, #tpu.memory_space<vmem>>) semaphore(%run_scoped3A_380 : memref<!tpu.dma_semaphore, #tpu.memory_space<semaphore_mem>>)
          %dma_wait3A = arith.constant 0 : i32
          %dma_wait3A_388 = tpu.memref_slice %arg16[%dma_wait3A] : memref<1024xf32, #tpu.memory_space<vmem>> -> memref<128xf32, #tpu.memory_space<vmem>>
          %dma_wait3A_389 = arith.constant 0 : i32
          %dma_wait3A_390 = tpu.memref_slice %arg15[%run_scoped3A, %dma_wait3A_389] : memref<8x128xi32, #tpu.memory_space<vmem>> -> memref<1x128xi32, #tpu.memory_space<vmem>>
          %dma_wait3A_391 = tpu.memref_squeeze %dma_wait3A_390 : memref<1x128xi32, #tpu.memory_space<vmem>> -> memref<128xi32, #tpu.memory_space<vmem>>
          %dma_wait3A_392 = arith.constant 0 : i32
          %dma_wait3A_393 = tpu.memref_slice %arg18[%dma_wait3A_392] : memref<114944xf32, #tpu.memory_space<vmem_shared>> -> memref<114944xf32, #tpu.memory_space<vmem_shared>>
          tpu.wait_indirect_dma semaphore(%run_scoped3A_380 : memref<!tpu.dma_semaphore, #tpu.memory_space<semaphore_mem>>) src(%dma_wait3A_388 : memref<128xf32, #tpu.memory_space<vmem>>) dst(%dma_wait3A_393 : memref<114944xf32, #tpu.memory_space<vmem_shared>>)
          tpu.yield
        }) : () -> ()
        %add3A_378 = arith.constant 1 : i32
        %add3A_379 = arith.addi %while3A_221, %add3A_378 : i32
        scf.yield %add3A_379 : i32
      }
    } else {
    }
    %barrier3A_170 = arith.constant 0 : index
    tpu.barrier barrier_id(%barrier3A_170)
    %mul3A_171 = arith.constant 7184 : i32
    %mul3A_172 = arith.muli %arg1, %mul3A_171 : i32
    %multiple_of3A_173 = tpu.assume_multiple %mul3A_172, 8 : i32
    "tpu.region"() ({
      %run_scoped3A = tpu.sem_alloc : memref<!tpu.dma_semaphore, #tpu.memory_space<semaphore_mem>>
      %dma_start3A_180 = tpu.memref_slice %arg18[%multiple_of3A_173] : memref<114944xf32, #tpu.memory_space<vmem_shared>> -> memref<7184xf32, #tpu.memory_space<vmem_shared>>
      %dma_start3A_181 = tpu.memref_slice %arg18[%multiple_of3A_173] : memref<114944xf32, #tpu.memory_space<vmem_shared>> -> memref<7184xf32, #tpu.memory_space<vmem_shared>>
      tpu.enqueue_dma source(%dma_start3A_181 : memref<7184xf32, #tpu.memory_space<vmem_shared>>) target(%arg17 : memref<7184xf32, #tpu.memory_space<vmem>>) target_semaphore(%run_scoped3A : memref<!tpu.dma_semaphore, #tpu.memory_space<semaphore_mem>>)
      %dma_wait3A = tpu.memref_slice %arg18[%multiple_of3A_173] : memref<114944xf32, #tpu.memory_space<vmem_shared>> -> memref<7184xf32, #tpu.memory_space<vmem_shared>>
      %dma_wait3A_182 = tpu.memref_slice %arg18[%multiple_of3A_173] : memref<114944xf32, #tpu.memory_space<vmem_shared>> -> memref<7184xf32, #tpu.memory_space<vmem_shared>>
      tpu.wait_dma2 semaphore(%run_scoped3A : memref<!tpu.dma_semaphore, #tpu.memory_space<semaphore_mem>>) src(%dma_wait3A_182 : memref<7184xf32, #tpu.memory_space<vmem_shared>>) dst(%arg17 : memref<7184xf32, #tpu.memory_space<vmem>>)
      tpu.yield
    }) : () -> ()
    %mul3A_174 = arith.constant 114944 : i32
    %mul3A_175 = arith.muli %arg0, %mul3A_174 : i32
    %mul3A_176 = arith.constant 7184 : i32
    %mul3A_177 = arith.muli %arg1, %mul3A_176 : i32
    %add3A_178 = arith.addi %mul3A_175, %mul3A_177 : i32
    %multiple_of3A_179 = tpu.assume_multiple %add3A_178, 8 : i32
    "tpu.region"() ({
      %run_scoped3A = tpu.sem_alloc : memref<!tpu.dma_semaphore, #tpu.memory_space<semaphore_mem>>
      %dma_start3A_180 = tpu.memref_slice %arg7[%multiple_of3A_179] : memref<229888xf32, #tpu.memory_space<hbm>> -> memref<7184xf32, #tpu.memory_space<hbm>>
      %dma_start3A_181 = tpu.memref_slice %arg7[%multiple_of3A_179] : memref<229888xf32, #tpu.memory_space<hbm>> -> memref<7184xf32, #tpu.memory_space<hbm>>
      tpu.enqueue_dma source(%arg17 : memref<7184xf32, #tpu.memory_space<vmem>>) target(%dma_start3A_181 : memref<7184xf32, #tpu.memory_space<hbm>>) target_semaphore(%run_scoped3A : memref<!tpu.dma_semaphore, #tpu.memory_space<semaphore_mem>>)
      %dma_wait3A = tpu.memref_slice %arg7[%multiple_of3A_179] : memref<229888xf32, #tpu.memory_space<hbm>> -> memref<7184xf32, #tpu.memory_space<hbm>>
      %dma_wait3A_182 = tpu.memref_slice %arg7[%multiple_of3A_179] : memref<229888xf32, #tpu.memory_space<hbm>> -> memref<7184xf32, #tpu.memory_space<hbm>>
      tpu.wait_dma2 semaphore(%run_scoped3A : memref<!tpu.dma_semaphore, #tpu.memory_space<semaphore_mem>>) src(%arg17 : memref<7184xf32, #tpu.memory_space<vmem>>) dst(%dma_wait3A_182 : memref<7184xf32, #tpu.memory_space<hbm>>)
      tpu.yield
    }) : () -> ()
    return
  }
}

</mosaic_0001>

<sc_bundles>
// kernel: kernel.3.cloned.1.call-start
scs
__scs_entry_jumppad:
0x0: {  	(pc) =	sbr.rel $0x88, $3  }
0x1: {  	(tag) =	ssettag $0x0;
	lr =	simm.s32 $0x1  }
0x2: {  	[smem:$0x3F9D] =	sst lr;
	_ =	strace $0xD0000000  }
0x3: {  	_ = 	snop  }
0x4: {  	_ = 	snop  }
0x5: {  	_ = 	snop  }
0x6: {  	_ = 	snop  }
0x7: {  	_ = 	snop  }
__scs_overlays_trampoline_lowered:
0x8: {  	[smem:$0x3FAC] =	sst s0  }
0x9: {  	[smem:$0x3FAD] =	sst s1  }
0xa: {  	[smem:$0x3FAE] =	sst s2  }
0xb: {  	[smem:$0x3FAF] =	sst s3  }
0xc: {  	[smem:$0x3FB0] =	sst s4  }
0xd: {  	[smem:$0x3FB1] =	sst s5  }
0xe: {  	[smem:$0x3FB2] =	sst s6  }
0xf: {  	[smem:$0x3FB3] =	sst s7  }
0x10: {  	[smem:$0x3FB4] =	sst s8  }
0x11: {  	[smem:$0x3FB5] =	sst s9;
	s0 =	simm.s32 @!p0 $0x0  }
0x12: {  	s1 =	sld [smem:$0x3F9B];
	s0 =	simm.s32 @p0 $0x1  }
0x13: {  	[smem:$0x3FB6] =	sst s0;
	s0 =	simm.s32 @!p1 $0x0  }
0x14: {  	s2 =	sld [smem:$0x3F9A];
	s0 =	simm.s32 @p1 $0x1  }
0x15: {  	[smem:$0x3FB7] =	sst s0;
	s0 =	simm.s32 @!p2 $0x0  }
0x16: {  	s3 =	sld [smem:$0x3FDB];
	s0 =	simm.s32 @p2 $0x1  }
0x17: {  	s4 =	simm.s32 $0x1BF5;
	[smem:$0x3FB9] =	sst s0  }
0x18: {  	s0 =	sld [smem:$0x3F9C];
	_ =	swait.ge [sflag:s4], $0x0  }
0x19: {  	s7 =	sld [smem:$0x3F9D]  }
0x1a: {  	s8 =	sadd.s32 $0xFFFFE003, lr  }
0x1b: {  	s9 =	sadd.s32 $0xFFFFFEF7, lr;
	s5 =	simm.s32 $0xFFFFFFFF;
	p2 =	slt.u32 s8, $0xFFFFF086  }
0x1c: {  	p1 =	slt.u32 s9, $0xF7A;
	s5 =	simm.s32 @!p2 $0x0  }
0x1d: {  	s5 =	simm.s32 @p1 $0x1;
	p0 =	seq.s32 s7, s2  }
0x1e: {  	s7 =	smul.u32 @!p0 $0xF7A, s2;
	p2 =	seq.s32 @!p0 s5, $0x0  }
0x1f: {  	s9 =	smul.u32 $0xF7A, s1;
	s8 =	simm.s32 @!p0 $0x1BF5;
	p2 =	por !p2, p0  }
0x20: {  	[sflag:s8] =	ssyncset.s32 @!p0 $0xFFFFF086;
	s6 =	sadd.s32 @!p0 s3, s7;
	s7 =	simm.s32 @!p0 $0x108  }
0x21: {  	s3 =	sadd.s32 s3, s9;
	s6 =	sadd.s32 @!p0 $0x88, s6;
	s7 =	simm.s32 @p2 $0x1082  }
0x22: {  	[simem:s7], [sflag:s8] =	dma.local @!p0 [hbm:s6], $0xF7A  }
0x23: {  	s9 =	sor.u32 $0xD0000000, s2;
	s6 =	simm.s32 $0x108;
	_ =	swait.ge @!p0 [sflag:s8], $0x0  }
0x24: {  	s3 =	sadd.s32 $0x88, s3;
	s6 =	simm.s32 @!p1 $0x1082;
	[sflag:s4] =	ssyncset.s32 $0xFFFFF086  }
0x25: {  	[simem:s6], [sflag:s4] =	dma.local [hbm:s3], $0xF7A  }
0x26: {  	[smem:$0x3F9D] =	sst s1;
	(tag) =	ssettag s2;
	_ =	strace s9  }
0x27: {  	s1 =	sld [smem:$0x3FAD]  }
0x28: {  	s2 =	sld [smem:$0x3FAE]  }
0x29: {  	s4 =	sld [smem:$0x3FB0]  }
0x2a: {  	p0 =	seq.s32 s5, $0x0;
	s5 =	sld [smem:$0x3FB1]  }
0x2b: {  	s6 =	sld [smem:$0x3FB2]  }
0x2c: {  	s7 =	sld [smem:$0x3FB3]  }
0x2d: {  	s3 =	simm.s32 $0x108;
	s8 =	sld [smem:$0x3FB4]  }
0x2e: {  	s3 =	simm.s32 @!p0 $0x1082;
	s9 =	sld [smem:$0x3FB5]  }
0x2f: {  	lr =	sadd.s32 s0, s3;
	s0 =	sld [smem:$0x3FAC]  }
0x30: {  	s3 =	sld [smem:$0x3FAF]  }
0x31: {  	[smem:$0x3FB8] =	sst s10  }
0x32: {  	s10 =	sld [smem:$0x3FB6];
	_ =	sdelay $0x3  }
0x33: {  	p0 =	seq.s32 s10, $0x1;
	s10 =	sld [smem:$0x3FB8];
	_ =	sdelay $0x3  }
0x34: {  	[smem:$0x3FB8] =	sst s10  }
0x35: {  	s10 =	sld [smem:$0x3FB7];
	_ =	sdelay $0x3  }
0x36: {  	p1 =	seq.s32 s10, $0x1;
	s10 =	sld [smem:$0x3FB8];
	_ =	sdelay $0x3  }
0x37: {  	[smem:$0x3FB8] =	sst s10  }
0x38: {  	s10 =	sld [smem:$0x3FB9]  }
0x39: {  	_ = 	snop;
	(pc) =	sbr.ind lr, $3  }
0x3a: {  	_ = 	snop  }
0x3b: {  	_ = 	snop  }
0x3c: {  	p2 =	seq.s32 s10, $0x1;
	s10 =	sld [smem:$0x3FB8]  }
0x3d: {  	_ =	shalt  }
0x3e: {  	_ =	shalt  }
0x3f: {  	_ =	shalt  }
0x40: {  	_ =	shalt  }
0x41: {  	_ =	shalt  }
0x42: {  	_ =	shalt  }
0x43: {  	_ =	shalt  }
0x44: {  	_ =	shalt  }
0x45: {  	_ =	shalt  }
0x46: {  	_ =	shalt  }
0x47: {  	_ =	shalt  }
0x48: {  	_ =	shalt  }
0x49: {  	_ =	shalt  }
0x4a: {  	_ =	shalt  }
0x4b: {  	_ =	shalt  }
0x4c: {  	_ =	shalt  }
0x4d: {  	_ =	shalt  }
0x4e: {  	_ =	shalt  }
0x4f: {  	_ =	shalt  }
0x50: {  	_ =	shalt  }
0x51: {  	_ =	shalt  }
0x52: {  	_ =	shalt  }
0x53: {  	_ =	shalt  }
0x54: {  	_ =	shalt  }
0x55: {  	_ =	shalt  }
0x56: {  	_ =	shalt  }
0x57: {  	_ =	shalt  }
0x58: {  	_ =	shalt  }
0x59: {  	_ =	shalt  }
0x5a: {  	_ =	shalt  }
0x5b: {  	_ =	shalt  }
0x5c: {  	_ =	shalt  }
0x5d: {  	_ =	shalt  }
0x5e: {  	_ =	shalt  }
0x5f: {  	_ =	shalt  }
0x60: {  	_ =	shalt  }
0x61: {  	_ =	shalt  }
0x62: {  	_ =	shalt  }
0x63: {  	_ =	shalt  }
0x64: {  	_ =	shalt  }
0x65: {  	_ =	shalt  }
0x66: {  	_ =	shalt  }
0x67: {  	_ =	shalt  }
0x68: {  	_ =	shalt  }
0x69: {  	_ =	shalt  }
0x6a: {  	_ =	shalt  }
0x6b: {  	_ =	shalt  }
0x6c: {  	_ =	shalt  }
0x6d: {  	_ =	shalt  }
0x6e: {  	_ =	shalt  }
0x6f: {  	_ =	shalt  }
0x70: {  	_ =	shalt  }
0x71: {  	_ =	shalt  }
0x72: {  	_ =	shalt  }
0x73: {  	_ =	shalt  }
0x74: {  	_ =	shalt  }
0x75: {  	_ =	shalt  }
0x76: {  	_ =	shalt  }
0x77: {  	_ =	shalt  }
0x78: {  	_ =	shalt  }
0x79: {  	_ =	shalt  }
0x7a: {  	_ =	shalt  }
0x7b: {  	_ =	shalt  }
0x7c: {  	_ =	shalt  }
0x7d: {  	_ =	shalt  }
0x7e: {  	_ =	shalt  }
0x7f: {  	_ =	shalt  }
0x80: {  	_ =	shalt  }
0x81: {  	_ =	shalt  }
0x82: {  	_ =	shalt  }
0x83: {  	_ =	shalt  }
0x84: {  	_ =	shalt  }
0x85: {  	_ =	shalt  }
0x86: {  	_ =	shalt  }
0x87: {  	_ =	shalt  }
.Lfunc_end0:
.L_simem_size_0:
called_computation_lowered:
.L_overlay_start_0:
0x88: {  	s2 =	sld [smem:$0x3FD9]  }
0x89: {  	s3 =	sld [smem:$0x3FFE];
	_ =	sdelay $0x1  }
0x8a: {  	s1 =	srdreg.scid  }
0x8b: {  	s0 =	sand.u32 $0x1, s1  }
0x8c: {  	s17 =	sshll.u32 s0, $0xA;
	s2 =	sadd.s32 s3, s2  }
0x8d: {  	s2 =	sadd.s32 s2, s17  }
0x8e: {  	[smem:$0x3FC4] =	sst s2  }
0x8f: {  	_ = 	snop  }
0x90: {  	s2 =	sld [smem:$0x3FC9]  }
0x91: {  	s18 =	sld [smem:$0x3FC8]  }
0x92: {  	s4 =	sld [smem:$0x3FD0];
	(tm) =	ssettm $0x1  }
0x93: {  	s5 =	sld [smem:$0x3FFB];
	_ =	sdelay $0x3  }
0x94: {  	_ =	strace s5  }
0x95: {  	s5 =	sld [smem:$0x3FFC];
	_ =	sdelay $0x3  }
0x96: {  	_ =	strace s5  }
0x97: {  	s5 =	sld [smem:$0x3FFD];
	_ =	sdelay $0x3  }
0x98: {  	_ =	strace s5  }
0x99: {  	_ =	strace $0x8FFFFFFF  }
0x9a: {  	s19 =	sld [smem:$0x3FDB];
	_ =	sdelay $0x1  }
0x9b: {  	s6 =	simm.s32 $_scs_section_size  }
0x9c: {  	s7 =	simm.s32 $_size__tile_overlayer_lowered;
	s8 =	simm.s32 $_tile_overlayer_lowered  }
0x9d: {  	s22 =	simm.s32 $0x1BFF;
	s21 =	sshll.u32 s8, $0x1;
	s5 =	sadd.s32 s6, s19  }
0x9e: {  	s9 =	simm.s32 $0x0;
	s20 =	sshll.u32 s7, $0x1;
	s7 =	sadd.s32 s21, s5  }
0x9f: {  	[timem:s9], [sflag:s22] =	dma.local [hbm:s7], s20  }
0xa0: {  	_ =	swait.ge [sflag:s22], s20  }
0xa1: {  	s6 =	ssub.s32 $0x0, s20;
	[sflag:s22] =	ssyncset.done $0x0  }
0xa2: {  	[sflag:s22] =	ssyncadd.s32 s6;
	_ =	sdelay $0x1  }
0xa3: {  	s23 =	simm.s32 $0x1B8B  }
0xa4: {  	_ =	swait.ge [sflag:s23], $0x1  }
0xa5: {  	[sflag:s23] =	ssyncset.done $0x0  }
0xa6: {  	s25 =	simm.s32 $0x1B8E;
	s24 =	sld [smem:$0x3FFE];
	[sflag:s23] =	ssyncadd.s32 $0xFFFFFFFF  }
0xa7: {  	s26 =	simm.s32 $execute0_lowered;
	[smem:$0x3FD2] =	sst s25  }
0xa8: {  	s7 =	sshll.u32 s26, $0x1;
	_ =	strace $0x80000046;
	[dreg:$0x1] =	wrdreg $0xFFFFFFFF  }
0xa9: {  	s28 =	simm.s32 $_size_execute0_lowered;
	s5 =	sadd.s32 s5, s7;
	[dreg:$0x0] =	wrdreg $0x0  }
0xaa: {  	s7 =	sshll.u32 s28, $0x1;
	[dreg:$0x2] =	wrdreg s5  }
0xab: {  	[dreg:$0x3] =	wrdreg s7  }
0xac: {  	[dreg:$0x4] =	wrdreg $0xC0  }
0xad: {  	_ =	task [dreg:s9], $0x5FFFF  }
0xae: {  	[dreg:$0x1] =	wrdreg $0xFFFFFFFF  }
0xaf: {  	[dreg:$0x0] =	wrdreg $0x60  }
0xb0: {  	[dreg:$0x2] =	wrdreg s2  }
0xb1: {  	[dreg:$0x3] =	wrdreg s18  }
0xb2: {  	[dreg:$0x4] =	wrdreg s24  }
0xb3: {  	[dreg:$0x5] =	wrdreg s4  }
0xb4: {  	[dreg:$0x6] =	wrdreg $0x1DA000  }
0xb5: {  	[dreg:$0x7] =	wrdreg $0x9  }
0xb6: {  	_ =	task.clear_ibuf [dreg:s9], $0x8FFFF;
	_ =	strace $0x90000046  }
0xb7: {  	s29 =	simm.s32 $0x9;
	_ =	strace $0x80000048  }
0xb8: {  	_ =	swait.ge [sflag:s29], $0x1  }
0xb9: {  	[sflag:s29] =	ssyncadd.s32 $0xFFFFFFFF  }
0xba: {  	_ =	strace $0x90000048  }
0xbb: {  	_ =	sfence  }
0xbc: {  	s30 =	sld [smem:$0x0];
	_ =	sdelay $0x2  }
0xbd: {  	s31 =	sshll.u32 s1, $0xD;
	s1 =	sshrl.u32 s1, $0x2  }
0xbe: {  	s3 =	sand.u32 $0x4000, s31;
	s1 =	sadd.s32 s1, s30  }
0xbf: {  	s0 =	sor.u32 s3, s0;
	s1 =	sshll.u32 s1, $0x11  }
0xc0: {  	s0 =	sor.u32 s1, s0  }
0xc1: {  	s0 =	sadd.s32 $0x8F2B, s0  }
0xc2: {  	[sflag:s0] =	ssyncadd.remote.s32 $0x1  }
0xc3: {  	_ =	sfence.sel $0xFFFF  }
0xc4: {  	[dreg:$0x0] =	wrdreg $0xFFFFFFFF;
	(pc) =	sbr.abs _section_cstart, $3  }
0xc5: {  	[dreg:$0x1] =	wrdreg $0xFFFFFFFF  }
0xc6: {  	_ =	task.clear_ibuf [dreg:s9], $0x2FFFF;
	_ =	strace $0x9FFFFFFF  }
0xc7: {  	(tm) =	ssettm $0x7FFFFFFF  }
tec
execute0_lowered:
.L_overlay_start_1:
0x0: {  	(tag) =	ssettag $0x1  }
0x1: {  	s11 =	rddreg [dreg:$0x0]  }
0x2: {  	s2 =	rddreg [dreg:$0x1]  }
0x3: {  	s0 =	rddreg [dreg:$0x2]  }
0x4: {  	s5 =	rddreg [dreg:$0x4]  }
0x5: {  	s1 =	srdreg.scid;
	s9 =	stileid.u32;
	s6 =	simm.s32 $0x0  }
0x6: {  	s10 =	simm.s32 $0x3E;
	[smem:$0x7FF] =	sst s6;
	s7 =	sadd.s32 $0x600, s0  }
0x7: {  	s12 =	sadd.s32 $0x400, s0;
	_ =	strace $0x80000047;
	[dreg:$0x6] =	wrdreg s7  }
0x8: {  	s29 =	simm.s32 $0x19900;
	s15 =	sadd.s32 $0x100, s11;
	[dreg:$0x7] =	wrdreg s12  }
0x9: {  	s30 =	simm.s32 $0x3;
	s16 =	sadd.s32 $0x200, s11;
	[dreg:$0x8] =	wrdreg s15  }
0xa: {  	s31 =	simm.s32 $0x1B500;
	s17 =	sadd.s32 $0x300, s11;
	[dreg:$0x9] =	wrdreg s16  }
0xb: {  	s1 =	sand.u32 $0x1, s1;
	s18 =	sadd.s32 $0x400, s11;
	[dreg:$0xa] =	wrdreg s17  }
0xc: {  	s3 =	smul.u32 $0x1C10, s9;
	s19 =	sadd.s32 $0x500, s11;
	[dreg:$0xb] =	wrdreg s18  }
0xd: {  	s9 =	sshll.u32 s9, $0x1;
	s20 =	sadd.s32 $0x600, s11;
	[dreg:$0xc] =	wrdreg s19  }
0xe: {  	s22 =	sadd.s32 $0x700, s11;
	s4 =	smul.u32 $0x1C100, s1;
	[dreg:$0xd] =	wrdreg s20  }
0xf: {  	s13 =	ssub.s32 $0x2, s1;
	s1 =	sor.u32 s1, s9;
	[dreg:$0xe] =	wrdreg s22  }
0x10: {  	s19 =	sadd.s32 $0x80, s2;
	s22 =	sadd.s32 $0x100, s2;
	s7 =	simm.s32 $0x7A1400  }
0x11: {  	s12 =	simm.s32 $0x1B580;
	s15 =	simm.s32 $0x18900;
	s16 =	simm.s32 $0x2  }
0x12: {  	s17 =	simm.s32 $0x0;
	s8 =	sshrl.u32 s13, $0x1;
	s9 =	smul.u32 $0x7A00, s1  }
0x13: {  	p0 =	seq.s32 s1, $0x1F;
	s21 =	sadd.s32 s3, s5;
	s4 =	sadd.s32 s3, s4  }
0x14: {  	s14 =	ssub.s32 s13, s8;
	s10 =	simm.s32 @!p0 $0x3D;
	s3 =	simm.s32 $0x240  }
0x15: {  	s8 =	simm.s32 $0x4880;
	s13 =	simm.s32 $0x1B980;
	s3 =	simm.s32 @!p0 $0x0;
	v0 =	vmov s9  }
0x16: {  	v3 =	vimm.f32 $0.0e+00;
	v5 =	vimm.s32 $0x20000000;
	s4 =	sshrl.u32 s4, $0x3;
	s23 =	sadd.s32 s2, s9;
	s24 =	sadd.s32 s9, s19;
	v1 =	vadd.s32 s3, v0  }
0x17: {  	v7 =	vimm.s32 $0x800000;
	p0 =	sne.s32 s1, $0x1F;
	s25 =	smax.u32 s14, $0x1;
	[dreg:$0xf] =	wrdreg s23;
	v2 =	vadd.s32 $0x7A00, v1;
	v1 =	vlaneseq.u32  }
.Ltmp0:
0x18: {  	v8 =	vimm.s32 $0x0;
	s26 =	sadd.s32 s9, s22;
	[dreg:$0x10] =	wrdreg s24;
	v2 =	vbroadcast v2, $0x0;
	v4 =	vmul.u32 $0x8000, v1;
	(pc) =	sbr.rel .LBB2_1-.Ltmp0, $4  }
0x19: {  	s1 =	simm.s32 $0x8900;
	s0 =	sadd.s32 s4, s0;
	[dreg:$0x12] =	wrdreg s25;
	v6 =	vor.u32 $0x10, v1;
	v9 =	vor.u32 $0x20, v1;
	v10 =	vor.u32 $0x30, v1  }
0x1a: {  	s23 =	sadd.s32 $0x180, s2;
	[dreg:$0x13] =	wrdreg s26;
	s0 =	sadd.s32 $0x800, s0;
	v11 =	vor.u32 $0x40, v1;
	v12 =	vor.u32 $0x50, v1;
	v13 =	vor.u32 $0x60, v1  }
0x1b: {  	s14 =	simm.s32 $0x80;
	s28 =	sadd.s32 s9, s23;
	[dreg:$0x11] =	wrdreg s0;
	v14 =	vor.u32 $0x400, v1;
	v15 =	vor.u32 $0x800, v1;
	v16 =	vor.u32 $0xC00, v1  }
0x1c: {  	s3 =	simm.s32 $0x800;
	[dreg:$0x14] =	wrdreg s28;
	s0 =	simm.s32 $0x1BD80;
	v17 =	vor.u32 $0x1000, v1;
	v18 =	vor.u32 $0x1400, v1;
	v19 =	vor.u32 $0x1800, v1  }
.LBB2_50:
0x1d: {  	[bflag:$0x0] =	sbarrier.arrive $0xFFFF  }
0x1e: {  	[tilespmem:s0], [sflag:$0x3] =	stream.linear.gather [spmem:s4], $0x1C10, $0x38;
	[tilespmem:$0x1F610] =	vst v63  }
0x1f: {  	_ =	swait.ge [sflag:s30], $0x1C10  }
0x20: {  	[sflag:s30] =	ssyncset.done $0x0  }
0x21: {  	s26 =	rddreg [dreg:$0x11];
	[sflag:s30] =	ssyncadd.s32 $0xFFFFE3F0  }
0x22: {  	[hbm4b:s26+s6] =	stream.linear.scatter [tilespmem:s0], [sflag:$0x3], $0x1C10, $0x38;
	[tilespmem:$0x1F610] =	vst v63  }
0x23: {  	_ =	swait.ge [sflag:s30], $0x1C10  }
0x24: {  	s17 =	sadd.s32 $0x1, s17;
	s28 =	rddreg [dreg:$0x12]  }
0x25: {  	p1 =	sne.s32 s17, s28  }
.Ltmp1:
0x26: {  	_ = 	snop;
	(pc) =	sbr.rel @!p1 .LBB2_51-.Ltmp1, $3  }
0x27: {  	_ =	sdelay $0x1  }
0x28: {  	[sflag:s30] =	ssyncset.done $0x0  }
0x29: {  	s21 =	smov.u32 s4;
	[sflag:s30] =	ssyncadd.s32 $0xFFFFE3F0  }
.LBB2_1:
0x2a: {  	s11 =	rddreg [dreg:$0x3]  }
0x2b: {  	[tilespmem:s29], [sflag:$0x3] =	stream.linear.gather [hbm4b:s11+s6], $0x1C00, $0x38;
	[tilespmem:$0x1F610] =	vst v63  }
0x2c: {  	_ =	swait.ge [sflag:s30], $0x1C00  }
0x2d: {  	[sflag:s30] =	ssyncset.done $0x0  }
0x2e: {  	s28 =	rddreg [dreg:$0x7];
	[sflag:s30] =	ssyncadd.s32 $0xFFFFE400  }
0x2f: {  	[tilespmem:s31], [sflag:$0x3] =	stream.linear.gather [hbm4b:s28+s6], $0x80, $0x38;
	[tilespmem:$0x1F610] =	vst v63  }
0x30: {  	_ =	swait.ge [sflag:s30], $0x80  }
0x31: {  	[sflag:s30] =	ssyncset.done $0x0  }
0x32: {  	s18 =	simm.s32 $0x10;
	v20 =	vor.u32 s6, v1;
	[sflag:s30] =	ssyncadd.s32 $0xFFFFFF80  }
.LBB2_2:
0x33: {  	p1 =	sne.s32 s18, $0x1C00  }
.Ltmp2:
0x34: {  	_ = 	snop;
	(pc) =	sbr.rel @p1 .LBB2_2-.Ltmp2, $3  }
0x35: {  	_ =	sdelay $0x1  }
0x36: {  	[tilespmem:v20+s0+$0x0] =	vst.idx.msk $0xffff, v3;
	s20 =	smov.u32 s18;
	s18 =	sadd.s32 $0x10, s18  }
0x37: {  	v20 =	vor.u32 s20, v1  }
0x38: {  	_ =	sdelay $0x3  }
0x39: {  	[tilespmem:v20+s0+$0x0] =	vst.idx.msk $0xffff, v3  }
0x3a: {  	[spmem:s21] =	stream.linear.scatter [tilespmem:s0], [sflag:$0x3], $0x1C10, $0x38;
	[tilespmem:$0x1F610] =	vst v63  }
0x3b: {  	_ =	swait.ge [sflag:s30], $0x1C10  }
0x3c: {  	[sflag:s30] =	ssyncset.done $0x0  }
0x3d: {  	[sflag:s30] =	ssyncadd.s32 $0xFFFFE3F0  }
0x3e: {  	s18 =	simm.s32 $0x0;
	[bflag:$0x0] =	sbarrier.arrive $0xFFFF  }
0x3f: {  	v21 =	vor.u32 s18, v1;
	s11 =	rddreg [dreg:$0x0]  }
0x40: {  	[tilespmem:s18], [sflag:$0x3] =	stream.linear.gather [hbm4b:s11+s18], $0x800, $0x38;
	[tilespmem:$0x1F610] =	vst v63  }
0x41: {  	_ =	swait.ge [sflag:s30], $0x800  }
0x42: {  	[sflag:s30] =	ssyncset.done $0x0  }
0x43: {  	[sflag:s30] =	ssyncadd.s32 $0xFFFFF800  }
0x44: {  	v22 =	vld.idx.msk [tilespmem:v21+s6+$0x0], $0xffff;
	_ =	sdelay $0x4  }
0x45: {  	vm0 =	vge.s32 v22, v0;
	vm1 =	vlt.s32 v22, v2  }
0x46: {  	vm0 =	vmand vm0, vm1  }
0x47: {  	v20 =	vsel vm0, $0x1, v8  }
0x48: {  	(xrf0) =	vadd.scan.msk.s32 $0xffff, v20;
	_ =	sdelay $0x2  }
0x49: {  	v24 =	vsel vm0, $0xFFFFFFFF, v8;
	v20 =	vmpcnt.ones.xlane vm0  }
0x4a: {  	v23 =	vimm.s32 $0x0  }
0x4b: {  	v20 =	vadd.s32 v23, v20;
	v23 =	vadd.s32 v24, v23  }
0x4c: {  	v24, _, _ =	vpop (xrf0)  }
0x4d: {  	s28 =	simm.s32 $0x10;
	v25 =	vadd.s32 v24, v23  }
0x4e: {  	s4 =	smov.u32 s21;
	s18 =	simm.s32 $0x20;
	v24 =	vor.u32 s28, v1;
	v23 =	vmov v20  }
.LBB2_4:
0x4f: {  	p1 =	sne.s32 s18, $0x7F0;
	v26 =	vshll.u32 v21, $0xF;
	v21 =	vmov v24  }
0x50: {  	v26 =	vsub.s32 v26, v0  }
0x51: {  	v22 =	vadd.s32 v22, v26  }
0x52: {  	[tilespmem:v25+s3+$0x0] =	vst.idx.msk vm0, v22  }
0x53: {  	v22 =	vld.idx.msk [tilespmem:v24+s6+$0x0], $0xffff;
	_ =	sdelay $0x5  }
0x54: {  	vm0 =	vge.s32 v22, v0;
	vm1 =	vlt.s32 v22, v2  }
0x55: {  	vm0 =	vmand vm0, vm1  }
0x56: {  	v24 =	vsel vm0, $0x1, v8;
	v25 =	vmpcnt.ones.xlane vm0  }
0x57: {  	(xrf0) =	vadd.scan.msk.s32 $0xffff, v24  }
0x58: {  	v20 =	vadd.s32 v20, v25;
	_ =	sdelay $0x2  }
.Ltmp3:
0x59: {  	(pc) =	sbr.rel @p1 .LBB2_4-.Ltmp3, $4  }
0x5a: {  	v24 =	vsel vm0, $0xFFFFFFFF, v8  }
0x5b: {  	v24 =	vadd.s32 v24, v23;
	v23 =	vmov v20;
	v25, _, _ =	vpop (xrf0)  }
0x5c: {  	v25 =	vadd.s32 v25, v24  }
0x5d: {  	v24 =	vor.u32 s18, v1;
	s18 =	sadd.s32 $0x10, s18  }
0x5e: {  	_ =	sdelay $0x1  }
0x5f: {  	v21 =	vshll.u32 v21, $0xF  }
0x60: {  	v21 =	vsub.s32 v21, v0  }
0x61: {  	v21 =	vadd.s32 v22, v21  }
0x62: {  	[tilespmem:v25+s3+$0x0] =	vst.idx.msk vm0, v21  }
0x63: {  	v21 =	vld.idx.msk [tilespmem:v24+s6+$0x0], $0xffff;
	_ =	sdelay $0x4  }
0x64: {  	vm0 =	vge.s32 v21, v0;
	vm1 =	vlt.s32 v21, v2  }
0x65: {  	vm1 =	vmand vm0, vm1  }
0x66: {  	v22 =	vsel vm1, $0x1, v8  }
0x67: {  	(xrf0) =	vadd.scan.msk.s32 $0xffff, v22;
	_ =	sdelay $0x4  }
0x68: {  	v22 =	vsel vm1, $0xFFFFFFFF, v8  }
0x69: {  	v22 =	vadd.s32 v22, v23;
	v23, _, _ =	vpop (xrf0)  }
0x6a: {  	v22 =	vadd.s32 v23, v22;
	_ =	sdelay $0x1  }
0x6b: {  	v23 =	vshll.u32 v24, $0xF  }
0x6c: {  	v23 =	vsub.s32 v23, v0  }
0x6d: {  	s18 =	simm.s32 $0x0;
	v21 =	vadd.s32 v21, v23  }
0x6e: {  	s11 =	rddreg [dreg:$0x8];
	[tilespmem:v22+s3+$0x0] =	vst.idx.msk vm1, v21;
	v21 =	vor.u32 s18, v1  }
0x6f: {  	[tilespmem:s18], [sflag:$0x3] =	stream.linear.gather [hbm4b:s11+s18], $0x800, $0x38;
	[tilespmem:$0x1F610] =	vst v63  }
0x70: {  	_ =	swait.ge [sflag:s30], $0x800  }
0x71: {  	[sflag:s30] =	ssyncset.done $0x0  }
0x72: {  	[sflag:s30] =	ssyncadd.s32 $0xFFFFF800  }
0x73: {  	v21 =	vld.idx.msk [tilespmem:v21+s6+$0x0], $0xffff;
	_ =	sdelay $0x4  }
0x74: {  	vm0 =	vge.s32 v21, v0;
	vm2 =	vlt.s32 v21, v2  }
0x75: {  	vm0 =	vmand vm0, vm2  }
0x76: {  	v22 =	vsel vm0, $0x1, v8  }
0x77: {  	(xrf0) =	vadd.scan.msk.s32 $0xffff, v22;
	_ =	sdelay $0x1  }
0x78: {  	v23 =	vmpcnt.ones.xlane vm0;
	v22 =	vmpcnt.ones.xlane vm1;
	_ =	sdelay $0x1  }
0x79: {  	v24 =	vsel vm0, $0xFFFFFFFF, v8;
	v22 =	vadd.s32 v20, v22  }
0x7a: {  	v20 =	vadd.s32 v22, v23;
	v22 =	vadd.s32 v24, v22  }
0x7b: {  	s20 =	simm.s32 $0x800;
	v23, _, _ =	vpop (xrf0)  }
0x7c: {  	v25 =	vmov s20;
	s18 =	simm.s32 $0x10;
	v23 =	vadd.s32 v23, v22  }
0x7d: {  	s20 =	simm.s32 $0x20;
	v25 =	vshll.u32 v25, $0xF;
	v24 =	vor.u32 s18, v1;
	v22 =	vmov v20  }
.LBB2_6:
0x7e: {  	p1 =	sne.s32 s20, $0x7F0;
	v25 =	vor.u32 v4, v25  }
0x7f: {  	v25 =	vsub.s32 v25, v0  }
0x80: {  	v21 =	vadd.s32 v21, v25  }
0x81: {  	[tilespmem:v23+s3+$0x0] =	vst.idx.msk vm0, v21  }
0x82: {  	v21 =	vld.idx.msk [tilespmem:v24+s6+$0x0], $0xffff;
	_ =	sdelay $0x5  }
0x83: {  	vm0 =	vge.s32 v21, v0;
	vm1 =	vlt.s32 v21, v2  }
0x84: {  	vm0 =	vmand vm0, vm1  }
0x85: {  	v23 =	vsel vm0, $0x1, v8;
	v24 =	vmpcnt.ones.xlane vm0  }
0x86: {  	(xrf0) =	vadd.scan.msk.s32 $0xffff, v23  }
0x87: {  	v20 =	vadd.s32 v20, v24;
	_ =	sdelay $0x2  }
.Ltmp4:
0x88: {  	(pc) =	sbr.rel @p1 .LBB2_6-.Ltmp4, $4  }
0x89: {  	v23 =	vsel vm0, $0xFFFFFFFF, v8  }
0x8a: {  	s21 =	sadd.s32 $0x800, s18;
	s18 =	smov.u32 s20;
	v23 =	vadd.s32 v23, v22;
	v22 =	vmov v20;
	v24, _, _ =	vpop (xrf0)  }
0x8b: {  	v25 =	vmov s21;
	v23 =	vadd.s32 v24, v23  }
0x8c: {  	s20 =	sadd.s32 $0x10, s20;
	v25 =	vshll.u32 v25, $0xF;
	v24 =	vor.u32 s18, v1  }
0x8d: {  	_ =	sdelay $0x1  }
0x8e: {  	v25 =	vor.u32 v4, v25  }
0x8f: {  	v25 =	vsub.s32 v25, v0  }
0x90: {  	v21 =	vadd.s32 v21, v25  }
0x91: {  	[tilespmem:v23+s3+$0x0] =	vst.idx.msk vm0, v21  }
0x92: {  	v21 =	vld.idx.msk [tilespmem:v24+s6+$0x0], $0xffff;
	_ =	sdelay $0x4  }
0x93: {  	vm0 =	vge.s32 v21, v0;
	vm1 =	vlt.s32 v21, v2  }
0x94: {  	vm1 =	vmand vm0, vm1  }
0x95: {  	v23 =	vsel vm1, $0x1, v8  }
0x96: {  	(xrf0) =	vadd.scan.msk.s32 $0xffff, v23;
	_ =	sdelay $0x2  }
0x97: {  	v23 =	vsel vm1, $0xFFFFFFFF, v8;
	_ =	sdelay $0x2  }
0x98: {  	s18 =	sadd.s32 $0x800, s18;
	v22 =	vadd.s32 v23, v22;
	v23, _, _ =	vpop (xrf0)  }
0x99: {  	v24 =	vmov s18;
	v22 =	vadd.s32 v23, v22  }
0x9a: {  	v23 =	vshll.u32 v24, $0xF  }
0x9b: {  	v23 =	vor.u32 v4, v23  }
0x9c: {  	v23 =	vsub.s32 v23, v0  }
0x9d: {  	s28 =	simm.s32 $0x0;
	v21 =	vadd.s32 v21, v23  }
0x9e: {  	s11 =	rddreg [dreg:$0x9];
	[tilespmem:v22+s3+$0x0] =	vst.idx.msk vm1, v21;
	v21 =	vor.u32 s28, v1  }
0x9f: {  	[tilespmem:s28], [sflag:$0x3] =	stream.linear.gather [hbm4b:s11+s28], $0x800, $0x38;
	[tilespmem:$0x1F610] =	vst v63  }
0xa0: {  	_ =	swait.ge [sflag:s30], $0x800  }
0xa1: {  	[sflag:s30] =	ssyncset.done $0x0  }
0xa2: {  	[sflag:s30] =	ssyncadd.s32 $0xFFFFF800  }
0xa3: {  	v21 =	vld.idx.msk [tilespmem:v21+s6+$0x0], $0xffff;
	_ =	sdelay $0x4  }
0xa4: {  	vm0 =	vge.s32 v21, v0;
	vm2 =	vlt.s32 v21, v2  }
0xa5: {  	vm0 =	vmand vm0, vm2  }
0xa6: {  	v22 =	vsel vm0, $0x1, v8  }
0xa7: {  	(xrf0) =	vadd.scan.msk.s32 $0xffff, v22;
	_ =	sdelay $0x1  }
0xa8: {  	v23 =	vmpcnt.ones.xlane vm0;
	v22 =	vmpcnt.ones.xlane vm1;
	_ =	sdelay $0x1  }
0xa9: {  	v24 =	vsel vm0, $0xFFFFFFFF, v8;
	v22 =	vadd.s32 v20, v22  }
0xaa: {  	v20 =	vadd.s32 v22, v23;
	v22 =	vadd.s32 v24, v22  }
0xab: {  	s20 =	simm.s32 $0x1000;
	v23, _, _ =	vpop (xrf0)  }
0xac: {  	v25 =	vmov s20;
	s18 =	simm.s32 $0x10;
	v23 =	vadd.s32 v23, v22  }
0xad: {  	s20 =	simm.s32 $0x20;
	v25 =	vshll.u32 v25, $0xF;
	v24 =	vor.u32 s18, v1;
	v22 =	vmov v20  }
.LBB2_8:
0xae: {  	p1 =	sne.s32 s20, $0x7F0;
	v25 =	vor.u32 v4, v25  }
0xaf: {  	v25 =	vsub.s32 v25, v0  }
0xb0: {  	v21 =	vadd.s32 v21, v25  }
0xb1: {  	[tilespmem:v23+s3+$0x0] =	vst.idx.msk vm0, v21  }
0xb2: {  	v21 =	vld.idx.msk [tilespmem:v24+s6+$0x0], $0xffff;
	_ =	sdelay $0x5  }
0xb3: {  	vm0 =	vge.s32 v21, v0;
	vm1 =	vlt.s32 v21, v2  }
0xb4: {  	vm0 =	vmand vm0, vm1  }
0xb5: {  	v23 =	vsel vm0, $0x1, v8;
	v24 =	vmpcnt.ones.xlane vm0  }
0xb6: {  	(xrf0) =	vadd.scan.msk.s32 $0xffff, v23  }
0xb7: {  	v20 =	vadd.s32 v20, v24;
	_ =	sdelay $0x2  }
.Ltmp5:
0xb8: {  	(pc) =	sbr.rel @p1 .LBB2_8-.Ltmp5, $4  }
0xb9: {  	v23 =	vsel vm0, $0xFFFFFFFF, v8  }
0xba: {  	s21 =	sadd.s32 $0x1000, s18;
	s18 =	smov.u32 s20;
	v23 =	vadd.s32 v23, v22;
	v22 =	vmov v20;
	v24, _, _ =	vpop (xrf0)  }
0xbb: {  	v25 =	vmov s21;
	v23 =	vadd.s32 v24, v23  }
0xbc: {  	s20 =	sadd.s32 $0x10, s20;
	v25 =	vshll.u32 v25, $0xF;
	v24 =	vor.u32 s18, v1  }
0xbd: {  	_ =	sdelay $0x1  }
0xbe: {  	v25 =	vor.u32 v4, v25  }
0xbf: {  	v25 =	vsub.s32 v25, v0  }
0xc0: {  	v21 =	vadd.s32 v21, v25  }
0xc1: {  	[tilespmem:v23+s3+$0x0] =	vst.idx.msk vm0, v21  }
0xc2: {  	v21 =	vld.idx.msk [tilespmem:v24+s6+$0x0], $0xffff;
	_ =	sdelay $0x4  }
0xc3: {  	vm0 =	vge.s32 v21, v0;
	vm1 =	vlt.s32 v21, v2  }
0xc4: {  	vm1 =	vmand vm0, vm1  }
0xc5: {  	v23 =	vsel vm1, $0x1, v8  }
0xc6: {  	(xrf0) =	vadd.scan.msk.s32 $0xffff, v23;
	_ =	sdelay $0x2  }
0xc7: {  	v23 =	vsel vm1, $0xFFFFFFFF, v8;
	_ =	sdelay $0x2  }
0xc8: {  	s18 =	sadd.s32 $0x1000, s18;
	v22 =	vadd.s32 v23, v22;
	v23, _, _ =	vpop (xrf0)  }
0xc9: {  	v24 =	vmov s18;
	v22 =	vadd.s32 v23, v22  }
0xca: {  	v23 =	vshll.u32 v24, $0xF  }
0xcb: {  	v23 =	vor.u32 v4, v23  }
0xcc: {  	v23 =	vsub.s32 v23, v0  }
0xcd: {  	s28 =	simm.s32 $0x0;
	v21 =	vadd.s32 v21, v23  }
0xce: {  	s11 =	rddreg [dreg:$0xa];
	[tilespmem:v22+s3+$0x0] =	vst.idx.msk vm1, v21;
	v21 =	vor.u32 s28, v1  }
0xcf: {  	[tilespmem:s28], [sflag:$0x3] =	stream.linear.gather [hbm4b:s11+s28], $0x800, $0x38;
	[tilespmem:$0x1F610] =	vst v63  }
0xd0: {  	_ =	swait.ge [sflag:s30], $0x800  }
0xd1: {  	[sflag:s30] =	ssyncset.done $0x0  }
0xd2: {  	[sflag:s30] =	ssyncadd.s32 $0xFFFFF800  }
0xd3: {  	v21 =	vld.idx.msk [tilespmem:v21+s6+$0x0], $0xffff;
	_ =	sdelay $0x4  }
0xd4: {  	vm0 =	vge.s32 v21, v0;
	vm2 =	vlt.s32 v21, v2  }
0xd5: {  	vm0 =	vmand vm0, vm2  }
0xd6: {  	v22 =	vsel vm0, $0x1, v8  }
0xd7: {  	(xrf0) =	vadd.scan.msk.s32 $0xffff, v22;
	_ =	sdelay $0x1  }
0xd8: {  	v23 =	vmpcnt.ones.xlane vm0;
	v22 =	vmpcnt.ones.xlane vm1;
	_ =	sdelay $0x1  }
0xd9: {  	v24 =	vsel vm0, $0xFFFFFFFF, v8;
	v22 =	vadd.s32 v20, v22  }
0xda: {  	v20 =	vadd.s32 v22, v23;
	v22 =	vadd.s32 v24, v22  }
0xdb: {  	s20 =	simm.s32 $0x1800;
	v23, _, _ =	vpop (xrf0)  }
0xdc: {  	v25 =	vmov s20;
	s18 =	simm.s32 $0x10;
	v23 =	vadd.s32 v23, v22  }
0xdd: {  	s20 =	simm.s32 $0x20;
	v25 =	vshll.u32 v25, $0xF;
	v24 =	vor.u32 s18, v1;
	v22 =	vmov v20  }
.LBB2_10:
0xde: {  	p1 =	sne.s32 s20, $0x7F0;
	v25 =	vor.u32 v4, v25  }
0xdf: {  	v25 =	vsub.s32 v25, v0  }
0xe0: {  	v21 =	vadd.s32 v21, v25  }
0xe1: {  	[tilespmem:v23+s3+$0x0] =	vst.idx.msk vm0, v21  }
0xe2: {  	v21 =	vld.idx.msk [tilespmem:v24+s6+$0x0], $0xffff;
	_ =	sdelay $0x5  }
0xe3: {  	vm0 =	vge.s32 v21, v0;
	vm1 =	vlt.s32 v21, v2  }
0xe4: {  	vm0 =	vmand vm0, vm1  }
0xe5: {  	v23 =	vsel vm0, $0x1, v8;
	v24 =	vmpcnt.ones.xlane vm0  }
0xe6: {  	(xrf0) =	vadd.scan.msk.s32 $0xffff, v23  }
0xe7: {  	v20 =	vadd.s32 v20, v24;
	_ =	sdelay $0x2  }
.Ltmp6:
0xe8: {  	(pc) =	sbr.rel @p1 .LBB2_10-.Ltmp6, $4  }
0xe9: {  	v23 =	vsel vm0, $0xFFFFFFFF, v8  }
0xea: {  	s21 =	sadd.s32 $0x1800, s18;
	s18 =	smov.u32 s20;
	v23 =	vadd.s32 v23, v22;
	v22 =	vmov v20;
	v24, _, _ =	vpop (xrf0)  }
0xeb: {  	v25 =	vmov s21;
	v23 =	vadd.s32 v24, v23  }
0xec: {  	s20 =	sadd.s32 $0x10, s20;
	v25 =	vshll.u32 v25, $0xF;
	v24 =	vor.u32 s18, v1  }
0xed: {  	_ =	sdelay $0x1  }
0xee: {  	v25 =	vor.u32 v4, v25  }
0xef: {  	v25 =	vsub.s32 v25, v0  }
0xf0: {  	v21 =	vadd.s32 v21, v25  }
0xf1: {  	[tilespmem:v23+s3+$0x0] =	vst.idx.msk vm0, v21  }
0xf2: {  	v21 =	vld.idx.msk [tilespmem:v24+s6+$0x0], $0xffff;
	_ =	sdelay $0x4  }
0xf3: {  	vm0 =	vge.s32 v21, v0;
	vm1 =	vlt.s32 v21, v2  }
0xf4: {  	vm1 =	vmand vm0, vm1  }
0xf5: {  	v23 =	vsel vm1, $0x1, v8  }
0xf6: {  	(xrf0) =	vadd.scan.msk.s32 $0xffff, v23;
	_ =	sdelay $0x2  }
0xf7: {  	v23 =	vsel vm1, $0xFFFFFFFF, v8;
	_ =	sdelay $0x2  }
0xf8: {  	s18 =	sadd.s32 $0x1800, s18;
	v22 =	vadd.s32 v23, v22;
	v23, _, _ =	vpop (xrf0)  }
0xf9: {  	v24 =	vmov s18;
	v22 =	vadd.s32 v23, v22  }
0xfa: {  	v23 =	vshll.u32 v24, $0xF  }
0xfb: {  	v23 =	vor.u32 v4, v23  }
0xfc: {  	v23 =	vsub.s32 v23, v0  }
0xfd: {  	s28 =	simm.s32 $0x0;
	v21 =	vadd.s32 v21, v23  }
0xfe: {  	s11 =	rddreg [dreg:$0xb];
	[tilespmem:v22+s3+$0x0] =	vst.idx.msk vm1, v21;
	v21 =	vor.u32 s28, v1  }
0xff: {  	[tilespmem:s28], [sflag:$0x3] =	stream.linear.gather [hbm4b:s11+s28], $0x800, $0x38;
	[tilespmem:$0x1F610] =	vst v63  }
0x100: {  	_ =	swait.ge [sflag:s30], $0x800  }
0x101: {  	[sflag:s30] =	ssyncset.done $0x0  }
0x102: {  	[sflag:s30] =	ssyncadd.s32 $0xFFFFF800  }
0x103: {  	v21 =	vld.idx.msk [tilespmem:v21+s6+$0x0], $0xffff;
	_ =	sdelay $0x4  }
0x104: {  	vm0 =	vge.s32 v21, v0;
	vm2 =	vlt.s32 v21, v2  }
0x105: {  	vm0 =	vmand vm0, vm2  }
0x106: {  	v22 =	vsel vm0, $0x1, v8  }
0x107: {  	(xrf0) =	vadd.scan.msk.s32 $0xffff, v22;
	_ =	sdelay $0x1  }
0x108: {  	v23 =	vmpcnt.ones.xlane vm0;
	v22 =	vmpcnt.ones.xlane vm1;
	_ =	sdelay $0x1  }
0x109: {  	v24 =	vsel vm0, $0xFFFFFFFF, v8;
	v22 =	vadd.s32 v20, v22  }
0x10a: {  	v20 =	vadd.s32 v22, v23;
	v22 =	vadd.s32 v24, v22  }
0x10b: {  	s20 =	simm.s32 $0x2000;
	v23, _, _ =	vpop (xrf0)  }
0x10c: {  	v25 =	vmov s20;
	s18 =	simm.s32 $0x10;
	v23 =	vadd.s32 v23, v22  }
0x10d: {  	s20 =	simm.s32 $0x20;
	v25 =	vshll.u32 v25, $0xF;
	v24 =	vor.u32 s18, v1;
	v22 =	vmov v20  }
.LBB2_12:
0x10e: {  	p1 =	sne.s32 s20, $0x7F0;
	v25 =	vor.u32 v4, v25  }
0x10f: {  	v25 =	vsub.s32 v25, v0  }
0x110: {  	v21 =	vadd.s32 v21, v25  }
0x111: {  	[tilespmem:v23+s3+$0x0] =	vst.idx.msk vm0, v21  }
0x112: {  	v21 =	vld.idx.msk [tilespmem:v24+s6+$0x0], $0xffff;
	_ =	sdelay $0x5  }
0x113: {  	vm0 =	vge.s32 v21, v0;
	vm1 =	vlt.s32 v21, v2  }
0x114: {  	vm0 =	vmand vm0, vm1  }
0x115: {  	v23 =	vsel vm0, $0x1, v8;
	v24 =	vmpcnt.ones.xlane vm0  }
0x116: {  	(xrf0) =	vadd.scan.msk.s32 $0xffff, v23  }
0x117: {  	v20 =	vadd.s32 v20, v24;
	_ =	sdelay $0x2  }
.Ltmp7:
0x118: {  	(pc) =	sbr.rel @p1 .LBB2_12-.Ltmp7, $4  }
0x119: {  	v23 =	vsel vm0, $0xFFFFFFFF, v8  }
0x11a: {  	s21 =	sadd.s32 $0x2000, s18;
	s18 =	smov.u32 s20;
	v23 =	vadd.s32 v23, v22;
	v22 =	vmov v20;
	v24, _, _ =	vpop (xrf0)  }
0x11b: {  	v25 =	vmov s21;
	v23 =	vadd.s32 v24, v23  }
0x11c: {  	s20 =	sadd.s32 $0x10, s20;
	v25 =	vshll.u32 v25, $0xF;
	v24 =	vor.u32 s18, v1  }
0x11d: {  	_ =	sdelay $0x1  }
0x11e: {  	v25 =	vor.u32 v4, v25  }
0x11f: {  	v25 =	vsub.s32 v25, v0  }
0x120: {  	v21 =	vadd.s32 v21, v25  }
0x121: {  	[tilespmem:v23+s3+$0x0] =	vst.idx.msk vm0, v21  }
0x122: {  	v21 =	vld.idx.msk [tilespmem:v24+s6+$0x0], $0xffff;
	_ =	sdelay $0x4  }
0x123: {  	vm0 =	vge.s32 v21, v0;
	vm1 =	vlt.s32 v21, v2  }
0x124: {  	vm1 =	vmand vm0, vm1  }
0x125: {  	v23 =	vsel vm1, $0x1, v8  }
0x126: {  	(xrf0) =	vadd.scan.msk.s32 $0xffff, v23;
	_ =	sdelay $0x2  }
0x127: {  	v23 =	vsel vm1, $0xFFFFFFFF, v8;
	_ =	sdelay $0x2  }
0x128: {  	s18 =	sadd.s32 $0x2000, s18;
	v22 =	vadd.s32 v23, v22;
	v23, _, _ =	vpop (xrf0)  }
0x129: {  	v24 =	vmov s18;
	v22 =	vadd.s32 v23, v22  }
0x12a: {  	v23 =	vshll.u32 v24, $0xF  }
0x12b: {  	v23 =	vor.u32 v4, v23  }
0x12c: {  	v23 =	vsub.s32 v23, v0  }
0x12d: {  	s28 =	simm.s32 $0x0;
	v21 =	vadd.s32 v21, v23  }
0x12e: {  	s11 =	rddreg [dreg:$0xc];
	[tilespmem:v22+s3+$0x0] =	vst.idx.msk vm1, v21;
	v21 =	vor.u32 s28, v1  }
0x12f: {  	[tilespmem:s28], [sflag:$0x3] =	stream.linear.gather [hbm4b:s11+s28], $0x800, $0x38;
	[tilespmem:$0x1F610] =	vst v63  }
0x130: {  	_ =	swait.ge [sflag:s30], $0x800  }
0x131: {  	[sflag:s30] =	ssyncset.done $0x0  }
0x132: {  	[sflag:s30] =	ssyncadd.s32 $0xFFFFF800  }
0x133: {  	v21 =	vld.idx.msk [tilespmem:v21+s6+$0x0], $0xffff;
	_ =	sdelay $0x4  }
0x134: {  	vm0 =	vge.s32 v21, v0;
	vm2 =	vlt.s32 v21, v2  }
0x135: {  	vm0 =	vmand vm0, vm2  }
0x136: {  	v22 =	vsel vm0, $0x1, v8  }
0x137: {  	(xrf0) =	vadd.scan.msk.s32 $0xffff, v22;
	_ =	sdelay $0x1  }
0x138: {  	v23 =	vmpcnt.ones.xlane vm0;
	v22 =	vmpcnt.ones.xlane vm1;
	_ =	sdelay $0x1  }
0x139: {  	v24 =	vsel vm0, $0xFFFFFFFF, v8;
	v22 =	vadd.s32 v20, v22  }
0x13a: {  	v20 =	vadd.s32 v22, v23;
	v22 =	vadd.s32 v24, v22  }
0x13b: {  	s20 =	simm.s32 $0x2800;
	v23, _, _ =	vpop (xrf0)  }
0x13c: {  	v25 =	vmov s20;
	s18 =	simm.s32 $0x10;
	v23 =	vadd.s32 v23, v22  }
0x13d: {  	s20 =	simm.s32 $0x20;
	v25 =	vshll.u32 v25, $0xF;
	v24 =	vor.u32 s18, v1;
	v22 =	vmov v20  }
.LBB2_14:
0x13e: {  	p1 =	sne.s32 s20, $0x7F0;
	v25 =	vor.u32 v4, v25  }
0x13f: {  	v25 =	vsub.s32 v25, v0  }
0x140: {  	v21 =	vadd.s32 v21, v25  }
0x141: {  	[tilespmem:v23+s3+$0x0] =	vst.idx.msk vm0, v21  }
0x142: {  	v21 =	vld.idx.msk [tilespmem:v24+s6+$0x0], $0xffff;
	_ =	sdelay $0x5  }
0x143: {  	vm0 =	vge.s32 v21, v0;
	vm1 =	vlt.s32 v21, v2  }
0x144: {  	vm0 =	vmand vm0, vm1  }
0x145: {  	v23 =	vsel vm0, $0x1, v8;
	v24 =	vmpcnt.ones.xlane vm0  }
0x146: {  	(xrf0) =	vadd.scan.msk.s32 $0xffff, v23  }
0x147: {  	v20 =	vadd.s32 v20, v24;
	_ =	sdelay $0x2  }
.Ltmp8:
0x148: {  	(pc) =	sbr.rel @p1 .LBB2_14-.Ltmp8, $4  }
0x149: {  	v23 =	vsel vm0, $0xFFFFFFFF, v8  }
0x14a: {  	s21 =	sadd.s32 $0x2800, s18;
	s18 =	smov.u32 s20;
	v23 =	vadd.s32 v23, v22;
	v22 =	vmov v20;
	v24, _, _ =	vpop (xrf0)  }
0x14b: {  	v25 =	vmov s21;
	v23 =	vadd.s32 v24, v23  }
0x14c: {  	s20 =	sadd.s32 $0x10, s20;
	v25 =	vshll.u32 v25, $0xF;
	v24 =	vor.u32 s18, v1  }
0x14d: {  	_ =	sdelay $0x1  }
0x14e: {  	v25 =	vor.u32 v4, v25  }
0x14f: {  	v25 =	vsub.s32 v25, v0  }
0x150: {  	v21 =	vadd.s32 v21, v25  }
0x151: {  	[tilespmem:v23+s3+$0x0] =	vst.idx.msk vm0, v21  }
0x152: {  	v21 =	vld.idx.msk [tilespmem:v24+s6+$0x0], $0xffff;
	_ =	sdelay $0x4  }
0x153: {  	vm0 =	vge.s32 v21, v0;
	vm1 =	vlt.s32 v21, v2  }
0x154: {  	vm1 =	vmand vm0, vm1  }
0x155: {  	v23 =	vsel vm1, $0x1, v8  }
0x156: {  	(xrf0) =	vadd.scan.msk.s32 $0xffff, v23;
	_ =	sdelay $0x2  }
0x157: {  	v23 =	vsel vm1, $0xFFFFFFFF, v8;
	_ =	sdelay $0x2  }
0x158: {  	s18 =	sadd.s32 $0x2800, s18;
	v22 =	vadd.s32 v23, v22;
	v23, _, _ =	vpop (xrf0)  }
0x159: {  	v24 =	vmov s18;
	v22 =	vadd.s32 v23, v22  }
0x15a: {  	v23 =	vshll.u32 v24, $0xF  }
0x15b: {  	v23 =	vor.u32 v4, v23  }
0x15c: {  	v23 =	vsub.s32 v23, v0  }
0x15d: {  	s28 =	simm.s32 $0x0;
	v21 =	vadd.s32 v21, v23  }
0x15e: {  	s11 =	rddreg [dreg:$0xd];
	[tilespmem:v22+s3+$0x0] =	vst.idx.msk vm1, v21;
	v21 =	vor.u32 s28, v1  }
0x15f: {  	[tilespmem:s28], [sflag:$0x3] =	stream.linear.gather [hbm4b:s11+s28], $0x800, $0x38;
	[tilespmem:$0x1F610] =	vst v63  }
0x160: {  	_ =	swait.ge [sflag:s30], $0x800  }
0x161: {  	[sflag:s30] =	ssyncset.done $0x0  }
0x162: {  	[sflag:s30] =	ssyncadd.s32 $0xFFFFF800  }
0x163: {  	v21 =	vld.idx.msk [tilespmem:v21+s6+$0x0], $0xffff;
	_ =	sdelay $0x4  }
0x164: {  	vm0 =	vge.s32 v21, v0;
	vm2 =	vlt.s32 v21, v2  }
0x165: {  	vm0 =	vmand vm0, vm2  }
0x166: {  	v22 =	vsel vm0, $0x1, v8  }
0x167: {  	(xrf0) =	vadd.scan.msk.s32 $0xffff, v22;
	_ =	sdelay $0x1  }
0x168: {  	v23 =	vmpcnt.ones.xlane vm0;
	v22 =	vmpcnt.ones.xlane vm1;
	_ =	sdelay $0x1  }
0x169: {  	v24 =	vsel vm0, $0xFFFFFFFF, v8;
	v22 =	vadd.s32 v20, v22  }
0x16a: {  	v20 =	vadd.s32 v22, v23;
	v22 =	vadd.s32 v24, v22  }
0x16b: {  	s20 =	simm.s32 $0x3000;
	v23, _, _ =	vpop (xrf0)  }
0x16c: {  	v25 =	vmov s20;
	s18 =	simm.s32 $0x10;
	v23 =	vadd.s32 v23, v22  }
0x16d: {  	s20 =	simm.s32 $0x20;
	v25 =	vshll.u32 v25, $0xF;
	v24 =	vor.u32 s18, v1;
	v22 =	vmov v20  }
.LBB2_16:
0x16e: {  	p1 =	sne.s32 s20, $0x7F0;
	v25 =	vor.u32 v4, v25  }
0x16f: {  	v25 =	vsub.s32 v25, v0  }
0x170: {  	v21 =	vadd.s32 v21, v25  }
0x171: {  	[tilespmem:v23+s3+$0x0] =	vst.idx.msk vm0, v21  }
0x172: {  	v21 =	vld.idx.msk [tilespmem:v24+s6+$0x0], $0xffff;
	_ =	sdelay $0x5  }
0x173: {  	vm0 =	vge.s32 v21, v0;
	vm1 =	vlt.s32 v21, v2  }
0x174: {  	vm0 =	vmand vm0, vm1  }
0x175: {  	v23 =	vsel vm0, $0x1, v8;
	v24 =	vmpcnt.ones.xlane vm0  }
0x176: {  	(xrf0) =	vadd.scan.msk.s32 $0xffff, v23  }
0x177: {  	v20 =	vadd.s32 v20, v24;
	_ =	sdelay $0x2  }
.Ltmp9:
0x178: {  	(pc) =	sbr.rel @p1 .LBB2_16-.Ltmp9, $4  }
0x179: {  	v23 =	vsel vm0, $0xFFFFFFFF, v8  }
0x17a: {  	s21 =	sadd.s32 $0x3000, s18;
	s18 =	smov.u32 s20;
	v23 =	vadd.s32 v23, v22;
	v22 =	vmov v20;
	v24, _, _ =	vpop (xrf0)  }
0x17b: {  	v25 =	vmov s21;
	v23 =	vadd.s32 v24, v23  }
0x17c: {  	s20 =	sadd.s32 $0x10, s20;
	v25 =	vshll.u32 v25, $0xF;
	v24 =	vor.u32 s18, v1  }
0x17d: {  	_ =	sdelay $0x1  }
0x17e: {  	v25 =	vor.u32 v4, v25  }
0x17f: {  	v25 =	vsub.s32 v25, v0  }
0x180: {  	v21 =	vadd.s32 v21, v25  }
0x181: {  	[tilespmem:v23+s3+$0x0] =	vst.idx.msk vm0, v21  }
0x182: {  	v21 =	vld.idx.msk [tilespmem:v24+s6+$0x0], $0xffff;
	_ =	sdelay $0x4  }
0x183: {  	vm0 =	vge.s32 v21, v0;
	vm1 =	vlt.s32 v21, v2  }
0x184: {  	vm1 =	vmand vm0, vm1  }
0x185: {  	v23 =	vsel vm1, $0x1, v8  }
0x186: {  	(xrf0) =	vadd.scan.msk.s32 $0xffff, v23;
	_ =	sdelay $0x2  }
0x187: {  	v23 =	vsel vm1, $0xFFFFFFFF, v8;
	_ =	sdelay $0x2  }
0x188: {  	s18 =	sadd.s32 $0x3000, s18;
	v22 =	vadd.s32 v23, v22;
	v23, _, _ =	vpop (xrf0)  }
0x189: {  	v24 =	vmov s18;
	v22 =	vadd.s32 v23, v22  }
0x18a: {  	v23 =	vshll.u32 v24, $0xF  }
0x18b: {  	v23 =	vor.u32 v4, v23  }
0x18c: {  	v23 =	vsub.s32 v23, v0  }
0x18d: {  	s28 =	simm.s32 $0x0;
	v21 =	vadd.s32 v21, v23  }
0x18e: {  	s11 =	rddreg [dreg:$0xe];
	[tilespmem:v22+s3+$0x0] =	vst.idx.msk vm1, v21;
	v21 =	vor.u32 s28, v1  }
0x18f: {  	[tilespmem:s28], [sflag:$0x3] =	stream.linear.gather [hbm4b:s11+s28], $0x800, $0x38;
	[tilespmem:$0x1F610] =	vst v63  }
0x190: {  	_ =	swait.ge [sflag:s30], $0x800  }
0x191: {  	[sflag:s30] =	ssyncset.done $0x0  }
0x192: {  	[sflag:s30] =	ssyncadd.s32 $0xFFFFF800  }
0x193: {  	v21 =	vld.idx.msk [tilespmem:v21+s6+$0x0], $0xffff;
	_ =	sdelay $0x4  }
0x194: {  	vm0 =	vge.s32 v21, v0;
	vm2 =	vlt.s32 v21, v2  }
0x195: {  	vm0 =	vmand vm0, vm2  }
0x196: {  	v22 =	vsel vm0, $0x1, v8  }
0x197: {  	(xrf0) =	vadd.scan.msk.s32 $0xffff, v22;
	_ =	sdelay $0x1  }
0x198: {  	v23 =	vmpcnt.ones.xlane vm0;
	v22 =	vmpcnt.ones.xlane vm1;
	_ =	sdelay $0x1  }
0x199: {  	v24 =	vsel vm0, $0xFFFFFFFF, v8;
	v22 =	vadd.s32 v20, v22  }
0x19a: {  	v20 =	vadd.s32 v22, v23;
	v22 =	vadd.s32 v24, v22  }
0x19b: {  	s20 =	simm.s32 $0x3800;
	v23, _, _ =	vpop (xrf0)  }
0x19c: {  	v25 =	vmov s20;
	s18 =	simm.s32 $0x10;
	v23 =	vadd.s32 v23, v22  }
0x19d: {  	s20 =	simm.s32 $0x20;
	v25 =	vshll.u32 v25, $0xF;
	v24 =	vor.u32 s18, v1;
	v22 =	vmov v20  }
.LBB2_18:
0x19e: {  	p1 =	sne.s32 s20, $0x7F0;
	v25 =	vor.u32 v4, v25  }
0x19f: {  	v25 =	vsub.s32 v25, v0  }
0x1a0: {  	v21 =	vadd.s32 v21, v25  }
0x1a1: {  	[tilespmem:v23+s3+$0x0] =	vst.idx.msk vm0, v21  }
0x1a2: {  	v21 =	vld.idx.msk [tilespmem:v24+s6+$0x0], $0xffff;
	_ =	sdelay $0x5  }
0x1a3: {  	vm0 =	vge.s32 v21, v0;
	vm1 =	vlt.s32 v21, v2  }
0x1a4: {  	vm0 =	vmand vm0, vm1  }
0x1a5: {  	v23 =	vsel vm0, $0x1, v8;
	v24 =	vmpcnt.ones.xlane vm0  }
0x1a6: {  	(xrf0) =	vadd.scan.msk.s32 $0xffff, v23  }
0x1a7: {  	v20 =	vadd.s32 v20, v24;
	_ =	sdelay $0x2  }
.Ltmp10:
0x1a8: {  	(pc) =	sbr.rel @p1 .LBB2_18-.Ltmp10, $4  }
0x1a9: {  	v23 =	vsel vm0, $0xFFFFFFFF, v8  }
0x1aa: {  	s21 =	sadd.s32 $0x3800, s18;
	s18 =	smov.u32 s20;
	v23 =	vadd.s32 v23, v22;
	v22 =	vmov v20;
	v24, _, _ =	vpop (xrf0)  }
0x1ab: {  	v25 =	vmov s21;
	v23 =	vadd.s32 v24, v23  }
0x1ac: {  	s20 =	sadd.s32 $0x10, s20;
	v25 =	vshll.u32 v25, $0xF;
	v24 =	vor.u32 s18, v1  }
0x1ad: {  	_ =	sdelay $0x1  }
0x1ae: {  	v25 =	vor.u32 v4, v25  }
0x1af: {  	v25 =	vsub.s32 v25, v0  }
0x1b0: {  	v21 =	vadd.s32 v21, v25  }
0x1b1: {  	[tilespmem:v23+s3+$0x0] =	vst.idx.msk vm0, v21  }
0x1b2: {  	v21 =	vld.idx.msk [tilespmem:v24+s6+$0x0], $0xffff;
	_ =	sdelay $0x4  }
0x1b3: {  	vm15 =	vge.s32 v21, v0;
	vm1 =	vlt.s32 v21, v2  }
0x1b4: {  	vm0 =	vmand vm15, vm1  }
0x1b5: {  	v56 =	vmpcnt.ones.xlane vm0;
	_ =	sdelay $0x1  }
0x1b6: {  	v57 =	vsel vm0, $0x1, v8;
	v20 =	vadd.s32 v20, v56  }
0x1b7: {  	(xrf0) =	vadd.scan.msk.s32 $0xffff, v57;
	v23 =	vxor.u32 $0x80000000, v20  }
0x1b8: {  	(xrf0) =	vmax.scan.msk.u32 $0xffff, v23;
	_ =	sdelay $0x3  }
0x1b9: {  	v60 =	vsel vm0, $0xFFFFFFFF, v8  }
0x1ba: {  	s18 =	sadd.s32 $0x3800, s18;
	v22 =	vadd.s32 v60, v22;
	v58, _, _ =	vpop (xrf0)  }
0x1bb: {  	v61 =	vmov s18;
	v22 =	vadd.s32 v58, v22;
	v59, _, _ =	vpop (xrf0)  }
0x1bc: {  	v62 =	vshll.u32 v61, $0xF;
	v63 =	vadd.s32 v1, v20;
	(v2sf) =	vpush v59, $0xF  }
0x1bd: {  	v20 =	vadd.s32 v6, v20;
	v23 =	vor.u32 v4, v62  }
0x1be: {  	v23 =	vsub.s32 v23, v0  }
0x1bf: {  	v21 =	vadd.s32 v21, v23  }
0x1c0: {  	[tilespmem:v22+s3+$0x0] =	vst.idx.msk vm0, v21  }
0x1c1: {  	[tilespmem:v63+s3+$0x0] =	vst.idx.msk $0xffff, v5  }
0x1c2: {  	s11 =	rddreg [dreg:$0xf];
	s20 =	simm.s32 $0x400;
	[tilespmem:v20+s3+$0x0] =	vst.idx.msk $0xffff, v5  }
0x1c3: {  	[tilespmem:s1], [sflag:$0x1] =	stream.strided.gather [hbm4b:s11+s20], $0x2000, s7, s20, $0x38;
	[tilespmem:$0x1F610] =	vst v63  }
0x1c4: {  	s21 =	simm.s32 $0xA900;
	s18 =	rddreg [dreg:$0x10]  }
0x1c5: {  	[tilespmem:s21], [sflag:$0x1] =	stream.strided.gather [hbm4b:s18+s20], $0x2000, s7, s20, $0x38;
	[tilespmem:$0x1F610] =	vst v63  }
0x1c6: {  	s25 =	rddreg [dreg:$0x13];
	s21 =	simm.s32 $0xC900  }
0x1c7: {  	[tilespmem:s21], [sflag:$0x1] =	stream.strided.gather [hbm4b:s25+s20], $0x2000, s7, s20, $0x38;
	[tilespmem:$0x1F610] =	vst v63  }
0x1c8: {  	s26 =	rddreg [dreg:$0x14];
	s28 =	simm.s32 $0xE900  }
0x1c9: {  	[tilespmem:s28], [sflag:$0x1] =	stream.strided.gather [hbm4b:s26+s20], $0x2000, s7, s20, $0x38;
	[tilespmem:$0x1F610] =	vst v63  }
.Ltmp11:
0x1ca: {  	_ = 	snop;
	(pc) =	sbr.rel .LBB2_20-.Ltmp11, $4  }
0x1cb: {  	s24 =	spop (v2sf)  }
0x1cc: {  	s18 =	sadd.s32 $0x8000001F, s24  }
0x1cd: {  	s18 =	sshra.s32 s18, $0x4  }
0x1ce: {  	s20 =	simm.s32 $0x0;
	p1 =	slt.s32 s18, $0x1  }
.LBB2_36:
0x1cf: {  	s20 =	sadd.s32 $0x1, s20  }
0x1d0: {  	p2 =	sne.s32 s20, s10  }
.Ltmp12:
0x1d1: {  	_ = 	snop;
	(pc) =	sbr.rel @!p2 .LBB2_37-.Ltmp12, $1  }
0x1d2: {  	_ =	sdelay $0x3  }
.LBB2_20:
0x1d3: {  	s21 =	sand.u32 $0x1, s20  }
0x1d4: {  	p2 =	seq.s32 s21, $0x1  }
0x1d5: {  	s24 =	simm.s32 @!p2 $0x1  }
0x1d6: {  	_ =	swait.ge @!p2 [sflag:s24], $0x2000  }
0x1d7: {  	[sflag:s24] =	ssyncset.done @!p2 $0x0  }
0x1d8: {  	[sflag:s24] =	ssyncadd.s32 @!p2 $0xFFFFE000  }
0x1d9: {  	_ =	swait.ge @!p2 [sflag:s24], $0x2000  }
0x1da: {  	[sflag:s24] =	ssyncset.done @!p2 $0x0  }
0x1db: {  	[sflag:s24] =	ssyncadd.s32 @!p2 $0xFFFFE000  }
0x1dc: {  	s25 =	sor.u32 @!p2 $0x1, s20;
	_ =	swait.ge @!p2 [sflag:s24], $0x2000  }
0x1dd: {  	p3 =	sge.u32 @!p2 s25, s10;
	[sflag:s24] =	ssyncset.done @!p2 $0x0  }
0x1de: {  	p3 =	por p3, p2;
	[sflag:s24] =	ssyncadd.s32 @!p2 $0xFFFFE000  }
0x1df: {  	s25 =	sshll.u32 @!p3 s25, $0x9;
	s26 =	simm.s32 @!p3 $0x400;
	_ =	swait.ge @!p2 [sflag:s24], $0x2000  }
0x1e0: {  	s28 =	simm.s32 @!p3 $0x7A1400;
	s25 =	sadd.s32 @!p3 s9, s25;
	[sflag:s24] =	ssyncset.done @!p2 $0x0  }
0x1e1: {  	s11 =	simm.s32 @!p3 $0x10900;
	[sflag:s24] =	ssyncadd.s32 @!p2 $0xFFFFE000;
	s24 =	sadd.s32 @!p3 s2, s25  }
0x1e2: {  	[tilespmem:s11], [sflag:$0x2] =	stream.strided.gather @!p3 [hbm4b:s24+s26], $0x2000, s28, s26, $0x38;
	[tilespmem:$0x1F610] =	vst v63  }
0x1e3: {  	s11 =	sadd.s32 @!p3 s25, s19;
	s24 =	simm.s32 @!p3 $0x12900  }
0x1e4: {  	[tilespmem:s24], [sflag:$0x2] =	stream.strided.gather @!p3 [hbm4b:s11+s26], $0x2000, s28, s26, $0x38;
	[tilespmem:$0x1F610] =	vst v63  }
0x1e5: {  	s11 =	sadd.s32 @!p3 s25, s22;
	s24 =	simm.s32 @!p3 $0x14900  }
0x1e6: {  	[tilespmem:s24], [sflag:$0x2] =	stream.strided.gather @!p3 [hbm4b:s11+s26], $0x2000, s28, s26, $0x38;
	[tilespmem:$0x1F610] =	vst v63  }
0x1e7: {  	s11 =	sadd.s32 @!p3 s25, s23;
	s24 =	simm.s32 @!p3 $0x16900  }
0x1e8: {  	[tilespmem:s24], [sflag:$0x2] =	stream.strided.gather @!p3 [hbm4b:s11+s26], $0x2000, s28, s26, $0x38;
	[tilespmem:$0x1F610] =	vst v63  }
0x1e9: {  	p3 =	seq.s32 @!p2 s21, $0x0  }
0x1ea: {  	p2 =	por p2, !p3  }
.Ltmp13:
0x1eb: {  	_ = 	snop;
	(pc) =	sbr.rel @!p2 .LBB2_22-.Ltmp13, $1  }
0x1ec: {  	_ =	sdelay $0x3  }
0x1ed: {  	_ =	swait.ge [sflag:s16], $0x2000  }
0x1ee: {  	[sflag:s16] =	ssyncset.done $0x0  }
0x1ef: {  	[sflag:s16] =	ssyncadd.s32 $0xFFFFE000  }
0x1f0: {  	_ =	swait.ge [sflag:s16], $0x2000  }
0x1f1: {  	[sflag:s16] =	ssyncset.done $0x0  }
0x1f2: {  	[sflag:s16] =	ssyncadd.s32 $0xFFFFE000  }
0x1f3: {  	_ =	swait.ge [sflag:s16], $0x2000  }
0x1f4: {  	s11 =	sadd.s32 $0x1, s20;
	[sflag:s16] =	ssyncset.done $0x0  }
0x1f5: {  	p2 =	sge.u32 s11, s10;
	[sflag:s16] =	ssyncadd.s32 $0xFFFFE000  }
0x1f6: {  	s11 =	sshll.u32 @!p2 s11, $0x9;
	s25 =	simm.s32 @!p2 $0x400;
	_ =	swait.ge [sflag:s16], $0x2000  }
0x1f7: {  	s26 =	simm.s32 @!p2 $0x7A1400;
	s11 =	sadd.s32 @!p2 s9, s11;
	[sflag:s16] =	ssyncset.done $0x0  }
0x1f8: {  	s28 =	simm.s32 @!p2 $0x8900;
	s24 =	sadd.s32 @!p2 s2, s11;
	[sflag:s16] =	ssyncadd.s32 $0xFFFFE000  }
0x1f9: {  	[tilespmem:s28], [sflag:$0x1] =	stream.strided.gather @!p2 [hbm4b:s24+s25], $0x2000, s26, s25, $0x38;
	[tilespmem:$0x1F610] =	vst v63  }
0x1fa: {  	s24 =	sadd.s32 @!p2 s11, s19;
	s28 =	simm.s32 @!p2 $0xA900  }
0x1fb: {  	[tilespmem:s28], [sflag:$0x1] =	stream.strided.gather @!p2 [hbm4b:s24+s25], $0x2000, s26, s25, $0x38;
	[tilespmem:$0x1F610] =	vst v63  }
0x1fc: {  	s24 =	sadd.s32 @!p2 s11, s22;
	s28 =	simm.s32 @!p2 $0xC900  }
0x1fd: {  	[tilespmem:s28], [sflag:$0x1] =	stream.strided.gather @!p2 [hbm4b:s24+s25], $0x2000, s26, s25, $0x38;
	[tilespmem:$0x1F610] =	vst v63  }
0x1fe: {  	s11 =	sadd.s32 @!p2 s11, s23;
	s24 =	simm.s32 @!p2 $0xE900  }
0x1ff: {  	[tilespmem:s24], [sflag:$0x1] =	stream.strided.gather @!p2 [hbm4b:s11+s25], $0x2000, s26, s25, $0x38;
	[tilespmem:$0x1F610] =	vst v63  }
.LBB2_22:
.Ltmp14:
0x200: {  	(pc) =	sbr.rel @p1 .LBB2_23-.Ltmp14, $1  }
0x201: {  	_ =	sdelay $0x3  }
0x202: {  	p3 =	sne.s32 s18, $0x1  }
.Ltmp15:
0x203: {  	_ = 	snop;
	(pc) =	sbr.rel @!p3 .LBB2_25-.Ltmp15, $3  }
0x204: {  	_ =	sdelay $0x1  }
0x205: {  	s11 =	sshll.u32 s20, $0x9;
	s24 =	simm.s32 $0x0  }
0x206: {  	v25 =	vimm.s32 $0x0;
	s25 =	sadd.s32 $0xFFFFFFFF, s18;
	p2 =	por $0x0, $0x0;
	v20 =	vmov s11;
	v26 =	vor.u32 s24, v1  }
0x207: {  	_ =	sdelay $0x3  }
0x208: {  	v21 =	vld.idx.msk [tilespmem:v26+s3+$0x0], $0xffff;
	_ =	sdelay $0x4  }
0x209: {  	v22 =	vand.u32 $0x7FFF, v21  }
0x20a: {  	v22 =	vsub.s32 v22, v20  }
0x20b: {  	vm0 =	vlt.u32 v22, $0x200  }
0x20c: {  	v23 =	vsel vm0, $0x1, v8  }
0x20d: {  	(xrf0) =	vadd.scan.msk.s32 $0xffff, v23;
	_ =	sdelay $0x2  }
0x20e: {  	p3 =	sne.s32 s25, $0x1;
	v23 =	vmpcnt.ones.xlane vm0  }
.Ltmp16:
0x20f: {  	v26 =	vsel vm0, $0xFFFFFFFF, v8;
	(pc) =	sbr.rel @!p3 .LBB2_27-.Ltmp16, $4  }
0x210: {  	v24 =	vadd.s32 v25, v23;
	v23 =	vadd.s32 v26, v25  }
0x211: {  	v25, _, _ =	vpop (xrf0)  }
0x212: {  	s24 =	simm.s32 $0x10;
	v27 =	vadd.s32 v25, v23  }
0x213: {  	s25 =	sadd.s32 $0xFFFFFFFF, s25;
	p2 =	por $0x1, $0x1;
	v26 =	vor.u32 s24, v1;
	v23 =	vmov v24  }
.LBB2_28:
0x214: {  	p3 =	sne.s32 s25, $0x1;
	v21 =	vshra.s32 v21, $0x6  }
0x215: {  	v21 =	vand.u32 $0xFFFFFE00, v21  }
0x216: {  	v21 =	vadd.s32 v22, v21  }
0x217: {  	[tilespmem:v27+s8+$0x0] =	vst.idx.msk vm0, v21  }
0x218: {  	v21 =	vld.idx.msk [tilespmem:v26+s3+$0x0], $0xffff;
	_ =	sdelay $0x5  }
0x219: {  	v22 =	vand.u32 $0x7FFF, v21  }
0x21a: {  	v22 =	vsub.s32 v22, v20  }
0x21b: {  	vm0 =	vlt.u32 v22, $0x200  }
0x21c: {  	v25 =	vsel vm0, $0x1, v8;
	v26 =	vmpcnt.ones.xlane vm0  }
0x21d: {  	(xrf0) =	vadd.scan.msk.s32 $0xffff, v25  }
0x21e: {  	v24 =	vadd.s32 v24, v26;
	_ =	sdelay $0x2  }
.Ltmp17:
0x21f: {  	(pc) =	sbr.rel @p3 .LBB2_28-.Ltmp17, $4  }
0x220: {  	v25 =	vsel vm0, $0xFFFFFFFF, v8  }
0x221: {  	v25 =	vadd.s32 v25, v23;
	v23 =	vmov v24;
	v26, _, _ =	vpop (xrf0)  }
0x222: {  	s24 =	sadd.s32 $0x10, s24;
	v27 =	vadd.s32 v26, v25  }
0x223: {  	s25 =	sadd.s32 $0xFFFFFFFF, s25;
	v26 =	vor.u32 s24, v1  }
0x224: {  	v25 =	vmov v24  }
.LBB2_30:
0x225: {  	_ =	sdelay $0x1  }
0x226: {  	v21 =	vshra.s32 @p2 v21, $0x6  }
0x227: {  	v21 =	vand.u32 @p2 $0xFFFFFE00, v21  }
0x228: {  	v21 =	vadd.s32 @p2 v22, v21  }
0x229: {  	[tilespmem:v27+s8+$0x0] =	vst.idx.msk @p2 vm0, v21  }
0x22a: {  	v21 =	vld.idx.msk [tilespmem:v26+s3+$0x0], $0xffff;
	_ =	sdelay $0x4  }
0x22b: {  	v22 =	vand.u32 $0x7FFF, v21  }
0x22c: {  	v20 =	vsub.s32 v22, v20  }
0x22d: {  	vm15 =	vlt.u32 v20, $0x200  }
0x22e: {  	v22 =	vsel vm15, $0x1, v8  }
0x22f: {  	(xrf0) =	vadd.scan.msk.s32 $0xffff, v22;
	_ =	sdelay $0x4  }
0x230: {  	v22 =	vsel vm15, $0xFFFFFFFF, v8  }
0x231: {  	v22 =	vadd.s32 v22, v23;
	v23, _, _ =	vpop (xrf0)  }
0x232: {  	v22 =	vadd.s32 v23, v22  }
.Ltmp18:
0x233: {  	_ = 	snop;
	(pc) =	sbr.rel .LBB2_31-.Ltmp18, $4  }
0x234: {  	v21 =	vshra.s32 v21, $0x6  }
0x235: {  	v21 =	vand.u32 $0xFFFFFE00, v21;
	v23 =	vmpcnt.ones.xlane vm15  }
0x236: {  	v21 =	vadd.s32 v20, v21  }
0x237: {  	v20 =	vadd.s32 v25, v23;
	[tilespmem:v22+s8+$0x0] =	vst.idx.msk vm15, v21  }
.LBB2_23:
0x238: {  	v20 =	vimm.s32 $0x0  }
.LBB2_31:
0x239: {  	v21 =	vxor.u32 $0x80000000, v20  }
0x23a: {  	(xrf0) =	vmax.scan.msk.u32 $0xffff, v21;
	_ =	sdelay $0x5  }
0x23b: {  	v21, _, _ =	vpop (xrf0)  }
0x23c: {  	(v2sf) =	vpush v21, $0xF;
	_ =	sdelay $0xe  }
0x23d: {  	s11 =	spop (v2sf)  }
0x23e: {  	s11 =	sadd.s32 $0x8000000F, s11  }
0x23f: {  	s24 =	sshra.s32 s11, $0x4  }
0x240: {  	v20 =	vadd.s32 v1, v20;
	p2 =	slt.s32 s24, $0x1  }
.Ltmp19:
0x241: {  	_ = 	snop;
	(pc) =	sbr.rel @p2 .LBB2_36-.Ltmp19, $2  }
0x242: {  	_ =	sdelay $0x2  }
0x243: {  	[tilespmem:v20+s8+$0x0] =	vst.idx.msk $0xffff, v7  }
0x244: {  	s11 =	sshll.u32 s21, $0x2  }
0x245: {  	s21 =	simm.s32 $0x0;
	s25 =	simm.s32 $0x0;
	v20 =	vmov s11  }
.LBB2_33:
0x246: {  	s11 =	sshll.u32 s25, $0x4  }
0x247: {  	v21 =	vor.u32 s11, v1;
	_ =	sdelay $0x4  }
0x248: {  	v23 =	vld.idx.msk [tilespmem:v21+s8+$0x0], $0xffff;
	_ =	sdelay $0x4  }
0x249: {  	v21 =	vshrl.u32 v23, $0x7  }
0x24a: {  	v26 =	vld.idx.msk [tilespmem:v1+s31+$0x0], $0xffff;
	v27 =	vor.u32 s21, v19;
	v21 =	vand.u32 $0x3, v21  }
0x24b: {  	v25 =	vld.idx.msk [tilespmem:v6+s31+$0x0], $0xffff;
	v29 =	vor.u32 s21, v18;
	v21 =	vor.u32 v20, v21  }
0x24c: {  	v24 =	vld.idx.msk [tilespmem:v9+s31+$0x0], $0xffff;
	v32 =	vor.u32 s21, v16;
	v22 =	vand.u32 $0x7F, v23;
	v21 =	vshll.u32 v21, $0xD  }
0x24d: {  	s26 =	simm.s32 $0x0;
	v31 =	vld.idx.msk [tilespmem:v12+s31+$0x0], $0xffff;
	v34 =	vor.u32 s21, v17;
	v30 =	vor.u32 v22, v21  }
0x24e: {  	v35 =	vld.idx.msk [tilespmem:v13+s31+$0x0], $0xffff;
	v28 =	vadd.s32 s26, v30  }
0x24f: {  	v36 =	vor.u32 s21, v15;
	v27 =	vld.idx.msk [tilespmem:v27+s29+$0x0], $0xffff  }
0x250: {  	v37 =	vor.u32 s21, v14;
	v29 =	vld.idx.msk [tilespmem:v29+s29+$0x0], $0xffff  }
0x251: {  	v32 =	vld.idx.msk [tilespmem:v32+s29+$0x0], $0xffff  }
0x252: {  	v44 =	vld.idx.msk [tilespmem:v34+s29+$0x0], $0xffff  }
0x253: {  	s11 =	simm.s32 $0x10;
	v33 =	vld.idx.msk [tilespmem:v28+s1+$0x0], $0xffff;
	v28 =	vor.u32 s21, v1  }
0x254: {  	v41 =	vor.u32 s11, v19;
	v36 =	vld.idx.msk [tilespmem:v36+s29+$0x0], $0xffff;
	s26 =	simm.s32 $0x80  }
0x255: {  	v39 =	vld.idx.msk [tilespmem:v37+s29+$0x0], $0xffff;
	v43 =	vadd.s32 s26, v30  }
0x256: {  	v45 =	vor.u32 s11, v18;
	v22 =	vld.idx.msk [tilespmem:v10+s31+$0x0], $0xffff  }
0x257: {  	v37 =	vor.u32 s11, v16;
	v21 =	vld.idx.msk [tilespmem:v11+s31+$0x0], $0xffff  }
0x258: {  	v34 =	vor.u32 s11, v17;
	v38 =	vld.idx.msk [tilespmem:v28+s29+$0x0], $0xffff  }
0x259: {  	v42 =	vor.u32 s11, v15;
	v27 =	vmul.f32 v27, v33;
	v28 =	vld.idx.msk [tilespmem:v41+s29+$0x0], $0xffff;
	v46 =	vmul.f32 v29, v33  }
0x25a: {  	v40 =	vor.u32 s11, v1;
	v41 =	vor.u32 s11, v14;
	v29 =	vld.idx.msk [tilespmem:v43+s1+$0x0], $0xffff;
	v43 =	vmul.f32 v32, v33  }
0x25b: {  	s28 =	simm.s32 $0x20;
	s26 =	simm.s32 $0x2;
	v32 =	vld.idx.msk [tilespmem:v45+s29+$0x0], $0xffff;
	v27 =	vadd.f32 v27, v35;
	v35 =	vmul.f32 v44, v33;
	v31 =	vadd.f32 v46, v31  }
.LBB2_34:
0x25c: {  	s11 =	sshll.u32 s26, $0x7;
	v44 =	vor.u32 s28, v19;
	p2 =	sne.s32 s26, $0x3F;
	s26 =	sadd.s32 $0x1, s26;
	v45 =	vld.idx.msk [tilespmem:v37+s29+$0x0], $0xffff;
	v46 =	vmul.f32 v36, v33;
	v22 =	vadd.f32 v43, v22  }
0x25d: {  	v48 =	vor.u32 s28, v18;
	v43 =	vmul.f32 v39, v33;
	v47 =	vadd.s32 s11, v30;
	v49 =	vld.idx.msk [tilespmem:v34+s29+$0x0], $0xffff  }
0x25e: {  	v37 =	vor.u32 s28, v16;
	v34 =	vor.u32 s28, v17;
	v36 =	vld.idx.msk [tilespmem:v42+s29+$0x0], $0xffff;
	v24 =	vadd.f32 v46, v24  }
.Ltmp20:
0x25f: {  	v51 =	vmul.f32 v38, v33;
	v46 =	vor.u32 s28, v1;
	v39 =	vld.idx.msk [tilespmem:v41+s29+$0x0], $0xffff;
	v41 =	vor.u32 s28, v14;
	(pc) =	sbr.rel @p2 .LBB2_34-.Ltmp20, $4  }
0x260: {  	v42 =	vor.u32 s28, v15;
	v25 =	vadd.f32 v43, v25;
	v50 =	vmul.f32 v28, v29;
	v38 =	vld.idx.msk [tilespmem:v40+s29+$0x0], $0xffff;
	v40 =	vmovc v46  }
0x261: {  	v21 =	vadd.f32 v35, v21;
	v26 =	vadd.f32 v51, v26;
	v28 =	vld.idx.msk [tilespmem:v44+s29+$0x0], $0xffff;
	v44 =	vmul.f32 v32, v29  }
0x262: {  	v33 =	vmov v29;
	v43 =	vmul.f32 v45, v29;
	v27 =	vadd.f32 v50, v27;
	v29 =	vld.idx.msk [tilespmem:v47+s1+$0x0], $0xffff  }
0x263: {  	s28 =	sadd.s32 $0x10, s28;
	v35 =	vmul.f32 v49, v33;
	v32 =	vld.idx.msk [tilespmem:v48+s29+$0x0], $0xffff;
	v31 =	vadd.f32 v44, v31  }
0x264: {  	_ =	sdelay $0x3  }
0x265: {  	v30 =	vld.idx.msk [tilespmem:v40+s29+$0x0], $0xffff;
	_ =	sdelay $0x1  }
0x266: {  	v51 =	vld.idx.msk [tilespmem:v41+s29+$0x0], $0xffff  }
0x267: {  	v38 =	vmul.f32 v38, v33  }
0x268: {  	v39 =	vmul.f32 v39, v33;
	v52 =	vld.idx.msk [tilespmem:v42+s29+$0x0], $0xffff  }
0x269: {  	v23 =	vshra.s32 v23, $0x9;
	v26 =	vadd.f32 v38, v26;
	v30 =	vmul.f32 v30, v29  }
0x26a: {  	v37 =	vld.idx.msk [tilespmem:v37+s29+$0x0], $0xffff;
	v53 =	vmul.f32 v36, v33;
	v23 =	vmul.u32 $0x7, v23  }
0x26b: {  	v25 =	vadd.f32 v39, v25;
	v54 =	vmul.f32 v51, v29;
	v26 =	vadd.f32 v30, v26  }
0x26c: {  	v34 =	vld.idx.msk [tilespmem:v34+s29+$0x0], $0xffff;
	v24 =	vadd.f32 v53, v24;
	[tilespmem:v1+s12+$0x0] =	vst.idx.msk $0xffff, v23  }
0x26d: {  	v56 =	vadd.s32 $0x1, v23;
	v55 =	vmul.f32 v52, v29;
	v25 =	vadd.f32 v54, v25;
	[tilespmem:v1+s13+$0x0] =	vst.idx.msk $0xffff, v26  }
0x26e: {  	v22 =	vadd.f32 v43, v22;
	[tilespmem:v6+s12+$0x0] =	vst.idx.msk $0xffff, v56  }
0x26f: {  	v58 =	vadd.s32 $0x2, v23;
	v57 =	vmul.f32 v37, v29;
	v24 =	vadd.f32 v55, v24;
	[tilespmem:v6+s13+$0x0] =	vst.idx.msk $0xffff, v25  }
0x270: {  	v21 =	vadd.f32 v35, v21;
	[tilespmem:v9+s12+$0x0] =	vst.idx.msk $0xffff, v58  }
0x271: {  	v60 =	vadd.s32 $0x3, v23;
	v59 =	vmul.f32 v34, v29;
	v22 =	vadd.f32 v57, v22;
	[tilespmem:v9+s13+$0x0] =	vst.idx.msk $0xffff, v24  }
0x272: {  	[tilespmem:v10+s12+$0x0] =	vst.idx.msk $0xffff, v60  }
0x273: {  	v61 =	vmul.f32 v32, v29;
	v21 =	vadd.f32 v59, v21;
	[tilespmem:v10+s13+$0x0] =	vst.idx.msk $0xffff, v22;
	v22 =	vadd.s32 $0x4, v23  }
0x274: {  	v63 =	vor.u32 $0x70, v1;
	[tilespmem:v11+s12+$0x0] =	vst.idx.msk $0xffff, v22  }
0x275: {  	v62 =	vmul.f32 v28, v29;
	v22 =	vadd.f32 v61, v31;
	[tilespmem:v11+s13+$0x0] =	vst.idx.msk $0xffff, v21;
	v21 =	vadd.s32 $0x5, v23  }
0x276: {  	[tilespmem:v12+s12+$0x0] =	vst.idx.msk $0xffff, v21  }
0x277: {  	v21 =	vadd.f32 v62, v27;
	[tilespmem:v12+s13+$0x0] =	vst.idx.msk $0xffff, v22;
	v22 =	vadd.s32 $0x6, v23  }
0x278: {  	[tilespmem:v13+s12+$0x0] =	vst.idx.msk $0xffff, v22  }
0x279: {  	s25 =	sadd.s32 $0x1, s25;
	[tilespmem:v13+s13+$0x0] =	vst.idx.msk $0xffff, v21;
	v21 =	vor.u32 $0x1C000, v1  }
0x27a: {  	p2 =	sne.s32 s25, s24;
	[tilespmem:v63+s12+$0x0] =	vst.idx.msk $0xffff, v21  }
0x27b: {  	[spmem:s5] =	stream.indirect.scatter [tilespmem:s13], [sflag:$0x3], $0x1, s12, s14, $0xb8;
	[tilespmem:$0x1F610] =	vst v63  }
.Ltmp21:
0x27c: {  	_ = 	snop;
	(pc) =	sbr.rel @p2 .LBB2_33-.Ltmp21, $4  }
.Ltmp22:
0x27d: {  	_ = 	snop;
	(pc) =	sbr.rel @!p2 .LBB2_36-.Ltmp22, $4  }
0x27e: {  	_ =	swait.ge [sflag:s30], $0x80  }
0x27f: {  	[sflag:s30] =	ssyncset.done $0x0  }
0x280: {  	[sflag:s30] =	ssyncadd.s32 $0xFFFFFF80  }
0x281: {  	_ = 	snop  }
.LBB2_25:
.Ltmp23:
0x282: {  	(pc) =	sbr.rel .LBB2_30-.Ltmp23, $2  }
0x283: {  	_ =	sdelay $0x2  }
0x284: {  	v23 =	vimm.s32 $0x0  }
.LBB2_27:
.Ltmp24:
0x285: {  	(pc) =	sbr.rel .LBB2_30-.Ltmp24, $2  }
0x286: {  	_ =	sdelay $0x2  }
0x287: {  	v25 =	vmov v24;
	v23 =	vmov v24  }
.LBB2_37:
.Ltmp25:
0x288: {  	(pc) =	sbr.rel @p0 .LBB2_50-.Ltmp25, $1  }
0x289: {  	_ =	sdelay $0x3  }
.Ltmp26:
0x28a: {  	s20 =	simm.s32 $0x0;
	s11 =	rddreg [dreg:$0x6];
	(pc) =	sbr.rel @p1 .LBB2_46-.Ltmp26, $4  }
0x28b: {  	[tilespmem:s15], [sflag:$0x3] =	stream.linear.gather [hbm4b:s11+s20], $0x1000, $0x38;
	[tilespmem:$0x1F610] =	vst v63  }
0x28c: {  	_ =	swait.ge [sflag:s30], $0x1000  }
0x28d: {  	[sflag:s30] =	ssyncset.done $0x0  }
0x28e: {  	v23 =	vimm.s32 $0x0;
	[sflag:s30] =	ssyncadd.s32 $0xFFFFF000  }
0x28f: {  	p2 =	sne.s32 s18, $0x1  }
.Ltmp27:
0x290: {  	_ = 	snop;
	(pc) =	sbr.rel @!p2 .LBB2_40-.Ltmp27, $2  }
0x291: {  	_ =	sdelay $0x2  }
0x292: {  	v24 =	vor.u32 s20, v1;
	s20 =	sadd.s32 $0xFFFFFFFF, s18;
	p1 =	por $0x0, $0x0  }
0x293: {  	_ =	sdelay $0x3  }
0x294: {  	v20 =	vld.idx.msk [tilespmem:v24+s3+$0x0], $0xffff;
	_ =	sdelay $0x4  }
0x295: {  	v21 =	vand.u32 $0x7E00, v20  }
0x296: {  	vm0 =	veq.s32 v21, $0x7C00  }
0x297: {  	v21 =	vsel vm0, $0x1, v8  }
0x298: {  	(xrf0) =	vadd.scan.msk.s32 $0xffff, v21;
	_ =	sdelay $0x2  }
0x299: {  	p2 =	sne.s32 s20, $0x1;
	v21 =	vmpcnt.ones.xlane vm0  }
.Ltmp28:
0x29a: {  	v24 =	vsel vm0, $0xFFFFFFFF, v8;
	(pc) =	sbr.rel @!p2 .LBB2_42-.Ltmp28, $4  }
0x29b: {  	v22 =	vadd.s32 v23, v21;
	v21 =	vadd.s32 v24, v23  }
0x29c: {  	v23, _, _ =	vpop (xrf0)  }
0x29d: {  	s18 =	simm.s32 $0x10;
	v25 =	vadd.s32 v23, v21  }
0x29e: {  	s20 =	sadd.s32 $0xFFFFFFFF, s20;
	p1 =	por $0x1, $0x1;
	v26 =	vshra.s32 v20, $0x6;
	v24 =	vor.u32 s18, v1;
	v21 =	vmov v22  }
.LBB2_43:
0x29f: {  	p2 =	sne.s32 s20, $0x1;
	v20 =	vand.u32 $0x7FFF, v20;
	v23 =	vand.u32 $0xFFFFFE00, v26  }
0x2a0: {  	v20 =	vadd.s32 v23, v20  }
0x2a1: {  	v20 =	vadd.s32 $0xFFFF8400, v20  }
0x2a2: {  	[tilespmem:v25+s8+$0x0] =	vst.idx.msk vm0, v20  }
0x2a3: {  	v20 =	vld.idx.msk [tilespmem:v24+s3+$0x0], $0xffff;
	_ =	sdelay $0x5  }
0x2a4: {  	v23 =	vand.u32 $0x7E00, v20  }
0x2a5: {  	vm0 =	veq.s32 v23, $0x7C00  }
0x2a6: {  	v23 =	vsel vm0, $0x1, v8;
	v24 =	vmpcnt.ones.xlane vm0  }
0x2a7: {  	(xrf0) =	vadd.scan.msk.s32 $0xffff, v23  }
0x2a8: {  	v22 =	vadd.s32 v22, v24;
	_ =	sdelay $0x2  }
.Ltmp29:
0x2a9: {  	(pc) =	sbr.rel @p2 .LBB2_43-.Ltmp29, $4  }
0x2aa: {  	v23 =	vsel vm0, $0xFFFFFFFF, v8  }
0x2ab: {  	v23 =	vadd.s32 v23, v21;
	v21 =	vmov v22;
	v24, _, _ =	vpop (xrf0)  }
0x2ac: {  	s18 =	sadd.s32 $0x10, s18;
	v25 =	vadd.s32 v24, v23  }
0x2ad: {  	s20 =	sadd.s32 $0xFFFFFFFF, s20;
	v26 =	vshra.s32 v20, $0x6;
	v24 =	vor.u32 s18, v1  }
0x2ae: {  	v23 =	vmov v22  }
.LBB2_45:
0x2af: {  	_ =	sdelay $0x1  }
0x2b0: {  	v20 =	vand.u32 @p1 $0x7FFF, v20;
	v22 =	vand.u32 @p1 $0xFFFFFE00, v26  }
0x2b1: {  	v20 =	vadd.s32 @p1 v22, v20  }
0x2b2: {  	v20 =	vadd.s32 @p1 $0xFFFF8400, v20  }
0x2b3: {  	[tilespmem:v25+s8+$0x0] =	vst.idx.msk @p1 vm0, v20  }
0x2b4: {  	v20 =	vld.idx.msk [tilespmem:v24+s3+$0x0], $0xffff;
	_ =	sdelay $0x4  }
0x2b5: {  	v22 =	vand.u32 $0x7E00, v20  }
0x2b6: {  	vm15 =	veq.s32 v22, $0x7C00  }
0x2b7: {  	v22 =	vsel vm15, $0x1, v8  }
0x2b8: {  	(xrf0) =	vadd.scan.msk.s32 $0xffff, v22;
	_ =	sdelay $0x2  }
0x2b9: {  	v22 =	vsel vm15, $0xFFFFFFFF, v8;
	_ =	sdelay $0x2  }
0x2ba: {  	v21 =	vadd.s32 v22, v21;
	v22, _, _ =	vpop (xrf0)  }
0x2bb: {  	v21 =	vadd.s32 v22, v21  }
0x2bc: {  	v22 =	vshra.s32 v20, $0x6  }
0x2bd: {  	v20 =	vand.u32 $0x7FFF, v20;
	v22 =	vand.u32 $0xFFFFFE00, v22  }
0x2be: {  	v63 =	vmpcnt.ones.xlane vm15;
	v20 =	vadd.s32 v22, v20  }
0x2bf: {  	v20 =	vadd.s32 $0xFFFF8400, v20  }
0x2c0: {  	v23 =	vadd.s32 v23, v63;
	[tilespmem:v21+s8+$0x0] =	vst.idx.msk vm15, v20  }
.LBB2_46:
0x2c1: {  	v20 =	vxor.u32 $0x80000000, v23  }
0x2c2: {  	(xrf0) =	vmax.scan.msk.u32 $0xffff, v20;
	_ =	sdelay $0x5  }
0x2c3: {  	v20, _, _ =	vpop (xrf0)  }
0x2c4: {  	(v2sf) =	vpush v20, $0xF;
	_ =	sdelay $0xe  }
0x2c5: {  	s11 =	spop (v2sf)  }
0x2c6: {  	s11 =	sadd.s32 $0x8000000F, s11  }
0x2c7: {  	s18 =	sshra.s32 s11, $0x4  }
0x2c8: {  	v20 =	vadd.s32 v1, v23;
	p1 =	slt.s32 s18, $0x1  }
.Ltmp30:
0x2c9: {  	_ = 	snop;
	(pc) =	sbr.rel @p1 .LBB2_50-.Ltmp30, $2  }
0x2ca: {  	_ =	sdelay $0x2  }
0x2cb: {  	s20 =	simm.s32 $0x0;
	s21 =	simm.s32 $0x0;
	[tilespmem:v20+s8+$0x0] =	vst.idx.msk $0xffff, v7  }
.LBB2_47:
0x2cc: {  	s11 =	sshll.u32 s21, $0x4  }
0x2cd: {  	v20 =	vor.u32 s11, v1;
	_ =	sdelay $0x4  }
0x2ce: {  	v24 =	vld.idx.msk [tilespmem:v20+s8+$0x0], $0xffff;
	_ =	sdelay $0x2  }
0x2cf: {  	v25 =	vld.idx.msk [tilespmem:v1+s31+$0x0], $0xffff  }
0x2d0: {  	v23 =	vld.idx.msk [tilespmem:v6+s31+$0x0], $0xffff;
	v26 =	vor.u32 s20, v19  }
0x2d1: {  	v22 =	vld.idx.msk [tilespmem:v9+s31+$0x0], $0xffff;
	v28 =	vor.u32 s20, v18;
	v20 =	vshll.u32 v24, $0x6  }
0x2d2: {  	v21 =	vld.idx.msk [tilespmem:v10+s31+$0x0], $0xffff;
	v31 =	vor.u32 s20, v16;
	v30 =	vand.u32 $0x7FC0, v20  }
0x2d3: {  	v29 =	vld.idx.msk [tilespmem:v12+s31+$0x0], $0xffff;
	v27 =	vor.u32 s20, v30  }
0x2d4: {  	v34 =	vld.idx.msk [tilespmem:v13+s31+$0x0], $0xffff;
	v33 =	vor.u32 s20, v17  }
0x2d5: {  	v35 =	vor.u32 s20, v15;
	v26 =	vld.idx.msk [tilespmem:v26+s29+$0x0], $0xffff  }
0x2d6: {  	v36 =	vor.u32 s20, v1;
	v28 =	vld.idx.msk [tilespmem:v28+s29+$0x0], $0xffff  }
0x2d7: {  	v31 =	vld.idx.msk [tilespmem:v31+s29+$0x0], $0xffff  }
0x2d8: {  	s28 =	simm.s32 $0x10;
	v32 =	vld.idx.msk [tilespmem:v27+s15+$0x0], $0xffff;
	v27 =	vor.u32 s20, v14  }
0x2d9: {  	s24 =	simm.s32 $0x1;
	v40 =	vor.u32 s28, v19;
	v43 =	vld.idx.msk [tilespmem:v33+s29+$0x0], $0xffff  }
0x2da: {  	v35 =	vld.idx.msk [tilespmem:v35+s29+$0x0], $0xffff;
	v42 =	vor.u32 s24, v30  }
0x2db: {  	v44 =	vor.u32 s28, v18;
	v39 =	vld.idx.msk [tilespmem:v36+s29+$0x0], $0xffff  }
0x2dc: {  	v37 =	vor.u32 s28, v16;
	v20 =	vld.idx.msk [tilespmem:v11+s31+$0x0], $0xffff  }
0x2dd: {  	v33 =	vor.u32 s28, v17;
	v36 =	vld.idx.msk [tilespmem:v27+s29+$0x0], $0xffff  }
0x2de: {  	v41 =	vor.u32 s28, v15;
	v26 =	vmul.f32 v26, v32;
	v27 =	vld.idx.msk [tilespmem:v40+s29+$0x0], $0xffff;
	v45 =	vmul.f32 v28, v32  }
0x2df: {  	v38 =	vor.u32 s28, v1;
	v40 =	vor.u32 s28, v14;
	v28 =	vld.idx.msk [tilespmem:v42+s15+$0x0], $0xffff;
	v42 =	vmul.f32 v31, v32  }
0x2e0: {  	s25 =	simm.s32 $0x20;
	s24 =	simm.s32 $0x2;
	v31 =	vld.idx.msk [tilespmem:v44+s29+$0x0], $0xffff;
	v26 =	vadd.f32 v26, v34;
	v34 =	vmul.f32 v43, v32;
	v29 =	vadd.f32 v45, v29  }
.LBB2_48:
0x2e1: {  	v43 =	vor.u32 s25, v19;
	p1 =	sne.s32 s24, $0x3F;
	v44 =	vld.idx.msk [tilespmem:v37+s29+$0x0], $0xffff;
	v45 =	vmul.f32 v35, v32;
	v21 =	vadd.f32 v42, v21;
	s11 =	smov.u32 s24;
	s24 =	sadd.s32 $0x1, s24  }
0x2e2: {  	v47 =	vor.u32 s25, v18;
	v42 =	vmul.f32 v39, v32;
	v46 =	vor.u32 s11, v30;
	v48 =	vld.idx.msk [tilespmem:v33+s29+$0x0], $0xffff  }
0x2e3: {  	v37 =	vor.u32 s25, v16;
	v33 =	vor.u32 s25, v17;
	v35 =	vld.idx.msk [tilespmem:v41+s29+$0x0], $0xffff;
	v22 =	vadd.f32 v45, v22  }
.Ltmp31:
0x2e4: {  	v50 =	vmul.f32 v36, v32;
	v45 =	vor.u32 s25, v14;
	v39 =	vld.idx.msk [tilespmem:v38+s29+$0x0], $0xffff;
	v38 =	vor.u32 s25, v1;
	(pc) =	sbr.rel @p1 .LBB2_48-.Ltmp31, $4  }
0x2e5: {  	v41 =	vor.u32 s25, v15;
	v25 =	vadd.f32 v42, v25;
	v49 =	vmul.f32 v27, v28;
	v36 =	vld.idx.msk [tilespmem:v40+s29+$0x0], $0xffff;
	v40 =	vmovc v45  }
0x2e6: {  	v20 =	vadd.f32 v34, v20;
	v23 =	vadd.f32 v50, v23;
	v27 =	vld.idx.msk [tilespmem:v43+s29+$0x0], $0xffff;
	v43 =	vmul.f32 v31, v28  }
0x2e7: {  	v32 =	vmov v28;
	v42 =	vmul.f32 v44, v28;
	v26 =	vadd.f32 v49, v26;
	v28 =	vld.idx.msk [tilespmem:v46+s15+$0x0], $0xffff  }
0x2e8: {  	s25 =	sadd.s32 $0x10, s25;
	v34 =	vmul.f32 v48, v32;
	v31 =	vld.idx.msk [tilespmem:v47+s29+$0x0], $0xffff;
	v29 =	vadd.f32 v43, v29  }
0x2e9: {  	_ =	sdelay $0x3  }
0x2ea: {  	v30 =	vld.idx.msk [tilespmem:v38+s29+$0x0], $0xffff;
	_ =	sdelay $0x1  }
0x2eb: {  	v48 =	vld.idx.msk [tilespmem:v40+s29+$0x0], $0xffff  }
0x2ec: {  	v39 =	vmul.f32 v39, v32  }
0x2ed: {  	v49 =	vld.idx.msk [tilespmem:v41+s29+$0x0], $0xffff;
	v24 =	vshra.s32 v24, $0x9  }
0x2ee: {  	v36 =	vmul.f32 v36, v32;
	v25 =	vadd.f32 v39, v25;
	v30 =	vmul.f32 v30, v28  }
0x2ef: {  	v37 =	vld.idx.msk [tilespmem:v37+s29+$0x0], $0xffff;
	v50 =	vmul.f32 v35, v32;
	v24 =	vmul.u32 $0x7, v24  }
0x2f0: {  	v23 =	vadd.f32 v36, v23;
	v51 =	vmul.f32 v48, v28;
	v25 =	vadd.f32 v30, v25  }
0x2f1: {  	v33 =	vld.idx.msk [tilespmem:v33+s29+$0x0], $0xffff;
	v22 =	vadd.f32 v50, v22;
	[tilespmem:v1+s12+$0x0] =	vst.idx.msk $0xffff, v24  }
0x2f2: {  	v53 =	vadd.s32 $0x1, v24;
	v52 =	vmul.f32 v49, v28;
	v23 =	vadd.f32 v51, v23;
	[tilespmem:v1+s13+$0x0] =	vst.idx.msk $0xffff, v25  }
0x2f3: {  	v21 =	vadd.f32 v42, v21;
	[tilespmem:v6+s12+$0x0] =	vst.idx.msk $0xffff, v53  }
0x2f4: {  	v55 =	vadd.s32 $0x2, v24;
	v54 =	vmul.f32 v37, v28;
	v22 =	vadd.f32 v52, v22;
	[tilespmem:v6+s13+$0x0] =	vst.idx.msk $0xffff, v23  }
0x2f5: {  	v20 =	vadd.f32 v34, v20;
	[tilespmem:v9+s12+$0x0] =	vst.idx.msk $0xffff, v55  }
0x2f6: {  	v57 =	vadd.s32 $0x3, v24;
	v56 =	vmul.f32 v33, v28;
	v21 =	vadd.f32 v54, v21;
	[tilespmem:v9+s13+$0x0] =	vst.idx.msk $0xffff, v22  }
0x2f7: {  	[tilespmem:v10+s12+$0x0] =	vst.idx.msk $0xffff, v57  }
0x2f8: {  	v59 =	vadd.s32 $0x4, v24;
	v58 =	vmul.f32 v31, v28;
	v20 =	vadd.f32 v56, v20;
	[tilespmem:v10+s13+$0x0] =	vst.idx.msk $0xffff, v21  }
0x2f9: {  	v62 =	vor.u32 $0x70, v1;
	[tilespmem:v11+s12+$0x0] =	vst.idx.msk $0xffff, v59  }
0x2fa: {  	v60 =	vmul.f32 v27, v28;
	v61 =	vadd.f32 v58, v29;
	[tilespmem:v11+s13+$0x0] =	vst.idx.msk $0xffff, v20;
	v20 =	vadd.s32 $0x5, v24  }
0x2fb: {  	[tilespmem:v12+s12+$0x0] =	vst.idx.msk $0xffff, v20  }
0x2fc: {  	v63 =	vadd.s32 $0x6, v24;
	v20 =	vadd.f32 v60, v26;
	[tilespmem:v12+s13+$0x0] =	vst.idx.msk $0xffff, v61  }
0x2fd: {  	[tilespmem:v13+s12+$0x0] =	vst.idx.msk $0xffff, v63  }
0x2fe: {  	s21 =	sadd.s32 $0x1, s21;
	[tilespmem:v13+s13+$0x0] =	vst.idx.msk $0xffff, v20;
	v20 =	vor.u32 $0x1C000, v1  }
0x2ff: {  	p1 =	sne.s32 s21, s18;
	[tilespmem:v62+s12+$0x0] =	vst.idx.msk $0xffff, v20  }
0x300: {  	[spmem:s5] =	stream.indirect.scatter [tilespmem:s13], [sflag:$0x3], $0x1, s12, s14, $0xb8;
	[tilespmem:$0x1F610] =	vst v63  }
.Ltmp32:
0x301: {  	_ = 	snop;
	(pc) =	sbr.rel @p1 .LBB2_47-.Ltmp32, $4  }
.Ltmp33:
0x302: {  	_ = 	snop;
	(pc) =	sbr.rel @!p1 .LBB2_50-.Ltmp33, $4  }
0x303: {  	_ =	swait.ge [sflag:s30], $0x80  }
0x304: {  	[sflag:s30] =	ssyncset.done $0x0  }
0x305: {  	[sflag:s30] =	ssyncadd.s32 $0xFFFFFF80  }
0x306: {  	_ = 	snop  }
.LBB2_40:
.Ltmp34:
0x307: {  	(pc) =	sbr.rel .LBB2_45-.Ltmp34, $2  }
0x308: {  	_ =	sdelay $0x2  }
0x309: {  	v21 =	vimm.s32 $0x0  }
.LBB2_42:
.Ltmp35:
0x30a: {  	(pc) =	sbr.rel .LBB2_45-.Ltmp35, $2  }
0x30b: {  	_ =	sdelay $0x2  }
0x30c: {  	v23 =	vmov v22;
	v21 =	vmov v22  }
.LBB2_51:
0x30d: {  	_ =	sfence.sel $0x180000  }
0x30e: {  	[bflag:$0x0] =	sbarrier.arrive $0xFFFF  }
0x30f: {  	_ =	strace $0x90000047  }
0x310: {  	s0 =	stileid.u32;
	[bflag:$0x2] =	sbarrier.arrive $0xFFFF  }
0x311: {  	p0 =	sne.s32 s0, $0x0;
	s0 =	rddreg [dreg:$0x5]  }
0x312: {  	s0 =	sadd.s32 @!p0 $0x100000, s0  }
0x313: {  	[sflag:s0] =	ssyncadd.tile.s32 @!p0 $0x1;
	_ =	shalt  }
.Lfunc_end2:
_tile_overlayer_lowered:
.L_overlay_start_2:
0x314: {  	(tag) =	ssettag $0x2  }
0x315: {  	s0 =	rddreg [dreg:$0x0];
	s2 =	stileid.u32  }
0x316: {  	s1 =	rddreg [dreg:$0x1];
	p0 =	sne.s32 s2, $0x0  }
0x317: {  	s3 =	rddreg [dreg:$0x2];
	[bflag:$0x3] =	sbarrier.arrive $0xFFFF;
	s2 =	simm.s32 @!p0 $0x1C03  }
0x318: {  	[timem:s3], [sflag:s2] =	dma.local @!p0 [hbm:s0], s1  }
0x319: {  	s0 =	simm.s32 @!p0 $0x3  }
0x31a: {  	_ =	swait.ge @!p0 [sflag:s0], s1  }
0x31b: {  	s1 =	ssub.s32 @!p0 $0x0, s1;
	[sflag:s0] =	ssyncset.done @!p0 $0x0  }
0x31c: {  	[sflag:s0] =	ssyncadd.s32 @!p0 s1  }
0x31d: {  	[bflag:$0x3] =	sbarrier.arrive $0xFFFF  }
0x31e: {  	_ =	shalt  }

</sc_bundles>
